<compile_context>
chip_gen: v7x
topology: tpu7x:2x2x1
jax: 0.10.2.dev20260603
libtpu: 0.0.44.dev20260713+nightly
codegen_flags: <defaults>
</compile_context>

<pallas_src>
import functools

import jax
import jax.numpy as jnp
from jax import lax
from jax.experimental import pallas as pl
from jax.experimental.pallas import tpu as pltpu
from jax.experimental.pallas import tpu_sc as plsc

_SPLIT = 217600
_CH = 80


def _leaky(x):
    return jnp.where(x >= 0, x, 0.01 * x)




def _edge_mlp(edgesT, We1t, be1, We2t, be2, off, n_edges):
    De, E = edgesT.shape
    H = We1t.shape[1]
    BE = 6400
    assert n_edges % BE == 0 and off % BE == 0
    off_blocks = off // BE

    def body(e_ref, w1_ref, b1_ref, w2_ref, b2_ref, o_ref):
        h = lax.dot_general(e_ref[...], w1_ref[...],
                            (((0,), (0,)), ((), ())),
                            preferred_element_type=jnp.float32)
        h = _leaky(h + b1_ref[...])
        h = jnp.dot(h, w2_ref[...], preferred_element_type=jnp.float32)
        o_ref[...] = _leaky(h + b2_ref[...])

    return pl.pallas_call(
        body,
        grid=(n_edges // BE,),
        in_specs=[
            pl.BlockSpec((De, BE), lambda i: (0, i + off_blocks)),
            pl.BlockSpec((De, H), lambda i: (0, 0)),
            pl.BlockSpec((1, H), lambda i: (0, 0)),
            pl.BlockSpec((H, H), lambda i: (0, 0)),
            pl.BlockSpec((1, H), lambda i: (0, 0)),
        ],
        out_specs=pl.BlockSpec((BE, H), lambda i: (i, 0)),
        out_shape=jax.ShapeDtypeStruct((n_edges, H), jnp.float32),
    )(edgesT, We1t, be1.reshape(1, H), We2t, be2.reshape(1, H))


def _node_proj(nodes, Wnt):
    N, D = nodes.shape
    H = Wnt.shape[1]
    BN = 2000
    assert N % BN == 0

    def body(n_ref, w_ref, lo_ref, hi_ref):
        h = jnp.dot(n_ref[...], w_ref[...], preferred_element_type=jnp.float32)
        lo_ref[...] = h[:, : H // 2]
        hi_ref[...] = h[:, H // 2 :]

    return pl.pallas_call(
        body,
        grid=(N // BN,),
        in_specs=[
            pl.BlockSpec((BN, D), lambda i: (i, 0)),
            pl.BlockSpec((D, H), lambda i: (0, 0)),
        ],
        out_specs=[
            pl.BlockSpec((BN, H // 2), lambda i: (i, 0)),
            pl.BlockSpec((BN, H // 2), lambda i: (i, 0)),
        ],
        out_shape=[
            jax.ShapeDtypeStruct((N, H // 2), jnp.float32),
            jax.ShapeDtypeStruct((N, H // 2), jnp.float32),
        ],
    )(nodes, Wnt)


def _combine(p0a, p0b, p1a, p1b, N):
    Hh = p0a.shape[1]
    BN = 2000
    assert N % BN == 0

    def body(a_ref, b_ref, c_ref, d_ref, o_ref):
        o_ref[...] = jnp.concatenate(
            [a_ref[...] + b_ref[...], c_ref[...] + d_ref[...]], axis=1)

    specs = [pl.BlockSpec((BN, Hh), lambda i: (i, 0))] * 4
    return pl.pallas_call(
        body,
        grid=(N // BN,),
        in_specs=specs,
        out_specs=pl.BlockSpec((BN, 2 * Hh), lambda i: (i, 0)),
        out_shape=jax.ShapeDtypeStruct((N, 2 * Hh), jnp.float32),
    )(p0a, p0b, p1a, p1b)




def _make_sc_scatter(N, E_seg, H, NC, NS):
    Hh = H // 2
    e_per_tile = E_seg // NS
    nchunk = e_per_tile // _CH
    assert e_per_tile % _CH == 0 and nchunk % 2 == 0 and nchunk >= 4
    zrows = 128
    rows_per_tile = -(-N // (NS * zrows)) * zrows
    Npad = rows_per_tile * NS
    assert Npad >= N
    nvec = Hh // 16

    mesh = plsc.VectorSubcoreMesh(core_axis_name="c", subcore_axis_name="s")

    @functools.partial(
        pl.kernel,
        out_type=(jax.ShapeDtypeStruct((Npad, Hh), jnp.float32),
                  jax.ShapeDtypeStruct((Npad, Hh), jnp.float32)),
        mesh=mesh,
        compiler_params=pltpu.CompilerParams(use_tc_tiling_on_sc=False,
                                             needs_layout_passes=False),
        scratch_types=[
            pltpu.VMEM((nchunk, _CH), jnp.int32),
            pltpu.VMEM((nchunk, _CH), jnp.int32),
            pltpu.VMEM((_CH, Hh), jnp.float32),
            pltpu.VMEM((_CH, Hh), jnp.float32),
            pltpu.VMEM((_CH, Hh), jnp.float32),
            pltpu.VMEM((_CH, Hh), jnp.float32),
            pltpu.VMEM((_CH, Hh), jnp.float32),
            pltpu.VMEM((_CH, Hh), jnp.float32),
            pltpu.VMEM((_CH, Hh), jnp.float32),
            pltpu.VMEM((_CH, Hh), jnp.float32),
            pltpu.VMEM((_CH, Hh), jnp.float32),
            pltpu.VMEM((zrows, Hh), jnp.float32),
            pltpu.VMEM_SHARED((Npad, Hh), jnp.float32),
            pltpu.SemaphoreType.DMA,
            pltpu.SemaphoreType.DMA,
            pltpu.SemaphoreType.DMA,
            pltpu.SemaphoreType.DMA,
            pltpu.SemaphoreType.DMA,
            pltpu.SemaphoreType.DMA,
        ],
    )
    def sc_kernel(m0_hbm, m1_hbm, e_hbm, idx_hbm, seg_hbm,
                  out0_hbm, out1_hbm,
                  idx_v, seg_v, rows0, rows1, rows2,
                  ebuf0, ebuf1, ebuf2, sbuf0, sbuf1, sbuf2,
                  zbuf, acc, sem0, sem1, sem2,
                  ssem0, ssem1, ssem2):
        c = lax.axis_index("c")
        s = lax.axis_index("s")

        rows = (rows0, rows1, rows2)
        ebuf = (ebuf0, ebuf1, ebuf2)
        sbuf = (sbuf0, sbuf1, sbuf2)
        sems = (sem0, sem1, sem2)
        ssems = (ssem0, ssem1, ssem2)

        zero16 = jnp.zeros((16,), jnp.float32)

        def zloop(i, carry):
            for j in range(nvec):
                zbuf[i, pl.ds(j * 16, 16)] = zero16
            return carry

        lax.fori_loop(0, zrows, zloop, 0)
        for q in range(rows_per_tile // zrows):
            pltpu.sync_copy(zbuf,
                            acc.at[pl.ds(s * rows_per_tile + q * zrows,
                                         zrows)])

        pltpu.sync_copy(idx_hbm.at[s], idx_v)
        pltpu.sync_copy(seg_hbm.at[s], seg_v)

        plsc.subcore_barrier()

        half = _CH // 2

        def gstart(k, b):
            @pl.when(c == 0)
            def _():
                for h0 in (0, half):
                    pltpu.make_async_copy(
                        m0_hbm.at[idx_v.at[k, pl.ds(h0, half)]],
                        rows[b].at[pl.ds(h0, half)], sems[b]).start()

            @pl.when(c == 1)
            def _():
                for h0 in (0, half):
                    pltpu.make_async_copy(
                        m1_hbm.at[idx_v.at[k, pl.ds(h0, half)]],
                        rows[b].at[pl.ds(h0, half)], sems[b]).start()

        def estart(k, b):
            esl = pl.ds((s * nchunk + k) * _CH, _CH)

            @pl.when(c == 0)
            def _():
                pltpu.make_async_copy(e_hbm.at[esl, pl.ds(0, Hh)], ebuf[b],
                                      sems[b]).start()

            @pl.when(c == 1)
            def _():
                pltpu.make_async_copy(e_hbm.at[esl, pl.ds(Hh, Hh)], ebuf[b],
                                      sems[b]).start()

        def start(k, b):
            gstart(k, b)
            estart(k, b)

        def finish(k, b):
            pltpu.make_async_copy(m0_hbm.at[idx_v.at[k]], rows[b],
                                  sems[b]).wait()
            pltpu.make_async_copy(e_hbm.at[pl.ds(0, _CH), pl.ds(0, Hh)],
                                  ebuf[b], sems[b]).wait()

        def scat_wait(b):
            pltpu.make_async_copy(sbuf[b], acc.at[seg_v.at[0]],
                                  ssems[b]).wait()

        def process(k, b, first):
            def mul_row(i, carry):
                for j in range(nvec):
                    sl = pl.ds(j * 16, 16)
                    sbuf[b][i, sl] = rows[b][i, sl] * ebuf[b][i, sl]
                return carry

            if not first:
                scat_wait(b)
            lax.fori_loop(0, _CH, mul_row, 0)
            pltpu.async_copy(sbuf[b], acc.at[seg_v.at[k]], ssems[b],
                             add=True)

        NB = 3
        for b in range(NB):
            start(b, b)
        for b in range(NB):
            finish(b, b)
            process(b, b, True)
            start(b + NB, b)

        main_iters = (nchunk - NB) // NB
        rem = (nchunk - NB) % NB

        def ring(kk, carry):
            k = kk * NB
            for b in range(NB):
                finish(k + b, b)
                process(k + b, b, False)

                @pl.when(k + b + NB < nchunk)
                def _():
                    start(k + b + NB, b)
            return carry

        lax.fori_loop(1, 1 + main_iters, ring, 0)
        for r in range(rem):
            k = nchunk - rem + r
            finish(k, r)
            process(k, r, False)
        for b in range(NB):
            scat_wait(b)

        plsc.subcore_barrier()

        src = acc.at[pl.ds(s * rows_per_tile, rows_per_tile)]
        osl = pl.ds(s * rows_per_tile, rows_per_tile)

        @pl.when(c == 0)
        def _():
            pltpu.sync_copy(src, out0_hbm.at[osl])

        @pl.when(c == 1)
        def _():
            pltpu.sync_copy(src, out1_hbm.at[osl])

    return sc_kernel




@jax.jit
def _run(nodes, edges, segmentation_index, index, Wn, We1, be1, We2, be2):
    N, D = nodes.shape
    E, De = edges.shape
    H = Wn.shape[0]
    EA = _SPLIT
    EB = E - EA

    info = plsc.get_sparse_core_info()
    NC, NS = info.num_cores, info.num_subcores

    m0, m1 = _node_proj(nodes, Wn.T)
    eA = _edge_mlp(edges.T, We1.T, be1, We2.T, be2, 0, EA)
    eB = _edge_mlp(edges.T, We1.T, be1, We2.T, be2, EA, EB)

    def seg_arrays(v, lo, n):
        return v[lo:lo + n].reshape(NS, n // (NS * _CH), _CH)

    idxA = seg_arrays(index, 0, EA)
    segA = seg_arrays(segmentation_index, 0, EA)
    idxB = seg_arrays(index, EA, EB)
    segB = seg_arrays(segmentation_index, EA, EB)

    sc_a = _make_sc_scatter(N, EA, H, NC, NS)
    sc_b = _make_sc_scatter(N, EB, H, NC, NS)
    p0a, p1a = sc_a(m0, m1, eA, idxA, segA)
    p0b, p1b = sc_b(m0, m1, eB, idxB, segB)
    return _combine(p0a, p0b, p1a, p1b, N)


def kernel(nodes, edges, segmentation_index, index, Wn, We1, be1, We2, be2):
    return _run(nodes, edges, segmentation_index, index, Wn, We1, be1, We2,
                be2)

# --- scband reference (transcript-rebuilt; emitter-appended) ---
"""Pipeline reference for scband-message-passing-73589969649752 (READ-ONLY COPY).

The authoritative reference and input builder live on the scoring server;
editing this copy changes nothing except your own understanding.
"""

import jax, jax.numpy as jnp
import numpy as np


def leaky_relu(x):
    # torch.nn.LeakyReLU default negative_slope = 0.01
    return jnp.where(x >= 0, x, 0.01 * x)


def setup_inputs(seed: int = 0) -> dict:
    key = jax.random.key(seed)
    ks = jax.random.split(key, 10)
    N, E = 10000, 320000
    D, De, H = 128, 16, 128  # node_channels, edge_channels, hidden_channels (hidden == node for index_add into zeros_like(nodes))
    nodes = jax.random.normal(ks[0], (N, D), dtype=jnp.float32)
    edges = jax.random.normal(ks[1], (E, De), dtype=jnp.float32)
    segmentation_index = jnp.sort(jax.random.randint(ks[2], (E,), 0, N, dtype=jnp.int32)).astype(jnp.int32)
    index = jax.random.randint(ks[3], (E,), 0, N, dtype=jnp.int32)
    # Parameters (PyTorch Linear stores weight as [out, in]; y = x @ W.T + b)
    Wn = (jax.random.normal(ks[4], (H, D), dtype=jnp.float32) / np.sqrt(D)).astype(jnp.float32)  # node_projection Linear, bias=False
    We1 = (jax.random.normal(ks[5], (H, De), dtype=jnp.float32) / np.sqrt(De)).astype(jnp.float32)
    be1 = (jax.random.normal(ks[6], (H,), dtype=jnp.float32) * 0.01).astype(jnp.float32)
    We2 = (jax.random.normal(ks[7], (H, H), dtype=jnp.float32) / np.sqrt(H)).astype(jnp.float32)
    be2 = (jax.random.normal(ks[8], (H,), dtype=jnp.float32) * 0.01).astype(jnp.float32)
    return {
        "nodes": nodes,
        "edges": edges,
        "segmentation_index": segmentation_index,
        "index": index,
        "Wn": Wn,
        "We1": We1,
        "be1": be1,
        "We2": We2,
        "be2": be2,
    }


def reference(nodes, edges, segmentation_index, index, Wn, We1, be1, We2, be2):
    # edge_projection: Linear -> LeakyReLU -> Dropout(eval: identity) -> Linear -> LeakyReLU -> Dropout(eval: identity)
    e = leaky_relu(edges @ We1.T + be1)
    e = leaky_relu(e @ We2.T + be2)
    # node_projection: Linear(bias=False) -> Dropout(eval: identity)
    m = nodes @ Wn.T
    # message_composing: gather by src index, elementwise multiply with edge features
    m = jnp.take(m, index, axis=0) * e
    # message_aggregation: scatter-add into zeros_like(nodes) by segmentation (dst) index
    out = jnp.zeros_like(nodes).at[segmentation_index].add(m)
    return out

if __name__ == "__main__":
    import jax
    _d = setup_inputs()
    print(jax.jit(kernel)(*tuple(_d.values())))

</pallas_src>

<mosaic_0001>
#map = affine_map<(d0, d1) -> (0, 0)>
#map1 = affine_map<(d0, d1) -> (0, 0, 0)>
module attributes {stable_mosaic.version = 14 : i64} {
  func.func @sc_kernel(%arg0: i32, %arg1: i32, %arg2: memref<10000x64xf32, #tpu.memory_space<hbm>>, %arg3: memref<10000x64xf32, #tpu.memory_space<hbm>>, %arg4: memref<102400x128xf32, #tpu.memory_space<hbm>>, %arg5: memref<16x80x80xi32, #tpu.memory_space<hbm>>, %arg6: memref<16x80x80xi32, #tpu.memory_space<hbm>>, %arg7: memref<10240x64xf32, #tpu.memory_space<hbm>>, %arg8: memref<10240x64xf32, #tpu.memory_space<hbm>>, %arg9: memref<80x80xi32, #tpu.memory_space<vmem>>, %arg10: memref<80x80xi32, #tpu.memory_space<vmem>>, %arg11: memref<80x64xf32, #tpu.memory_space<vmem>>, %arg12: memref<80x64xf32, #tpu.memory_space<vmem>>, %arg13: memref<80x64xf32, #tpu.memory_space<vmem>>, %arg14: memref<80x64xf32, #tpu.memory_space<vmem>>, %arg15: memref<80x64xf32, #tpu.memory_space<vmem>>, %arg16: memref<80x64xf32, #tpu.memory_space<vmem>>, %arg17: memref<80x64xf32, #tpu.memory_space<vmem>>, %arg18: memref<80x64xf32, #tpu.memory_space<vmem>>, %arg19: memref<80x64xf32, #tpu.memory_space<vmem>>, %arg20: memref<128x64xf32, #tpu.memory_space<vmem>>, %arg21: memref<10240x64xf32, #tpu.memory_space<vmem_shared>>, %arg22: memref<!tpu.dma_semaphore, #tpu.memory_space<semaphore_mem>>, %arg23: memref<!tpu.dma_semaphore, #tpu.memory_space<semaphore_mem>>, %arg24: memref<!tpu.dma_semaphore, #tpu.memory_space<semaphore_mem>>, %arg25: memref<!tpu.dma_semaphore, #tpu.memory_space<semaphore_mem>>, %arg26: memref<!tpu.dma_semaphore, #tpu.memory_space<semaphore_mem>>, %arg27: memref<!tpu.dma_semaphore, #tpu.memory_space<semaphore_mem>>) attributes {dimension_semantics = [#tpu.dimension_semantics<core_parallel>, #tpu.dimension_semantics<subcore_parallel>], iteration_bounds = array<i64: 2, 16>, scalar_prefetch = 0 : i64, scratch_operands = 19 : i64, tpu.core_type = #tpu.core_type<sc_vector_subcore>, window_params = [{transform_indices = #map}, {transform_indices = #map}, {transform_indices = #map}, {transform_indices = #map1}, {transform_indices = #map1}, {transform_indices = #map}, {transform_indices = #map}]} {
    %broadcast_in_dim3A = arith.constant 0.000000e+00 : f32
    %broadcast_in_dim3A_0 = vector.broadcast %broadcast_in_dim3A : f32 to vector<16xf32>
    %scan3A = arith.constant 0 : i32
    %scan3A_1 = arith.constant 0 : i32
    %scan3A_2 = arith.constant 128 : i32
    %scan3A_3 = arith.addi %scan3A_1, %scan3A_2 : i32
    %scan3A_4 = arith.constant 1 : i32
    scf.for %scan3A_361 = %scan3A_1 to %scan3A_3 step %scan3A_4  : i32 {
      %swap3A = arith.index_cast %scan3A_361 : i32 to index
      %swap3A_362 = arith.constant 0 : index
      %swap3A_363 = tpu.vector_load %arg20[%swap3A, %swap3A_362] {strides = array<i32>} : memref<128x64xf32, #tpu.memory_space<vmem>>, vector<16xf32>,
      tpu.vector_store %arg20[%swap3A, %swap3A_362], %broadcast_in_dim3A_0 {strides = array<i32>} : memref<128x64xf32, #tpu.memory_space<vmem>>, vector<16xf32>,
      %swap3A_364 = arith.index_cast %scan3A_361 : i32 to index
      %swap3A_365 = arith.constant 16 : index
      %swap3A_366 = tpu.vector_load %arg20[%swap3A_364, %swap3A_365] {strides = array<i32>} : memref<128x64xf32, #tpu.memory_space<vmem>>, vector<16xf32>,
      tpu.vector_store %arg20[%swap3A_364, %swap3A_365], %broadcast_in_dim3A_0 {strides = array<i32>} : memref<128x64xf32, #tpu.memory_space<vmem>>, vector<16xf32>,
      %swap3A_367 = arith.index_cast %scan3A_361 : i32 to index
      %swap3A_368 = arith.constant 32 : index
      %swap3A_369 = tpu.vector_load %arg20[%swap3A_367, %swap3A_368] {strides = array<i32>} : memref<128x64xf32, #tpu.memory_space<vmem>>, vector<16xf32>,
      tpu.vector_store %arg20[%swap3A_367, %swap3A_368], %broadcast_in_dim3A_0 {strides = array<i32>} : memref<128x64xf32, #tpu.memory_space<vmem>>, vector<16xf32>,
      %swap3A_370 = arith.index_cast %scan3A_361 : i32 to index
      %swap3A_371 = arith.constant 48 : index
      %swap3A_372 = tpu.vector_load %arg20[%swap3A_370, %swap3A_371] {strides = array<i32>} : memref<128x64xf32, #tpu.memory_space<vmem>>, vector<16xf32>,
      tpu.vector_store %arg20[%swap3A_370, %swap3A_371], %broadcast_in_dim3A_0 {strides = array<i32>} : memref<128x64xf32, #tpu.memory_space<vmem>>, vector<16xf32>,
    }
    %scan3A_5 = arith.constant 128 : i32
    %mul3A = arith.constant 640 : i32
    %mul3A_6 = arith.muli %arg1, %mul3A : i32
    %add3A = arith.constant 0 : i32
    %add3A_7 = arith.addi %mul3A_6, %add3A : i32
    "tpu.region"() ({
      %run_scoped3A = tpu.sem_alloc : memref<!tpu.dma_semaphore, #tpu.memory_space<semaphore_mem>>
      %dma_start3A_361 = arith.constant 0 : i32
      %dma_start3A_362 = tpu.memref_slice %arg21[%add3A_7, %dma_start3A_361] : memref<10240x64xf32, #tpu.memory_space<vmem_shared>> -> memref<128x64xf32, #tpu.memory_space<vmem_shared>>
      %dma_start3A_363 = arith.constant 0 : i32
      %dma_start3A_364 = tpu.memref_slice %arg21[%add3A_7, %dma_start3A_363] : memref<10240x64xf32, #tpu.memory_space<vmem_shared>> -> memref<128x64xf32, #tpu.memory_space<vmem_shared>>
      tpu.enqueue_dma source(%arg20 : memref<128x64xf32, #tpu.memory_space<vmem>>) target(%dma_start3A_364 : memref<128x64xf32, #tpu.memory_space<vmem_shared>>) target_semaphore(%run_scoped3A : memref<!tpu.dma_semaphore, #tpu.memory_space<semaphore_mem>>)
      %dma_wait3A_365 = arith.constant 0 : i32
      %dma_wait3A_366 = tpu.memref_slice %arg21[%add3A_7, %dma_wait3A_365] : memref<10240x64xf32, #tpu.memory_space<vmem_shared>> -> memref<128x64xf32, #tpu.memory_space<vmem_shared>>
      %dma_wait3A_367 = arith.constant 0 : i32
      %dma_wait3A_368 = tpu.memref_slice %arg21[%add3A_7, %dma_wait3A_367] : memref<10240x64xf32, #tpu.memory_space<vmem_shared>> -> memref<128x64xf32, #tpu.memory_space<vmem_shared>>
      tpu.wait_dma2 semaphore(%run_scoped3A : memref<!tpu.dma_semaphore, #tpu.memory_space<semaphore_mem>>) src(%arg20 : memref<128x64xf32, #tpu.memory_space<vmem>>) dst(%dma_wait3A_368 : memref<128x64xf32, #tpu.memory_space<vmem_shared>>)
      tpu.yield
    }) : () -> ()
    %mul3A_8 = arith.constant 640 : i32
    %mul3A_9 = arith.muli %arg1, %mul3A_8 : i32
    %add3A_10 = arith.constant 128 : i32
    %add3A_11 = arith.addi %mul3A_9, %add3A_10 : i32
    "tpu.region"() ({
      %run_scoped3A = tpu.sem_alloc : memref<!tpu.dma_semaphore, #tpu.memory_space<semaphore_mem>>
      %dma_start3A_361 = arith.constant 0 : i32
      %dma_start3A_362 = tpu.memref_slice %arg21[%add3A_11, %dma_start3A_361] : memref<10240x64xf32, #tpu.memory_space<vmem_shared>> -> memref<128x64xf32, #tpu.memory_space<vmem_shared>>
      %dma_start3A_363 = arith.constant 0 : i32
      %dma_start3A_364 = tpu.memref_slice %arg21[%add3A_11, %dma_start3A_363] : memref<10240x64xf32, #tpu.memory_space<vmem_shared>> -> memref<128x64xf32, #tpu.memory_space<vmem_shared>>
      tpu.enqueue_dma source(%arg20 : memref<128x64xf32, #tpu.memory_space<vmem>>) target(%dma_start3A_364 : memref<128x64xf32, #tpu.memory_space<vmem_shared>>) target_semaphore(%run_scoped3A : memref<!tpu.dma_semaphore, #tpu.memory_space<semaphore_mem>>)
      %dma_wait3A_365 = arith.constant 0 : i32
      %dma_wait3A_366 = tpu.memref_slice %arg21[%add3A_11, %dma_wait3A_365] : memref<10240x64xf32, #tpu.memory_space<vmem_shared>> -> memref<128x64xf32, #tpu.memory_space<vmem_shared>>
      %dma_wait3A_367 = arith.constant 0 : i32
      %dma_wait3A_368 = tpu.memref_slice %arg21[%add3A_11, %dma_wait3A_367] : memref<10240x64xf32, #tpu.memory_space<vmem_shared>> -> memref<128x64xf32, #tpu.memory_space<vmem_shared>>
      tpu.wait_dma2 semaphore(%run_scoped3A : memref<!tpu.dma_semaphore, #tpu.memory_space<semaphore_mem>>) src(%arg20 : memref<128x64xf32, #tpu.memory_space<vmem>>) dst(%dma_wait3A_368 : memref<128x64xf32, #tpu.memory_space<vmem_shared>>)
      tpu.yield
    }) : () -> ()
    %mul3A_12 = arith.constant 640 : i32
    %mul3A_13 = arith.muli %arg1, %mul3A_12 : i32
    %add3A_14 = arith.constant 256 : i32
    %add3A_15 = arith.addi %mul3A_13, %add3A_14 : i32
    "tpu.region"() ({
      %run_scoped3A = tpu.sem_alloc : memref<!tpu.dma_semaphore, #tpu.memory_space<semaphore_mem>>
      %dma_start3A_361 = arith.constant 0 : i32
      %dma_start3A_362 = tpu.memref_slice %arg21[%add3A_15, %dma_start3A_361] : memref<10240x64xf32, #tpu.memory_space<vmem_shared>> -> memref<128x64xf32, #tpu.memory_space<vmem_shared>>
      %dma_start3A_363 = arith.constant 0 : i32
      %dma_start3A_364 = tpu.memref_slice %arg21[%add3A_15, %dma_start3A_363] : memref<10240x64xf32, #tpu.memory_space<vmem_shared>> -> memref<128x64xf32, #tpu.memory_space<vmem_shared>>
      tpu.enqueue_dma source(%arg20 : memref<128x64xf32, #tpu.memory_space<vmem>>) target(%dma_start3A_364 : memref<128x64xf32, #tpu.memory_space<vmem_shared>>) target_semaphore(%run_scoped3A : memref<!tpu.dma_semaphore, #tpu.memory_space<semaphore_mem>>)
      %dma_wait3A_365 = arith.constant 0 : i32
      %dma_wait3A_366 = tpu.memref_slice %arg21[%add3A_15, %dma_wait3A_365] : memref<10240x64xf32, #tpu.memory_space<vmem_shared>> -> memref<128x64xf32, #tpu.memory_space<vmem_shared>>
      %dma_wait3A_367 = arith.constant 0 : i32
      %dma_wait3A_368 = tpu.memref_slice %arg21[%add3A_15, %dma_wait3A_367] : memref<10240x64xf32, #tpu.memory_space<vmem_shared>> -> memref<128x64xf32, #tpu.memory_space<vmem_shared>>
      tpu.wait_dma2 semaphore(%run_scoped3A : memref<!tpu.dma_semaphore, #tpu.memory_space<semaphore_mem>>) src(%arg20 : memref<128x64xf32, #tpu.memory_space<vmem>>) dst(%dma_wait3A_368 : memref<128x64xf32, #tpu.memory_space<vmem_shared>>)
      tpu.yield
    }) : () -> ()
    %mul3A_16 = arith.constant 640 : i32
    %mul3A_17 = arith.muli %arg1, %mul3A_16 : i32
    %add3A_18 = arith.constant 384 : i32
    %add3A_19 = arith.addi %mul3A_17, %add3A_18 : i32
    "tpu.region"() ({
      %run_scoped3A = tpu.sem_alloc : memref<!tpu.dma_semaphore, #tpu.memory_space<semaphore_mem>>
      %dma_start3A_361 = arith.constant 0 : i32
      %dma_start3A_362 = tpu.memref_slice %arg21[%add3A_19, %dma_start3A_361] : memref<10240x64xf32, #tpu.memory_space<vmem_shared>> -> memref<128x64xf32, #tpu.memory_space<vmem_shared>>
      %dma_start3A_363 = arith.constant 0 : i32
      %dma_start3A_364 = tpu.memref_slice %arg21[%add3A_19, %dma_start3A_363] : memref<10240x64xf32, #tpu.memory_space<vmem_shared>> -> memref<128x64xf32, #tpu.memory_space<vmem_shared>>
      tpu.enqueue_dma source(%arg20 : memref<128x64xf32, #tpu.memory_space<vmem>>) target(%dma_start3A_364 : memref<128x64xf32, #tpu.memory_space<vmem_shared>>) target_semaphore(%run_scoped3A : memref<!tpu.dma_semaphore, #tpu.memory_space<semaphore_mem>>)
      %dma_wait3A_365 = arith.constant 0 : i32
      %dma_wait3A_366 = tpu.memref_slice %arg21[%add3A_19, %dma_wait3A_365] : memref<10240x64xf32, #tpu.memory_space<vmem_shared>> -> memref<128x64xf32, #tpu.memory_space<vmem_shared>>
      %dma_wait3A_367 = arith.constant 0 : i32
      %dma_wait3A_368 = tpu.memref_slice %arg21[%add3A_19, %dma_wait3A_367] : memref<10240x64xf32, #tpu.memory_space<vmem_shared>> -> memref<128x64xf32, #tpu.memory_space<vmem_shared>>
      tpu.wait_dma2 semaphore(%run_scoped3A : memref<!tpu.dma_semaphore, #tpu.memory_space<semaphore_mem>>) src(%arg20 : memref<128x64xf32, #tpu.memory_space<vmem>>) dst(%dma_wait3A_368 : memref<128x64xf32, #tpu.memory_space<vmem_shared>>)
      tpu.yield
    }) : () -> ()
    %mul3A_20 = arith.constant 640 : i32
    %mul3A_21 = arith.muli %arg1, %mul3A_20 : i32
    %add3A_22 = arith.constant 512 : i32
    %add3A_23 = arith.addi %mul3A_21, %add3A_22 : i32
    "tpu.region"() ({
      %run_scoped3A = tpu.sem_alloc : memref<!tpu.dma_semaphore, #tpu.memory_space<semaphore_mem>>
      %dma_start3A_361 = arith.constant 0 : i32
      %dma_start3A_362 = tpu.memref_slice %arg21[%add3A_23, %dma_start3A_361] : memref<10240x64xf32, #tpu.memory_space<vmem_shared>> -> memref<128x64xf32, #tpu.memory_space<vmem_shared>>
      %dma_start3A_363 = arith.constant 0 : i32
      %dma_start3A_364 = tpu.memref_slice %arg21[%add3A_23, %dma_start3A_363] : memref<10240x64xf32, #tpu.memory_space<vmem_shared>> -> memref<128x64xf32, #tpu.memory_space<vmem_shared>>
      tpu.enqueue_dma source(%arg20 : memref<128x64xf32, #tpu.memory_space<vmem>>) target(%dma_start3A_364 : memref<128x64xf32, #tpu.memory_space<vmem_shared>>) target_semaphore(%run_scoped3A : memref<!tpu.dma_semaphore, #tpu.memory_space<semaphore_mem>>)
      %dma_wait3A_365 = arith.constant 0 : i32
      %dma_wait3A_366 = tpu.memref_slice %arg21[%add3A_23, %dma_wait3A_365] : memref<10240x64xf32, #tpu.memory_space<vmem_shared>> -> memref<128x64xf32, #tpu.memory_space<vmem_shared>>
      %dma_wait3A_367 = arith.constant 0 : i32
      %dma_wait3A_368 = tpu.memref_slice %arg21[%add3A_23, %dma_wait3A_367] : memref<10240x64xf32, #tpu.memory_space<vmem_shared>> -> memref<128x64xf32, #tpu.memory_space<vmem_shared>>
      tpu.wait_dma2 semaphore(%run_scoped3A : memref<!tpu.dma_semaphore, #tpu.memory_space<semaphore_mem>>) src(%arg20 : memref<128x64xf32, #tpu.memory_space<vmem>>) dst(%dma_wait3A_368 : memref<128x64xf32, #tpu.memory_space<vmem_shared>>)
      tpu.yield
    }) : () -> ()
    "tpu.region"() ({
      %run_scoped3A = tpu.sem_alloc : memref<!tpu.dma_semaphore, #tpu.memory_space<semaphore_mem>>
      %dma_start3A_361 = arith.constant 0 : i32
      %dma_start3A_362 = arith.constant 0 : i32
      %dma_start3A_363 = tpu.memref_slice %arg5[%arg1, %dma_start3A_361, %dma_start3A_362] : memref<16x80x80xi32, #tpu.memory_space<hbm>> -> memref<1x80x80xi32, #tpu.memory_space<hbm>>
      %dma_start3A_364 = tpu.memref_squeeze %dma_start3A_363 : memref<1x80x80xi32, #tpu.memory_space<hbm>> -> memref<80x80xi32, #tpu.memory_space<hbm>>
      %dma_start3A_365 = arith.constant 0 : i32
      %dma_start3A_366 = arith.constant 0 : i32
      %dma_start3A_367 = tpu.memref_slice %arg5[%arg1, %dma_start3A_365, %dma_start3A_366] : memref<16x80x80xi32, #tpu.memory_space<hbm>> -> memref<1x80x80xi32, #tpu.memory_space<hbm>>
      %dma_start3A_368 = tpu.memref_squeeze %dma_start3A_367 : memref<1x80x80xi32, #tpu.memory_space<hbm>> -> memref<80x80xi32, #tpu.memory_space<hbm>>
      tpu.enqueue_dma source(%dma_start3A_368 : memref<80x80xi32, #tpu.memory_space<hbm>>) target(%arg9 : memref<80x80xi32, #tpu.memory_space<vmem>>) target_semaphore(%run_scoped3A : memref<!tpu.dma_semaphore, #tpu.memory_space<semaphore_mem>>)
      %dma_wait3A_369 = arith.constant 0 : i32
      %dma_wait3A_370 = arith.constant 0 : i32
      %dma_wait3A_371 = tpu.memref_slice %arg5[%arg1, %dma_wait3A_369, %dma_wait3A_370] : memref<16x80x80xi32, #tpu.memory_space<hbm>> -> memref<1x80x80xi32, #tpu.memory_space<hbm>>
      %dma_wait3A_372 = tpu.memref_squeeze %dma_wait3A_371 : memref<1x80x80xi32, #tpu.memory_space<hbm>> -> memref<80x80xi32, #tpu.memory_space<hbm>>
      %dma_wait3A_373 = arith.constant 0 : i32
      %dma_wait3A_374 = arith.constant 0 : i32
      %dma_wait3A_375 = tpu.memref_slice %arg5[%arg1, %dma_wait3A_373, %dma_wait3A_374] : memref<16x80x80xi32, #tpu.memory_space<hbm>> -> memref<1x80x80xi32, #tpu.memory_space<hbm>>
      %dma_wait3A_376 = tpu.memref_squeeze %dma_wait3A_375 : memref<1x80x80xi32, #tpu.memory_space<hbm>> -> memref<80x80xi32, #tpu.memory_space<hbm>>
      tpu.wait_dma2 semaphore(%run_scoped3A : memref<!tpu.dma_semaphore, #tpu.memory_space<semaphore_mem>>) src(%dma_wait3A_376 : memref<80x80xi32, #tpu.memory_space<hbm>>) dst(%arg9 : memref<80x80xi32, #tpu.memory_space<vmem>>)
      tpu.yield
    }) : () -> ()
    "tpu.region"() ({
      %run_scoped3A = tpu.sem_alloc : memref<!tpu.dma_semaphore, #tpu.memory_space<semaphore_mem>>
      %dma_start3A_361 = arith.constant 0 : i32
      %dma_start3A_362 = arith.constant 0 : i32
      %dma_start3A_363 = tpu.memref_slice %arg6[%arg1, %dma_start3A_361, %dma_start3A_362] : memref<16x80x80xi32, #tpu.memory_space<hbm>> -> memref<1x80x80xi32, #tpu.memory_space<hbm>>
      %dma_start3A_364 = tpu.memref_squeeze %dma_start3A_363 : memref<1x80x80xi32, #tpu.memory_space<hbm>> -> memref<80x80xi32, #tpu.memory_space<hbm>>
      %dma_start3A_365 = arith.constant 0 : i32
      %dma_start3A_366 = arith.constant 0 : i32
      %dma_start3A_367 = tpu.memref_slice %arg6[%arg1, %dma_start3A_365, %dma_start3A_366] : memref<16x80x80xi32, #tpu.memory_space<hbm>> -> memref<1x80x80xi32, #tpu.memory_space<hbm>>
      %dma_start3A_368 = tpu.memref_squeeze %dma_start3A_367 : memref<1x80x80xi32, #tpu.memory_space<hbm>> -> memref<80x80xi32, #tpu.memory_space<hbm>>
      tpu.enqueue_dma source(%dma_start3A_368 : memref<80x80xi32, #tpu.memory_space<hbm>>) target(%arg10 : memref<80x80xi32, #tpu.memory_space<vmem>>) target_semaphore(%run_scoped3A : memref<!tpu.dma_semaphore, #tpu.memory_space<semaphore_mem>>)
      %dma_wait3A_369 = arith.constant 0 : i32
      %dma_wait3A_370 = arith.constant 0 : i32
      %dma_wait3A_371 = tpu.memref_slice %arg6[%arg1, %dma_wait3A_369, %dma_wait3A_370] : memref<16x80x80xi32, #tpu.memory_space<hbm>> -> memref<1x80x80xi32, #tpu.memory_space<hbm>>
      %dma_wait3A_372 = tpu.memref_squeeze %dma_wait3A_371 : memref<1x80x80xi32, #tpu.memory_space<hbm>> -> memref<80x80xi32, #tpu.memory_space<hbm>>
      %dma_wait3A_373 = arith.constant 0 : i32
      %dma_wait3A_374 = arith.constant 0 : i32
      %dma_wait3A_375 = tpu.memref_slice %arg6[%arg1, %dma_wait3A_373, %dma_wait3A_374] : memref<16x80x80xi32, #tpu.memory_space<hbm>> -> memref<1x80x80xi32, #tpu.memory_space<hbm>>
      %dma_wait3A_376 = tpu.memref_squeeze %dma_wait3A_375 : memref<1x80x80xi32, #tpu.memory_space<hbm>> -> memref<80x80xi32, #tpu.memory_space<hbm>>
      tpu.wait_dma2 semaphore(%run_scoped3A : memref<!tpu.dma_semaphore, #tpu.memory_space<semaphore_mem>>) src(%dma_wait3A_376 : memref<80x80xi32, #tpu.memory_space<hbm>>) dst(%arg10 : memref<80x80xi32, #tpu.memory_space<vmem>>)
      tpu.yield
    }) : () -> ()
    %barrier3A = arith.constant 0 : index
    tpu.barrier barrier_id(%barrier3A)
    %eq3A = arith.constant 0 : i32
    %eq3A_24 = arith.cmpi eq, %arg0, %eq3A : i32
    %convert_element_type3A = arith.extui %eq3A_24 : i1 to i32
    %cond3A = arith.constant 0 : i32
    %cond3A_25 = arith.cmpi ne, %convert_element_type3A, %cond3A : i32
    scf.if %cond3A_25 {
      %dma_start3A_361 = arith.constant 0 : i32
      %dma_start3A_362 = arith.constant 0 : i32
      %dma_start3A_363 = arith.constant 0 : i32
      %dma_start3A_364 = tpu.memref_slice %arg11[%dma_start3A_362, %dma_start3A_363] : memref<80x64xf32, #tpu.memory_space<vmem>> -> memref<40x64xf32, #tpu.memory_space<vmem>>
      %dma_start3A_365 = arith.constant 0 : i32
      %dma_start3A_366 = tpu.memref_slice %arg9[%dma_start3A_361, %dma_start3A_365] : memref<80x80xi32, #tpu.memory_space<vmem>> -> memref<1x40xi32, #tpu.memory_space<vmem>>
      %dma_start3A_367 = tpu.memref_squeeze %dma_start3A_366 : memref<1x40xi32, #tpu.memory_space<vmem>> -> memref<40xi32, #tpu.memory_space<vmem>>
      %dma_start3A_368 = arith.constant 0 : i32
      %dma_start3A_369 = arith.constant 0 : i32
      %dma_start3A_370 = tpu.memref_slice %arg2[%dma_start3A_368, %dma_start3A_369] : memref<10000x64xf32, #tpu.memory_space<hbm>> -> memref<10000x64xf32, #tpu.memory_space<hbm>>
      tpu.enqueue_indirect_dma source(%dma_start3A_370 : memref<10000x64xf32, #tpu.memory_space<hbm>>) target(%dma_start3A_364 : memref<40x64xf32, #tpu.memory_space<vmem>>) offsets(%dma_start3A_367 : memref<40xi32, #tpu.memory_space<vmem>>) semaphore(%arg22 : memref<!tpu.dma_semaphore, #tpu.memory_space<semaphore_mem>>)
      %dma_start3A_371 = arith.constant 0 : i32
      %dma_start3A_372 = arith.constant 40 : i32
      %dma_start3A_373 = arith.constant 0 : i32
      %dma_start3A_374 = tpu.memref_slice %arg11[%dma_start3A_372, %dma_start3A_373] : memref<80x64xf32, #tpu.memory_space<vmem>> -> memref<40x64xf32, #tpu.memory_space<vmem>>
      %dma_start3A_375 = arith.constant 40 : i32
      %dma_start3A_376 = tpu.memref_slice %arg9[%dma_start3A_371, %dma_start3A_375] : memref<80x80xi32, #tpu.memory_space<vmem>> -> memref<1x40xi32, #tpu.memory_space<vmem>>
      %dma_start3A_377 = tpu.memref_squeeze %dma_start3A_376 : memref<1x40xi32, #tpu.memory_space<vmem>> -> memref<40xi32, #tpu.memory_space<vmem>>
      %dma_start3A_378 = arith.constant 0 : i32
      %dma_start3A_379 = arith.constant 0 : i32
      %dma_start3A_380 = tpu.memref_slice %arg2[%dma_start3A_378, %dma_start3A_379] : memref<10000x64xf32, #tpu.memory_space<hbm>> -> memref<10000x64xf32, #tpu.memory_space<hbm>>
      tpu.enqueue_indirect_dma source(%dma_start3A_380 : memref<10000x64xf32, #tpu.memory_space<hbm>>) target(%dma_start3A_374 : memref<40x64xf32, #tpu.memory_space<vmem>>) offsets(%dma_start3A_377 : memref<40xi32, #tpu.memory_space<vmem>>) semaphore(%arg22 : memref<!tpu.dma_semaphore, #tpu.memory_space<semaphore_mem>>)
    } else {
    }
    %eq3A_26 = arith.constant 1 : i32
    %eq3A_27 = arith.cmpi eq, %arg0, %eq3A_26 : i32
    %convert_element_type3A_28 = arith.extui %eq3A_27 : i1 to i32
    %cond3A_29 = arith.constant 0 : i32
    %cond3A_30 = arith.cmpi ne, %convert_element_type3A_28, %cond3A_29 : i32
    scf.if %cond3A_30 {
      %dma_start3A_361 = arith.constant 0 : i32
      %dma_start3A_362 = arith.constant 0 : i32
      %dma_start3A_363 = arith.constant 0 : i32
      %dma_start3A_364 = tpu.memref_slice %arg11[%dma_start3A_362, %dma_start3A_363] : memref<80x64xf32, #tpu.memory_space<vmem>> -> memref<40x64xf32, #tpu.memory_space<vmem>>
      %dma_start3A_365 = arith.constant 0 : i32
      %dma_start3A_366 = tpu.memref_slice %arg9[%dma_start3A_361, %dma_start3A_365] : memref<80x80xi32, #tpu.memory_space<vmem>> -> memref<1x40xi32, #tpu.memory_space<vmem>>
      %dma_start3A_367 = tpu.memref_squeeze %dma_start3A_366 : memref<1x40xi32, #tpu.memory_space<vmem>> -> memref<40xi32, #tpu.memory_space<vmem>>
      %dma_start3A_368 = arith.constant 0 : i32
      %dma_start3A_369 = arith.constant 0 : i32
      %dma_start3A_370 = tpu.memref_slice %arg3[%dma_start3A_368, %dma_start3A_369] : memref<10000x64xf32, #tpu.memory_space<hbm>> -> memref<10000x64xf32, #tpu.memory_space<hbm>>
      tpu.enqueue_indirect_dma source(%dma_start3A_370 : memref<10000x64xf32, #tpu.memory_space<hbm>>) target(%dma_start3A_364 : memref<40x64xf32, #tpu.memory_space<vmem>>) offsets(%dma_start3A_367 : memref<40xi32, #tpu.memory_space<vmem>>) semaphore(%arg22 : memref<!tpu.dma_semaphore, #tpu.memory_space<semaphore_mem>>)
      %dma_start3A_371 = arith.constant 0 : i32
      %dma_start3A_372 = arith.constant 40 : i32
      %dma_start3A_373 = arith.constant 0 : i32
      %dma_start3A_374 = tpu.memref_slice %arg11[%dma_start3A_372, %dma_start3A_373] : memref<80x64xf32, #tpu.memory_space<vmem>> -> memref<40x64xf32, #tpu.memory_space<vmem>>
      %dma_start3A_375 = arith.constant 40 : i32
      %dma_start3A_376 = tpu.memref_slice %arg9[%dma_start3A_371, %dma_start3A_375] : memref<80x80xi32, #tpu.memory_space<vmem>> -> memref<1x40xi32, #tpu.memory_space<vmem>>
      %dma_start3A_377 = tpu.memref_squeeze %dma_start3A_376 : memref<1x40xi32, #tpu.memory_space<vmem>> -> memref<40xi32, #tpu.memory_space<vmem>>
      %dma_start3A_378 = arith.constant 0 : i32
      %dma_start3A_379 = arith.constant 0 : i32
      %dma_start3A_380 = tpu.memref_slice %arg3[%dma_start3A_378, %dma_start3A_379] : memref<10000x64xf32, #tpu.memory_space<hbm>> -> memref<10000x64xf32, #tpu.memory_space<hbm>>
      tpu.enqueue_indirect_dma source(%dma_start3A_380 : memref<10000x64xf32, #tpu.memory_space<hbm>>) target(%dma_start3A_374 : memref<40x64xf32, #tpu.memory_space<vmem>>) offsets(%dma_start3A_377 : memref<40xi32, #tpu.memory_space<vmem>>) semaphore(%arg22 : memref<!tpu.dma_semaphore, #tpu.memory_space<semaphore_mem>>)
    } else {
    }
    %mul3A_31 = arith.constant 80 : i32
    %mul3A_32 = arith.muli %arg1, %mul3A_31 : i32
    %add3A_33 = arith.constant 0 : i32
    %add3A_34 = arith.addi %mul3A_32, %add3A_33 : i32
    %mul3A_35 = arith.constant 80 : i32
    %mul3A_36 = arith.muli %add3A_34, %mul3A_35 : i32
    %eq3A_37 = arith.constant 0 : i32
    %eq3A_38 = arith.cmpi eq, %arg0, %eq3A_37 : i32
    %convert_element_type3A_39 = arith.extui %eq3A_38 : i1 to i32
    %cond3A_40 = arith.constant 0 : i32
    %cond3A_41 = arith.cmpi ne, %convert_element_type3A_39, %cond3A_40 : i32
    scf.if %cond3A_41 {
      %dma_start3A_361 = arith.constant 0 : i32
      %dma_start3A_362 = tpu.memref_slice %arg4[%mul3A_36, %dma_start3A_361] : memref<102400x128xf32, #tpu.memory_space<hbm>> -> memref<80x64xf32, #tpu.memory_space<hbm>>
      %dma_start3A_363 = arith.constant 0 : i32
      %dma_start3A_364 = tpu.memref_slice %arg4[%mul3A_36, %dma_start3A_363] : memref<102400x128xf32, #tpu.memory_space<hbm>> -> memref<80x64xf32, #tpu.memory_space<hbm>>
      tpu.enqueue_dma source(%dma_start3A_364 : memref<80x64xf32, #tpu.memory_space<hbm>>) target(%arg14 : memref<80x64xf32, #tpu.memory_space<vmem>>) target_semaphore(%arg22 : memref<!tpu.dma_semaphore, #tpu.memory_space<semaphore_mem>>)
    } else {
    }
    %eq3A_42 = arith.constant 1 : i32
    %eq3A_43 = arith.cmpi eq, %arg0, %eq3A_42 : i32
    %convert_element_type3A_44 = arith.extui %eq3A_43 : i1 to i32
    %cond3A_45 = arith.constant 0 : i32
    %cond3A_46 = arith.cmpi ne, %convert_element_type3A_44, %cond3A_45 : i32
    scf.if %cond3A_46 {
      %dma_start3A_361 = arith.constant 64 : i32
      %dma_start3A_362 = tpu.memref_slice %arg4[%mul3A_36, %dma_start3A_361] : memref<102400x128xf32, #tpu.memory_space<hbm>> -> memref<80x64xf32, #tpu.memory_space<hbm>>
      %dma_start3A_363 = arith.constant 64 : i32
      %dma_start3A_364 = tpu.memref_slice %arg4[%mul3A_36, %dma_start3A_363] : memref<102400x128xf32, #tpu.memory_space<hbm>> -> memref<80x64xf32, #tpu.memory_space<hbm>>
      tpu.enqueue_dma source(%dma_start3A_364 : memref<80x64xf32, #tpu.memory_space<hbm>>) target(%arg14 : memref<80x64xf32, #tpu.memory_space<vmem>>) target_semaphore(%arg22 : memref<!tpu.dma_semaphore, #tpu.memory_space<semaphore_mem>>)
    } else {
    }
    %eq3A_47 = arith.constant 0 : i32
    %eq3A_48 = arith.cmpi eq, %arg0, %eq3A_47 : i32
    %convert_element_type3A_49 = arith.extui %eq3A_48 : i1 to i32
    %cond3A_50 = arith.constant 0 : i32
    %cond3A_51 = arith.cmpi ne, %convert_element_type3A_49, %cond3A_50 : i32
    scf.if %cond3A_51 {
      %dma_start3A_361 = arith.constant 1 : i32
      %dma_start3A_362 = arith.constant 0 : i32
      %dma_start3A_363 = arith.constant 0 : i32
      %dma_start3A_364 = tpu.memref_slice %arg12[%dma_start3A_362, %dma_start3A_363] : memref<80x64xf32, #tpu.memory_space<vmem>> -> memref<40x64xf32, #tpu.memory_space<vmem>>
      %dma_start3A_365 = arith.constant 0 : i32
      %dma_start3A_366 = tpu.memref_slice %arg9[%dma_start3A_361, %dma_start3A_365] : memref<80x80xi32, #tpu.memory_space<vmem>> -> memref<1x40xi32, #tpu.memory_space<vmem>>
      %dma_start3A_367 = tpu.memref_squeeze %dma_start3A_366 : memref<1x40xi32, #tpu.memory_space<vmem>> -> memref<40xi32, #tpu.memory_space<vmem>>
      %dma_start3A_368 = arith.constant 0 : i32
      %dma_start3A_369 = arith.constant 0 : i32
      %dma_start3A_370 = tpu.memref_slice %arg2[%dma_start3A_368, %dma_start3A_369] : memref<10000x64xf32, #tpu.memory_space<hbm>> -> memref<10000x64xf32, #tpu.memory_space<hbm>>
      tpu.enqueue_indirect_dma source(%dma_start3A_370 : memref<10000x64xf32, #tpu.memory_space<hbm>>) target(%dma_start3A_364 : memref<40x64xf32, #tpu.memory_space<vmem>>) offsets(%dma_start3A_367 : memref<40xi32, #tpu.memory_space<vmem>>) semaphore(%arg23 : memref<!tpu.dma_semaphore, #tpu.memory_space<semaphore_mem>>)
      %dma_start3A_371 = arith.constant 1 : i32
      %dma_start3A_372 = arith.constant 40 : i32
      %dma_start3A_373 = arith.constant 0 : i32
      %dma_start3A_374 = tpu.memref_slice %arg12[%dma_start3A_372, %dma_start3A_373] : memref<80x64xf32, #tpu.memory_space<vmem>> -> memref<40x64xf32, #tpu.memory_space<vmem>>
      %dma_start3A_375 = arith.constant 40 : i32
      %dma_start3A_376 = tpu.memref_slice %arg9[%dma_start3A_371, %dma_start3A_375] : memref<80x80xi32, #tpu.memory_space<vmem>> -> memref<1x40xi32, #tpu.memory_space<vmem>>
      %dma_start3A_377 = tpu.memref_squeeze %dma_start3A_376 : memref<1x40xi32, #tpu.memory_space<vmem>> -> memref<40xi32, #tpu.memory_space<vmem>>
      %dma_start3A_378 = arith.constant 0 : i32
      %dma_start3A_379 = arith.constant 0 : i32
      %dma_start3A_380 = tpu.memref_slice %arg2[%dma_start3A_378, %dma_start3A_379] : memref<10000x64xf32, #tpu.memory_space<hbm>> -> memref<10000x64xf32, #tpu.memory_space<hbm>>
      tpu.enqueue_indirect_dma source(%dma_start3A_380 : memref<10000x64xf32, #tpu.memory_space<hbm>>) target(%dma_start3A_374 : memref<40x64xf32, #tpu.memory_space<vmem>>) offsets(%dma_start3A_377 : memref<40xi32, #tpu.memory_space<vmem>>) semaphore(%arg23 : memref<!tpu.dma_semaphore, #tpu.memory_space<semaphore_mem>>)
    } else {
    }
    %eq3A_52 = arith.constant 1 : i32
    %eq3A_53 = arith.cmpi eq, %arg0, %eq3A_52 : i32
    %convert_element_type3A_54 = arith.extui %eq3A_53 : i1 to i32
    %cond3A_55 = arith.constant 0 : i32
    %cond3A_56 = arith.cmpi ne, %convert_element_type3A_54, %cond3A_55 : i32
    scf.if %cond3A_56 {
      %dma_start3A_361 = arith.constant 1 : i32
      %dma_start3A_362 = arith.constant 0 : i32
      %dma_start3A_363 = arith.constant 0 : i32
      %dma_start3A_364 = tpu.memref_slice %arg12[%dma_start3A_362, %dma_start3A_363] : memref<80x64xf32, #tpu.memory_space<vmem>> -> memref<40x64xf32, #tpu.memory_space<vmem>>
      %dma_start3A_365 = arith.constant 0 : i32
      %dma_start3A_366 = tpu.memref_slice %arg9[%dma_start3A_361, %dma_start3A_365] : memref<80x80xi32, #tpu.memory_space<vmem>> -> memref<1x40xi32, #tpu.memory_space<vmem>>
      %dma_start3A_367 = tpu.memref_squeeze %dma_start3A_366 : memref<1x40xi32, #tpu.memory_space<vmem>> -> memref<40xi32, #tpu.memory_space<vmem>>
      %dma_start3A_368 = arith.constant 0 : i32
      %dma_start3A_369 = arith.constant 0 : i32
      %dma_start3A_370 = tpu.memref_slice %arg3[%dma_start3A_368, %dma_start3A_369] : memref<10000x64xf32, #tpu.memory_space<hbm>> -> memref<10000x64xf32, #tpu.memory_space<hbm>>
      tpu.enqueue_indirect_dma source(%dma_start3A_370 : memref<10000x64xf32, #tpu.memory_space<hbm>>) target(%dma_start3A_364 : memref<40x64xf32, #tpu.memory_space<vmem>>) offsets(%dma_start3A_367 : memref<40xi32, #tpu.memory_space<vmem>>) semaphore(%arg23 : memref<!tpu.dma_semaphore, #tpu.memory_space<semaphore_mem>>)
      %dma_start3A_371 = arith.constant 1 : i32
      %dma_start3A_372 = arith.constant 40 : i32
      %dma_start3A_373 = arith.constant 0 : i32
      %dma_start3A_374 = tpu.memref_slice %arg12[%dma_start3A_372, %dma_start3A_373] : memref<80x64xf32, #tpu.memory_space<vmem>> -> memref<40x64xf32, #tpu.memory_space<vmem>>
      %dma_start3A_375 = arith.constant 40 : i32
      %dma_start3A_376 = tpu.memref_slice %arg9[%dma_start3A_371, %dma_start3A_375] : memref<80x80xi32, #tpu.memory_space<vmem>> -> memref<1x40xi32, #tpu.memory_space<vmem>>
      %dma_start3A_377 = tpu.memref_squeeze %dma_start3A_376 : memref<1x40xi32, #tpu.memory_space<vmem>> -> memref<40xi32, #tpu.memory_space<vmem>>
      %dma_start3A_378 = arith.constant 0 : i32
      %dma_start3A_379 = arith.constant 0 : i32
      %dma_start3A_380 = tpu.memref_slice %arg3[%dma_start3A_378, %dma_start3A_379] : memref<10000x64xf32, #tpu.memory_space<hbm>> -> memref<10000x64xf32, #tpu.memory_space<hbm>>
      tpu.enqueue_indirect_dma source(%dma_start3A_380 : memref<10000x64xf32, #tpu.memory_space<hbm>>) target(%dma_start3A_374 : memref<40x64xf32, #tpu.memory_space<vmem>>) offsets(%dma_start3A_377 : memref<40xi32, #tpu.memory_space<vmem>>) semaphore(%arg23 : memref<!tpu.dma_semaphore, #tpu.memory_space<semaphore_mem>>)
    } else {
    }
    %mul3A_57 = arith.constant 80 : i32
    %mul3A_58 = arith.muli %arg1, %mul3A_57 : i32
    %add3A_59 = arith.constant 1 : i32
    %add3A_60 = arith.addi %mul3A_58, %add3A_59 : i32
    %mul3A_61 = arith.constant 80 : i32
    %mul3A_62 = arith.muli %add3A_60, %mul3A_61 : i32
    %eq3A_63 = arith.constant 0 : i32
    %eq3A_64 = arith.cmpi eq, %arg0, %eq3A_63 : i32
    %convert_element_type3A_65 = arith.extui %eq3A_64 : i1 to i32
    %cond3A_66 = arith.constant 0 : i32
    %cond3A_67 = arith.cmpi ne, %convert_element_type3A_65, %cond3A_66 : i32
    scf.if %cond3A_67 {
      %dma_start3A_361 = arith.constant 0 : i32
      %dma_start3A_362 = tpu.memref_slice %arg4[%mul3A_62, %dma_start3A_361] : memref<102400x128xf32, #tpu.memory_space<hbm>> -> memref<80x64xf32, #tpu.memory_space<hbm>>
      %dma_start3A_363 = arith.constant 0 : i32
      %dma_start3A_364 = tpu.memref_slice %arg4[%mul3A_62, %dma_start3A_363] : memref<102400x128xf32, #tpu.memory_space<hbm>> -> memref<80x64xf32, #tpu.memory_space<hbm>>
      tpu.enqueue_dma source(%dma_start3A_364 : memref<80x64xf32, #tpu.memory_space<hbm>>) target(%arg15 : memref<80x64xf32, #tpu.memory_space<vmem>>) target_semaphore(%arg23 : memref<!tpu.dma_semaphore, #tpu.memory_space<semaphore_mem>>)
    } else {
    }
    %eq3A_68 = arith.constant 1 : i32
    %eq3A_69 = arith.cmpi eq, %arg0, %eq3A_68 : i32
    %convert_element_type3A_70 = arith.extui %eq3A_69 : i1 to i32
    %cond3A_71 = arith.constant 0 : i32
    %cond3A_72 = arith.cmpi ne, %convert_element_type3A_70, %cond3A_71 : i32
    scf.if %cond3A_72 {
      %dma_start3A_361 = arith.constant 64 : i32
      %dma_start3A_362 = tpu.memref_slice %arg4[%mul3A_62, %dma_start3A_361] : memref<102400x128xf32, #tpu.memory_space<hbm>> -> memref<80x64xf32, #tpu.memory_space<hbm>>
      %dma_start3A_363 = arith.constant 64 : i32
      %dma_start3A_364 = tpu.memref_slice %arg4[%mul3A_62, %dma_start3A_363] : memref<102400x128xf32, #tpu.memory_space<hbm>> -> memref<80x64xf32, #tpu.memory_space<hbm>>
      tpu.enqueue_dma source(%dma_start3A_364 : memref<80x64xf32, #tpu.memory_space<hbm>>) target(%arg15 : memref<80x64xf32, #tpu.memory_space<vmem>>) target_semaphore(%arg23 : memref<!tpu.dma_semaphore, #tpu.memory_space<semaphore_mem>>)
    } else {
    }
    %eq3A_73 = arith.constant 0 : i32
    %eq3A_74 = arith.cmpi eq, %arg0, %eq3A_73 : i32
    %convert_element_type3A_75 = arith.extui %eq3A_74 : i1 to i32
    %cond3A_76 = arith.constant 0 : i32
    %cond3A_77 = arith.cmpi ne, %convert_element_type3A_75, %cond3A_76 : i32
    scf.if %cond3A_77 {
      %dma_start3A_361 = arith.constant 2 : i32
      %dma_start3A_362 = arith.constant 0 : i32
      %dma_start3A_363 = arith.constant 0 : i32
      %dma_start3A_364 = tpu.memref_slice %arg13[%dma_start3A_362, %dma_start3A_363] : memref<80x64xf32, #tpu.memory_space<vmem>> -> memref<40x64xf32, #tpu.memory_space<vmem>>
      %dma_start3A_365 = arith.constant 0 : i32
      %dma_start3A_366 = tpu.memref_slice %arg9[%dma_start3A_361, %dma_start3A_365] : memref<80x80xi32, #tpu.memory_space<vmem>> -> memref<1x40xi32, #tpu.memory_space<vmem>>
      %dma_start3A_367 = tpu.memref_squeeze %dma_start3A_366 : memref<1x40xi32, #tpu.memory_space<vmem>> -> memref<40xi32, #tpu.memory_space<vmem>>
      %dma_start3A_368 = arith.constant 0 : i32
      %dma_start3A_369 = arith.constant 0 : i32
      %dma_start3A_370 = tpu.memref_slice %arg2[%dma_start3A_368, %dma_start3A_369] : memref<10000x64xf32, #tpu.memory_space<hbm>> -> memref<10000x64xf32, #tpu.memory_space<hbm>>
      tpu.enqueue_indirect_dma source(%dma_start3A_370 : memref<10000x64xf32, #tpu.memory_space<hbm>>) target(%dma_start3A_364 : memref<40x64xf32, #tpu.memory_space<vmem>>) offsets(%dma_start3A_367 : memref<40xi32, #tpu.memory_space<vmem>>) semaphore(%arg24 : memref<!tpu.dma_semaphore, #tpu.memory_space<semaphore_mem>>)
      %dma_start3A_371 = arith.constant 2 : i32
      %dma_start3A_372 = arith.constant 40 : i32
      %dma_start3A_373 = arith.constant 0 : i32
      %dma_start3A_374 = tpu.memref_slice %arg13[%dma_start3A_372, %dma_start3A_373] : memref<80x64xf32, #tpu.memory_space<vmem>> -> memref<40x64xf32, #tpu.memory_space<vmem>>
      %dma_start3A_375 = arith.constant 40 : i32
      %dma_start3A_376 = tpu.memref_slice %arg9[%dma_start3A_371, %dma_start3A_375] : memref<80x80xi32, #tpu.memory_space<vmem>> -> memref<1x40xi32, #tpu.memory_space<vmem>>
      %dma_start3A_377 = tpu.memref_squeeze %dma_start3A_376 : memref<1x40xi32, #tpu.memory_space<vmem>> -> memref<40xi32, #tpu.memory_space<vmem>>
      %dma_start3A_378 = arith.constant 0 : i32
      %dma_start3A_379 = arith.constant 0 : i32
      %dma_start3A_380 = tpu.memref_slice %arg2[%dma_start3A_378, %dma_start3A_379] : memref<10000x64xf32, #tpu.memory_space<hbm>> -> memref<10000x64xf32, #tpu.memory_space<hbm>>
      tpu.enqueue_indirect_dma source(%dma_start3A_380 : memref<10000x64xf32, #tpu.memory_space<hbm>>) target(%dma_start3A_374 : memref<40x64xf32, #tpu.memory_space<vmem>>) offsets(%dma_start3A_377 : memref<40xi32, #tpu.memory_space<vmem>>) semaphore(%arg24 : memref<!tpu.dma_semaphore, #tpu.memory_space<semaphore_mem>>)
    } else {
    }
    %eq3A_78 = arith.constant 1 : i32
    %eq3A_79 = arith.cmpi eq, %arg0, %eq3A_78 : i32
    %convert_element_type3A_80 = arith.extui %eq3A_79 : i1 to i32
    %cond3A_81 = arith.constant 0 : i32
    %cond3A_82 = arith.cmpi ne, %convert_element_type3A_80, %cond3A_81 : i32
    scf.if %cond3A_82 {
      %dma_start3A_361 = arith.constant 2 : i32
      %dma_start3A_362 = arith.constant 0 : i32
      %dma_start3A_363 = arith.constant 0 : i32
      %dma_start3A_364 = tpu.memref_slice %arg13[%dma_start3A_362, %dma_start3A_363] : memref<80x64xf32, #tpu.memory_space<vmem>> -> memref<40x64xf32, #tpu.memory_space<vmem>>
      %dma_start3A_365 = arith.constant 0 : i32
      %dma_start3A_366 = tpu.memref_slice %arg9[%dma_start3A_361, %dma_start3A_365] : memref<80x80xi32, #tpu.memory_space<vmem>> -> memref<1x40xi32, #tpu.memory_space<vmem>>
      %dma_start3A_367 = tpu.memref_squeeze %dma_start3A_366 : memref<1x40xi32, #tpu.memory_space<vmem>> -> memref<40xi32, #tpu.memory_space<vmem>>
      %dma_start3A_368 = arith.constant 0 : i32
      %dma_start3A_369 = arith.constant 0 : i32
      %dma_start3A_370 = tpu.memref_slice %arg3[%dma_start3A_368, %dma_start3A_369] : memref<10000x64xf32, #tpu.memory_space<hbm>> -> memref<10000x64xf32, #tpu.memory_space<hbm>>
      tpu.enqueue_indirect_dma source(%dma_start3A_370 : memref<10000x64xf32, #tpu.memory_space<hbm>>) target(%dma_start3A_364 : memref<40x64xf32, #tpu.memory_space<vmem>>) offsets(%dma_start3A_367 : memref<40xi32, #tpu.memory_space<vmem>>) semaphore(%arg24 : memref<!tpu.dma_semaphore, #tpu.memory_space<semaphore_mem>>)
      %dma_start3A_371 = arith.constant 2 : i32
      %dma_start3A_372 = arith.constant 40 : i32
      %dma_start3A_373 = arith.constant 0 : i32
      %dma_start3A_374 = tpu.memref_slice %arg13[%dma_start3A_372, %dma_start3A_373] : memref<80x64xf32, #tpu.memory_space<vmem>> -> memref<40x64xf32, #tpu.memory_space<vmem>>
      %dma_start3A_375 = arith.constant 40 : i32
      %dma_start3A_376 = tpu.memref_slice %arg9[%dma_start3A_371, %dma_start3A_375] : memref<80x80xi32, #tpu.memory_space<vmem>> -> memref<1x40xi32, #tpu.memory_space<vmem>>
      %dma_start3A_377 = tpu.memref_squeeze %dma_start3A_376 : memref<1x40xi32, #tpu.memory_space<vmem>> -> memref<40xi32, #tpu.memory_space<vmem>>
      %dma_start3A_378 = arith.constant 0 : i32
      %dma_start3A_379 = arith.constant 0 : i32
      %dma_start3A_380 = tpu.memref_slice %arg3[%dma_start3A_378, %dma_start3A_379] : memref<10000x64xf32, #tpu.memory_space<hbm>> -> memref<10000x64xf32, #tpu.memory_space<hbm>>
      tpu.enqueue_indirect_dma source(%dma_start3A_380 : memref<10000x64xf32, #tpu.memory_space<hbm>>) target(%dma_start3A_374 : memref<40x64xf32, #tpu.memory_space<vmem>>) offsets(%dma_start3A_377 : memref<40xi32, #tpu.memory_space<vmem>>) semaphore(%arg24 : memref<!tpu.dma_semaphore, #tpu.memory_space<semaphore_mem>>)
    } else {
    }
    %mul3A_83 = arith.constant 80 : i32
    %mul3A_84 = arith.muli %arg1, %mul3A_83 : i32
    %add3A_85 = arith.constant 2 : i32
    %add3A_86 = arith.addi %mul3A_84, %add3A_85 : i32
    %mul3A_87 = arith.constant 80 : i32
    %mul3A_88 = arith.muli %add3A_86, %mul3A_87 : i32
    %eq3A_89 = arith.constant 0 : i32
    %eq3A_90 = arith.cmpi eq, %arg0, %eq3A_89 : i32
    %convert_element_type3A_91 = arith.extui %eq3A_90 : i1 to i32
    %cond3A_92 = arith.constant 0 : i32
    %cond3A_93 = arith.cmpi ne, %convert_element_type3A_91, %cond3A_92 : i32
    scf.if %cond3A_93 {
      %dma_start3A_361 = arith.constant 0 : i32
      %dma_start3A_362 = tpu.memref_slice %arg4[%mul3A_88, %dma_start3A_361] : memref<102400x128xf32, #tpu.memory_space<hbm>> -> memref<80x64xf32, #tpu.memory_space<hbm>>
      %dma_start3A_363 = arith.constant 0 : i32
      %dma_start3A_364 = tpu.memref_slice %arg4[%mul3A_88, %dma_start3A_363] : memref<102400x128xf32, #tpu.memory_space<hbm>> -> memref<80x64xf32, #tpu.memory_space<hbm>>
      tpu.enqueue_dma source(%dma_start3A_364 : memref<80x64xf32, #tpu.memory_space<hbm>>) target(%arg16 : memref<80x64xf32, #tpu.memory_space<vmem>>) target_semaphore(%arg24 : memref<!tpu.dma_semaphore, #tpu.memory_space<semaphore_mem>>)
    } else {
    }
    %eq3A_94 = arith.constant 1 : i32
    %eq3A_95 = arith.cmpi eq, %arg0, %eq3A_94 : i32
    %convert_element_type3A_96 = arith.extui %eq3A_95 : i1 to i32
    %cond3A_97 = arith.constant 0 : i32
    %cond3A_98 = arith.cmpi ne, %convert_element_type3A_96, %cond3A_97 : i32
    scf.if %cond3A_98 {
      %dma_start3A_361 = arith.constant 64 : i32
      %dma_start3A_362 = tpu.memref_slice %arg4[%mul3A_88, %dma_start3A_361] : memref<102400x128xf32, #tpu.memory_space<hbm>> -> memref<80x64xf32, #tpu.memory_space<hbm>>
      %dma_start3A_363 = arith.constant 64 : i32
      %dma_start3A_364 = tpu.memref_slice %arg4[%mul3A_88, %dma_start3A_363] : memref<102400x128xf32, #tpu.memory_space<hbm>> -> memref<80x64xf32, #tpu.memory_space<hbm>>
      tpu.enqueue_dma source(%dma_start3A_364 : memref<80x64xf32, #tpu.memory_space<hbm>>) target(%arg16 : memref<80x64xf32, #tpu.memory_space<vmem>>) target_semaphore(%arg24 : memref<!tpu.dma_semaphore, #tpu.memory_space<semaphore_mem>>)
    } else {
    }
    %dma_wait3A = arith.constant 0 : i32
    %dma_wait3A_99 = arith.constant 0 : i32
    %dma_wait3A_100 = tpu.memref_slice %arg9[%dma_wait3A, %dma_wait3A_99] : memref<80x80xi32, #tpu.memory_space<vmem>> -> memref<1x80xi32, #tpu.memory_space<vmem>>
    %dma_wait3A_101 = tpu.memref_squeeze %dma_wait3A_100 : memref<1x80xi32, #tpu.memory_space<vmem>> -> memref<80xi32, #tpu.memory_space<vmem>>
    %dma_wait3A_102 = arith.constant 0 : i32
    %dma_wait3A_103 = arith.constant 0 : i32
    %dma_wait3A_104 = tpu.memref_slice %arg2[%dma_wait3A_102, %dma_wait3A_103] : memref<10000x64xf32, #tpu.memory_space<hbm>> -> memref<10000x64xf32, #tpu.memory_space<hbm>>
    tpu.wait_indirect_dma semaphore(%arg22 : memref<!tpu.dma_semaphore, #tpu.memory_space<semaphore_mem>>) src(%dma_wait3A_104 : memref<10000x64xf32, #tpu.memory_space<hbm>>) dst(%arg11 : memref<80x64xf32, #tpu.memory_space<vmem>>)
    %dma_wait3A_105 = arith.constant 0 : i32
    %dma_wait3A_106 = arith.constant 0 : i32
    %dma_wait3A_107 = tpu.memref_slice %arg4[%dma_wait3A_105, %dma_wait3A_106] : memref<102400x128xf32, #tpu.memory_space<hbm>> -> memref<80x64xf32, #tpu.memory_space<hbm>>
    %dma_wait3A_108 = arith.constant 0 : i32
    %dma_wait3A_109 = arith.constant 0 : i32
    %dma_wait3A_110 = tpu.memref_slice %arg4[%dma_wait3A_108, %dma_wait3A_109] : memref<102400x128xf32, #tpu.memory_space<hbm>> -> memref<80x64xf32, #tpu.memory_space<hbm>>
    tpu.wait_dma2 semaphore(%arg22 : memref<!tpu.dma_semaphore, #tpu.memory_space<semaphore_mem>>) src(%dma_wait3A_110 : memref<80x64xf32, #tpu.memory_space<hbm>>) dst(%arg14 : memref<80x64xf32, #tpu.memory_space<vmem>>)
    %scan3A_111 = arith.constant 0 : i32
    %scan3A_112 = arith.constant 0 : i32
    %scan3A_113 = arith.constant 80 : i32
    %scan3A_114 = arith.addi %scan3A_112, %scan3A_113 : i32
    %scan3A_115 = arith.constant 1 : i32
    scf.for %scan3A_361 = %scan3A_112 to %scan3A_114 step %scan3A_115  : i32 {
      %get3A = arith.index_cast %scan3A_361 : i32 to index
      %get3A_362 = arith.constant 0 : index
      %get3A_363 = tpu.vector_load %arg11[%get3A, %get3A_362] {strides = array<i32>} : memref<80x64xf32, #tpu.memory_space<vmem>>, vector<16xf32>,
      %get3A_364 = arith.index_cast %scan3A_361 : i32 to index
      %get3A_365 = arith.constant 0 : index
      %get3A_366 = tpu.vector_load %arg14[%get3A_364, %get3A_365] {strides = array<i32>} : memref<80x64xf32, #tpu.memory_space<vmem>>, vector<16xf32>,
      %mul3A_367 = arith.mulf %get3A_363, %get3A_366 : vector<16xf32>
      %swap3A = arith.index_cast %scan3A_361 : i32 to index
      %swap3A_368 = arith.constant 0 : index
      %swap3A_369 = tpu.vector_load %arg17[%swap3A, %swap3A_368] {strides = array<i32>} : memref<80x64xf32, #tpu.memory_space<vmem>>, vector<16xf32>,
      tpu.vector_store %arg17[%swap3A, %swap3A_368], %mul3A_367 {strides = array<i32>} : memref<80x64xf32, #tpu.memory_space<vmem>>, vector<16xf32>,
      %get3A_370 = arith.index_cast %scan3A_361 : i32 to index
      %get3A_371 = arith.constant 16 : index
      %get3A_372 = tpu.vector_load %arg11[%get3A_370, %get3A_371] {strides = array<i32>} : memref<80x64xf32, #tpu.memory_space<vmem>>, vector<16xf32>,
      %get3A_373 = arith.index_cast %scan3A_361 : i32 to index
      %get3A_374 = arith.constant 16 : index
      %get3A_375 = tpu.vector_load %arg14[%get3A_373, %get3A_374] {strides = array<i32>} : memref<80x64xf32, #tpu.memory_space<vmem>>, vector<16xf32>,
      %mul3A_376 = arith.mulf %get3A_372, %get3A_375 : vector<16xf32>
      %swap3A_377 = arith.index_cast %scan3A_361 : i32 to index
      %swap3A_378 = arith.constant 16 : index
      %swap3A_379 = tpu.vector_load %arg17[%swap3A_377, %swap3A_378] {strides = array<i32>} : memref<80x64xf32, #tpu.memory_space<vmem>>, vector<16xf32>,
      tpu.vector_store %arg17[%swap3A_377, %swap3A_378], %mul3A_376 {strides = array<i32>} : memref<80x64xf32, #tpu.memory_space<vmem>>, vector<16xf32>,
      %get3A_380 = arith.index_cast %scan3A_361 : i32 to index
      %get3A_381 = arith.constant 32 : index
      %get3A_382 = tpu.vector_load %arg11[%get3A_380, %get3A_381] {strides = array<i32>} : memref<80x64xf32, #tpu.memory_space<vmem>>, vector<16xf32>,
      %get3A_383 = arith.index_cast %scan3A_361 : i32 to index
      %get3A_384 = arith.constant 32 : index
      %get3A_385 = tpu.vector_load %arg14[%get3A_383, %get3A_384] {strides = array<i32>} : memref<80x64xf32, #tpu.memory_space<vmem>>, vector<16xf32>,
      %mul3A_386 = arith.mulf %get3A_382, %get3A_385 : vector<16xf32>
      %swap3A_387 = arith.index_cast %scan3A_361 : i32 to index
      %swap3A_388 = arith.constant 32 : index
      %swap3A_389 = tpu.vector_load %arg17[%swap3A_387, %swap3A_388] {strides = array<i32>} : memref<80x64xf32, #tpu.memory_space<vmem>>, vector<16xf32>,
      tpu.vector_store %arg17[%swap3A_387, %swap3A_388], %mul3A_386 {strides = array<i32>} : memref<80x64xf32, #tpu.memory_space<vmem>>, vector<16xf32>,
      %get3A_390 = arith.index_cast %scan3A_361 : i32 to index
      %get3A_391 = arith.constant 48 : index
      %get3A_392 = tpu.vector_load %arg11[%get3A_390, %get3A_391] {strides = array<i32>} : memref<80x64xf32, #tpu.memory_space<vmem>>, vector<16xf32>,
      %get3A_393 = arith.index_cast %scan3A_361 : i32 to index
      %get3A_394 = arith.constant 48 : index
      %get3A_395 = tpu.vector_load %arg14[%get3A_393, %get3A_394] {strides = array<i32>} : memref<80x64xf32, #tpu.memory_space<vmem>>, vector<16xf32>,
      %mul3A_396 = arith.mulf %get3A_392, %get3A_395 : vector<16xf32>
      %swap3A_397 = arith.index_cast %scan3A_361 : i32 to index
      %swap3A_398 = arith.constant 48 : index
      %swap3A_399 = tpu.vector_load %arg17[%swap3A_397, %swap3A_398] {strides = array<i32>} : memref<80x64xf32, #tpu.memory_space<vmem>>, vector<16xf32>,
      tpu.vector_store %arg17[%swap3A_397, %swap3A_398], %mul3A_396 {strides = array<i32>} : memref<80x64xf32, #tpu.memory_space<vmem>>, vector<16xf32>,
    }
    %scan3A_116 = arith.constant 80 : i32
    %dma_start3A = arith.constant 0 : i32
    %dma_start3A_117 = arith.constant 0 : i32
    %dma_start3A_118 = tpu.memref_slice %arg10[%dma_start3A, %dma_start3A_117] : memref<80x80xi32, #tpu.memory_space<vmem>> -> memref<1x80xi32, #tpu.memory_space<vmem>>
    %dma_start3A_119 = tpu.memref_squeeze %dma_start3A_118 : memref<1x80xi32, #tpu.memory_space<vmem>> -> memref<80xi32, #tpu.memory_space<vmem>>
    %dma_start3A_120 = arith.constant 0 : i32
    %dma_start3A_121 = arith.constant 0 : i32
    %dma_start3A_122 = tpu.memref_slice %arg21[%dma_start3A_120, %dma_start3A_121] : memref<10240x64xf32, #tpu.memory_space<vmem_shared>> -> memref<10240x64xf32, #tpu.memory_space<vmem_shared>>
    tpu.enqueue_indirect_dma source(%arg17 : memref<80x64xf32, #tpu.memory_space<vmem>>) target(%dma_start3A_122 : memref<10240x64xf32, #tpu.memory_space<vmem_shared>>) offsets(%dma_start3A_119 : memref<80xi32, #tpu.memory_space<vmem>>) semaphore(%arg25 : memref<!tpu.dma_semaphore, #tpu.memory_space<semaphore_mem>>) {add = true}
    %eq3A_123 = arith.constant 0 : i32
    %eq3A_124 = arith.cmpi eq, %arg0, %eq3A_123 : i32
    %convert_element_type3A_125 = arith.extui %eq3A_124 : i1 to i32
    %cond3A_126 = arith.constant 0 : i32
    %cond3A_127 = arith.cmpi ne, %convert_element_type3A_125, %cond3A_126 : i32
    scf.if %cond3A_127 {
      %dma_start3A_361 = arith.constant 3 : i32
      %dma_start3A_362 = arith.constant 0 : i32
      %dma_start3A_363 = arith.constant 0 : i32
      %dma_start3A_364 = tpu.memref_slice %arg11[%dma_start3A_362, %dma_start3A_363] : memref<80x64xf32, #tpu.memory_space<vmem>> -> memref<40x64xf32, #tpu.memory_space<vmem>>
      %dma_start3A_365 = arith.constant 0 : i32
      %dma_start3A_366 = tpu.memref_slice %arg9[%dma_start3A_361, %dma_start3A_365] : memref<80x80xi32, #tpu.memory_space<vmem>> -> memref<1x40xi32, #tpu.memory_space<vmem>>
      %dma_start3A_367 = tpu.memref_squeeze %dma_start3A_366 : memref<1x40xi32, #tpu.memory_space<vmem>> -> memref<40xi32, #tpu.memory_space<vmem>>
      %dma_start3A_368 = arith.constant 0 : i32
      %dma_start3A_369 = arith.constant 0 : i32
      %dma_start3A_370 = tpu.memref_slice %arg2[%dma_start3A_368, %dma_start3A_369] : memref<10000x64xf32, #tpu.memory_space<hbm>> -> memref<10000x64xf32, #tpu.memory_space<hbm>>
      tpu.enqueue_indirect_dma source(%dma_start3A_370 : memref<10000x64xf32, #tpu.memory_space<hbm>>) target(%dma_start3A_364 : memref<40x64xf32, #tpu.memory_space<vmem>>) offsets(%dma_start3A_367 : memref<40xi32, #tpu.memory_space<vmem>>) semaphore(%arg22 : memref<!tpu.dma_semaphore, #tpu.memory_space<semaphore_mem>>)
      %dma_start3A_371 = arith.constant 3 : i32
      %dma_start3A_372 = arith.constant 40 : i32
      %dma_start3A_373 = arith.constant 0 : i32
      %dma_start3A_374 = tpu.memref_slice %arg11[%dma_start3A_372, %dma_start3A_373] : memref<80x64xf32, #tpu.memory_space<vmem>> -> memref<40x64xf32, #tpu.memory_space<vmem>>
      %dma_start3A_375 = arith.constant 40 : i32
      %dma_start3A_376 = tpu.memref_slice %arg9[%dma_start3A_371, %dma_start3A_375] : memref<80x80xi32, #tpu.memory_space<vmem>> -> memref<1x40xi32, #tpu.memory_space<vmem>>
      %dma_start3A_377 = tpu.memref_squeeze %dma_start3A_376 : memref<1x40xi32, #tpu.memory_space<vmem>> -> memref<40xi32, #tpu.memory_space<vmem>>
      %dma_start3A_378 = arith.constant 0 : i32
      %dma_start3A_379 = arith.constant 0 : i32
      %dma_start3A_380 = tpu.memref_slice %arg2[%dma_start3A_378, %dma_start3A_379] : memref<10000x64xf32, #tpu.memory_space<hbm>> -> memref<10000x64xf32, #tpu.memory_space<hbm>>
      tpu.enqueue_indirect_dma source(%dma_start3A_380 : memref<10000x64xf32, #tpu.memory_space<hbm>>) target(%dma_start3A_374 : memref<40x64xf32, #tpu.memory_space<vmem>>) offsets(%dma_start3A_377 : memref<40xi32, #tpu.memory_space<vmem>>) semaphore(%arg22 : memref<!tpu.dma_semaphore, #tpu.memory_space<semaphore_mem>>)
    } else {
    }
    %eq3A_128 = arith.constant 1 : i32
    %eq3A_129 = arith.cmpi eq, %arg0, %eq3A_128 : i32
    %convert_element_type3A_130 = arith.extui %eq3A_129 : i1 to i32
    %cond3A_131 = arith.constant 0 : i32
    %cond3A_132 = arith.cmpi ne, %convert_element_type3A_130, %cond3A_131 : i32
    scf.if %cond3A_132 {
      %dma_start3A_361 = arith.constant 3 : i32
      %dma_start3A_362 = arith.constant 0 : i32
      %dma_start3A_363 = arith.constant 0 : i32
      %dma_start3A_364 = tpu.memref_slice %arg11[%dma_start3A_362, %dma_start3A_363] : memref<80x64xf32, #tpu.memory_space<vmem>> -> memref<40x64xf32, #tpu.memory_space<vmem>>
      %dma_start3A_365 = arith.constant 0 : i32
      %dma_start3A_366 = tpu.memref_slice %arg9[%dma_start3A_361, %dma_start3A_365] : memref<80x80xi32, #tpu.memory_space<vmem>> -> memref<1x40xi32, #tpu.memory_space<vmem>>
      %dma_start3A_367 = tpu.memref_squeeze %dma_start3A_366 : memref<1x40xi32, #tpu.memory_space<vmem>> -> memref<40xi32, #tpu.memory_space<vmem>>
      %dma_start3A_368 = arith.constant 0 : i32
      %dma_start3A_369 = arith.constant 0 : i32
      %dma_start3A_370 = tpu.memref_slice %arg3[%dma_start3A_368, %dma_start3A_369] : memref<10000x64xf32, #tpu.memory_space<hbm>> -> memref<10000x64xf32, #tpu.memory_space<hbm>>
      tpu.enqueue_indirect_dma source(%dma_start3A_370 : memref<10000x64xf32, #tpu.memory_space<hbm>>) target(%dma_start3A_364 : memref<40x64xf32, #tpu.memory_space<vmem>>) offsets(%dma_start3A_367 : memref<40xi32, #tpu.memory_space<vmem>>) semaphore(%arg22 : memref<!tpu.dma_semaphore, #tpu.memory_space<semaphore_mem>>)
      %dma_start3A_371 = arith.constant 3 : i32
      %dma_start3A_372 = arith.constant 40 : i32
      %dma_start3A_373 = arith.constant 0 : i32
      %dma_start3A_374 = tpu.memref_slice %arg11[%dma_start3A_372, %dma_start3A_373] : memref<80x64xf32, #tpu.memory_space<vmem>> -> memref<40x64xf32, #tpu.memory_space<vmem>>
      %dma_start3A_375 = arith.constant 40 : i32
      %dma_start3A_376 = tpu.memref_slice %arg9[%dma_start3A_371, %dma_start3A_375] : memref<80x80xi32, #tpu.memory_space<vmem>> -> memref<1x40xi32, #tpu.memory_space<vmem>>
      %dma_start3A_377 = tpu.memref_squeeze %dma_start3A_376 : memref<1x40xi32, #tpu.memory_space<vmem>> -> memref<40xi32, #tpu.memory_space<vmem>>
      %dma_start3A_378 = arith.constant 0 : i32
      %dma_start3A_379 = arith.constant 0 : i32
      %dma_start3A_380 = tpu.memref_slice %arg3[%dma_start3A_378, %dma_start3A_379] : memref<10000x64xf32, #tpu.memory_space<hbm>> -> memref<10000x64xf32, #tpu.memory_space<hbm>>
      tpu.enqueue_indirect_dma source(%dma_start3A_380 : memref<10000x64xf32, #tpu.memory_space<hbm>>) target(%dma_start3A_374 : memref<40x64xf32, #tpu.memory_space<vmem>>) offsets(%dma_start3A_377 : memref<40xi32, #tpu.memory_space<vmem>>) semaphore(%arg22 : memref<!tpu.dma_semaphore, #tpu.memory_space<semaphore_mem>>)
    } else {
    }
    %mul3A_133 = arith.constant 80 : i32
    %mul3A_134 = arith.muli %arg1, %mul3A_133 : i32
    %add3A_135 = arith.constant 3 : i32
    %add3A_136 = arith.addi %mul3A_134, %add3A_135 : i32
    %mul3A_137 = arith.constant 80 : i32
    %mul3A_138 = arith.muli %add3A_136, %mul3A_137 : i32
    %eq3A_139 = arith.constant 0 : i32
    %eq3A_140 = arith.cmpi eq, %arg0, %eq3A_139 : i32
    %convert_element_type3A_141 = arith.extui %eq3A_140 : i1 to i32
    %cond3A_142 = arith.constant 0 : i32
    %cond3A_143 = arith.cmpi ne, %convert_element_type3A_141, %cond3A_142 : i32
    scf.if %cond3A_143 {
      %dma_start3A_361 = arith.constant 0 : i32
      %dma_start3A_362 = tpu.memref_slice %arg4[%mul3A_138, %dma_start3A_361] : memref<102400x128xf32, #tpu.memory_space<hbm>> -> memref<80x64xf32, #tpu.memory_space<hbm>>
      %dma_start3A_363 = arith.constant 0 : i32
      %dma_start3A_364 = tpu.memref_slice %arg4[%mul3A_138, %dma_start3A_363] : memref<102400x128xf32, #tpu.memory_space<hbm>> -> memref<80x64xf32, #tpu.memory_space<hbm>>
      tpu.enqueue_dma source(%dma_start3A_364 : memref<80x64xf32, #tpu.memory_space<hbm>>) target(%arg14 : memref<80x64xf32, #tpu.memory_space<vmem>>) target_semaphore(%arg22 : memref<!tpu.dma_semaphore, #tpu.memory_space<semaphore_mem>>)
    } else {
    }
    %eq3A_144 = arith.constant 1 : i32
    %eq3A_145 = arith.cmpi eq, %arg0, %eq3A_144 : i32
    %convert_element_type3A_146 = arith.extui %eq3A_145 : i1 to i32
    %cond3A_147 = arith.constant 0 : i32
    %cond3A_148 = arith.cmpi ne, %convert_element_type3A_146, %cond3A_147 : i32
    scf.if %cond3A_148 {
      %dma_start3A_361 = arith.constant 64 : i32
      %dma_start3A_362 = tpu.memref_slice %arg4[%mul3A_138, %dma_start3A_361] : memref<102400x128xf32, #tpu.memory_space<hbm>> -> memref<80x64xf32, #tpu.memory_space<hbm>>
      %dma_start3A_363 = arith.constant 64 : i32
      %dma_start3A_364 = tpu.memref_slice %arg4[%mul3A_138, %dma_start3A_363] : memref<102400x128xf32, #tpu.memory_space<hbm>> -> memref<80x64xf32, #tpu.memory_space<hbm>>
      tpu.enqueue_dma source(%dma_start3A_364 : memref<80x64xf32, #tpu.memory_space<hbm>>) target(%arg14 : memref<80x64xf32, #tpu.memory_space<vmem>>) target_semaphore(%arg22 : memref<!tpu.dma_semaphore, #tpu.memory_space<semaphore_mem>>)
    } else {
    }
    %dma_wait3A_149 = arith.constant 1 : i32
    %dma_wait3A_150 = arith.constant 0 : i32
    %dma_wait3A_151 = tpu.memref_slice %arg9[%dma_wait3A_149, %dma_wait3A_150] : memref<80x80xi32, #tpu.memory_space<vmem>> -> memref<1x80xi32, #tpu.memory_space<vmem>>
    %dma_wait3A_152 = tpu.memref_squeeze %dma_wait3A_151 : memref<1x80xi32, #tpu.memory_space<vmem>> -> memref<80xi32, #tpu.memory_space<vmem>>
    %dma_wait3A_153 = arith.constant 0 : i32
    %dma_wait3A_154 = arith.constant 0 : i32
    %dma_wait3A_155 = tpu.memref_slice %arg2[%dma_wait3A_153, %dma_wait3A_154] : memref<10000x64xf32, #tpu.memory_space<hbm>> -> memref<10000x64xf32, #tpu.memory_space<hbm>>
    tpu.wait_indirect_dma semaphore(%arg23 : memref<!tpu.dma_semaphore, #tpu.memory_space<semaphore_mem>>) src(%dma_wait3A_155 : memref<10000x64xf32, #tpu.memory_space<hbm>>) dst(%arg12 : memref<80x64xf32, #tpu.memory_space<vmem>>)
    %dma_wait3A_156 = arith.constant 0 : i32
    %dma_wait3A_157 = arith.constant 0 : i32
    %dma_wait3A_158 = tpu.memref_slice %arg4[%dma_wait3A_156, %dma_wait3A_157] : memref<102400x128xf32, #tpu.memory_space<hbm>> -> memref<80x64xf32, #tpu.memory_space<hbm>>
    %dma_wait3A_159 = arith.constant 0 : i32
    %dma_wait3A_160 = arith.constant 0 : i32
    %dma_wait3A_161 = tpu.memref_slice %arg4[%dma_wait3A_159, %dma_wait3A_160] : memref<102400x128xf32, #tpu.memory_space<hbm>> -> memref<80x64xf32, #tpu.memory_space<hbm>>
    tpu.wait_dma2 semaphore(%arg23 : memref<!tpu.dma_semaphore, #tpu.memory_space<semaphore_mem>>) src(%dma_wait3A_161 : memref<80x64xf32, #tpu.memory_space<hbm>>) dst(%arg15 : memref<80x64xf32, #tpu.memory_space<vmem>>)
    %scan3A_162 = arith.constant 0 : i32
    %scan3A_163 = arith.constant 0 : i32
    %scan3A_164 = arith.constant 80 : i32
    %scan3A_165 = arith.addi %scan3A_163, %scan3A_164 : i32
    %scan3A_166 = arith.constant 1 : i32
    scf.for %scan3A_361 = %scan3A_163 to %scan3A_165 step %scan3A_166  : i32 {
      %get3A = arith.index_cast %scan3A_361 : i32 to index
      %get3A_362 = arith.constant 0 : index
      %get3A_363 = tpu.vector_load %arg12[%get3A, %get3A_362] {strides = array<i32>} : memref<80x64xf32, #tpu.memory_space<vmem>>, vector<16xf32>,
      %get3A_364 = arith.index_cast %scan3A_361 : i32 to index
      %get3A_365 = arith.constant 0 : index
      %get3A_366 = tpu.vector_load %arg15[%get3A_364, %get3A_365] {strides = array<i32>} : memref<80x64xf32, #tpu.memory_space<vmem>>, vector<16xf32>,
      %mul3A_367 = arith.mulf %get3A_363, %get3A_366 : vector<16xf32>
      %swap3A = arith.index_cast %scan3A_361 : i32 to index
      %swap3A_368 = arith.constant 0 : index
      %swap3A_369 = tpu.vector_load %arg18[%swap3A, %swap3A_368] {strides = array<i32>} : memref<80x64xf32, #tpu.memory_space<vmem>>, vector<16xf32>,
      tpu.vector_store %arg18[%swap3A, %swap3A_368], %mul3A_367 {strides = array<i32>} : memref<80x64xf32, #tpu.memory_space<vmem>>, vector<16xf32>,
      %get3A_370 = arith.index_cast %scan3A_361 : i32 to index
      %get3A_371 = arith.constant 16 : index
      %get3A_372 = tpu.vector_load %arg12[%get3A_370, %get3A_371] {strides = array<i32>} : memref<80x64xf32, #tpu.memory_space<vmem>>, vector<16xf32>,
      %get3A_373 = arith.index_cast %scan3A_361 : i32 to index
      %get3A_374 = arith.constant 16 : index
      %get3A_375 = tpu.vector_load %arg15[%get3A_373, %get3A_374] {strides = array<i32>} : memref<80x64xf32, #tpu.memory_space<vmem>>, vector<16xf32>,
      %mul3A_376 = arith.mulf %get3A_372, %get3A_375 : vector<16xf32>
      %swap3A_377 = arith.index_cast %scan3A_361 : i32 to index
      %swap3A_378 = arith.constant 16 : index
      %swap3A_379 = tpu.vector_load %arg18[%swap3A_377, %swap3A_378] {strides = array<i32>} : memref<80x64xf32, #tpu.memory_space<vmem>>, vector<16xf32>,
      tpu.vector_store %arg18[%swap3A_377, %swap3A_378], %mul3A_376 {strides = array<i32>} : memref<80x64xf32, #tpu.memory_space<vmem>>, vector<16xf32>,
      %get3A_380 = arith.index_cast %scan3A_361 : i32 to index
      %get3A_381 = arith.constant 32 : index
      %get3A_382 = tpu.vector_load %arg12[%get3A_380, %get3A_381] {strides = array<i32>} : memref<80x64xf32, #tpu.memory_space<vmem>>, vector<16xf32>,
      %get3A_383 = arith.index_cast %scan3A_361 : i32 to index
      %get3A_384 = arith.constant 32 : index
      %get3A_385 = tpu.vector_load %arg15[%get3A_383, %get3A_384] {strides = array<i32>} : memref<80x64xf32, #tpu.memory_space<vmem>>, vector<16xf32>,
      %mul3A_386 = arith.mulf %get3A_382, %get3A_385 : vector<16xf32>
      %swap3A_387 = arith.index_cast %scan3A_361 : i32 to index
      %swap3A_388 = arith.constant 32 : index
      %swap3A_389 = tpu.vector_load %arg18[%swap3A_387, %swap3A_388] {strides = array<i32>} : memref<80x64xf32, #tpu.memory_space<vmem>>, vector<16xf32>,
      tpu.vector_store %arg18[%swap3A_387, %swap3A_388], %mul3A_386 {strides = array<i32>} : memref<80x64xf32, #tpu.memory_space<vmem>>, vector<16xf32>,
      %get3A_390 = arith.index_cast %scan3A_361 : i32 to index
      %get3A_391 = arith.constant 48 : index
      %get3A_392 = tpu.vector_load %arg12[%get3A_390, %get3A_391] {strides = array<i32>} : memref<80x64xf32, #tpu.memory_space<vmem>>, vector<16xf32>,
      %get3A_393 = arith.index_cast %scan3A_361 : i32 to index
      %get3A_394 = arith.constant 48 : index
      %get3A_395 = tpu.vector_load %arg15[%get3A_393, %get3A_394] {strides = array<i32>} : memref<80x64xf32, #tpu.memory_space<vmem>>, vector<16xf32>,
      %mul3A_396 = arith.mulf %get3A_392, %get3A_395 : vector<16xf32>
      %swap3A_397 = arith.index_cast %scan3A_361 : i32 to index
      %swap3A_398 = arith.constant 48 : index
      %swap3A_399 = tpu.vector_load %arg18[%swap3A_397, %swap3A_398] {strides = array<i32>} : memref<80x64xf32, #tpu.memory_space<vmem>>, vector<16xf32>,
      tpu.vector_store %arg18[%swap3A_397, %swap3A_398], %mul3A_396 {strides = array<i32>} : memref<80x64xf32, #tpu.memory_space<vmem>>, vector<16xf32>,
    }
    %scan3A_167 = arith.constant 80 : i32
    %dma_start3A_168 = arith.constant 1 : i32
    %dma_start3A_169 = arith.constant 0 : i32
    %dma_start3A_170 = tpu.memref_slice %arg10[%dma_start3A_168, %dma_start3A_169] : memref<80x80xi32, #tpu.memory_space<vmem>> -> memref<1x80xi32, #tpu.memory_space<vmem>>
    %dma_start3A_171 = tpu.memref_squeeze %dma_start3A_170 : memref<1x80xi32, #tpu.memory_space<vmem>> -> memref<80xi32, #tpu.memory_space<vmem>>
    %dma_start3A_172 = arith.constant 0 : i32
    %dma_start3A_173 = arith.constant 0 : i32
    %dma_start3A_174 = tpu.memref_slice %arg21[%dma_start3A_172, %dma_start3A_173] : memref<10240x64xf32, #tpu.memory_space<vmem_shared>> -> memref<10240x64xf32, #tpu.memory_space<vmem_shared>>
    tpu.enqueue_indirect_dma source(%arg18 : memref<80x64xf32, #tpu.memory_space<vmem>>) target(%dma_start3A_174 : memref<10240x64xf32, #tpu.memory_space<vmem_shared>>) offsets(%dma_start3A_171 : memref<80xi32, #tpu.memory_space<vmem>>) semaphore(%arg26 : memref<!tpu.dma_semaphore, #tpu.memory_space<semaphore_mem>>) {add = true}
    %eq3A_175 = arith.constant 0 : i32
    %eq3A_176 = arith.cmpi eq, %arg0, %eq3A_175 : i32
    %convert_element_type3A_177 = arith.extui %eq3A_176 : i1 to i32
    %cond3A_178 = arith.constant 0 : i32
    %cond3A_179 = arith.cmpi ne, %convert_element_type3A_177, %cond3A_178 : i32
    scf.if %cond3A_179 {
      %dma_start3A_361 = arith.constant 4 : i32
      %dma_start3A_362 = arith.constant 0 : i32
      %dma_start3A_363 = arith.constant 0 : i32
      %dma_start3A_364 = tpu.memref_slice %arg12[%dma_start3A_362, %dma_start3A_363] : memref<80x64xf32, #tpu.memory_space<vmem>> -> memref<40x64xf32, #tpu.memory_space<vmem>>
      %dma_start3A_365 = arith.constant 0 : i32
      %dma_start3A_366 = tpu.memref_slice %arg9[%dma_start3A_361, %dma_start3A_365] : memref<80x80xi32, #tpu.memory_space<vmem>> -> memref<1x40xi32, #tpu.memory_space<vmem>>
      %dma_start3A_367 = tpu.memref_squeeze %dma_start3A_366 : memref<1x40xi32, #tpu.memory_space<vmem>> -> memref<40xi32, #tpu.memory_space<vmem>>
      %dma_start3A_368 = arith.constant 0 : i32
      %dma_start3A_369 = arith.constant 0 : i32
      %dma_start3A_370 = tpu.memref_slice %arg2[%dma_start3A_368, %dma_start3A_369] : memref<10000x64xf32, #tpu.memory_space<hbm>> -> memref<10000x64xf32, #tpu.memory_space<hbm>>
      tpu.enqueue_indirect_dma source(%dma_start3A_370 : memref<10000x64xf32, #tpu.memory_space<hbm>>) target(%dma_start3A_364 : memref<40x64xf32, #tpu.memory_space<vmem>>) offsets(%dma_start3A_367 : memref<40xi32, #tpu.memory_space<vmem>>) semaphore(%arg23 : memref<!tpu.dma_semaphore, #tpu.memory_space<semaphore_mem>>)
      %dma_start3A_371 = arith.constant 4 : i32
      %dma_start3A_372 = arith.constant 40 : i32
      %dma_start3A_373 = arith.constant 0 : i32
      %dma_start3A_374 = tpu.memref_slice %arg12[%dma_start3A_372, %dma_start3A_373] : memref<80x64xf32, #tpu.memory_space<vmem>> -> memref<40x64xf32, #tpu.memory_space<vmem>>
      %dma_start3A_375 = arith.constant 40 : i32
      %dma_start3A_376 = tpu.memref_slice %arg9[%dma_start3A_371, %dma_start3A_375] : memref<80x80xi32, #tpu.memory_space<vmem>> -> memref<1x40xi32, #tpu.memory_space<vmem>>
      %dma_start3A_377 = tpu.memref_squeeze %dma_start3A_376 : memref<1x40xi32, #tpu.memory_space<vmem>> -> memref<40xi32, #tpu.memory_space<vmem>>
      %dma_start3A_378 = arith.constant 0 : i32
      %dma_start3A_379 = arith.constant 0 : i32
      %dma_start3A_380 = tpu.memref_slice %arg2[%dma_start3A_378, %dma_start3A_379] : memref<10000x64xf32, #tpu.memory_space<hbm>> -> memref<10000x64xf32, #tpu.memory_space<hbm>>
      tpu.enqueue_indirect_dma source(%dma_start3A_380 : memref<10000x64xf32, #tpu.memory_space<hbm>>) target(%dma_start3A_374 : memref<40x64xf32, #tpu.memory_space<vmem>>) offsets(%dma_start3A_377 : memref<40xi32, #tpu.memory_space<vmem>>) semaphore(%arg23 : memref<!tpu.dma_semaphore, #tpu.memory_space<semaphore_mem>>)
    } else {
    }
    %eq3A_180 = arith.constant 1 : i32
    %eq3A_181 = arith.cmpi eq, %arg0, %eq3A_180 : i32
    %convert_element_type3A_182 = arith.extui %eq3A_181 : i1 to i32
    %cond3A_183 = arith.constant 0 : i32
    %cond3A_184 = arith.cmpi ne, %convert_element_type3A_182, %cond3A_183 : i32
    scf.if %cond3A_184 {
      %dma_start3A_361 = arith.constant 4 : i32
      %dma_start3A_362 = arith.constant 0 : i32
      %dma_start3A_363 = arith.constant 0 : i32
      %dma_start3A_364 = tpu.memref_slice %arg12[%dma_start3A_362, %dma_start3A_363] : memref<80x64xf32, #tpu.memory_space<vmem>> -> memref<40x64xf32, #tpu.memory_space<vmem>>
      %dma_start3A_365 = arith.constant 0 : i32
      %dma_start3A_366 = tpu.memref_slice %arg9[%dma_start3A_361, %dma_start3A_365] : memref<80x80xi32, #tpu.memory_space<vmem>> -> memref<1x40xi32, #tpu.memory_space<vmem>>
      %dma_start3A_367 = tpu.memref_squeeze %dma_start3A_366 : memref<1x40xi32, #tpu.memory_space<vmem>> -> memref<40xi32, #tpu.memory_space<vmem>>
      %dma_start3A_368 = arith.constant 0 : i32
      %dma_start3A_369 = arith.constant 0 : i32
      %dma_start3A_370 = tpu.memref_slice %arg3[%dma_start3A_368, %dma_start3A_369] : memref<10000x64xf32, #tpu.memory_space<hbm>> -> memref<10000x64xf32, #tpu.memory_space<hbm>>
      tpu.enqueue_indirect_dma source(%dma_start3A_370 : memref<10000x64xf32, #tpu.memory_space<hbm>>) target(%dma_start3A_364 : memref<40x64xf32, #tpu.memory_space<vmem>>) offsets(%dma_start3A_367 : memref<40xi32, #tpu.memory_space<vmem>>) semaphore(%arg23 : memref<!tpu.dma_semaphore, #tpu.memory_space<semaphore_mem>>)
      %dma_start3A_371 = arith.constant 4 : i32
      %dma_start3A_372 = arith.constant 40 : i32
      %dma_start3A_373 = arith.constant 0 : i32
      %dma_start3A_374 = tpu.memref_slice %arg12[%dma_start3A_372, %dma_start3A_373] : memref<80x64xf32, #tpu.memory_space<vmem>> -> memref<40x64xf32, #tpu.memory_space<vmem>>
      %dma_start3A_375 = arith.constant 40 : i32
      %dma_start3A_376 = tpu.memref_slice %arg9[%dma_start3A_371, %dma_start3A_375] : memref<80x80xi32, #tpu.memory_space<vmem>> -> memref<1x40xi32, #tpu.memory_space<vmem>>
      %dma_start3A_377 = tpu.memref_squeeze %dma_start3A_376 : memref<1x40xi32, #tpu.memory_space<vmem>> -> memref<40xi32, #tpu.memory_space<vmem>>
      %dma_start3A_378 = arith.constant 0 : i32
      %dma_start3A_379 = arith.constant 0 : i32
      %dma_start3A_380 = tpu.memref_slice %arg3[%dma_start3A_378, %dma_start3A_379] : memref<10000x64xf32, #tpu.memory_space<hbm>> -> memref<10000x64xf32, #tpu.memory_space<hbm>>
      tpu.enqueue_indirect_dma source(%dma_start3A_380 : memref<10000x64xf32, #tpu.memory_space<hbm>>) target(%dma_start3A_374 : memref<40x64xf32, #tpu.memory_space<vmem>>) offsets(%dma_start3A_377 : memref<40xi32, #tpu.memory_space<vmem>>) semaphore(%arg23 : memref<!tpu.dma_semaphore, #tpu.memory_space<semaphore_mem>>)
    } else {
    }
    %mul3A_185 = arith.constant 80 : i32
    %mul3A_186 = arith.muli %arg1, %mul3A_185 : i32
    %add3A_187 = arith.constant 4 : i32
    %add3A_188 = arith.addi %mul3A_186, %add3A_187 : i32
    %mul3A_189 = arith.constant 80 : i32
    %mul3A_190 = arith.muli %add3A_188, %mul3A_189 : i32
    %eq3A_191 = arith.constant 0 : i32
    %eq3A_192 = arith.cmpi eq, %arg0, %eq3A_191 : i32
    %convert_element_type3A_193 = arith.extui %eq3A_192 : i1 to i32
    %cond3A_194 = arith.constant 0 : i32
    %cond3A_195 = arith.cmpi ne, %convert_element_type3A_193, %cond3A_194 : i32
    scf.if %cond3A_195 {
      %dma_start3A_361 = arith.constant 0 : i32
      %dma_start3A_362 = tpu.memref_slice %arg4[%mul3A_190, %dma_start3A_361] : memref<102400x128xf32, #tpu.memory_space<hbm>> -> memref<80x64xf32, #tpu.memory_space<hbm>>
      %dma_start3A_363 = arith.constant 0 : i32
      %dma_start3A_364 = tpu.memref_slice %arg4[%mul3A_190, %dma_start3A_363] : memref<102400x128xf32, #tpu.memory_space<hbm>> -> memref<80x64xf32, #tpu.memory_space<hbm>>
      tpu.enqueue_dma source(%dma_start3A_364 : memref<80x64xf32, #tpu.memory_space<hbm>>) target(%arg15 : memref<80x64xf32, #tpu.memory_space<vmem>>) target_semaphore(%arg23 : memref<!tpu.dma_semaphore, #tpu.memory_space<semaphore_mem>>)
    } else {
    }
    %eq3A_196 = arith.constant 1 : i32
    %eq3A_197 = arith.cmpi eq, %arg0, %eq3A_196 : i32
    %convert_element_type3A_198 = arith.extui %eq3A_197 : i1 to i32
    %cond3A_199 = arith.constant 0 : i32
    %cond3A_200 = arith.cmpi ne, %convert_element_type3A_198, %cond3A_199 : i32
    scf.if %cond3A_200 {
      %dma_start3A_361 = arith.constant 64 : i32
      %dma_start3A_362 = tpu.memref_slice %arg4[%mul3A_190, %dma_start3A_361] : memref<102400x128xf32, #tpu.memory_space<hbm>> -> memref<80x64xf32, #tpu.memory_space<hbm>>
      %dma_start3A_363 = arith.constant 64 : i32
      %dma_start3A_364 = tpu.memref_slice %arg4[%mul3A_190, %dma_start3A_363] : memref<102400x128xf32, #tpu.memory_space<hbm>> -> memref<80x64xf32, #tpu.memory_space<hbm>>
      tpu.enqueue_dma source(%dma_start3A_364 : memref<80x64xf32, #tpu.memory_space<hbm>>) target(%arg15 : memref<80x64xf32, #tpu.memory_space<vmem>>) target_semaphore(%arg23 : memref<!tpu.dma_semaphore, #tpu.memory_space<semaphore_mem>>)
    } else {
    }
    %dma_wait3A_201 = arith.constant 2 : i32
    %dma_wait3A_202 = arith.constant 0 : i32
    %dma_wait3A_203 = tpu.memref_slice %arg9[%dma_wait3A_201, %dma_wait3A_202] : memref<80x80xi32, #tpu.memory_space<vmem>> -> memref<1x80xi32, #tpu.memory_space<vmem>>
    %dma_wait3A_204 = tpu.memref_squeeze %dma_wait3A_203 : memref<1x80xi32, #tpu.memory_space<vmem>> -> memref<80xi32, #tpu.memory_space<vmem>>
    %dma_wait3A_205 = arith.constant 0 : i32
    %dma_wait3A_206 = arith.constant 0 : i32
    %dma_wait3A_207 = tpu.memref_slice %arg2[%dma_wait3A_205, %dma_wait3A_206] : memref<10000x64xf32, #tpu.memory_space<hbm>> -> memref<10000x64xf32, #tpu.memory_space<hbm>>
    tpu.wait_indirect_dma semaphore(%arg24 : memref<!tpu.dma_semaphore, #tpu.memory_space<semaphore_mem>>) src(%dma_wait3A_207 : memref<10000x64xf32, #tpu.memory_space<hbm>>) dst(%arg13 : memref<80x64xf32, #tpu.memory_space<vmem>>)
    %dma_wait3A_208 = arith.constant 0 : i32
    %dma_wait3A_209 = arith.constant 0 : i32
    %dma_wait3A_210 = tpu.memref_slice %arg4[%dma_wait3A_208, %dma_wait3A_209] : memref<102400x128xf32, #tpu.memory_space<hbm>> -> memref<80x64xf32, #tpu.memory_space<hbm>>
    %dma_wait3A_211 = arith.constant 0 : i32
    %dma_wait3A_212 = arith.constant 0 : i32
    %dma_wait3A_213 = tpu.memref_slice %arg4[%dma_wait3A_211, %dma_wait3A_212] : memref<102400x128xf32, #tpu.memory_space<hbm>> -> memref<80x64xf32, #tpu.memory_space<hbm>>
    tpu.wait_dma2 semaphore(%arg24 : memref<!tpu.dma_semaphore, #tpu.memory_space<semaphore_mem>>) src(%dma_wait3A_213 : memref<80x64xf32, #tpu.memory_space<hbm>>) dst(%arg16 : memref<80x64xf32, #tpu.memory_space<vmem>>)
    %scan3A_214 = arith.constant 0 : i32
    %scan3A_215 = arith.constant 0 : i32
    %scan3A_216 = arith.constant 80 : i32
    %scan3A_217 = arith.addi %scan3A_215, %scan3A_216 : i32
    %scan3A_218 = arith.constant 1 : i32
    scf.for %scan3A_361 = %scan3A_215 to %scan3A_217 step %scan3A_218  : i32 {
      %get3A = arith.index_cast %scan3A_361 : i32 to index
      %get3A_362 = arith.constant 0 : index
      %get3A_363 = tpu.vector_load %arg13[%get3A, %get3A_362] {strides = array<i32>} : memref<80x64xf32, #tpu.memory_space<vmem>>, vector<16xf32>,
      %get3A_364 = arith.index_cast %scan3A_361 : i32 to index
      %get3A_365 = arith.constant 0 : index
      %get3A_366 = tpu.vector_load %arg16[%get3A_364, %get3A_365] {strides = array<i32>} : memref<80x64xf32, #tpu.memory_space<vmem>>, vector<16xf32>,
      %mul3A_367 = arith.mulf %get3A_363, %get3A_366 : vector<16xf32>
      %swap3A = arith.index_cast %scan3A_361 : i32 to index
      %swap3A_368 = arith.constant 0 : index
      %swap3A_369 = tpu.vector_load %arg19[%swap3A, %swap3A_368] {strides = array<i32>} : memref<80x64xf32, #tpu.memory_space<vmem>>, vector<16xf32>,
      tpu.vector_store %arg19[%swap3A, %swap3A_368], %mul3A_367 {strides = array<i32>} : memref<80x64xf32, #tpu.memory_space<vmem>>, vector<16xf32>,
      %get3A_370 = arith.index_cast %scan3A_361 : i32 to index
      %get3A_371 = arith.constant 16 : index
      %get3A_372 = tpu.vector_load %arg13[%get3A_370, %get3A_371] {strides = array<i32>} : memref<80x64xf32, #tpu.memory_space<vmem>>, vector<16xf32>,
      %get3A_373 = arith.index_cast %scan3A_361 : i32 to index
      %get3A_374 = arith.constant 16 : index
      %get3A_375 = tpu.vector_load %arg16[%get3A_373, %get3A_374] {strides = array<i32>} : memref<80x64xf32, #tpu.memory_space<vmem>>, vector<16xf32>,
      %mul3A_376 = arith.mulf %get3A_372, %get3A_375 : vector<16xf32>
      %swap3A_377 = arith.index_cast %scan3A_361 : i32 to index
      %swap3A_378 = arith.constant 16 : index
      %swap3A_379 = tpu.vector_load %arg19[%swap3A_377, %swap3A_378] {strides = array<i32>} : memref<80x64xf32, #tpu.memory_space<vmem>>, vector<16xf32>,
      tpu.vector_store %arg19[%swap3A_377, %swap3A_378], %mul3A_376 {strides = array<i32>} : memref<80x64xf32, #tpu.memory_space<vmem>>, vector<16xf32>,
      %get3A_380 = arith.index_cast %scan3A_361 : i32 to index
      %get3A_381 = arith.constant 32 : index
      %get3A_382 = tpu.vector_load %arg13[%get3A_380, %get3A_381] {strides = array<i32>} : memref<80x64xf32, #tpu.memory_space<vmem>>, vector<16xf32>,
      %get3A_383 = arith.index_cast %scan3A_361 : i32 to index
      %get3A_384 = arith.constant 32 : index
      %get3A_385 = tpu.vector_load %arg16[%get3A_383, %get3A_384] {strides = array<i32>} : memref<80x64xf32, #tpu.memory_space<vmem>>, vector<16xf32>,
      %mul3A_386 = arith.mulf %get3A_382, %get3A_385 : vector<16xf32>
      %swap3A_387 = arith.index_cast %scan3A_361 : i32 to index
      %swap3A_388 = arith.constant 32 : index
      %swap3A_389 = tpu.vector_load %arg19[%swap3A_387, %swap3A_388] {strides = array<i32>} : memref<80x64xf32, #tpu.memory_space<vmem>>, vector<16xf32>,
      tpu.vector_store %arg19[%swap3A_387, %swap3A_388], %mul3A_386 {strides = array<i32>} : memref<80x64xf32, #tpu.memory_space<vmem>>, vector<16xf32>,
      %get3A_390 = arith.index_cast %scan3A_361 : i32 to index
      %get3A_391 = arith.constant 48 : index
      %get3A_392 = tpu.vector_load %arg13[%get3A_390, %get3A_391] {strides = array<i32>} : memref<80x64xf32, #tpu.memory_space<vmem>>, vector<16xf32>,
      %get3A_393 = arith.index_cast %scan3A_361 : i32 to index
      %get3A_394 = arith.constant 48 : index
      %get3A_395 = tpu.vector_load %arg16[%get3A_393, %get3A_394] {strides = array<i32>} : memref<80x64xf32, #tpu.memory_space<vmem>>, vector<16xf32>,
      %mul3A_396 = arith.mulf %get3A_392, %get3A_395 : vector<16xf32>
      %swap3A_397 = arith.index_cast %scan3A_361 : i32 to index
      %swap3A_398 = arith.constant 48 : index
      %swap3A_399 = tpu.vector_load %arg19[%swap3A_397, %swap3A_398] {strides = array<i32>} : memref<80x64xf32, #tpu.memory_space<vmem>>, vector<16xf32>,
      tpu.vector_store %arg19[%swap3A_397, %swap3A_398], %mul3A_396 {strides = array<i32>} : memref<80x64xf32, #tpu.memory_space<vmem>>, vector<16xf32>,
    }
    %scan3A_219 = arith.constant 80 : i32
    %dma_start3A_220 = arith.constant 2 : i32
    %dma_start3A_221 = arith.constant 0 : i32
    %dma_start3A_222 = tpu.memref_slice %arg10[%dma_start3A_220, %dma_start3A_221] : memref<80x80xi32, #tpu.memory_space<vmem>> -> memref<1x80xi32, #tpu.memory_space<vmem>>
    %dma_start3A_223 = tpu.memref_squeeze %dma_start3A_222 : memref<1x80xi32, #tpu.memory_space<vmem>> -> memref<80xi32, #tpu.memory_space<vmem>>
    %dma_start3A_224 = arith.constant 0 : i32
    %dma_start3A_225 = arith.constant 0 : i32
    %dma_start3A_226 = tpu.memref_slice %arg21[%dma_start3A_224, %dma_start3A_225] : memref<10240x64xf32, #tpu.memory_space<vmem_shared>> -> memref<10240x64xf32, #tpu.memory_space<vmem_shared>>
    tpu.enqueue_indirect_dma source(%arg19 : memref<80x64xf32, #tpu.memory_space<vmem>>) target(%dma_start3A_226 : memref<10240x64xf32, #tpu.memory_space<vmem_shared>>) offsets(%dma_start3A_223 : memref<80xi32, #tpu.memory_space<vmem>>) semaphore(%arg27 : memref<!tpu.dma_semaphore, #tpu.memory_space<semaphore_mem>>) {add = true}
    %eq3A_227 = arith.constant 0 : i32
    %eq3A_228 = arith.cmpi eq, %arg0, %eq3A_227 : i32
    %convert_element_type3A_229 = arith.extui %eq3A_228 : i1 to i32
    %cond3A_230 = arith.constant 0 : i32
    %cond3A_231 = arith.cmpi ne, %convert_element_type3A_229, %cond3A_230 : i32
    scf.if %cond3A_231 {
      %dma_start3A_361 = arith.constant 5 : i32
      %dma_start3A_362 = arith.constant 0 : i32
      %dma_start3A_363 = arith.constant 0 : i32
      %dma_start3A_364 = tpu.memref_slice %arg13[%dma_start3A_362, %dma_start3A_363] : memref<80x64xf32, #tpu.memory_space<vmem>> -> memref<40x64xf32, #tpu.memory_space<vmem>>
      %dma_start3A_365 = arith.constant 0 : i32
      %dma_start3A_366 = tpu.memref_slice %arg9[%dma_start3A_361, %dma_start3A_365] : memref<80x80xi32, #tpu.memory_space<vmem>> -> memref<1x40xi32, #tpu.memory_space<vmem>>
      %dma_start3A_367 = tpu.memref_squeeze %dma_start3A_366 : memref<1x40xi32, #tpu.memory_space<vmem>> -> memref<40xi32, #tpu.memory_space<vmem>>
      %dma_start3A_368 = arith.constant 0 : i32
      %dma_start3A_369 = arith.constant 0 : i32
      %dma_start3A_370 = tpu.memref_slice %arg2[%dma_start3A_368, %dma_start3A_369] : memref<10000x64xf32, #tpu.memory_space<hbm>> -> memref<10000x64xf32, #tpu.memory_space<hbm>>
      tpu.enqueue_indirect_dma source(%dma_start3A_370 : memref<10000x64xf32, #tpu.memory_space<hbm>>) target(%dma_start3A_364 : memref<40x64xf32, #tpu.memory_space<vmem>>) offsets(%dma_start3A_367 : memref<40xi32, #tpu.memory_space<vmem>>) semaphore(%arg24 : memref<!tpu.dma_semaphore, #tpu.memory_space<semaphore_mem>>)
      %dma_start3A_371 = arith.constant 5 : i32
      %dma_start3A_372 = arith.constant 40 : i32
      %dma_start3A_373 = arith.constant 0 : i32
      %dma_start3A_374 = tpu.memref_slice %arg13[%dma_start3A_372, %dma_start3A_373] : memref<80x64xf32, #tpu.memory_space<vmem>> -> memref<40x64xf32, #tpu.memory_space<vmem>>
      %dma_start3A_375 = arith.constant 40 : i32
      %dma_start3A_376 = tpu.memref_slice %arg9[%dma_start3A_371, %dma_start3A_375] : memref<80x80xi32, #tpu.memory_space<vmem>> -> memref<1x40xi32, #tpu.memory_space<vmem>>
      %dma_start3A_377 = tpu.memref_squeeze %dma_start3A_376 : memref<1x40xi32, #tpu.memory_space<vmem>> -> memref<40xi32, #tpu.memory_space<vmem>>
      %dma_start3A_378 = arith.constant 0 : i32
      %dma_start3A_379 = arith.constant 0 : i32
      %dma_start3A_380 = tpu.memref_slice %arg2[%dma_start3A_378, %dma_start3A_379] : memref<10000x64xf32, #tpu.memory_space<hbm>> -> memref<10000x64xf32, #tpu.memory_space<hbm>>
      tpu.enqueue_indirect_dma source(%dma_start3A_380 : memref<10000x64xf32, #tpu.memory_space<hbm>>) target(%dma_start3A_374 : memref<40x64xf32, #tpu.memory_space<vmem>>) offsets(%dma_start3A_377 : memref<40xi32, #tpu.memory_space<vmem>>) semaphore(%arg24 : memref<!tpu.dma_semaphore, #tpu.memory_space<semaphore_mem>>)
    } else {
    }
    %eq3A_232 = arith.constant 1 : i32
    %eq3A_233 = arith.cmpi eq, %arg0, %eq3A_232 : i32
    %convert_element_type3A_234 = arith.extui %eq3A_233 : i1 to i32
    %cond3A_235 = arith.constant 0 : i32
    %cond3A_236 = arith.cmpi ne, %convert_element_type3A_234, %cond3A_235 : i32
    scf.if %cond3A_236 {
      %dma_start3A_361 = arith.constant 5 : i32
      %dma_start3A_362 = arith.constant 0 : i32
      %dma_start3A_363 = arith.constant 0 : i32
      %dma_start3A_364 = tpu.memref_slice %arg13[%dma_start3A_362, %dma_start3A_363] : memref<80x64xf32, #tpu.memory_space<vmem>> -> memref<40x64xf32, #tpu.memory_space<vmem>>
      %dma_start3A_365 = arith.constant 0 : i32
      %dma_start3A_366 = tpu.memref_slice %arg9[%dma_start3A_361, %dma_start3A_365] : memref<80x80xi32, #tpu.memory_space<vmem>> -> memref<1x40xi32, #tpu.memory_space<vmem>>
      %dma_start3A_367 = tpu.memref_squeeze %dma_start3A_366 : memref<1x40xi32, #tpu.memory_space<vmem>> -> memref<40xi32, #tpu.memory_space<vmem>>
      %dma_start3A_368 = arith.constant 0 : i32
      %dma_start3A_369 = arith.constant 0 : i32
      %dma_start3A_370 = tpu.memref_slice %arg3[%dma_start3A_368, %dma_start3A_369] : memref<10000x64xf32, #tpu.memory_space<hbm>> -> memref<10000x64xf32, #tpu.memory_space<hbm>>
      tpu.enqueue_indirect_dma source(%dma_start3A_370 : memref<10000x64xf32, #tpu.memory_space<hbm>>) target(%dma_start3A_364 : memref<40x64xf32, #tpu.memory_space<vmem>>) offsets(%dma_start3A_367 : memref<40xi32, #tpu.memory_space<vmem>>) semaphore(%arg24 : memref<!tpu.dma_semaphore, #tpu.memory_space<semaphore_mem>>)
      %dma_start3A_371 = arith.constant 5 : i32
      %dma_start3A_372 = arith.constant 40 : i32
      %dma_start3A_373 = arith.constant 0 : i32
      %dma_start3A_374 = tpu.memref_slice %arg13[%dma_start3A_372, %dma_start3A_373] : memref<80x64xf32, #tpu.memory_space<vmem>> -> memref<40x64xf32, #tpu.memory_space<vmem>>
      %dma_start3A_375 = arith.constant 40 : i32
      %dma_start3A_376 = tpu.memref_slice %arg9[%dma_start3A_371, %dma_start3A_375] : memref<80x80xi32, #tpu.memory_space<vmem>> -> memref<1x40xi32, #tpu.memory_space<vmem>>
      %dma_start3A_377 = tpu.memref_squeeze %dma_start3A_376 : memref<1x40xi32, #tpu.memory_space<vmem>> -> memref<40xi32, #tpu.memory_space<vmem>>
      %dma_start3A_378 = arith.constant 0 : i32
      %dma_start3A_379 = arith.constant 0 : i32
      %dma_start3A_380 = tpu.memref_slice %arg3[%dma_start3A_378, %dma_start3A_379] : memref<10000x64xf32, #tpu.memory_space<hbm>> -> memref<10000x64xf32, #tpu.memory_space<hbm>>
      tpu.enqueue_indirect_dma source(%dma_start3A_380 : memref<10000x64xf32, #tpu.memory_space<hbm>>) target(%dma_start3A_374 : memref<40x64xf32, #tpu.memory_space<vmem>>) offsets(%dma_start3A_377 : memref<40xi32, #tpu.memory_space<vmem>>) semaphore(%arg24 : memref<!tpu.dma_semaphore, #tpu.memory_space<semaphore_mem>>)
    } else {
    }
    %mul3A_237 = arith.constant 80 : i32
    %mul3A_238 = arith.muli %arg1, %mul3A_237 : i32
    %add3A_239 = arith.constant 5 : i32
    %add3A_240 = arith.addi %mul3A_238, %add3A_239 : i32
    %mul3A_241 = arith.constant 80 : i32
    %mul3A_242 = arith.muli %add3A_240, %mul3A_241 : i32
    %eq3A_243 = arith.constant 0 : i32
    %eq3A_244 = arith.cmpi eq, %arg0, %eq3A_243 : i32
    %convert_element_type3A_245 = arith.extui %eq3A_244 : i1 to i32
    %cond3A_246 = arith.constant 0 : i32
    %cond3A_247 = arith.cmpi ne, %convert_element_type3A_245, %cond3A_246 : i32
    scf.if %cond3A_247 {
      %dma_start3A_361 = arith.constant 0 : i32
      %dma_start3A_362 = tpu.memref_slice %arg4[%mul3A_242, %dma_start3A_361] : memref<102400x128xf32, #tpu.memory_space<hbm>> -> memref<80x64xf32, #tpu.memory_space<hbm>>
      %dma_start3A_363 = arith.constant 0 : i32
      %dma_start3A_364 = tpu.memref_slice %arg4[%mul3A_242, %dma_start3A_363] : memref<102400x128xf32, #tpu.memory_space<hbm>> -> memref<80x64xf32, #tpu.memory_space<hbm>>
      tpu.enqueue_dma source(%dma_start3A_364 : memref<80x64xf32, #tpu.memory_space<hbm>>) target(%arg16 : memref<80x64xf32, #tpu.memory_space<vmem>>) target_semaphore(%arg24 : memref<!tpu.dma_semaphore, #tpu.memory_space<semaphore_mem>>)
    } else {
    }
    %eq3A_248 = arith.constant 1 : i32
    %eq3A_249 = arith.cmpi eq, %arg0, %eq3A_248 : i32
    %convert_element_type3A_250 = arith.extui %eq3A_249 : i1 to i32
    %cond3A_251 = arith.constant 0 : i32
    %cond3A_252 = arith.cmpi ne, %convert_element_type3A_250, %cond3A_251 : i32
    scf.if %cond3A_252 {
      %dma_start3A_361 = arith.constant 64 : i32
      %dma_start3A_362 = tpu.memref_slice %arg4[%mul3A_242, %dma_start3A_361] : memref<102400x128xf32, #tpu.memory_space<hbm>> -> memref<80x64xf32, #tpu.memory_space<hbm>>
      %dma_start3A_363 = arith.constant 64 : i32
      %dma_start3A_364 = tpu.memref_slice %arg4[%mul3A_242, %dma_start3A_363] : memref<102400x128xf32, #tpu.memory_space<hbm>> -> memref<80x64xf32, #tpu.memory_space<hbm>>
      tpu.enqueue_dma source(%dma_start3A_364 : memref<80x64xf32, #tpu.memory_space<hbm>>) target(%arg16 : memref<80x64xf32, #tpu.memory_space<vmem>>) target_semaphore(%arg24 : memref<!tpu.dma_semaphore, #tpu.memory_space<semaphore_mem>>)
    } else {
    }
    %scan3A_253 = arith.constant 0 : i32
    %scan3A_254 = arith.constant 1 : i32
    %scan3A_255 = arith.constant 25 : i32
    %scan3A_256 = arith.addi %scan3A_254, %scan3A_255 : i32
    %scan3A_257 = arith.constant 1 : i32
    scf.for %scan3A_361 = %scan3A_254 to %scan3A_256 step %scan3A_257  : i32 {
      %mul3A_362 = arith.constant 3 : i32
      %mul3A_363 = arith.muli %scan3A_361, %mul3A_362 : i32
      %add3A_364 = arith.constant 0 : i32
      %add3A_365 = arith.addi %mul3A_363, %add3A_364 : i32
      %dma_wait3A_366 = arith.constant 0 : i32
      %dma_wait3A_367 = tpu.memref_slice %arg9[%add3A_365, %dma_wait3A_366] : memref<80x80xi32, #tpu.memory_space<vmem>> -> memref<1x80xi32, #tpu.memory_space<vmem>>
      %dma_wait3A_368 = tpu.memref_squeeze %dma_wait3A_367 : memref<1x80xi32, #tpu.memory_space<vmem>> -> memref<80xi32, #tpu.memory_space<vmem>>
      %dma_wait3A_369 = arith.constant 0 : i32
      %dma_wait3A_370 = arith.constant 0 : i32
      %dma_wait3A_371 = tpu.memref_slice %arg2[%dma_wait3A_369, %dma_wait3A_370] : memref<10000x64xf32, #tpu.memory_space<hbm>> -> memref<10000x64xf32, #tpu.memory_space<hbm>>
      tpu.wait_indirect_dma semaphore(%arg22 : memref<!tpu.dma_semaphore, #tpu.memory_space<semaphore_mem>>) src(%dma_wait3A_371 : memref<10000x64xf32, #tpu.memory_space<hbm>>) dst(%arg11 : memref<80x64xf32, #tpu.memory_space<vmem>>)
      %dma_wait3A_372 = arith.constant 0 : i32
      %dma_wait3A_373 = arith.constant 0 : i32
      %dma_wait3A_374 = tpu.memref_slice %arg4[%dma_wait3A_372, %dma_wait3A_373] : memref<102400x128xf32, #tpu.memory_space<hbm>> -> memref<80x64xf32, #tpu.memory_space<hbm>>
      %dma_wait3A_375 = arith.constant 0 : i32
      %dma_wait3A_376 = arith.constant 0 : i32
      %dma_wait3A_377 = tpu.memref_slice %arg4[%dma_wait3A_375, %dma_wait3A_376] : memref<102400x128xf32, #tpu.memory_space<hbm>> -> memref<80x64xf32, #tpu.memory_space<hbm>>
      tpu.wait_dma2 semaphore(%arg22 : memref<!tpu.dma_semaphore, #tpu.memory_space<semaphore_mem>>) src(%dma_wait3A_377 : memref<80x64xf32, #tpu.memory_space<hbm>>) dst(%arg14 : memref<80x64xf32, #tpu.memory_space<vmem>>)
      %add3A_378 = arith.constant 0 : i32
      %add3A_379 = arith.addi %mul3A_363, %add3A_378 : i32
      %dma_wait3A_380 = arith.constant 0 : i32
      %dma_wait3A_381 = arith.constant 0 : i32
      %dma_wait3A_382 = tpu.memref_slice %arg10[%dma_wait3A_380, %dma_wait3A_381] : memref<80x80xi32, #tpu.memory_space<vmem>> -> memref<1x80xi32, #tpu.memory_space<vmem>>
      %dma_wait3A_383 = tpu.memref_squeeze %dma_wait3A_382 : memref<1x80xi32, #tpu.memory_space<vmem>> -> memref<80xi32, #tpu.memory_space<vmem>>
      %dma_wait3A_384 = arith.constant 0 : i32
      %dma_wait3A_385 = arith.constant 0 : i32
      %dma_wait3A_386 = tpu.memref_slice %arg21[%dma_wait3A_384, %dma_wait3A_385] : memref<10240x64xf32, #tpu.memory_space<vmem_shared>> -> memref<10240x64xf32, #tpu.memory_space<vmem_shared>>
      tpu.wait_indirect_dma semaphore(%arg25 : memref<!tpu.dma_semaphore, #tpu.memory_space<semaphore_mem>>) src(%arg17 : memref<80x64xf32, #tpu.memory_space<vmem>>) dst(%dma_wait3A_386 : memref<10240x64xf32, #tpu.memory_space<vmem_shared>>)
      %scan3A_387 = arith.constant 0 : i32
      %scan3A_388 = arith.constant 0 : i32
      %scan3A_389 = arith.constant 80 : i32
      %scan3A_390 = arith.addi %scan3A_388, %scan3A_389 : i32
      %scan3A_391 = arith.constant 1 : i32
      scf.for %scan3A_495 = %scan3A_388 to %scan3A_390 step %scan3A_391  : i32 {
        %get3A = arith.index_cast %scan3A_495 : i32 to index
        %get3A_496 = arith.constant 0 : index
        %get3A_497 = tpu.vector_load %arg11[%get3A, %get3A_496] {strides = array<i32>} : memref<80x64xf32, #tpu.memory_space<vmem>>, vector<16xf32>,
        %get3A_498 = arith.index_cast %scan3A_495 : i32 to index
        %get3A_499 = arith.constant 0 : index
        %get3A_500 = tpu.vector_load %arg14[%get3A_498, %get3A_499] {strides = array<i32>} : memref<80x64xf32, #tpu.memory_space<vmem>>, vector<16xf32>,
        %mul3A_501 = arith.mulf %get3A_497, %get3A_500 : vector<16xf32>
        %swap3A = arith.index_cast %scan3A_495 : i32 to index
        %swap3A_502 = arith.constant 0 : index
        %swap3A_503 = tpu.vector_load %arg17[%swap3A, %swap3A_502] {strides = array<i32>} : memref<80x64xf32, #tpu.memory_space<vmem>>, vector<16xf32>,
        tpu.vector_store %arg17[%swap3A, %swap3A_502], %mul3A_501 {strides = array<i32>} : memref<80x64xf32, #tpu.memory_space<vmem>>, vector<16xf32>,
        %get3A_504 = arith.index_cast %scan3A_495 : i32 to index
        %get3A_505 = arith.constant 16 : index
        %get3A_506 = tpu.vector_load %arg11[%get3A_504, %get3A_505] {strides = array<i32>} : memref<80x64xf32, #tpu.memory_space<vmem>>, vector<16xf32>,
        %get3A_507 = arith.index_cast %scan3A_495 : i32 to index
        %get3A_508 = arith.constant 16 : index
        %get3A_509 = tpu.vector_load %arg14[%get3A_507, %get3A_508] {strides = array<i32>} : memref<80x64xf32, #tpu.memory_space<vmem>>, vector<16xf32>,
        %mul3A_510 = arith.mulf %get3A_506, %get3A_509 : vector<16xf32>
        %swap3A_511 = arith.index_cast %scan3A_495 : i32 to index
        %swap3A_512 = arith.constant 16 : index
        %swap3A_513 = tpu.vector_load %arg17[%swap3A_511, %swap3A_512] {strides = array<i32>} : memref<80x64xf32, #tpu.memory_space<vmem>>, vector<16xf32>,
        tpu.vector_store %arg17[%swap3A_511, %swap3A_512], %mul3A_510 {strides = array<i32>} : memref<80x64xf32, #tpu.memory_space<vmem>>, vector<16xf32>,
        %get3A_514 = arith.index_cast %scan3A_495 : i32 to index
        %get3A_515 = arith.constant 32 : index
        %get3A_516 = tpu.vector_load %arg11[%get3A_514, %get3A_515] {strides = array<i32>} : memref<80x64xf32, #tpu.memory_space<vmem>>, vector<16xf32>,
        %get3A_517 = arith.index_cast %scan3A_495 : i32 to index
        %get3A_518 = arith.constant 32 : index
        %get3A_519 = tpu.vector_load %arg14[%get3A_517, %get3A_518] {strides = array<i32>} : memref<80x64xf32, #tpu.memory_space<vmem>>, vector<16xf32>,
        %mul3A_520 = arith.mulf %get3A_516, %get3A_519 : vector<16xf32>
        %swap3A_521 = arith.index_cast %scan3A_495 : i32 to index
        %swap3A_522 = arith.constant 32 : index
        %swap3A_523 = tpu.vector_load %arg17[%swap3A_521, %swap3A_522] {strides = array<i32>} : memref<80x64xf32, #tpu.memory_space<vmem>>, vector<16xf32>,
        tpu.vector_store %arg17[%swap3A_521, %swap3A_522], %mul3A_520 {strides = array<i32>} : memref<80x64xf32, #tpu.memory_space<vmem>>, vector<16xf32>,
        %get3A_524 = arith.index_cast %scan3A_495 : i32 to index
        %get3A_525 = arith.constant 48 : index
        %get3A_526 = tpu.vector_load %arg11[%get3A_524, %get3A_525] {strides = array<i32>} : memref<80x64xf32, #tpu.memory_space<vmem>>, vector<16xf32>,
        %get3A_527 = arith.index_cast %scan3A_495 : i32 to index
        %get3A_528 = arith.constant 48 : index
        %get3A_529 = tpu.vector_load %arg14[%get3A_527, %get3A_528] {strides = array<i32>} : memref<80x64xf32, #tpu.memory_space<vmem>>, vector<16xf32>,
        %mul3A_530 = arith.mulf %get3A_526, %get3A_529 : vector<16xf32>
        %swap3A_531 = arith.index_cast %scan3A_495 : i32 to index
        %swap3A_532 = arith.constant 48 : index
        %swap3A_533 = tpu.vector_load %arg17[%swap3A_531, %swap3A_532] {strides = array<i32>} : memref<80x64xf32, #tpu.memory_space<vmem>>, vector<16xf32>,
        tpu.vector_store %arg17[%swap3A_531, %swap3A_532], %mul3A_530 {strides = array<i32>} : memref<80x64xf32, #tpu.memory_space<vmem>>, vector<16xf32>,
      }
      %scan3A_392 = arith.constant 80 : i32
      %dma_start3A_393 = arith.constant 0 : i32
      %dma_start3A_394 = tpu.memref_slice %arg10[%add3A_379, %dma_start3A_393] : memref<80x80xi32, #tpu.memory_space<vmem>> -> memref<1x80xi32, #tpu.memory_space<vmem>>
      %dma_start3A_395 = tpu.memref_squeeze %dma_start3A_394 : memref<1x80xi32, #tpu.memory_space<vmem>> -> memref<80xi32, #tpu.memory_space<vmem>>
      %dma_start3A_396 = arith.constant 0 : i32
      %dma_start3A_397 = arith.constant 0 : i32
      %dma_start3A_398 = tpu.memref_slice %arg21[%dma_start3A_396, %dma_start3A_397] : memref<10240x64xf32, #tpu.memory_space<vmem_shared>> -> memref<10240x64xf32, #tpu.memory_space<vmem_shared>>
      tpu.enqueue_indirect_dma source(%arg17 : memref<80x64xf32, #tpu.memory_space<vmem>>) target(%dma_start3A_398 : memref<10240x64xf32, #tpu.memory_space<vmem_shared>>) offsets(%dma_start3A_395 : memref<80xi32, #tpu.memory_space<vmem>>) semaphore(%arg25 : memref<!tpu.dma_semaphore, #tpu.memory_space<semaphore_mem>>) {add = true}
      %add3A_399 = arith.constant 0 : i32
      %add3A_400 = arith.addi %mul3A_363, %add3A_399 : i32
      %add3A_401 = arith.constant 3 : i32
      %add3A_402 = arith.addi %add3A_400, %add3A_401 : i32
      %lt3A = arith.constant 80 : i32
      %lt3A_403 = arith.cmpi slt, %add3A_402, %lt3A : i32
      %convert_element_type3A_404 = arith.extui %lt3A_403 : i1 to i32
      %cond3A_405 = arith.constant 0 : i32
      %cond3A_406 = arith.cmpi ne, %convert_element_type3A_404, %cond3A_405 : i32
      scf.if %cond3A_406 {
        %add3A_495 = arith.constant 0 : i32
        %add3A_496 = arith.addi %mul3A_363, %add3A_495 : i32
        %add3A_497 = arith.constant 3 : i32
        %add3A_498 = arith.addi %add3A_496, %add3A_497 : i32
        %eq3A_499 = arith.constant 0 : i32
        %eq3A_500 = arith.cmpi eq, %arg0, %eq3A_499 : i32
        %convert_element_type3A_501 = arith.extui %eq3A_500 : i1 to i32
        %cond3A_502 = arith.constant 0 : i32
        %cond3A_503 = arith.cmpi ne, %convert_element_type3A_501, %cond3A_502 : i32
        scf.if %cond3A_503 {
          %dma_start3A_524 = arith.constant 0 : i32
          %dma_start3A_525 = arith.constant 0 : i32
          %dma_start3A_526 = tpu.memref_slice %arg11[%dma_start3A_524, %dma_start3A_525] : memref<80x64xf32, #tpu.memory_space<vmem>> -> memref<40x64xf32, #tpu.memory_space<vmem>>
          %dma_start3A_527 = arith.constant 0 : i32
          %dma_start3A_528 = tpu.memref_slice %arg9[%add3A_498, %dma_start3A_527] : memref<80x80xi32, #tpu.memory_space<vmem>> -> memref<1x40xi32, #tpu.memory_space<vmem>>
          %dma_start3A_529 = tpu.memref_squeeze %dma_start3A_528 : memref<1x40xi32, #tpu.memory_space<vmem>> -> memref<40xi32, #tpu.memory_space<vmem>>
          %dma_start3A_530 = arith.constant 0 : i32
          %dma_start3A_531 = arith.constant 0 : i32
          %dma_start3A_532 = tpu.memref_slice %arg2[%dma_start3A_530, %dma_start3A_531] : memref<10000x64xf32, #tpu.memory_space<hbm>> -> memref<10000x64xf32, #tpu.memory_space<hbm>>
          tpu.enqueue_indirect_dma source(%dma_start3A_532 : memref<10000x64xf32, #tpu.memory_space<hbm>>) target(%dma_start3A_526 : memref<40x64xf32, #tpu.memory_space<vmem>>) offsets(%dma_start3A_529 : memref<40xi32, #tpu.memory_space<vmem>>) semaphore(%arg22 : memref<!tpu.dma_semaphore, #tpu.memory_space<semaphore_mem>>)
          %dma_start3A_533 = arith.constant 40 : i32
          %dma_start3A_534 = arith.constant 0 : i32
          %dma_start3A_535 = tpu.memref_slice %arg11[%dma_start3A_533, %dma_start3A_534] : memref<80x64xf32, #tpu.memory_space<vmem>> -> memref<40x64xf32, #tpu.memory_space<vmem>>
          %dma_start3A_536 = arith.constant 40 : i32
          %dma_start3A_537 = tpu.memref_slice %arg9[%add3A_498, %dma_start3A_536] : memref<80x80xi32, #tpu.memory_space<vmem>> -> memref<1x40xi32, #tpu.memory_space<vmem>>
          %dma_start3A_538 = tpu.memref_squeeze %dma_start3A_537 : memref<1x40xi32, #tpu.memory_space<vmem>> -> memref<40xi32, #tpu.memory_space<vmem>>
          %dma_start3A_539 = arith.constant 0 : i32
          %dma_start3A_540 = arith.constant 0 : i32
          %dma_start3A_541 = tpu.memref_slice %arg2[%dma_start3A_539, %dma_start3A_540] : memref<10000x64xf32, #tpu.memory_space<hbm>> -> memref<10000x64xf32, #tpu.memory_space<hbm>>
          tpu.enqueue_indirect_dma source(%dma_start3A_541 : memref<10000x64xf32, #tpu.memory_space<hbm>>) target(%dma_start3A_535 : memref<40x64xf32, #tpu.memory_space<vmem>>) offsets(%dma_start3A_538 : memref<40xi32, #tpu.memory_space<vmem>>) semaphore(%arg22 : memref<!tpu.dma_semaphore, #tpu.memory_space<semaphore_mem>>)
        } else {
        }
        %eq3A_504 = arith.constant 1 : i32
        %eq3A_505 = arith.cmpi eq, %arg0, %eq3A_504 : i32
        %convert_element_type3A_506 = arith.extui %eq3A_505 : i1 to i32
        %cond3A_507 = arith.constant 0 : i32
        %cond3A_508 = arith.cmpi ne, %convert_element_type3A_506, %cond3A_507 : i32
        scf.if %cond3A_508 {
          %dma_start3A_524 = arith.constant 0 : i32
          %dma_start3A_525 = arith.constant 0 : i32
          %dma_start3A_526 = tpu.memref_slice %arg11[%dma_start3A_524, %dma_start3A_525] : memref<80x64xf32, #tpu.memory_space<vmem>> -> memref<40x64xf32, #tpu.memory_space<vmem>>
          %dma_start3A_527 = arith.constant 0 : i32
          %dma_start3A_528 = tpu.memref_slice %arg9[%add3A_498, %dma_start3A_527] : memref<80x80xi32, #tpu.memory_space<vmem>> -> memref<1x40xi32, #tpu.memory_space<vmem>>
          %dma_start3A_529 = tpu.memref_squeeze %dma_start3A_528 : memref<1x40xi32, #tpu.memory_space<vmem>> -> memref<40xi32, #tpu.memory_space<vmem>>
          %dma_start3A_530 = arith.constant 0 : i32
          %dma_start3A_531 = arith.constant 0 : i32
          %dma_start3A_532 = tpu.memref_slice %arg3[%dma_start3A_530, %dma_start3A_531] : memref<10000x64xf32, #tpu.memory_space<hbm>> -> memref<10000x64xf32, #tpu.memory_space<hbm>>
          tpu.enqueue_indirect_dma source(%dma_start3A_532 : memref<10000x64xf32, #tpu.memory_space<hbm>>) target(%dma_start3A_526 : memref<40x64xf32, #tpu.memory_space<vmem>>) offsets(%dma_start3A_529 : memref<40xi32, #tpu.memory_space<vmem>>) semaphore(%arg22 : memref<!tpu.dma_semaphore, #tpu.memory_space<semaphore_mem>>)
          %dma_start3A_533 = arith.constant 40 : i32
          %dma_start3A_534 = arith.constant 0 : i32
          %dma_start3A_535 = tpu.memref_slice %arg11[%dma_start3A_533, %dma_start3A_534] : memref<80x64xf32, #tpu.memory_space<vmem>> -> memref<40x64xf32, #tpu.memory_space<vmem>>
          %dma_start3A_536 = arith.constant 40 : i32
          %dma_start3A_537 = tpu.memref_slice %arg9[%add3A_498, %dma_start3A_536] : memref<80x80xi32, #tpu.memory_space<vmem>> -> memref<1x40xi32, #tpu.memory_space<vmem>>
          %dma_start3A_538 = tpu.memref_squeeze %dma_start3A_537 : memref<1x40xi32, #tpu.memory_space<vmem>> -> memref<40xi32, #tpu.memory_space<vmem>>
          %dma_start3A_539 = arith.constant 0 : i32
          %dma_start3A_540 = arith.constant 0 : i32
          %dma_start3A_541 = tpu.memref_slice %arg3[%dma_start3A_539, %dma_start3A_540] : memref<10000x64xf32, #tpu.memory_space<hbm>> -> memref<10000x64xf32, #tpu.memory_space<hbm>>
          tpu.enqueue_indirect_dma source(%dma_start3A_541 : memref<10000x64xf32, #tpu.memory_space<hbm>>) target(%dma_start3A_535 : memref<40x64xf32, #tpu.memory_space<vmem>>) offsets(%dma_start3A_538 : memref<40xi32, #tpu.memory_space<vmem>>) semaphore(%arg22 : memref<!tpu.dma_semaphore, #tpu.memory_space<semaphore_mem>>)
        } else {
        }
        %mul3A_509 = arith.constant 80 : i32
        %mul3A_510 = arith.muli %arg1, %mul3A_509 : i32
        %add3A_511 = arith.addi %mul3A_510, %add3A_498 : i32
        %mul3A_512 = arith.constant 80 : i32
        %mul3A_513 = arith.muli %add3A_511, %mul3A_512 : i32
        %eq3A_514 = arith.constant 0 : i32
        %eq3A_515 = arith.cmpi eq, %arg0, %eq3A_514 : i32
        %convert_element_type3A_516 = arith.extui %eq3A_515 : i1 to i32
        %cond3A_517 = arith.constant 0 : i32
        %cond3A_518 = arith.cmpi ne, %convert_element_type3A_516, %cond3A_517 : i32
        scf.if %cond3A_518 {
          %dma_start3A_524 = arith.constant 0 : i32
          %dma_start3A_525 = tpu.memref_slice %arg4[%mul3A_513, %dma_start3A_524] : memref<102400x128xf32, #tpu.memory_space<hbm>> -> memref<80x64xf32, #tpu.memory_space<hbm>>
          %dma_start3A_526 = arith.constant 0 : i32
          %dma_start3A_527 = tpu.memref_slice %arg4[%mul3A_513, %dma_start3A_526] : memref<102400x128xf32, #tpu.memory_space<hbm>> -> memref<80x64xf32, #tpu.memory_space<hbm>>
          tpu.enqueue_dma source(%dma_start3A_527 : memref<80x64xf32, #tpu.memory_space<hbm>>) target(%arg14 : memref<80x64xf32, #tpu.memory_space<vmem>>) target_semaphore(%arg22 : memref<!tpu.dma_semaphore, #tpu.memory_space<semaphore_mem>>)
        } else {
        }
        %eq3A_519 = arith.constant 1 : i32
        %eq3A_520 = arith.cmpi eq, %arg0, %eq3A_519 : i32
        %convert_element_type3A_521 = arith.extui %eq3A_520 : i1 to i32
        %cond3A_522 = arith.constant 0 : i32
        %cond3A_523 = arith.cmpi ne, %convert_element_type3A_521, %cond3A_522 : i32
        scf.if %cond3A_523 {
          %dma_start3A_524 = arith.constant 64 : i32
          %dma_start3A_525 = tpu.memref_slice %arg4[%mul3A_513, %dma_start3A_524] : memref<102400x128xf32, #tpu.memory_space<hbm>> -> memref<80x64xf32, #tpu.memory_space<hbm>>
          %dma_start3A_526 = arith.constant 64 : i32
          %dma_start3A_527 = tpu.memref_slice %arg4[%mul3A_513, %dma_start3A_526] : memref<102400x128xf32, #tpu.memory_space<hbm>> -> memref<80x64xf32, #tpu.memory_space<hbm>>
          tpu.enqueue_dma source(%dma_start3A_527 : memref<80x64xf32, #tpu.memory_space<hbm>>) target(%arg14 : memref<80x64xf32, #tpu.memory_space<vmem>>) target_semaphore(%arg22 : memref<!tpu.dma_semaphore, #tpu.memory_space<semaphore_mem>>)
        } else {
        }
      } else {
      }
      %add3A_407 = arith.constant 1 : i32
      %add3A_408 = arith.addi %mul3A_363, %add3A_407 : i32
      %dma_wait3A_409 = arith.constant 0 : i32
      %dma_wait3A_410 = tpu.memref_slice %arg9[%add3A_408, %dma_wait3A_409] : memref<80x80xi32, #tpu.memory_space<vmem>> -> memref<1x80xi32, #tpu.memory_space<vmem>>
      %dma_wait3A_411 = tpu.memref_squeeze %dma_wait3A_410 : memref<1x80xi32, #tpu.memory_space<vmem>> -> memref<80xi32, #tpu.memory_space<vmem>>
      %dma_wait3A_412 = arith.constant 0 : i32
      %dma_wait3A_413 = arith.constant 0 : i32
      %dma_wait3A_414 = tpu.memref_slice %arg2[%dma_wait3A_412, %dma_wait3A_413] : memref<10000x64xf32, #tpu.memory_space<hbm>> -> memref<10000x64xf32, #tpu.memory_space<hbm>>
      tpu.wait_indirect_dma semaphore(%arg23 : memref<!tpu.dma_semaphore, #tpu.memory_space<semaphore_mem>>) src(%dma_wait3A_414 : memref<10000x64xf32, #tpu.memory_space<hbm>>) dst(%arg12 : memref<80x64xf32, #tpu.memory_space<vmem>>)
      %dma_wait3A_415 = arith.constant 0 : i32
      %dma_wait3A_416 = arith.constant 0 : i32
      %dma_wait3A_417 = tpu.memref_slice %arg4[%dma_wait3A_415, %dma_wait3A_416] : memref<102400x128xf32, #tpu.memory_space<hbm>> -> memref<80x64xf32, #tpu.memory_space<hbm>>
      %dma_wait3A_418 = arith.constant 0 : i32
      %dma_wait3A_419 = arith.constant 0 : i32
      %dma_wait3A_420 = tpu.memref_slice %arg4[%dma_wait3A_418, %dma_wait3A_419] : memref<102400x128xf32, #tpu.memory_space<hbm>> -> memref<80x64xf32, #tpu.memory_space<hbm>>
      tpu.wait_dma2 semaphore(%arg23 : memref<!tpu.dma_semaphore, #tpu.memory_space<semaphore_mem>>) src(%dma_wait3A_420 : memref<80x64xf32, #tpu.memory_space<hbm>>) dst(%arg15 : memref<80x64xf32, #tpu.memory_space<vmem>>)
      %add3A_421 = arith.constant 1 : i32
      %add3A_422 = arith.addi %mul3A_363, %add3A_421 : i32
      %dma_wait3A_423 = arith.constant 0 : i32
      %dma_wait3A_424 = arith.constant 0 : i32
      %dma_wait3A_425 = tpu.memref_slice %arg10[%dma_wait3A_423, %dma_wait3A_424] : memref<80x80xi32, #tpu.memory_space<vmem>> -> memref<1x80xi32, #tpu.memory_space<vmem>>
      %dma_wait3A_426 = tpu.memref_squeeze %dma_wait3A_425 : memref<1x80xi32, #tpu.memory_space<vmem>> -> memref<80xi32, #tpu.memory_space<vmem>>
      %dma_wait3A_427 = arith.constant 0 : i32
      %dma_wait3A_428 = arith.constant 0 : i32
      %dma_wait3A_429 = tpu.memref_slice %arg21[%dma_wait3A_427, %dma_wait3A_428] : memref<10240x64xf32, #tpu.memory_space<vmem_shared>> -> memref<10240x64xf32, #tpu.memory_space<vmem_shared>>
      tpu.wait_indirect_dma semaphore(%arg26 : memref<!tpu.dma_semaphore, #tpu.memory_space<semaphore_mem>>) src(%arg18 : memref<80x64xf32, #tpu.memory_space<vmem>>) dst(%dma_wait3A_429 : memref<10240x64xf32, #tpu.memory_space<vmem_shared>>)
      %scan3A_430 = arith.constant 0 : i32
      %scan3A_431 = arith.constant 0 : i32
      %scan3A_432 = arith.constant 80 : i32
      %scan3A_433 = arith.addi %scan3A_431, %scan3A_432 : i32
      %scan3A_434 = arith.constant 1 : i32
      scf.for %scan3A_495 = %scan3A_431 to %scan3A_433 step %scan3A_434  : i32 {
        %get3A = arith.index_cast %scan3A_495 : i32 to index
        %get3A_496 = arith.constant 0 : index
        %get3A_497 = tpu.vector_load %arg12[%get3A, %get3A_496] {strides = array<i32>} : memref<80x64xf32, #tpu.memory_space<vmem>>, vector<16xf32>,
        %get3A_498 = arith.index_cast %scan3A_495 : i32 to index
        %get3A_499 = arith.constant 0 : index
        %get3A_500 = tpu.vector_load %arg15[%get3A_498, %get3A_499] {strides = array<i32>} : memref<80x64xf32, #tpu.memory_space<vmem>>, vector<16xf32>,
        %mul3A_501 = arith.mulf %get3A_497, %get3A_500 : vector<16xf32>
        %swap3A = arith.index_cast %scan3A_495 : i32 to index
        %swap3A_502 = arith.constant 0 : index
        %swap3A_503 = tpu.vector_load %arg18[%swap3A, %swap3A_502] {strides = array<i32>} : memref<80x64xf32, #tpu.memory_space<vmem>>, vector<16xf32>,
        tpu.vector_store %arg18[%swap3A, %swap3A_502], %mul3A_501 {strides = array<i32>} : memref<80x64xf32, #tpu.memory_space<vmem>>, vector<16xf32>,
        %get3A_504 = arith.index_cast %scan3A_495 : i32 to index
        %get3A_505 = arith.constant 16 : index
        %get3A_506 = tpu.vector_load %arg12[%get3A_504, %get3A_505] {strides = array<i32>} : memref<80x64xf32, #tpu.memory_space<vmem>>, vector<16xf32>,
        %get3A_507 = arith.index_cast %scan3A_495 : i32 to index
        %get3A_508 = arith.constant 16 : index
        %get3A_509 = tpu.vector_load %arg15[%get3A_507, %get3A_508] {strides = array<i32>} : memref<80x64xf32, #tpu.memory_space<vmem>>, vector<16xf32>,
        %mul3A_510 = arith.mulf %get3A_506, %get3A_509 : vector<16xf32>
        %swap3A_511 = arith.index_cast %scan3A_495 : i32 to index
        %swap3A_512 = arith.constant 16 : index
        %swap3A_513 = tpu.vector_load %arg18[%swap3A_511, %swap3A_512] {strides = array<i32>} : memref<80x64xf32, #tpu.memory_space<vmem>>, vector<16xf32>,
        tpu.vector_store %arg18[%swap3A_511, %swap3A_512], %mul3A_510 {strides = array<i32>} : memref<80x64xf32, #tpu.memory_space<vmem>>, vector<16xf32>,
        %get3A_514 = arith.index_cast %scan3A_495 : i32 to index
        %get3A_515 = arith.constant 32 : index
        %get3A_516 = tpu.vector_load %arg12[%get3A_514, %get3A_515] {strides = array<i32>} : memref<80x64xf32, #tpu.memory_space<vmem>>, vector<16xf32>,
        %get3A_517 = arith.index_cast %scan3A_495 : i32 to index
        %get3A_518 = arith.constant 32 : index
        %get3A_519 = tpu.vector_load %arg15[%get3A_517, %get3A_518] {strides = array<i32>} : memref<80x64xf32, #tpu.memory_space<vmem>>, vector<16xf32>,
        %mul3A_520 = arith.mulf %get3A_516, %get3A_519 : vector<16xf32>
        %swap3A_521 = arith.index_cast %scan3A_495 : i32 to index
        %swap3A_522 = arith.constant 32 : index
        %swap3A_523 = tpu.vector_load %arg18[%swap3A_521, %swap3A_522] {strides = array<i32>} : memref<80x64xf32, #tpu.memory_space<vmem>>, vector<16xf32>,
        tpu.vector_store %arg18[%swap3A_521, %swap3A_522], %mul3A_520 {strides = array<i32>} : memref<80x64xf32, #tpu.memory_space<vmem>>, vector<16xf32>,
        %get3A_524 = arith.index_cast %scan3A_495 : i32 to index
        %get3A_525 = arith.constant 48 : index
        %get3A_526 = tpu.vector_load %arg12[%get3A_524, %get3A_525] {strides = array<i32>} : memref<80x64xf32, #tpu.memory_space<vmem>>, vector<16xf32>,
        %get3A_527 = arith.index_cast %scan3A_495 : i32 to index
        %get3A_528 = arith.constant 48 : index
        %get3A_529 = tpu.vector_load %arg15[%get3A_527, %get3A_528] {strides = array<i32>} : memref<80x64xf32, #tpu.memory_space<vmem>>, vector<16xf32>,
        %mul3A_530 = arith.mulf %get3A_526, %get3A_529 : vector<16xf32>
        %swap3A_531 = arith.index_cast %scan3A_495 : i32 to index
        %swap3A_532 = arith.constant 48 : index
        %swap3A_533 = tpu.vector_load %arg18[%swap3A_531, %swap3A_532] {strides = array<i32>} : memref<80x64xf32, #tpu.memory_space<vmem>>, vector<16xf32>,
        tpu.vector_store %arg18[%swap3A_531, %swap3A_532], %mul3A_530 {strides = array<i32>} : memref<80x64xf32, #tpu.memory_space<vmem>>, vector<16xf32>,
      }
      %scan3A_435 = arith.constant 80 : i32
      %dma_start3A_436 = arith.constant 0 : i32
      %dma_start3A_437 = tpu.memref_slice %arg10[%add3A_422, %dma_start3A_436] : memref<80x80xi32, #tpu.memory_space<vmem>> -> memref<1x80xi32, #tpu.memory_space<vmem>>
      %dma_start3A_438 = tpu.memref_squeeze %dma_start3A_437 : memref<1x80xi32, #tpu.memory_space<vmem>> -> memref<80xi32, #tpu.memory_space<vmem>>
      %dma_start3A_439 = arith.constant 0 : i32
      %dma_start3A_440 = arith.constant 0 : i32
      %dma_start3A_441 = tpu.memref_slice %arg21[%dma_start3A_439, %dma_start3A_440] : memref<10240x64xf32, #tpu.memory_space<vmem_shared>> -> memref<10240x64xf32, #tpu.memory_space<vmem_shared>>
      tpu.enqueue_indirect_dma source(%arg18 : memref<80x64xf32, #tpu.memory_space<vmem>>) target(%dma_start3A_441 : memref<10240x64xf32, #tpu.memory_space<vmem_shared>>) offsets(%dma_start3A_438 : memref<80xi32, #tpu.memory_space<vmem>>) semaphore(%arg26 : memref<!tpu.dma_semaphore, #tpu.memory_space<semaphore_mem>>) {add = true}
      %add3A_442 = arith.constant 1 : i32
      %add3A_443 = arith.addi %mul3A_363, %add3A_442 : i32
      %add3A_444 = arith.constant 3 : i32
      %add3A_445 = arith.addi %add3A_443, %add3A_444 : i32
      %lt3A_446 = arith.constant 80 : i32
      %lt3A_447 = arith.cmpi slt, %add3A_445, %lt3A_446 : i32
      %convert_element_type3A_448 = arith.extui %lt3A_447 : i1 to i32
      %cond3A_449 = arith.constant 0 : i32
      %cond3A_450 = arith.cmpi ne, %convert_element_type3A_448, %cond3A_449 : i32
      scf.if %cond3A_450 {
        %add3A_495 = arith.constant 1 : i32
        %add3A_496 = arith.addi %mul3A_363, %add3A_495 : i32
        %add3A_497 = arith.constant 3 : i32
        %add3A_498 = arith.addi %add3A_496, %add3A_497 : i32
        %eq3A_499 = arith.constant 0 : i32
        %eq3A_500 = arith.cmpi eq, %arg0, %eq3A_499 : i32
        %convert_element_type3A_501 = arith.extui %eq3A_500 : i1 to i32
        %cond3A_502 = arith.constant 0 : i32
        %cond3A_503 = arith.cmpi ne, %convert_element_type3A_501, %cond3A_502 : i32
        scf.if %cond3A_503 {
          %dma_start3A_524 = arith.constant 0 : i32
          %dma_start3A_525 = arith.constant 0 : i32
          %dma_start3A_526 = tpu.memref_slice %arg12[%dma_start3A_524, %dma_start3A_525] : memref<80x64xf32, #tpu.memory_space<vmem>> -> memref<40x64xf32, #tpu.memory_space<vmem>>
          %dma_start3A_527 = arith.constant 0 : i32
          %dma_start3A_528 = tpu.memref_slice %arg9[%add3A_498, %dma_start3A_527] : memref<80x80xi32, #tpu.memory_space<vmem>> -> memref<1x40xi32, #tpu.memory_space<vmem>>
          %dma_start3A_529 = tpu.memref_squeeze %dma_start3A_528 : memref<1x40xi32, #tpu.memory_space<vmem>> -> memref<40xi32, #tpu.memory_space<vmem>>
          %dma_start3A_530 = arith.constant 0 : i32
          %dma_start3A_531 = arith.constant 0 : i32
          %dma_start3A_532 = tpu.memref_slice %arg2[%dma_start3A_530, %dma_start3A_531] : memref<10000x64xf32, #tpu.memory_space<hbm>> -> memref<10000x64xf32, #tpu.memory_space<hbm>>
          tpu.enqueue_indirect_dma source(%dma_start3A_532 : memref<10000x64xf32, #tpu.memory_space<hbm>>) target(%dma_start3A_526 : memref<40x64xf32, #tpu.memory_space<vmem>>) offsets(%dma_start3A_529 : memref<40xi32, #tpu.memory_space<vmem>>) semaphore(%arg23 : memref<!tpu.dma_semaphore, #tpu.memory_space<semaphore_mem>>)
          %dma_start3A_533 = arith.constant 40 : i32
          %dma_start3A_534 = arith.constant 0 : i32
          %dma_start3A_535 = tpu.memref_slice %arg12[%dma_start3A_533, %dma_start3A_534] : memref<80x64xf32, #tpu.memory_space<vmem>> -> memref<40x64xf32, #tpu.memory_space<vmem>>
          %dma_start3A_536 = arith.constant 40 : i32
          %dma_start3A_537 = tpu.memref_slice %arg9[%add3A_498, %dma_start3A_536] : memref<80x80xi32, #tpu.memory_space<vmem>> -> memref<1x40xi32, #tpu.memory_space<vmem>>
          %dma_start3A_538 = tpu.memref_squeeze %dma_start3A_537 : memref<1x40xi32, #tpu.memory_space<vmem>> -> memref<40xi32, #tpu.memory_space<vmem>>
          %dma_start3A_539 = arith.constant 0 : i32
          %dma_start3A_540 = arith.constant 0 : i32
          %dma_start3A_541 = tpu.memref_slice %arg2[%dma_start3A_539, %dma_start3A_540] : memref<10000x64xf32, #tpu.memory_space<hbm>> -> memref<10000x64xf32, #tpu.memory_space<hbm>>
          tpu.enqueue_indirect_dma source(%dma_start3A_541 : memref<10000x64xf32, #tpu.memory_space<hbm>>) target(%dma_start3A_535 : memref<40x64xf32, #tpu.memory_space<vmem>>) offsets(%dma_start3A_538 : memref<40xi32, #tpu.memory_space<vmem>>) semaphore(%arg23 : memref<!tpu.dma_semaphore, #tpu.memory_space<semaphore_mem>>)
        } else {
        }
        %eq3A_504 = arith.constant 1 : i32
        %eq3A_505 = arith.cmpi eq, %arg0, %eq3A_504 : i32
        %convert_element_type3A_506 = arith.extui %eq3A_505 : i1 to i32
        %cond3A_507 = arith.constant 0 : i32
        %cond3A_508 = arith.cmpi ne, %convert_element_type3A_506, %cond3A_507 : i32
        scf.if %cond3A_508 {
          %dma_start3A_524 = arith.constant 0 : i32
          %dma_start3A_525 = arith.constant 0 : i32
          %dma_start3A_526 = tpu.memref_slice %arg12[%dma_start3A_524, %dma_start3A_525] : memref<80x64xf32, #tpu.memory_space<vmem>> -> memref<40x64xf32, #tpu.memory_space<vmem>>
          %dma_start3A_527 = arith.constant 0 : i32
          %dma_start3A_528 = tpu.memref_slice %arg9[%add3A_498, %dma_start3A_527] : memref<80x80xi32, #tpu.memory_space<vmem>> -> memref<1x40xi32, #tpu.memory_space<vmem>>
          %dma_start3A_529 = tpu.memref_squeeze %dma_start3A_528 : memref<1x40xi32, #tpu.memory_space<vmem>> -> memref<40xi32, #tpu.memory_space<vmem>>
          %dma_start3A_530 = arith.constant 0 : i32
          %dma_start3A_531 = arith.constant 0 : i32
          %dma_start3A_532 = tpu.memref_slice %arg3[%dma_start3A_530, %dma_start3A_531] : memref<10000x64xf32, #tpu.memory_space<hbm>> -> memref<10000x64xf32, #tpu.memory_space<hbm>>
          tpu.enqueue_indirect_dma source(%dma_start3A_532 : memref<10000x64xf32, #tpu.memory_space<hbm>>) target(%dma_start3A_526 : memref<40x64xf32, #tpu.memory_space<vmem>>) offsets(%dma_start3A_529 : memref<40xi32, #tpu.memory_space<vmem>>) semaphore(%arg23 : memref<!tpu.dma_semaphore, #tpu.memory_space<semaphore_mem>>)
          %dma_start3A_533 = arith.constant 40 : i32
          %dma_start3A_534 = arith.constant 0 : i32
          %dma_start3A_535 = tpu.memref_slice %arg12[%dma_start3A_533, %dma_start3A_534] : memref<80x64xf32, #tpu.memory_space<vmem>> -> memref<40x64xf32, #tpu.memory_space<vmem>>
          %dma_start3A_536 = arith.constant 40 : i32
          %dma_start3A_537 = tpu.memref_slice %arg9[%add3A_498, %dma_start3A_536] : memref<80x80xi32, #tpu.memory_space<vmem>> -> memref<1x40xi32, #tpu.memory_space<vmem>>
          %dma_start3A_538 = tpu.memref_squeeze %dma_start3A_537 : memref<1x40xi32, #tpu.memory_space<vmem>> -> memref<40xi32, #tpu.memory_space<vmem>>
          %dma_start3A_539 = arith.constant 0 : i32
          %dma_start3A_540 = arith.constant 0 : i32
          %dma_start3A_541 = tpu.memref_slice %arg3[%dma_start3A_539, %dma_start3A_540] : memref<10000x64xf32, #tpu.memory_space<hbm>> -> memref<10000x64xf32, #tpu.memory_space<hbm>>
          tpu.enqueue_indirect_dma source(%dma_start3A_541 : memref<10000x64xf32, #tpu.memory_space<hbm>>) target(%dma_start3A_535 : memref<40x64xf32, #tpu.memory_space<vmem>>) offsets(%dma_start3A_538 : memref<40xi32, #tpu.memory_space<vmem>>) semaphore(%arg23 : memref<!tpu.dma_semaphore, #tpu.memory_space<semaphore_mem>>)
        } else {
        }
        %mul3A_509 = arith.constant 80 : i32
        %mul3A_510 = arith.muli %arg1, %mul3A_509 : i32
        %add3A_511 = arith.addi %mul3A_510, %add3A_498 : i32
        %mul3A_512 = arith.constant 80 : i32
        %mul3A_513 = arith.muli %add3A_511, %mul3A_512 : i32
        %eq3A_514 = arith.constant 0 : i32
        %eq3A_515 = arith.cmpi eq, %arg0, %eq3A_514 : i32
        %convert_element_type3A_516 = arith.extui %eq3A_515 : i1 to i32
        %cond3A_517 = arith.constant 0 : i32
        %cond3A_518 = arith.cmpi ne, %convert_element_type3A_516, %cond3A_517 : i32
        scf.if %cond3A_518 {
          %dma_start3A_524 = arith.constant 0 : i32
          %dma_start3A_525 = tpu.memref_slice %arg4[%mul3A_513, %dma_start3A_524] : memref<102400x128xf32, #tpu.memory_space<hbm>> -> memref<80x64xf32, #tpu.memory_space<hbm>>
          %dma_start3A_526 = arith.constant 0 : i32
          %dma_start3A_527 = tpu.memref_slice %arg4[%mul3A_513, %dma_start3A_526] : memref<102400x128xf32, #tpu.memory_space<hbm>> -> memref<80x64xf32, #tpu.memory_space<hbm>>
          tpu.enqueue_dma source(%dma_start3A_527 : memref<80x64xf32, #tpu.memory_space<hbm>>) target(%arg15 : memref<80x64xf32, #tpu.memory_space<vmem>>) target_semaphore(%arg23 : memref<!tpu.dma_semaphore, #tpu.memory_space<semaphore_mem>>)
        } else {
        }
        %eq3A_519 = arith.constant 1 : i32
        %eq3A_520 = arith.cmpi eq, %arg0, %eq3A_519 : i32
        %convert_element_type3A_521 = arith.extui %eq3A_520 : i1 to i32
        %cond3A_522 = arith.constant 0 : i32
        %cond3A_523 = arith.cmpi ne, %convert_element_type3A_521, %cond3A_522 : i32
        scf.if %cond3A_523 {
          %dma_start3A_524 = arith.constant 64 : i32
          %dma_start3A_525 = tpu.memref_slice %arg4[%mul3A_513, %dma_start3A_524] : memref<102400x128xf32, #tpu.memory_space<hbm>> -> memref<80x64xf32, #tpu.memory_space<hbm>>
          %dma_start3A_526 = arith.constant 64 : i32
          %dma_start3A_527 = tpu.memref_slice %arg4[%mul3A_513, %dma_start3A_526] : memref<102400x128xf32, #tpu.memory_space<hbm>> -> memref<80x64xf32, #tpu.memory_space<hbm>>
          tpu.enqueue_dma source(%dma_start3A_527 : memref<80x64xf32, #tpu.memory_space<hbm>>) target(%arg15 : memref<80x64xf32, #tpu.memory_space<vmem>>) target_semaphore(%arg23 : memref<!tpu.dma_semaphore, #tpu.memory_space<semaphore_mem>>)
        } else {
        }
      } else {
      }
      %add3A_451 = arith.constant 2 : i32
      %add3A_452 = arith.addi %mul3A_363, %add3A_451 : i32
      %dma_wait3A_453 = arith.constant 0 : i32
      %dma_wait3A_454 = tpu.memref_slice %arg9[%add3A_452, %dma_wait3A_453] : memref<80x80xi32, #tpu.memory_space<vmem>> -> memref<1x80xi32, #tpu.memory_space<vmem>>
      %dma_wait3A_455 = tpu.memref_squeeze %dma_wait3A_454 : memref<1x80xi32, #tpu.memory_space<vmem>> -> memref<80xi32, #tpu.memory_space<vmem>>
      %dma_wait3A_456 = arith.constant 0 : i32
      %dma_wait3A_457 = arith.constant 0 : i32
      %dma_wait3A_458 = tpu.memref_slice %arg2[%dma_wait3A_456, %dma_wait3A_457] : memref<10000x64xf32, #tpu.memory_space<hbm>> -> memref<10000x64xf32, #tpu.memory_space<hbm>>
      tpu.wait_indirect_dma semaphore(%arg24 : memref<!tpu.dma_semaphore, #tpu.memory_space<semaphore_mem>>) src(%dma_wait3A_458 : memref<10000x64xf32, #tpu.memory_space<hbm>>) dst(%arg13 : memref<80x64xf32, #tpu.memory_space<vmem>>)
      %dma_wait3A_459 = arith.constant 0 : i32
      %dma_wait3A_460 = arith.constant 0 : i32
      %dma_wait3A_461 = tpu.memref_slice %arg4[%dma_wait3A_459, %dma_wait3A_460] : memref<102400x128xf32, #tpu.memory_space<hbm>> -> memref<80x64xf32, #tpu.memory_space<hbm>>
      %dma_wait3A_462 = arith.constant 0 : i32
      %dma_wait3A_463 = arith.constant 0 : i32
      %dma_wait3A_464 = tpu.memref_slice %arg4[%dma_wait3A_462, %dma_wait3A_463] : memref<102400x128xf32, #tpu.memory_space<hbm>> -> memref<80x64xf32, #tpu.memory_space<hbm>>
      tpu.wait_dma2 semaphore(%arg24 : memref<!tpu.dma_semaphore, #tpu.memory_space<semaphore_mem>>) src(%dma_wait3A_464 : memref<80x64xf32, #tpu.memory_space<hbm>>) dst(%arg16 : memref<80x64xf32, #tpu.memory_space<vmem>>)
      %add3A_465 = arith.constant 2 : i32
      %add3A_466 = arith.addi %mul3A_363, %add3A_465 : i32
      %dma_wait3A_467 = arith.constant 0 : i32
      %dma_wait3A_468 = arith.constant 0 : i32
      %dma_wait3A_469 = tpu.memref_slice %arg10[%dma_wait3A_467, %dma_wait3A_468] : memref<80x80xi32, #tpu.memory_space<vmem>> -> memref<1x80xi32, #tpu.memory_space<vmem>>
      %dma_wait3A_470 = tpu.memref_squeeze %dma_wait3A_469 : memref<1x80xi32, #tpu.memory_space<vmem>> -> memref<80xi32, #tpu.memory_space<vmem>>
      %dma_wait3A_471 = arith.constant 0 : i32
      %dma_wait3A_472 = arith.constant 0 : i32
      %dma_wait3A_473 = tpu.memref_slice %arg21[%dma_wait3A_471, %dma_wait3A_472] : memref<10240x64xf32, #tpu.memory_space<vmem_shared>> -> memref<10240x64xf32, #tpu.memory_space<vmem_shared>>
      tpu.wait_indirect_dma semaphore(%arg27 : memref<!tpu.dma_semaphore, #tpu.memory_space<semaphore_mem>>) src(%arg19 : memref<80x64xf32, #tpu.memory_space<vmem>>) dst(%dma_wait3A_473 : memref<10240x64xf32, #tpu.memory_space<vmem_shared>>)
      %scan3A_474 = arith.constant 0 : i32
      %scan3A_475 = arith.constant 0 : i32
      %scan3A_476 = arith.constant 80 : i32
      %scan3A_477 = arith.addi %scan3A_475, %scan3A_476 : i32
      %scan3A_478 = arith.constant 1 : i32
      scf.for %scan3A_495 = %scan3A_475 to %scan3A_477 step %scan3A_478  : i32 {
        %get3A = arith.index_cast %scan3A_495 : i32 to index
        %get3A_496 = arith.constant 0 : index
        %get3A_497 = tpu.vector_load %arg13[%get3A, %get3A_496] {strides = array<i32>} : memref<80x64xf32, #tpu.memory_space<vmem>>, vector<16xf32>,
        %get3A_498 = arith.index_cast %scan3A_495 : i32 to index
        %get3A_499 = arith.constant 0 : index
        %get3A_500 = tpu.vector_load %arg16[%get3A_498, %get3A_499] {strides = array<i32>} : memref<80x64xf32, #tpu.memory_space<vmem>>, vector<16xf32>,
        %mul3A_501 = arith.mulf %get3A_497, %get3A_500 : vector<16xf32>
        %swap3A = arith.index_cast %scan3A_495 : i32 to index
        %swap3A_502 = arith.constant 0 : index
        %swap3A_503 = tpu.vector_load %arg19[%swap3A, %swap3A_502] {strides = array<i32>} : memref<80x64xf32, #tpu.memory_space<vmem>>, vector<16xf32>,
        tpu.vector_store %arg19[%swap3A, %swap3A_502], %mul3A_501 {strides = array<i32>} : memref<80x64xf32, #tpu.memory_space<vmem>>, vector<16xf32>,
        %get3A_504 = arith.index_cast %scan3A_495 : i32 to index
        %get3A_505 = arith.constant 16 : index
        %get3A_506 = tpu.vector_load %arg13[%get3A_504, %get3A_505] {strides = array<i32>} : memref<80x64xf32, #tpu.memory_space<vmem>>, vector<16xf32>,
        %get3A_507 = arith.index_cast %scan3A_495 : i32 to index
        %get3A_508 = arith.constant 16 : index
        %get3A_509 = tpu.vector_load %arg16[%get3A_507, %get3A_508] {strides = array<i32>} : memref<80x64xf32, #tpu.memory_space<vmem>>, vector<16xf32>,
        %mul3A_510 = arith.mulf %get3A_506, %get3A_509 : vector<16xf32>
        %swap3A_511 = arith.index_cast %scan3A_495 : i32 to index
        %swap3A_512 = arith.constant 16 : index
        %swap3A_513 = tpu.vector_load %arg19[%swap3A_511, %swap3A_512] {strides = array<i32>} : memref<80x64xf32, #tpu.memory_space<vmem>>, vector<16xf32>,
        tpu.vector_store %arg19[%swap3A_511, %swap3A_512], %mul3A_510 {strides = array<i32>} : memref<80x64xf32, #tpu.memory_space<vmem>>, vector<16xf32>,
        %get3A_514 = arith.index_cast %scan3A_495 : i32 to index
        %get3A_515 = arith.constant 32 : index
        %get3A_516 = tpu.vector_load %arg13[%get3A_514, %get3A_515] {strides = array<i32>} : memref<80x64xf32, #tpu.memory_space<vmem>>, vector<16xf32>,
        %get3A_517 = arith.index_cast %scan3A_495 : i32 to index
        %get3A_518 = arith.constant 32 : index
        %get3A_519 = tpu.vector_load %arg16[%get3A_517, %get3A_518] {strides = array<i32>} : memref<80x64xf32, #tpu.memory_space<vmem>>, vector<16xf32>,
        %mul3A_520 = arith.mulf %get3A_516, %get3A_519 : vector<16xf32>
        %swap3A_521 = arith.index_cast %scan3A_495 : i32 to index
        %swap3A_522 = arith.constant 32 : index
        %swap3A_523 = tpu.vector_load %arg19[%swap3A_521, %swap3A_522] {strides = array<i32>} : memref<80x64xf32, #tpu.memory_space<vmem>>, vector<16xf32>,
        tpu.vector_store %arg19[%swap3A_521, %swap3A_522], %mul3A_520 {strides = array<i32>} : memref<80x64xf32, #tpu.memory_space<vmem>>, vector<16xf32>,
        %get3A_524 = arith.index_cast %scan3A_495 : i32 to index
        %get3A_525 = arith.constant 48 : index
        %get3A_526 = tpu.vector_load %arg13[%get3A_524, %get3A_525] {strides = array<i32>} : memref<80x64xf32, #tpu.memory_space<vmem>>, vector<16xf32>,
        %get3A_527 = arith.index_cast %scan3A_495 : i32 to index
        %get3A_528 = arith.constant 48 : index
        %get3A_529 = tpu.vector_load %arg16[%get3A_527, %get3A_528] {strides = array<i32>} : memref<80x64xf32, #tpu.memory_space<vmem>>, vector<16xf32>,
        %mul3A_530 = arith.mulf %get3A_526, %get3A_529 : vector<16xf32>
        %swap3A_531 = arith.index_cast %scan3A_495 : i32 to index
        %swap3A_532 = arith.constant 48 : index
        %swap3A_533 = tpu.vector_load %arg19[%swap3A_531, %swap3A_532] {strides = array<i32>} : memref<80x64xf32, #tpu.memory_space<vmem>>, vector<16xf32>,
        tpu.vector_store %arg19[%swap3A_531, %swap3A_532], %mul3A_530 {strides = array<i32>} : memref<80x64xf32, #tpu.memory_space<vmem>>, vector<16xf32>,
      }
      %scan3A_479 = arith.constant 80 : i32
      %dma_start3A_480 = arith.constant 0 : i32
      %dma_start3A_481 = tpu.memref_slice %arg10[%add3A_466, %dma_start3A_480] : memref<80x80xi32, #tpu.memory_space<vmem>> -> memref<1x80xi32, #tpu.memory_space<vmem>>
      %dma_start3A_482 = tpu.memref_squeeze %dma_start3A_481 : memref<1x80xi32, #tpu.memory_space<vmem>> -> memref<80xi32, #tpu.memory_space<vmem>>
      %dma_start3A_483 = arith.constant 0 : i32
      %dma_start3A_484 = arith.constant 0 : i32
      %dma_start3A_485 = tpu.memref_slice %arg21[%dma_start3A_483, %dma_start3A_484] : memref<10240x64xf32, #tpu.memory_space<vmem_shared>> -> memref<10240x64xf32, #tpu.memory_space<vmem_shared>>
      tpu.enqueue_indirect_dma source(%arg19 : memref<80x64xf32, #tpu.memory_space<vmem>>) target(%dma_start3A_485 : memref<10240x64xf32, #tpu.memory_space<vmem_shared>>) offsets(%dma_start3A_482 : memref<80xi32, #tpu.memory_space<vmem>>) semaphore(%arg27 : memref<!tpu.dma_semaphore, #tpu.memory_space<semaphore_mem>>) {add = true}
      %add3A_486 = arith.constant 2 : i32
      %add3A_487 = arith.addi %mul3A_363, %add3A_486 : i32
      %add3A_488 = arith.constant 3 : i32
      %add3A_489 = arith.addi %add3A_487, %add3A_488 : i32
      %lt3A_490 = arith.constant 80 : i32
      %lt3A_491 = arith.cmpi slt, %add3A_489, %lt3A_490 : i32
      %convert_element_type3A_492 = arith.extui %lt3A_491 : i1 to i32
      %cond3A_493 = arith.constant 0 : i32
      %cond3A_494 = arith.cmpi ne, %convert_element_type3A_492, %cond3A_493 : i32
      scf.if %cond3A_494 {
        %add3A_495 = arith.constant 2 : i32
        %add3A_496 = arith.addi %mul3A_363, %add3A_495 : i32
        %add3A_497 = arith.constant 3 : i32
        %add3A_498 = arith.addi %add3A_496, %add3A_497 : i32
        %eq3A_499 = arith.constant 0 : i32
        %eq3A_500 = arith.cmpi eq, %arg0, %eq3A_499 : i32
        %convert_element_type3A_501 = arith.extui %eq3A_500 : i1 to i32
        %cond3A_502 = arith.constant 0 : i32
        %cond3A_503 = arith.cmpi ne, %convert_element_type3A_501, %cond3A_502 : i32
        scf.if %cond3A_503 {
          %dma_start3A_524 = arith.constant 0 : i32
          %dma_start3A_525 = arith.constant 0 : i32
          %dma_start3A_526 = tpu.memref_slice %arg13[%dma_start3A_524, %dma_start3A_525] : memref<80x64xf32, #tpu.memory_space<vmem>> -> memref<40x64xf32, #tpu.memory_space<vmem>>
          %dma_start3A_527 = arith.constant 0 : i32
          %dma_start3A_528 = tpu.memref_slice %arg9[%add3A_498, %dma_start3A_527] : memref<80x80xi32, #tpu.memory_space<vmem>> -> memref<1x40xi32, #tpu.memory_space<vmem>>
          %dma_start3A_529 = tpu.memref_squeeze %dma_start3A_528 : memref<1x40xi32, #tpu.memory_space<vmem>> -> memref<40xi32, #tpu.memory_space<vmem>>
          %dma_start3A_530 = arith.constant 0 : i32
          %dma_start3A_531 = arith.constant 0 : i32
          %dma_start3A_532 = tpu.memref_slice %arg2[%dma_start3A_530, %dma_start3A_531] : memref<10000x64xf32, #tpu.memory_space<hbm>> -> memref<10000x64xf32, #tpu.memory_space<hbm>>
          tpu.enqueue_indirect_dma source(%dma_start3A_532 : memref<10000x64xf32, #tpu.memory_space<hbm>>) target(%dma_start3A_526 : memref<40x64xf32, #tpu.memory_space<vmem>>) offsets(%dma_start3A_529 : memref<40xi32, #tpu.memory_space<vmem>>) semaphore(%arg24 : memref<!tpu.dma_semaphore, #tpu.memory_space<semaphore_mem>>)
          %dma_start3A_533 = arith.constant 40 : i32
          %dma_start3A_534 = arith.constant 0 : i32
          %dma_start3A_535 = tpu.memref_slice %arg13[%dma_start3A_533, %dma_start3A_534] : memref<80x64xf32, #tpu.memory_space<vmem>> -> memref<40x64xf32, #tpu.memory_space<vmem>>
          %dma_start3A_536 = arith.constant 40 : i32
          %dma_start3A_537 = tpu.memref_slice %arg9[%add3A_498, %dma_start3A_536] : memref<80x80xi32, #tpu.memory_space<vmem>> -> memref<1x40xi32, #tpu.memory_space<vmem>>
          %dma_start3A_538 = tpu.memref_squeeze %dma_start3A_537 : memref<1x40xi32, #tpu.memory_space<vmem>> -> memref<40xi32, #tpu.memory_space<vmem>>
          %dma_start3A_539 = arith.constant 0 : i32
          %dma_start3A_540 = arith.constant 0 : i32
          %dma_start3A_541 = tpu.memref_slice %arg2[%dma_start3A_539, %dma_start3A_540] : memref<10000x64xf32, #tpu.memory_space<hbm>> -> memref<10000x64xf32, #tpu.memory_space<hbm>>
          tpu.enqueue_indirect_dma source(%dma_start3A_541 : memref<10000x64xf32, #tpu.memory_space<hbm>>) target(%dma_start3A_535 : memref<40x64xf32, #tpu.memory_space<vmem>>) offsets(%dma_start3A_538 : memref<40xi32, #tpu.memory_space<vmem>>) semaphore(%arg24 : memref<!tpu.dma_semaphore, #tpu.memory_space<semaphore_mem>>)
        } else {
        }
        %eq3A_504 = arith.constant 1 : i32
        %eq3A_505 = arith.cmpi eq, %arg0, %eq3A_504 : i32
        %convert_element_type3A_506 = arith.extui %eq3A_505 : i1 to i32
        %cond3A_507 = arith.constant 0 : i32
        %cond3A_508 = arith.cmpi ne, %convert_element_type3A_506, %cond3A_507 : i32
        scf.if %cond3A_508 {
          %dma_start3A_524 = arith.constant 0 : i32
          %dma_start3A_525 = arith.constant 0 : i32
          %dma_start3A_526 = tpu.memref_slice %arg13[%dma_start3A_524, %dma_start3A_525] : memref<80x64xf32, #tpu.memory_space<vmem>> -> memref<40x64xf32, #tpu.memory_space<vmem>>
          %dma_start3A_527 = arith.constant 0 : i32
          %dma_start3A_528 = tpu.memref_slice %arg9[%add3A_498, %dma_start3A_527] : memref<80x80xi32, #tpu.memory_space<vmem>> -> memref<1x40xi32, #tpu.memory_space<vmem>>
          %dma_start3A_529 = tpu.memref_squeeze %dma_start3A_528 : memref<1x40xi32, #tpu.memory_space<vmem>> -> memref<40xi32, #tpu.memory_space<vmem>>
          %dma_start3A_530 = arith.constant 0 : i32
          %dma_start3A_531 = arith.constant 0 : i32
          %dma_start3A_532 = tpu.memref_slice %arg3[%dma_start3A_530, %dma_start3A_531] : memref<10000x64xf32, #tpu.memory_space<hbm>> -> memref<10000x64xf32, #tpu.memory_space<hbm>>
          tpu.enqueue_indirect_dma source(%dma_start3A_532 : memref<10000x64xf32, #tpu.memory_space<hbm>>) target(%dma_start3A_526 : memref<40x64xf32, #tpu.memory_space<vmem>>) offsets(%dma_start3A_529 : memref<40xi32, #tpu.memory_space<vmem>>) semaphore(%arg24 : memref<!tpu.dma_semaphore, #tpu.memory_space<semaphore_mem>>)
          %dma_start3A_533 = arith.constant 40 : i32
          %dma_start3A_534 = arith.constant 0 : i32
          %dma_start3A_535 = tpu.memref_slice %arg13[%dma_start3A_533, %dma_start3A_534] : memref<80x64xf32, #tpu.memory_space<vmem>> -> memref<40x64xf32, #tpu.memory_space<vmem>>
          %dma_start3A_536 = arith.constant 40 : i32
          %dma_start3A_537 = tpu.memref_slice %arg9[%add3A_498, %dma_start3A_536] : memref<80x80xi32, #tpu.memory_space<vmem>> -> memref<1x40xi32, #tpu.memory_space<vmem>>
          %dma_start3A_538 = tpu.memref_squeeze %dma_start3A_537 : memref<1x40xi32, #tpu.memory_space<vmem>> -> memref<40xi32, #tpu.memory_space<vmem>>
          %dma_start3A_539 = arith.constant 0 : i32
          %dma_start3A_540 = arith.constant 0 : i32
          %dma_start3A_541 = tpu.memref_slice %arg3[%dma_start3A_539, %dma_start3A_540] : memref<10000x64xf32, #tpu.memory_space<hbm>> -> memref<10000x64xf32, #tpu.memory_space<hbm>>
          tpu.enqueue_indirect_dma source(%dma_start3A_541 : memref<10000x64xf32, #tpu.memory_space<hbm>>) target(%dma_start3A_535 : memref<40x64xf32, #tpu.memory_space<vmem>>) offsets(%dma_start3A_538 : memref<40xi32, #tpu.memory_space<vmem>>) semaphore(%arg24 : memref<!tpu.dma_semaphore, #tpu.memory_space<semaphore_mem>>)
        } else {
        }
        %mul3A_509 = arith.constant 80 : i32
        %mul3A_510 = arith.muli %arg1, %mul3A_509 : i32
        %add3A_511 = arith.addi %mul3A_510, %add3A_498 : i32
        %mul3A_512 = arith.constant 80 : i32
        %mul3A_513 = arith.muli %add3A_511, %mul3A_512 : i32
        %eq3A_514 = arith.constant 0 : i32
        %eq3A_515 = arith.cmpi eq, %arg0, %eq3A_514 : i32
        %convert_element_type3A_516 = arith.extui %eq3A_515 : i1 to i32
        %cond3A_517 = arith.constant 0 : i32
        %cond3A_518 = arith.cmpi ne, %convert_element_type3A_516, %cond3A_517 : i32
        scf.if %cond3A_518 {
          %dma_start3A_524 = arith.constant 0 : i32
          %dma_start3A_525 = tpu.memref_slice %arg4[%mul3A_513, %dma_start3A_524] : memref<102400x128xf32, #tpu.memory_space<hbm>> -> memref<80x64xf32, #tpu.memory_space<hbm>>
          %dma_start3A_526 = arith.constant 0 : i32
          %dma_start3A_527 = tpu.memref_slice %arg4[%mul3A_513, %dma_start3A_526] : memref<102400x128xf32, #tpu.memory_space<hbm>> -> memref<80x64xf32, #tpu.memory_space<hbm>>
          tpu.enqueue_dma source(%dma_start3A_527 : memref<80x64xf32, #tpu.memory_space<hbm>>) target(%arg16 : memref<80x64xf32, #tpu.memory_space<vmem>>) target_semaphore(%arg24 : memref<!tpu.dma_semaphore, #tpu.memory_space<semaphore_mem>>)
        } else {
        }
        %eq3A_519 = arith.constant 1 : i32
        %eq3A_520 = arith.cmpi eq, %arg0, %eq3A_519 : i32
        %convert_element_type3A_521 = arith.extui %eq3A_520 : i1 to i32
        %cond3A_522 = arith.constant 0 : i32
        %cond3A_523 = arith.cmpi ne, %convert_element_type3A_521, %cond3A_522 : i32
        scf.if %cond3A_523 {
          %dma_start3A_524 = arith.constant 64 : i32
          %dma_start3A_525 = tpu.memref_slice %arg4[%mul3A_513, %dma_start3A_524] : memref<102400x128xf32, #tpu.memory_space<hbm>> -> memref<80x64xf32, #tpu.memory_space<hbm>>
          %dma_start3A_526 = arith.constant 64 : i32
          %dma_start3A_527 = tpu.memref_slice %arg4[%mul3A_513, %dma_start3A_526] : memref<102400x128xf32, #tpu.memory_space<hbm>> -> memref<80x64xf32, #tpu.memory_space<hbm>>
          tpu.enqueue_dma source(%dma_start3A_527 : memref<80x64xf32, #tpu.memory_space<hbm>>) target(%arg16 : memref<80x64xf32, #tpu.memory_space<vmem>>) target_semaphore(%arg24 : memref<!tpu.dma_semaphore, #tpu.memory_space<semaphore_mem>>)
        } else {
        }
      } else {
      }
    }
    %scan3A_258 = arith.constant 25 : i32
    %dma_wait3A_259 = arith.constant 78 : i32
    %dma_wait3A_260 = arith.constant 0 : i32
    %dma_wait3A_261 = tpu.memref_slice %arg9[%dma_wait3A_259, %dma_wait3A_260] : memref<80x80xi32, #tpu.memory_space<vmem>> -> memref<1x80xi32, #tpu.memory_space<vmem>>
    %dma_wait3A_262 = tpu.memref_squeeze %dma_wait3A_261 : memref<1x80xi32, #tpu.memory_space<vmem>> -> memref<80xi32, #tpu.memory_space<vmem>>
    %dma_wait3A_263 = arith.constant 0 : i32
    %dma_wait3A_264 = arith.constant 0 : i32
    %dma_wait3A_265 = tpu.memref_slice %arg2[%dma_wait3A_263, %dma_wait3A_264] : memref<10000x64xf32, #tpu.memory_space<hbm>> -> memref<10000x64xf32, #tpu.memory_space<hbm>>
    tpu.wait_indirect_dma semaphore(%arg22 : memref<!tpu.dma_semaphore, #tpu.memory_space<semaphore_mem>>) src(%dma_wait3A_265 : memref<10000x64xf32, #tpu.memory_space<hbm>>) dst(%arg11 : memref<80x64xf32, #tpu.memory_space<vmem>>)
    %dma_wait3A_266 = arith.constant 0 : i32
    %dma_wait3A_267 = arith.constant 0 : i32
    %dma_wait3A_268 = tpu.memref_slice %arg4[%dma_wait3A_266, %dma_wait3A_267] : memref<102400x128xf32, #tpu.memory_space<hbm>> -> memref<80x64xf32, #tpu.memory_space<hbm>>
    %dma_wait3A_269 = arith.constant 0 : i32
    %dma_wait3A_270 = arith.constant 0 : i32
    %dma_wait3A_271 = tpu.memref_slice %arg4[%dma_wait3A_269, %dma_wait3A_270] : memref<102400x128xf32, #tpu.memory_space<hbm>> -> memref<80x64xf32, #tpu.memory_space<hbm>>
    tpu.wait_dma2 semaphore(%arg22 : memref<!tpu.dma_semaphore, #tpu.memory_space<semaphore_mem>>) src(%dma_wait3A_271 : memref<80x64xf32, #tpu.memory_space<hbm>>) dst(%arg14 : memref<80x64xf32, #tpu.memory_space<vmem>>)
    %dma_wait3A_272 = arith.constant 0 : i32
    %dma_wait3A_273 = arith.constant 0 : i32
    %dma_wait3A_274 = tpu.memref_slice %arg10[%dma_wait3A_272, %dma_wait3A_273] : memref<80x80xi32, #tpu.memory_space<vmem>> -> memref<1x80xi32, #tpu.memory_space<vmem>>
    %dma_wait3A_275 = tpu.memref_squeeze %dma_wait3A_274 : memref<1x80xi32, #tpu.memory_space<vmem>> -> memref<80xi32, #tpu.memory_space<vmem>>
    %dma_wait3A_276 = arith.constant 0 : i32
    %dma_wait3A_277 = arith.constant 0 : i32
    %dma_wait3A_278 = tpu.memref_slice %arg21[%dma_wait3A_276, %dma_wait3A_277] : memref<10240x64xf32, #tpu.memory_space<vmem_shared>> -> memref<10240x64xf32, #tpu.memory_space<vmem_shared>>
    tpu.wait_indirect_dma semaphore(%arg25 : memref<!tpu.dma_semaphore, #tpu.memory_space<semaphore_mem>>) src(%arg17 : memref<80x64xf32, #tpu.memory_space<vmem>>) dst(%dma_wait3A_278 : memref<10240x64xf32, #tpu.memory_space<vmem_shared>>)
    %scan3A_279 = arith.constant 0 : i32
    %scan3A_280 = arith.constant 0 : i32
    %scan3A_281 = arith.constant 80 : i32
    %scan3A_282 = arith.addi %scan3A_280, %scan3A_281 : i32
    %scan3A_283 = arith.constant 1 : i32
    scf.for %scan3A_361 = %scan3A_280 to %scan3A_282 step %scan3A_283  : i32 {
      %get3A = arith.index_cast %scan3A_361 : i32 to index
      %get3A_362 = arith.constant 0 : index
      %get3A_363 = tpu.vector_load %arg11[%get3A, %get3A_362] {strides = array<i32>} : memref<80x64xf32, #tpu.memory_space<vmem>>, vector<16xf32>,
      %get3A_364 = arith.index_cast %scan3A_361 : i32 to index
      %get3A_365 = arith.constant 0 : index
      %get3A_366 = tpu.vector_load %arg14[%get3A_364, %get3A_365] {strides = array<i32>} : memref<80x64xf32, #tpu.memory_space<vmem>>, vector<16xf32>,
      %mul3A_367 = arith.mulf %get3A_363, %get3A_366 : vector<16xf32>
      %swap3A = arith.index_cast %scan3A_361 : i32 to index
      %swap3A_368 = arith.constant 0 : index
      %swap3A_369 = tpu.vector_load %arg17[%swap3A, %swap3A_368] {strides = array<i32>} : memref<80x64xf32, #tpu.memory_space<vmem>>, vector<16xf32>,
      tpu.vector_store %arg17[%swap3A, %swap3A_368], %mul3A_367 {strides = array<i32>} : memref<80x64xf32, #tpu.memory_space<vmem>>, vector<16xf32>,
      %get3A_370 = arith.index_cast %scan3A_361 : i32 to index
      %get3A_371 = arith.constant 16 : index
      %get3A_372 = tpu.vector_load %arg11[%get3A_370, %get3A_371] {strides = array<i32>} : memref<80x64xf32, #tpu.memory_space<vmem>>, vector<16xf32>,
      %get3A_373 = arith.index_cast %scan3A_361 : i32 to index
      %get3A_374 = arith.constant 16 : index
      %get3A_375 = tpu.vector_load %arg14[%get3A_373, %get3A_374] {strides = array<i32>} : memref<80x64xf32, #tpu.memory_space<vmem>>, vector<16xf32>,
      %mul3A_376 = arith.mulf %get3A_372, %get3A_375 : vector<16xf32>
      %swap3A_377 = arith.index_cast %scan3A_361 : i32 to index
      %swap3A_378 = arith.constant 16 : index
      %swap3A_379 = tpu.vector_load %arg17[%swap3A_377, %swap3A_378] {strides = array<i32>} : memref<80x64xf32, #tpu.memory_space<vmem>>, vector<16xf32>,
      tpu.vector_store %arg17[%swap3A_377, %swap3A_378], %mul3A_376 {strides = array<i32>} : memref<80x64xf32, #tpu.memory_space<vmem>>, vector<16xf32>,
      %get3A_380 = arith.index_cast %scan3A_361 : i32 to index
      %get3A_381 = arith.constant 32 : index
      %get3A_382 = tpu.vector_load %arg11[%get3A_380, %get3A_381] {strides = array<i32>} : memref<80x64xf32, #tpu.memory_space<vmem>>, vector<16xf32>,
      %get3A_383 = arith.index_cast %scan3A_361 : i32 to index
      %get3A_384 = arith.constant 32 : index
      %get3A_385 = tpu.vector_load %arg14[%get3A_383, %get3A_384] {strides = array<i32>} : memref<80x64xf32, #tpu.memory_space<vmem>>, vector<16xf32>,
      %mul3A_386 = arith.mulf %get3A_382, %get3A_385 : vector<16xf32>
      %swap3A_387 = arith.index_cast %scan3A_361 : i32 to index
      %swap3A_388 = arith.constant 32 : index
      %swap3A_389 = tpu.vector_load %arg17[%swap3A_387, %swap3A_388] {strides = array<i32>} : memref<80x64xf32, #tpu.memory_space<vmem>>, vector<16xf32>,
      tpu.vector_store %arg17[%swap3A_387, %swap3A_388], %mul3A_386 {strides = array<i32>} : memref<80x64xf32, #tpu.memory_space<vmem>>, vector<16xf32>,
      %get3A_390 = arith.index_cast %scan3A_361 : i32 to index
      %get3A_391 = arith.constant 48 : index
      %get3A_392 = tpu.vector_load %arg11[%get3A_390, %get3A_391] {strides = array<i32>} : memref<80x64xf32, #tpu.memory_space<vmem>>, vector<16xf32>,
      %get3A_393 = arith.index_cast %scan3A_361 : i32 to index
      %get3A_394 = arith.constant 48 : index
      %get3A_395 = tpu.vector_load %arg14[%get3A_393, %get3A_394] {strides = array<i32>} : memref<80x64xf32, #tpu.memory_space<vmem>>, vector<16xf32>,
      %mul3A_396 = arith.mulf %get3A_392, %get3A_395 : vector<16xf32>
      %swap3A_397 = arith.index_cast %scan3A_361 : i32 to index
      %swap3A_398 = arith.constant 48 : index
      %swap3A_399 = tpu.vector_load %arg17[%swap3A_397, %swap3A_398] {strides = array<i32>} : memref<80x64xf32, #tpu.memory_space<vmem>>, vector<16xf32>,
      tpu.vector_store %arg17[%swap3A_397, %swap3A_398], %mul3A_396 {strides = array<i32>} : memref<80x64xf32, #tpu.memory_space<vmem>>, vector<16xf32>,
    }
    %scan3A_284 = arith.constant 80 : i32
    %dma_start3A_285 = arith.constant 78 : i32
    %dma_start3A_286 = arith.constant 0 : i32
    %dma_start3A_287 = tpu.memref_slice %arg10[%dma_start3A_285, %dma_start3A_286] : memref<80x80xi32, #tpu.memory_space<vmem>> -> memref<1x80xi32, #tpu.memory_space<vmem>>
    %dma_start3A_288 = tpu.memref_squeeze %dma_start3A_287 : memref<1x80xi32, #tpu.memory_space<vmem>> -> memref<80xi32, #tpu.memory_space<vmem>>
    %dma_start3A_289 = arith.constant 0 : i32
    %dma_start3A_290 = arith.constant 0 : i32
    %dma_start3A_291 = tpu.memref_slice %arg21[%dma_start3A_289, %dma_start3A_290] : memref<10240x64xf32, #tpu.memory_space<vmem_shared>> -> memref<10240x64xf32, #tpu.memory_space<vmem_shared>>
    tpu.enqueue_indirect_dma source(%arg17 : memref<80x64xf32, #tpu.memory_space<vmem>>) target(%dma_start3A_291 : memref<10240x64xf32, #tpu.memory_space<vmem_shared>>) offsets(%dma_start3A_288 : memref<80xi32, #tpu.memory_space<vmem>>) semaphore(%arg25 : memref<!tpu.dma_semaphore, #tpu.memory_space<semaphore_mem>>) {add = true}
    %dma_wait3A_292 = arith.constant 79 : i32
    %dma_wait3A_293 = arith.constant 0 : i32
    %dma_wait3A_294 = tpu.memref_slice %arg9[%dma_wait3A_292, %dma_wait3A_293] : memref<80x80xi32, #tpu.memory_space<vmem>> -> memref<1x80xi32, #tpu.memory_space<vmem>>
    %dma_wait3A_295 = tpu.memref_squeeze %dma_wait3A_294 : memref<1x80xi32, #tpu.memory_space<vmem>> -> memref<80xi32, #tpu.memory_space<vmem>>
    %dma_wait3A_296 = arith.constant 0 : i32
    %dma_wait3A_297 = arith.constant 0 : i32
    %dma_wait3A_298 = tpu.memref_slice %arg2[%dma_wait3A_296, %dma_wait3A_297] : memref<10000x64xf32, #tpu.memory_space<hbm>> -> memref<10000x64xf32, #tpu.memory_space<hbm>>
    tpu.wait_indirect_dma semaphore(%arg23 : memref<!tpu.dma_semaphore, #tpu.memory_space<semaphore_mem>>) src(%dma_wait3A_298 : memref<10000x64xf32, #tpu.memory_space<hbm>>) dst(%arg12 : memref<80x64xf32, #tpu.memory_space<vmem>>)
    %dma_wait3A_299 = arith.constant 0 : i32
    %dma_wait3A_300 = arith.constant 0 : i32
    %dma_wait3A_301 = tpu.memref_slice %arg4[%dma_wait3A_299, %dma_wait3A_300] : memref<102400x128xf32, #tpu.memory_space<hbm>> -> memref<80x64xf32, #tpu.memory_space<hbm>>
    %dma_wait3A_302 = arith.constant 0 : i32
    %dma_wait3A_303 = arith.constant 0 : i32
    %dma_wait3A_304 = tpu.memref_slice %arg4[%dma_wait3A_302, %dma_wait3A_303] : memref<102400x128xf32, #tpu.memory_space<hbm>> -> memref<80x64xf32, #tpu.memory_space<hbm>>
    tpu.wait_dma2 semaphore(%arg23 : memref<!tpu.dma_semaphore, #tpu.memory_space<semaphore_mem>>) src(%dma_wait3A_304 : memref<80x64xf32, #tpu.memory_space<hbm>>) dst(%arg15 : memref<80x64xf32, #tpu.memory_space<vmem>>)
    %dma_wait3A_305 = arith.constant 0 : i32
    %dma_wait3A_306 = arith.constant 0 : i32
    %dma_wait3A_307 = tpu.memref_slice %arg10[%dma_wait3A_305, %dma_wait3A_306] : memref<80x80xi32, #tpu.memory_space<vmem>> -> memref<1x80xi32, #tpu.memory_space<vmem>>
    %dma_wait3A_308 = tpu.memref_squeeze %dma_wait3A_307 : memref<1x80xi32, #tpu.memory_space<vmem>> -> memref<80xi32, #tpu.memory_space<vmem>>
    %dma_wait3A_309 = arith.constant 0 : i32
    %dma_wait3A_310 = arith.constant 0 : i32
    %dma_wait3A_311 = tpu.memref_slice %arg21[%dma_wait3A_309, %dma_wait3A_310] : memref<10240x64xf32, #tpu.memory_space<vmem_shared>> -> memref<10240x64xf32, #tpu.memory_space<vmem_shared>>
    tpu.wait_indirect_dma semaphore(%arg26 : memref<!tpu.dma_semaphore, #tpu.memory_space<semaphore_mem>>) src(%arg18 : memref<80x64xf32, #tpu.memory_space<vmem>>) dst(%dma_wait3A_311 : memref<10240x64xf32, #tpu.memory_space<vmem_shared>>)
    %scan3A_312 = arith.constant 0 : i32
    %scan3A_313 = arith.constant 0 : i32
    %scan3A_314 = arith.constant 80 : i32
    %scan3A_315 = arith.addi %scan3A_313, %scan3A_314 : i32
    %scan3A_316 = arith.constant 1 : i32
    scf.for %scan3A_361 = %scan3A_313 to %scan3A_315 step %scan3A_316  : i32 {
      %get3A = arith.index_cast %scan3A_361 : i32 to index
      %get3A_362 = arith.constant 0 : index
      %get3A_363 = tpu.vector_load %arg12[%get3A, %get3A_362] {strides = array<i32>} : memref<80x64xf32, #tpu.memory_space<vmem>>, vector<16xf32>,
      %get3A_364 = arith.index_cast %scan3A_361 : i32 to index
      %get3A_365 = arith.constant 0 : index
      %get3A_366 = tpu.vector_load %arg15[%get3A_364, %get3A_365] {strides = array<i32>} : memref<80x64xf32, #tpu.memory_space<vmem>>, vector<16xf32>,
      %mul3A_367 = arith.mulf %get3A_363, %get3A_366 : vector<16xf32>
      %swap3A = arith.index_cast %scan3A_361 : i32 to index
      %swap3A_368 = arith.constant 0 : index
      %swap3A_369 = tpu.vector_load %arg18[%swap3A, %swap3A_368] {strides = array<i32>} : memref<80x64xf32, #tpu.memory_space<vmem>>, vector<16xf32>,
      tpu.vector_store %arg18[%swap3A, %swap3A_368], %mul3A_367 {strides = array<i32>} : memref<80x64xf32, #tpu.memory_space<vmem>>, vector<16xf32>,
      %get3A_370 = arith.index_cast %scan3A_361 : i32 to index
      %get3A_371 = arith.constant 16 : index
      %get3A_372 = tpu.vector_load %arg12[%get3A_370, %get3A_371] {strides = array<i32>} : memref<80x64xf32, #tpu.memory_space<vmem>>, vector<16xf32>,
      %get3A_373 = arith.index_cast %scan3A_361 : i32 to index
      %get3A_374 = arith.constant 16 : index
      %get3A_375 = tpu.vector_load %arg15[%get3A_373, %get3A_374] {strides = array<i32>} : memref<80x64xf32, #tpu.memory_space<vmem>>, vector<16xf32>,
      %mul3A_376 = arith.mulf %get3A_372, %get3A_375 : vector<16xf32>
      %swap3A_377 = arith.index_cast %scan3A_361 : i32 to index
      %swap3A_378 = arith.constant 16 : index
      %swap3A_379 = tpu.vector_load %arg18[%swap3A_377, %swap3A_378] {strides = array<i32>} : memref<80x64xf32, #tpu.memory_space<vmem>>, vector<16xf32>,
      tpu.vector_store %arg18[%swap3A_377, %swap3A_378], %mul3A_376 {strides = array<i32>} : memref<80x64xf32, #tpu.memory_space<vmem>>, vector<16xf32>,
      %get3A_380 = arith.index_cast %scan3A_361 : i32 to index
      %get3A_381 = arith.constant 32 : index
      %get3A_382 = tpu.vector_load %arg12[%get3A_380, %get3A_381] {strides = array<i32>} : memref<80x64xf32, #tpu.memory_space<vmem>>, vector<16xf32>,
      %get3A_383 = arith.index_cast %scan3A_361 : i32 to index
      %get3A_384 = arith.constant 32 : index
      %get3A_385 = tpu.vector_load %arg15[%get3A_383, %get3A_384] {strides = array<i32>} : memref<80x64xf32, #tpu.memory_space<vmem>>, vector<16xf32>,
      %mul3A_386 = arith.mulf %get3A_382, %get3A_385 : vector<16xf32>
      %swap3A_387 = arith.index_cast %scan3A_361 : i32 to index
      %swap3A_388 = arith.constant 32 : index
      %swap3A_389 = tpu.vector_load %arg18[%swap3A_387, %swap3A_388] {strides = array<i32>} : memref<80x64xf32, #tpu.memory_space<vmem>>, vector<16xf32>,
      tpu.vector_store %arg18[%swap3A_387, %swap3A_388], %mul3A_386 {strides = array<i32>} : memref<80x64xf32, #tpu.memory_space<vmem>>, vector<16xf32>,
      %get3A_390 = arith.index_cast %scan3A_361 : i32 to index
      %get3A_391 = arith.constant 48 : index
      %get3A_392 = tpu.vector_load %arg12[%get3A_390, %get3A_391] {strides = array<i32>} : memref<80x64xf32, #tpu.memory_space<vmem>>, vector<16xf32>,
      %get3A_393 = arith.index_cast %scan3A_361 : i32 to index
      %get3A_394 = arith.constant 48 : index
      %get3A_395 = tpu.vector_load %arg15[%get3A_393, %get3A_394] {strides = array<i32>} : memref<80x64xf32, #tpu.memory_space<vmem>>, vector<16xf32>,
      %mul3A_396 = arith.mulf %get3A_392, %get3A_395 : vector<16xf32>
      %swap3A_397 = arith.index_cast %scan3A_361 : i32 to index
      %swap3A_398 = arith.constant 48 : index
      %swap3A_399 = tpu.vector_load %arg18[%swap3A_397, %swap3A_398] {strides = array<i32>} : memref<80x64xf32, #tpu.memory_space<vmem>>, vector<16xf32>,
      tpu.vector_store %arg18[%swap3A_397, %swap3A_398], %mul3A_396 {strides = array<i32>} : memref<80x64xf32, #tpu.memory_space<vmem>>, vector<16xf32>,
    }
    %scan3A_317 = arith.constant 80 : i32
    %dma_start3A_318 = arith.constant 79 : i32
    %dma_start3A_319 = arith.constant 0 : i32
    %dma_start3A_320 = tpu.memref_slice %arg10[%dma_start3A_318, %dma_start3A_319] : memref<80x80xi32, #tpu.memory_space<vmem>> -> memref<1x80xi32, #tpu.memory_space<vmem>>
    %dma_start3A_321 = tpu.memref_squeeze %dma_start3A_320 : memref<1x80xi32, #tpu.memory_space<vmem>> -> memref<80xi32, #tpu.memory_space<vmem>>
    %dma_start3A_322 = arith.constant 0 : i32
    %dma_start3A_323 = arith.constant 0 : i32
    %dma_start3A_324 = tpu.memref_slice %arg21[%dma_start3A_322, %dma_start3A_323] : memref<10240x64xf32, #tpu.memory_space<vmem_shared>> -> memref<10240x64xf32, #tpu.memory_space<vmem_shared>>
    tpu.enqueue_indirect_dma source(%arg18 : memref<80x64xf32, #tpu.memory_space<vmem>>) target(%dma_start3A_324 : memref<10240x64xf32, #tpu.memory_space<vmem_shared>>) offsets(%dma_start3A_321 : memref<80xi32, #tpu.memory_space<vmem>>) semaphore(%arg26 : memref<!tpu.dma_semaphore, #tpu.memory_space<semaphore_mem>>) {add = true}
    %dma_wait3A_325 = arith.constant 0 : i32
    %dma_wait3A_326 = arith.constant 0 : i32
    %dma_wait3A_327 = tpu.memref_slice %arg10[%dma_wait3A_325, %dma_wait3A_326] : memref<80x80xi32, #tpu.memory_space<vmem>> -> memref<1x80xi32, #tpu.memory_space<vmem>>
    %dma_wait3A_328 = tpu.memref_squeeze %dma_wait3A_327 : memref<1x80xi32, #tpu.memory_space<vmem>> -> memref<80xi32, #tpu.memory_space<vmem>>
    %dma_wait3A_329 = arith.constant 0 : i32
    %dma_wait3A_330 = arith.constant 0 : i32
    %dma_wait3A_331 = tpu.memref_slice %arg21[%dma_wait3A_329, %dma_wait3A_330] : memref<10240x64xf32, #tpu.memory_space<vmem_shared>> -> memref<10240x64xf32, #tpu.memory_space<vmem_shared>>
    tpu.wait_indirect_dma semaphore(%arg25 : memref<!tpu.dma_semaphore, #tpu.memory_space<semaphore_mem>>) src(%arg17 : memref<80x64xf32, #tpu.memory_space<vmem>>) dst(%dma_wait3A_331 : memref<10240x64xf32, #tpu.memory_space<vmem_shared>>)
    %dma_wait3A_332 = arith.constant 0 : i32
    %dma_wait3A_333 = arith.constant 0 : i32
    %dma_wait3A_334 = tpu.memref_slice %arg10[%dma_wait3A_332, %dma_wait3A_333] : memref<80x80xi32, #tpu.memory_space<vmem>> -> memref<1x80xi32, #tpu.memory_space<vmem>>
    %dma_wait3A_335 = tpu.memref_squeeze %dma_wait3A_334 : memref<1x80xi32, #tpu.memory_space<vmem>> -> memref<80xi32, #tpu.memory_space<vmem>>
    %dma_wait3A_336 = arith.constant 0 : i32
    %dma_wait3A_337 = arith.constant 0 : i32
    %dma_wait3A_338 = tpu.memref_slice %arg21[%dma_wait3A_336, %dma_wait3A_337] : memref<10240x64xf32, #tpu.memory_space<vmem_shared>> -> memref<10240x64xf32, #tpu.memory_space<vmem_shared>>
    tpu.wait_indirect_dma semaphore(%arg26 : memref<!tpu.dma_semaphore, #tpu.memory_space<semaphore_mem>>) src(%arg18 : memref<80x64xf32, #tpu.memory_space<vmem>>) dst(%dma_wait3A_338 : memref<10240x64xf32, #tpu.memory_space<vmem_shared>>)
    %dma_wait3A_339 = arith.constant 0 : i32
    %dma_wait3A_340 = arith.constant 0 : i32
    %dma_wait3A_341 = tpu.memref_slice %arg10[%dma_wait3A_339, %dma_wait3A_340] : memref<80x80xi32, #tpu.memory_space<vmem>> -> memref<1x80xi32, #tpu.memory_space<vmem>>
    %dma_wait3A_342 = tpu.memref_squeeze %dma_wait3A_341 : memref<1x80xi32, #tpu.memory_space<vmem>> -> memref<80xi32, #tpu.memory_space<vmem>>
    %dma_wait3A_343 = arith.constant 0 : i32
    %dma_wait3A_344 = arith.constant 0 : i32
    %dma_wait3A_345 = tpu.memref_slice %arg21[%dma_wait3A_343, %dma_wait3A_344] : memref<10240x64xf32, #tpu.memory_space<vmem_shared>> -> memref<10240x64xf32, #tpu.memory_space<vmem_shared>>
    tpu.wait_indirect_dma semaphore(%arg27 : memref<!tpu.dma_semaphore, #tpu.memory_space<semaphore_mem>>) src(%arg19 : memref<80x64xf32, #tpu.memory_space<vmem>>) dst(%dma_wait3A_345 : memref<10240x64xf32, #tpu.memory_space<vmem_shared>>)
    %barrier3A_346 = arith.constant 0 : index
    tpu.barrier barrier_id(%barrier3A_346)
    %mul3A_347 = arith.constant 640 : i32
    %mul3A_348 = arith.muli %arg1, %mul3A_347 : i32
    %mul3A_349 = arith.constant 640 : i32
    %mul3A_350 = arith.muli %arg1, %mul3A_349 : i32
    %eq3A_351 = arith.constant 0 : i32
    %eq3A_352 = arith.cmpi eq, %arg0, %eq3A_351 : i32
    %convert_element_type3A_353 = arith.extui %eq3A_352 : i1 to i32
    %cond3A_354 = arith.constant 0 : i32
    %cond3A_355 = arith.cmpi ne, %convert_element_type3A_353, %cond3A_354 : i32
    scf.if %cond3A_355 {
      "tpu.region"() ({
        %run_scoped3A = tpu.sem_alloc : memref<!tpu.dma_semaphore, #tpu.memory_space<semaphore_mem>>
        %dma_start3A_361 = arith.constant 0 : i32
        %dma_start3A_362 = tpu.memref_slice %arg7[%mul3A_350, %dma_start3A_361] : memref<10240x64xf32, #tpu.memory_space<hbm>> -> memref<640x64xf32, #tpu.memory_space<hbm>>
        %dma_start3A_363 = arith.constant 0 : i32
        %dma_start3A_364 = tpu.memref_slice %arg21[%mul3A_348, %dma_start3A_363] : memref<10240x64xf32, #tpu.memory_space<vmem_shared>> -> memref<640x64xf32, #tpu.memory_space<vmem_shared>>
        tpu.enqueue_dma source(%dma_start3A_364 : memref<640x64xf32, #tpu.memory_space<vmem_shared>>) target(%dma_start3A_362 : memref<640x64xf32, #tpu.memory_space<hbm>>) target_semaphore(%run_scoped3A : memref<!tpu.dma_semaphore, #tpu.memory_space<semaphore_mem>>)
        %dma_wait3A_365 = arith.constant 0 : i32
        %dma_wait3A_366 = tpu.memref_slice %arg7[%mul3A_350, %dma_wait3A_365] : memref<10240x64xf32, #tpu.memory_space<hbm>> -> memref<640x64xf32, #tpu.memory_space<hbm>>
        %dma_wait3A_367 = arith.constant 0 : i32
        %dma_wait3A_368 = tpu.memref_slice %arg21[%mul3A_348, %dma_wait3A_367] : memref<10240x64xf32, #tpu.memory_space<vmem_shared>> -> memref<640x64xf32, #tpu.memory_space<vmem_shared>>
        tpu.wait_dma2 semaphore(%run_scoped3A : memref<!tpu.dma_semaphore, #tpu.memory_space<semaphore_mem>>) src(%dma_wait3A_368 : memref<640x64xf32, #tpu.memory_space<vmem_shared>>) dst(%dma_wait3A_366 : memref<640x64xf32, #tpu.memory_space<hbm>>)
        tpu.yield
      }) : () -> ()
    } else {
    }
    %eq3A_356 = arith.constant 1 : i32
    %eq3A_357 = arith.cmpi eq, %arg0, %eq3A_356 : i32
    %convert_element_type3A_358 = arith.extui %eq3A_357 : i1 to i32
    %cond3A_359 = arith.constant 0 : i32
    %cond3A_360 = arith.cmpi ne, %convert_element_type3A_358, %cond3A_359 : i32
    scf.if %cond3A_360 {
      "tpu.region"() ({
        %run_scoped3A = tpu.sem_alloc : memref<!tpu.dma_semaphore, #tpu.memory_space<semaphore_mem>>
        %dma_start3A_361 = arith.constant 0 : i32
        %dma_start3A_362 = tpu.memref_slice %arg8[%mul3A_350, %dma_start3A_361] : memref<10240x64xf32, #tpu.memory_space<hbm>> -> memref<640x64xf32, #tpu.memory_space<hbm>>
        %dma_start3A_363 = arith.constant 0 : i32
        %dma_start3A_364 = tpu.memref_slice %arg21[%mul3A_348, %dma_start3A_363] : memref<10240x64xf32, #tpu.memory_space<vmem_shared>> -> memref<640x64xf32, #tpu.memory_space<vmem_shared>>
        tpu.enqueue_dma source(%dma_start3A_364 : memref<640x64xf32, #tpu.memory_space<vmem_shared>>) target(%dma_start3A_362 : memref<640x64xf32, #tpu.memory_space<hbm>>) target_semaphore(%run_scoped3A : memref<!tpu.dma_semaphore, #tpu.memory_space<semaphore_mem>>)
        %dma_wait3A_365 = arith.constant 0 : i32
        %dma_wait3A_366 = tpu.memref_slice %arg8[%mul3A_350, %dma_wait3A_365] : memref<10240x64xf32, #tpu.memory_space<hbm>> -> memref<640x64xf32, #tpu.memory_space<hbm>>
        %dma_wait3A_367 = arith.constant 0 : i32
        %dma_wait3A_368 = tpu.memref_slice %arg21[%mul3A_348, %dma_wait3A_367] : memref<10240x64xf32, #tpu.memory_space<vmem_shared>> -> memref<640x64xf32, #tpu.memory_space<vmem_shared>>
        tpu.wait_dma2 semaphore(%run_scoped3A : memref<!tpu.dma_semaphore, #tpu.memory_space<semaphore_mem>>) src(%dma_wait3A_368 : memref<640x64xf32, #tpu.memory_space<vmem_shared>>) dst(%dma_wait3A_366 : memref<640x64xf32, #tpu.memory_space<hbm>>)
        tpu.yield
      }) : () -> ()
    } else {
    }
    return
  }
}

#map = affine_map<(d0, d1) -> (0, 0)>
#map1 = affine_map<(d0, d1) -> (0, 0, 0)>
module attributes {stable_mosaic.version = 14 : i64} {
  func.func @sc_kernel(%arg0: i32, %arg1: i32, %arg2: memref<10000x64xf32, #tpu.memory_space<hbm>>, %arg3: memref<10000x64xf32, #tpu.memory_space<hbm>>, %arg4: memref<217600x128xf32, #tpu.memory_space<hbm>>, %arg5: memref<16x170x80xi32, #tpu.memory_space<hbm>>, %arg6: memref<16x170x80xi32, #tpu.memory_space<hbm>>, %arg7: memref<10240x64xf32, #tpu.memory_space<hbm>>, %arg8: memref<10240x64xf32, #tpu.memory_space<hbm>>, %arg9: memref<170x80xi32, #tpu.memory_space<vmem>>, %arg10: memref<170x80xi32, #tpu.memory_space<vmem>>, %arg11: memref<80x64xf32, #tpu.memory_space<vmem>>, %arg12: memref<80x64xf32, #tpu.memory_space<vmem>>, %arg13: memref<80x64xf32, #tpu.memory_space<vmem>>, %arg14: memref<80x64xf32, #tpu.memory_space<vmem>>, %arg15: memref<80x64xf32, #tpu.memory_space<vmem>>, %arg16: memref<80x64xf32, #tpu.memory_space<vmem>>, %arg17: memref<80x64xf32, #tpu.memory_space<vmem>>, %arg18: memref<80x64xf32, #tpu.memory_space<vmem>>, %arg19: memref<80x64xf32, #tpu.memory_space<vmem>>, %arg20: memref<128x64xf32, #tpu.memory_space<vmem>>, %arg21: memref<10240x64xf32, #tpu.memory_space<vmem_shared>>, %arg22: memref<!tpu.dma_semaphore, #tpu.memory_space<semaphore_mem>>, %arg23: memref<!tpu.dma_semaphore, #tpu.memory_space<semaphore_mem>>, %arg24: memref<!tpu.dma_semaphore, #tpu.memory_space<semaphore_mem>>, %arg25: memref<!tpu.dma_semaphore, #tpu.memory_space<semaphore_mem>>, %arg26: memref<!tpu.dma_semaphore, #tpu.memory_space<semaphore_mem>>, %arg27: memref<!tpu.dma_semaphore, #tpu.memory_space<semaphore_mem>>) attributes {dimension_semantics = [#tpu.dimension_semantics<core_parallel>, #tpu.dimension_semantics<subcore_parallel>], iteration_bounds = array<i64: 2, 16>, scalar_prefetch = 0 : i64, scratch_operands = 19 : i64, tpu.core_type = #tpu.core_type<sc_vector_subcore>, window_params = [{transform_indices = #map}, {transform_indices = #map}, {transform_indices = #map}, {transform_indices = #map1}, {transform_indices = #map1}, {transform_indices = #map}, {transform_indices = #map}]} {
    %broadcast_in_dim3A = arith.constant 0.000000e+00 : f32
    %broadcast_in_dim3A_0 = vector.broadcast %broadcast_in_dim3A : f32 to vector<16xf32>
    %scan3A = arith.constant 0 : i32
    %scan3A_1 = arith.constant 0 : i32
    %scan3A_2 = arith.constant 128 : i32
    %scan3A_3 = arith.addi %scan3A_1, %scan3A_2 : i32
    %scan3A_4 = arith.constant 1 : i32
    scf.for %scan3A_361 = %scan3A_1 to %scan3A_3 step %scan3A_4  : i32 {
      %swap3A = arith.index_cast %scan3A_361 : i32 to index
      %swap3A_362 = arith.constant 0 : index
      %swap3A_363 = tpu.vector_load %arg20[%swap3A, %swap3A_362] {strides = array<i32>} : memref<128x64xf32, #tpu.memory_space<vmem>>, vector<16xf32>,
      tpu.vector_store %arg20[%swap3A, %swap3A_362], %broadcast_in_dim3A_0 {strides = array<i32>} : memref<128x64xf32, #tpu.memory_space<vmem>>, vector<16xf32>,
      %swap3A_364 = arith.index_cast %scan3A_361 : i32 to index
      %swap3A_365 = arith.constant 16 : index
      %swap3A_366 = tpu.vector_load %arg20[%swap3A_364, %swap3A_365] {strides = array<i32>} : memref<128x64xf32, #tpu.memory_space<vmem>>, vector<16xf32>,
      tpu.vector_store %arg20[%swap3A_364, %swap3A_365], %broadcast_in_dim3A_0 {strides = array<i32>} : memref<128x64xf32, #tpu.memory_space<vmem>>, vector<16xf32>,
      %swap3A_367 = arith.index_cast %scan3A_361 : i32 to index
      %swap3A_368 = arith.constant 32 : index
      %swap3A_369 = tpu.vector_load %arg20[%swap3A_367, %swap3A_368] {strides = array<i32>} : memref<128x64xf32, #tpu.memory_space<vmem>>, vector<16xf32>,
      tpu.vector_store %arg20[%swap3A_367, %swap3A_368], %broadcast_in_dim3A_0 {strides = array<i32>} : memref<128x64xf32, #tpu.memory_space<vmem>>, vector<16xf32>,
      %swap3A_370 = arith.index_cast %scan3A_361 : i32 to index
      %swap3A_371 = arith.constant 48 : index
      %swap3A_372 = tpu.vector_load %arg20[%swap3A_370, %swap3A_371] {strides = array<i32>} : memref<128x64xf32, #tpu.memory_space<vmem>>, vector<16xf32>,
      tpu.vector_store %arg20[%swap3A_370, %swap3A_371], %broadcast_in_dim3A_0 {strides = array<i32>} : memref<128x64xf32, #tpu.memory_space<vmem>>, vector<16xf32>,
    }
    %scan3A_5 = arith.constant 128 : i32
    %mul3A = arith.constant 640 : i32
    %mul3A_6 = arith.muli %arg1, %mul3A : i32
    %add3A = arith.constant 0 : i32
    %add3A_7 = arith.addi %mul3A_6, %add3A : i32
    "tpu.region"() ({
      %run_scoped3A = tpu.sem_alloc : memref<!tpu.dma_semaphore, #tpu.memory_space<semaphore_mem>>
      %dma_start3A_361 = arith.constant 0 : i32
      %dma_start3A_362 = tpu.memref_slice %arg21[%add3A_7, %dma_start3A_361] : memref<10240x64xf32, #tpu.memory_space<vmem_shared>> -> memref<128x64xf32, #tpu.memory_space<vmem_shared>>
      %dma_start3A_363 = arith.constant 0 : i32
      %dma_start3A_364 = tpu.memref_slice %arg21[%add3A_7, %dma_start3A_363] : memref<10240x64xf32, #tpu.memory_space<vmem_shared>> -> memref<128x64xf32, #tpu.memory_space<vmem_shared>>
      tpu.enqueue_dma source(%arg20 : memref<128x64xf32, #tpu.memory_space<vmem>>) target(%dma_start3A_364 : memref<128x64xf32, #tpu.memory_space<vmem_shared>>) target_semaphore(%run_scoped3A : memref<!tpu.dma_semaphore, #tpu.memory_space<semaphore_mem>>)
      %dma_wait3A_365 = arith.constant 0 : i32
      %dma_wait3A_366 = tpu.memref_slice %arg21[%add3A_7, %dma_wait3A_365] : memref<10240x64xf32, #tpu.memory_space<vmem_shared>> -> memref<128x64xf32, #tpu.memory_space<vmem_shared>>
      %dma_wait3A_367 = arith.constant 0 : i32
      %dma_wait3A_368 = tpu.memref_slice %arg21[%add3A_7, %dma_wait3A_367] : memref<10240x64xf32, #tpu.memory_space<vmem_shared>> -> memref<128x64xf32, #tpu.memory_space<vmem_shared>>
      tpu.wait_dma2 semaphore(%run_scoped3A : memref<!tpu.dma_semaphore, #tpu.memory_space<semaphore_mem>>) src(%arg20 : memref<128x64xf32, #tpu.memory_space<vmem>>) dst(%dma_wait3A_368 : memref<128x64xf32, #tpu.memory_space<vmem_shared>>)
      tpu.yield
    }) : () -> ()
    %mul3A_8 = arith.constant 640 : i32
    %mul3A_9 = arith.muli %arg1, %mul3A_8 : i32
    %add3A_10 = arith.constant 128 : i32
    %add3A_11 = arith.addi %mul3A_9, %add3A_10 : i32
    "tpu.region"() ({
      %run_scoped3A = tpu.sem_alloc : memref<!tpu.dma_semaphore, #tpu.memory_space<semaphore_mem>>
      %dma_start3A_361 = arith.constant 0 : i32
      %dma_start3A_362 = tpu.memref_slice %arg21[%add3A_11, %dma_start3A_361] : memref<10240x64xf32, #tpu.memory_space<vmem_shared>> -> memref<128x64xf32, #tpu.memory_space<vmem_shared>>
      %dma_start3A_363 = arith.constant 0 : i32
      %dma_start3A_364 = tpu.memref_slice %arg21[%add3A_11, %dma_start3A_363] : memref<10240x64xf32, #tpu.memory_space<vmem_shared>> -> memref<128x64xf32, #tpu.memory_space<vmem_shared>>
      tpu.enqueue_dma source(%arg20 : memref<128x64xf32, #tpu.memory_space<vmem>>) target(%dma_start3A_364 : memref<128x64xf32, #tpu.memory_space<vmem_shared>>) target_semaphore(%run_scoped3A : memref<!tpu.dma_semaphore, #tpu.memory_space<semaphore_mem>>)
      %dma_wait3A_365 = arith.constant 0 : i32
      %dma_wait3A_366 = tpu.memref_slice %arg21[%add3A_11, %dma_wait3A_365] : memref<10240x64xf32, #tpu.memory_space<vmem_shared>> -> memref<128x64xf32, #tpu.memory_space<vmem_shared>>
      %dma_wait3A_367 = arith.constant 0 : i32
      %dma_wait3A_368 = tpu.memref_slice %arg21[%add3A_11, %dma_wait3A_367] : memref<10240x64xf32, #tpu.memory_space<vmem_shared>> -> memref<128x64xf32, #tpu.memory_space<vmem_shared>>
      tpu.wait_dma2 semaphore(%run_scoped3A : memref<!tpu.dma_semaphore, #tpu.memory_space<semaphore_mem>>) src(%arg20 : memref<128x64xf32, #tpu.memory_space<vmem>>) dst(%dma_wait3A_368 : memref<128x64xf32, #tpu.memory_space<vmem_shared>>)
      tpu.yield
    }) : () -> ()
    %mul3A_12 = arith.constant 640 : i32
    %mul3A_13 = arith.muli %arg1, %mul3A_12 : i32
    %add3A_14 = arith.constant 256 : i32
    %add3A_15 = arith.addi %mul3A_13, %add3A_14 : i32
    "tpu.region"() ({
      %run_scoped3A = tpu.sem_alloc : memref<!tpu.dma_semaphore, #tpu.memory_space<semaphore_mem>>
      %dma_start3A_361 = arith.constant 0 : i32
      %dma_start3A_362 = tpu.memref_slice %arg21[%add3A_15, %dma_start3A_361] : memref<10240x64xf32, #tpu.memory_space<vmem_shared>> -> memref<128x64xf32, #tpu.memory_space<vmem_shared>>
      %dma_start3A_363 = arith.constant 0 : i32
      %dma_start3A_364 = tpu.memref_slice %arg21[%add3A_15, %dma_start3A_363] : memref<10240x64xf32, #tpu.memory_space<vmem_shared>> -> memref<128x64xf32, #tpu.memory_space<vmem_shared>>
      tpu.enqueue_dma source(%arg20 : memref<128x64xf32, #tpu.memory_space<vmem>>) target(%dma_start3A_364 : memref<128x64xf32, #tpu.memory_space<vmem_shared>>) target_semaphore(%run_scoped3A : memref<!tpu.dma_semaphore, #tpu.memory_space<semaphore_mem>>)
      %dma_wait3A_365 = arith.constant 0 : i32
      %dma_wait3A_366 = tpu.memref_slice %arg21[%add3A_15, %dma_wait3A_365] : memref<10240x64xf32, #tpu.memory_space<vmem_shared>> -> memref<128x64xf32, #tpu.memory_space<vmem_shared>>
      %dma_wait3A_367 = arith.constant 0 : i32
      %dma_wait3A_368 = tpu.memref_slice %arg21[%add3A_15, %dma_wait3A_367] : memref<10240x64xf32, #tpu.memory_space<vmem_shared>> -> memref<128x64xf32, #tpu.memory_space<vmem_shared>>
      tpu.wait_dma2 semaphore(%run_scoped3A : memref<!tpu.dma_semaphore, #tpu.memory_space<semaphore_mem>>) src(%arg20 : memref<128x64xf32, #tpu.memory_space<vmem>>) dst(%dma_wait3A_368 : memref<128x64xf32, #tpu.memory_space<vmem_shared>>)
      tpu.yield
    }) : () -> ()
    %mul3A_16 = arith.constant 640 : i32
    %mul3A_17 = arith.muli %arg1, %mul3A_16 : i32
    %add3A_18 = arith.constant 384 : i32
    %add3A_19 = arith.addi %mul3A_17, %add3A_18 : i32
    "tpu.region"() ({
      %run_scoped3A = tpu.sem_alloc : memref<!tpu.dma_semaphore, #tpu.memory_space<semaphore_mem>>
      %dma_start3A_361 = arith.constant 0 : i32
      %dma_start3A_362 = tpu.memref_slice %arg21[%add3A_19, %dma_start3A_361] : memref<10240x64xf32, #tpu.memory_space<vmem_shared>> -> memref<128x64xf32, #tpu.memory_space<vmem_shared>>
      %dma_start3A_363 = arith.constant 0 : i32
      %dma_start3A_364 = tpu.memref_slice %arg21[%add3A_19, %dma_start3A_363] : memref<10240x64xf32, #tpu.memory_space<vmem_shared>> -> memref<128x64xf32, #tpu.memory_space<vmem_shared>>
      tpu.enqueue_dma source(%arg20 : memref<128x64xf32, #tpu.memory_space<vmem>>) target(%dma_start3A_364 : memref<128x64xf32, #tpu.memory_space<vmem_shared>>) target_semaphore(%run_scoped3A : memref<!tpu.dma_semaphore, #tpu.memory_space<semaphore_mem>>)
      %dma_wait3A_365 = arith.constant 0 : i32
      %dma_wait3A_366 = tpu.memref_slice %arg21[%add3A_19, %dma_wait3A_365] : memref<10240x64xf32, #tpu.memory_space<vmem_shared>> -> memref<128x64xf32, #tpu.memory_space<vmem_shared>>
      %dma_wait3A_367 = arith.constant 0 : i32
      %dma_wait3A_368 = tpu.memref_slice %arg21[%add3A_19, %dma_wait3A_367] : memref<10240x64xf32, #tpu.memory_space<vmem_shared>> -> memref<128x64xf32, #tpu.memory_space<vmem_shared>>
      tpu.wait_dma2 semaphore(%run_scoped3A : memref<!tpu.dma_semaphore, #tpu.memory_space<semaphore_mem>>) src(%arg20 : memref<128x64xf32, #tpu.memory_space<vmem>>) dst(%dma_wait3A_368 : memref<128x64xf32, #tpu.memory_space<vmem_shared>>)
      tpu.yield
    }) : () -> ()
    %mul3A_20 = arith.constant 640 : i32
    %mul3A_21 = arith.muli %arg1, %mul3A_20 : i32
    %add3A_22 = arith.constant 512 : i32
    %add3A_23 = arith.addi %mul3A_21, %add3A_22 : i32
    "tpu.region"() ({
      %run_scoped3A = tpu.sem_alloc : memref<!tpu.dma_semaphore, #tpu.memory_space<semaphore_mem>>
      %dma_start3A_361 = arith.constant 0 : i32
      %dma_start3A_362 = tpu.memref_slice %arg21[%add3A_23, %dma_start3A_361] : memref<10240x64xf32, #tpu.memory_space<vmem_shared>> -> memref<128x64xf32, #tpu.memory_space<vmem_shared>>
      %dma_start3A_363 = arith.constant 0 : i32
      %dma_start3A_364 = tpu.memref_slice %arg21[%add3A_23, %dma_start3A_363] : memref<10240x64xf32, #tpu.memory_space<vmem_shared>> -> memref<128x64xf32, #tpu.memory_space<vmem_shared>>
      tpu.enqueue_dma source(%arg20 : memref<128x64xf32, #tpu.memory_space<vmem>>) target(%dma_start3A_364 : memref<128x64xf32, #tpu.memory_space<vmem_shared>>) target_semaphore(%run_scoped3A : memref<!tpu.dma_semaphore, #tpu.memory_space<semaphore_mem>>)
      %dma_wait3A_365 = arith.constant 0 : i32
      %dma_wait3A_366 = tpu.memref_slice %arg21[%add3A_23, %dma_wait3A_365] : memref<10240x64xf32, #tpu.memory_space<vmem_shared>> -> memref<128x64xf32, #tpu.memory_space<vmem_shared>>
      %dma_wait3A_367 = arith.constant 0 : i32
      %dma_wait3A_368 = tpu.memref_slice %arg21[%add3A_23, %dma_wait3A_367] : memref<10240x64xf32, #tpu.memory_space<vmem_shared>> -> memref<128x64xf32, #tpu.memory_space<vmem_shared>>
      tpu.wait_dma2 semaphore(%run_scoped3A : memref<!tpu.dma_semaphore, #tpu.memory_space<semaphore_mem>>) src(%arg20 : memref<128x64xf32, #tpu.memory_space<vmem>>) dst(%dma_wait3A_368 : memref<128x64xf32, #tpu.memory_space<vmem_shared>>)
      tpu.yield
    }) : () -> ()
    "tpu.region"() ({
      %run_scoped3A = tpu.sem_alloc : memref<!tpu.dma_semaphore, #tpu.memory_space<semaphore_mem>>
      %dma_start3A_361 = arith.constant 0 : i32
      %dma_start3A_362 = arith.constant 0 : i32
      %dma_start3A_363 = tpu.memref_slice %arg5[%arg1, %dma_start3A_361, %dma_start3A_362] : memref<16x170x80xi32, #tpu.memory_space<hbm>> -> memref<1x170x80xi32, #tpu.memory_space<hbm>>
      %dma_start3A_364 = tpu.memref_squeeze %dma_start3A_363 : memref<1x170x80xi32, #tpu.memory_space<hbm>> -> memref<170x80xi32, #tpu.memory_space<hbm>>
      %dma_start3A_365 = arith.constant 0 : i32
      %dma_start3A_366 = arith.constant 0 : i32
      %dma_start3A_367 = tpu.memref_slice %arg5[%arg1, %dma_start3A_365, %dma_start3A_366] : memref<16x170x80xi32, #tpu.memory_space<hbm>> -> memref<1x170x80xi32, #tpu.memory_space<hbm>>
      %dma_start3A_368 = tpu.memref_squeeze %dma_start3A_367 : memref<1x170x80xi32, #tpu.memory_space<hbm>> -> memref<170x80xi32, #tpu.memory_space<hbm>>
      tpu.enqueue_dma source(%dma_start3A_368 : memref<170x80xi32, #tpu.memory_space<hbm>>) target(%arg9 : memref<170x80xi32, #tpu.memory_space<vmem>>) target_semaphore(%run_scoped3A : memref<!tpu.dma_semaphore, #tpu.memory_space<semaphore_mem>>)
      %dma_wait3A_369 = arith.constant 0 : i32
      %dma_wait3A_370 = arith.constant 0 : i32
      %dma_wait3A_371 = tpu.memref_slice %arg5[%arg1, %dma_wait3A_369, %dma_wait3A_370] : memref<16x170x80xi32, #tpu.memory_space<hbm>> -> memref<1x170x80xi32, #tpu.memory_space<hbm>>
      %dma_wait3A_372 = tpu.memref_squeeze %dma_wait3A_371 : memref<1x170x80xi32, #tpu.memory_space<hbm>> -> memref<170x80xi32, #tpu.memory_space<hbm>>
      %dma_wait3A_373 = arith.constant 0 : i32
      %dma_wait3A_374 = arith.constant 0 : i32
      %dma_wait3A_375 = tpu.memref_slice %arg5[%arg1, %dma_wait3A_373, %dma_wait3A_374] : memref<16x170x80xi32, #tpu.memory_space<hbm>> -> memref<1x170x80xi32, #tpu.memory_space<hbm>>
      %dma_wait3A_376 = tpu.memref_squeeze %dma_wait3A_375 : memref<1x170x80xi32, #tpu.memory_space<hbm>> -> memref<170x80xi32, #tpu.memory_space<hbm>>
      tpu.wait_dma2 semaphore(%run_scoped3A : memref<!tpu.dma_semaphore, #tpu.memory_space<semaphore_mem>>) src(%dma_wait3A_376 : memref<170x80xi32, #tpu.memory_space<hbm>>) dst(%arg9 : memref<170x80xi32, #tpu.memory_space<vmem>>)
      tpu.yield
    }) : () -> ()
    "tpu.region"() ({
      %run_scoped3A = tpu.sem_alloc : memref<!tpu.dma_semaphore, #tpu.memory_space<semaphore_mem>>
      %dma_start3A_361 = arith.constant 0 : i32
      %dma_start3A_362 = arith.constant 0 : i32
      %dma_start3A_363 = tpu.memref_slice %arg6[%arg1, %dma_start3A_361, %dma_start3A_362] : memref<16x170x80xi32, #tpu.memory_space<hbm>> -> memref<1x170x80xi32, #tpu.memory_space<hbm>>
      %dma_start3A_364 = tpu.memref_squeeze %dma_start3A_363 : memref<1x170x80xi32, #tpu.memory_space<hbm>> -> memref<170x80xi32, #tpu.memory_space<hbm>>
      %dma_start3A_365 = arith.constant 0 : i32
      %dma_start3A_366 = arith.constant 0 : i32
      %dma_start3A_367 = tpu.memref_slice %arg6[%arg1, %dma_start3A_365, %dma_start3A_366] : memref<16x170x80xi32, #tpu.memory_space<hbm>> -> memref<1x170x80xi32, #tpu.memory_space<hbm>>
      %dma_start3A_368 = tpu.memref_squeeze %dma_start3A_367 : memref<1x170x80xi32, #tpu.memory_space<hbm>> -> memref<170x80xi32, #tpu.memory_space<hbm>>
      tpu.enqueue_dma source(%dma_start3A_368 : memref<170x80xi32, #tpu.memory_space<hbm>>) target(%arg10 : memref<170x80xi32, #tpu.memory_space<vmem>>) target_semaphore(%run_scoped3A : memref<!tpu.dma_semaphore, #tpu.memory_space<semaphore_mem>>)
      %dma_wait3A_369 = arith.constant 0 : i32
      %dma_wait3A_370 = arith.constant 0 : i32
      %dma_wait3A_371 = tpu.memref_slice %arg6[%arg1, %dma_wait3A_369, %dma_wait3A_370] : memref<16x170x80xi32, #tpu.memory_space<hbm>> -> memref<1x170x80xi32, #tpu.memory_space<hbm>>
      %dma_wait3A_372 = tpu.memref_squeeze %dma_wait3A_371 : memref<1x170x80xi32, #tpu.memory_space<hbm>> -> memref<170x80xi32, #tpu.memory_space<hbm>>
      %dma_wait3A_373 = arith.constant 0 : i32
      %dma_wait3A_374 = arith.constant 0 : i32
      %dma_wait3A_375 = tpu.memref_slice %arg6[%arg1, %dma_wait3A_373, %dma_wait3A_374] : memref<16x170x80xi32, #tpu.memory_space<hbm>> -> memref<1x170x80xi32, #tpu.memory_space<hbm>>
      %dma_wait3A_376 = tpu.memref_squeeze %dma_wait3A_375 : memref<1x170x80xi32, #tpu.memory_space<hbm>> -> memref<170x80xi32, #tpu.memory_space<hbm>>
      tpu.wait_dma2 semaphore(%run_scoped3A : memref<!tpu.dma_semaphore, #tpu.memory_space<semaphore_mem>>) src(%dma_wait3A_376 : memref<170x80xi32, #tpu.memory_space<hbm>>) dst(%arg10 : memref<170x80xi32, #tpu.memory_space<vmem>>)
      tpu.yield
    }) : () -> ()
    %barrier3A = arith.constant 0 : index
    tpu.barrier barrier_id(%barrier3A)
    %eq3A = arith.constant 0 : i32
    %eq3A_24 = arith.cmpi eq, %arg0, %eq3A : i32
    %convert_element_type3A = arith.extui %eq3A_24 : i1 to i32
    %cond3A = arith.constant 0 : i32
    %cond3A_25 = arith.cmpi ne, %convert_element_type3A, %cond3A : i32
    scf.if %cond3A_25 {
      %dma_start3A_361 = arith.constant 0 : i32
      %dma_start3A_362 = arith.constant 0 : i32
      %dma_start3A_363 = arith.constant 0 : i32
      %dma_start3A_364 = tpu.memref_slice %arg11[%dma_start3A_362, %dma_start3A_363] : memref<80x64xf32, #tpu.memory_space<vmem>> -> memref<40x64xf32, #tpu.memory_space<vmem>>
      %dma_start3A_365 = arith.constant 0 : i32
      %dma_start3A_366 = tpu.memref_slice %arg9[%dma_start3A_361, %dma_start3A_365] : memref<170x80xi32, #tpu.memory_space<vmem>> -> memref<1x40xi32, #tpu.memory_space<vmem>>
      %dma_start3A_367 = tpu.memref_squeeze %dma_start3A_366 : memref<1x40xi32, #tpu.memory_space<vmem>> -> memref<40xi32, #tpu.memory_space<vmem>>
      %dma_start3A_368 = arith.constant 0 : i32
      %dma_start3A_369 = arith.constant 0 : i32
      %dma_start3A_370 = tpu.memref_slice %arg2[%dma_start3A_368, %dma_start3A_369] : memref<10000x64xf32, #tpu.memory_space<hbm>> -> memref<10000x64xf32, #tpu.memory_space<hbm>>
      tpu.enqueue_indirect_dma source(%dma_start3A_370 : memref<10000x64xf32, #tpu.memory_space<hbm>>) target(%dma_start3A_364 : memref<40x64xf32, #tpu.memory_space<vmem>>) offsets(%dma_start3A_367 : memref<40xi32, #tpu.memory_space<vmem>>) semaphore(%arg22 : memref<!tpu.dma_semaphore, #tpu.memory_space<semaphore_mem>>)
      %dma_start3A_371 = arith.constant 0 : i32
      %dma_start3A_372 = arith.constant 40 : i32
      %dma_start3A_373 = arith.constant 0 : i32
      %dma_start3A_374 = tpu.memref_slice %arg11[%dma_start3A_372, %dma_start3A_373] : memref<80x64xf32, #tpu.memory_space<vmem>> -> memref<40x64xf32, #tpu.memory_space<vmem>>
      %dma_start3A_375 = arith.constant 40 : i32
      %dma_start3A_376 = tpu.memref_slice %arg9[%dma_start3A_371, %dma_start3A_375] : memref<170x80xi32, #tpu.memory_space<vmem>> -> memref<1x40xi32, #tpu.memory_space<vmem>>
      %dma_start3A_377 = tpu.memref_squeeze %dma_start3A_376 : memref<1x40xi32, #tpu.memory_space<vmem>> -> memref<40xi32, #tpu.memory_space<vmem>>
      %dma_start3A_378 = arith.constant 0 : i32
      %dma_start3A_379 = arith.constant 0 : i32
      %dma_start3A_380 = tpu.memref_slice %arg2[%dma_start3A_378, %dma_start3A_379] : memref<10000x64xf32, #tpu.memory_space<hbm>> -> memref<10000x64xf32, #tpu.memory_space<hbm>>
      tpu.enqueue_indirect_dma source(%dma_start3A_380 : memref<10000x64xf32, #tpu.memory_space<hbm>>) target(%dma_start3A_374 : memref<40x64xf32, #tpu.memory_space<vmem>>) offsets(%dma_start3A_377 : memref<40xi32, #tpu.memory_space<vmem>>) semaphore(%arg22 : memref<!tpu.dma_semaphore, #tpu.memory_space<semaphore_mem>>)
    } else {
    }
    %eq3A_26 = arith.constant 1 : i32
    %eq3A_27 = arith.cmpi eq, %arg0, %eq3A_26 : i32
    %convert_element_type3A_28 = arith.extui %eq3A_27 : i1 to i32
    %cond3A_29 = arith.constant 0 : i32
    %cond3A_30 = arith.cmpi ne, %convert_element_type3A_28, %cond3A_29 : i32
    scf.if %cond3A_30 {
      %dma_start3A_361 = arith.constant 0 : i32
      %dma_start3A_362 = arith.constant 0 : i32
      %dma_start3A_363 = arith.constant 0 : i32
      %dma_start3A_364 = tpu.memref_slice %arg11[%dma_start3A_362, %dma_start3A_363] : memref<80x64xf32, #tpu.memory_space<vmem>> -> memref<40x64xf32, #tpu.memory_space<vmem>>
      %dma_start3A_365 = arith.constant 0 : i32
      %dma_start3A_366 = tpu.memref_slice %arg9[%dma_start3A_361, %dma_start3A_365] : memref<170x80xi32, #tpu.memory_space<vmem>> -> memref<1x40xi32, #tpu.memory_space<vmem>>
      %dma_start3A_367 = tpu.memref_squeeze %dma_start3A_366 : memref<1x40xi32, #tpu.memory_space<vmem>> -> memref<40xi32, #tpu.memory_space<vmem>>
      %dma_start3A_368 = arith.constant 0 : i32
      %dma_start3A_369 = arith.constant 0 : i32
      %dma_start3A_370 = tpu.memref_slice %arg3[%dma_start3A_368, %dma_start3A_369] : memref<10000x64xf32, #tpu.memory_space<hbm>> -> memref<10000x64xf32, #tpu.memory_space<hbm>>
      tpu.enqueue_indirect_dma source(%dma_start3A_370 : memref<10000x64xf32, #tpu.memory_space<hbm>>) target(%dma_start3A_364 : memref<40x64xf32, #tpu.memory_space<vmem>>) offsets(%dma_start3A_367 : memref<40xi32, #tpu.memory_space<vmem>>) semaphore(%arg22 : memref<!tpu.dma_semaphore, #tpu.memory_space<semaphore_mem>>)
      %dma_start3A_371 = arith.constant 0 : i32
      %dma_start3A_372 = arith.constant 40 : i32
      %dma_start3A_373 = arith.constant 0 : i32
      %dma_start3A_374 = tpu.memref_slice %arg11[%dma_start3A_372, %dma_start3A_373] : memref<80x64xf32, #tpu.memory_space<vmem>> -> memref<40x64xf32, #tpu.memory_space<vmem>>
      %dma_start3A_375 = arith.constant 40 : i32
      %dma_start3A_376 = tpu.memref_slice %arg9[%dma_start3A_371, %dma_start3A_375] : memref<170x80xi32, #tpu.memory_space<vmem>> -> memref<1x40xi32, #tpu.memory_space<vmem>>
      %dma_start3A_377 = tpu.memref_squeeze %dma_start3A_376 : memref<1x40xi32, #tpu.memory_space<vmem>> -> memref<40xi32, #tpu.memory_space<vmem>>
      %dma_start3A_378 = arith.constant 0 : i32
      %dma_start3A_379 = arith.constant 0 : i32
      %dma_start3A_380 = tpu.memref_slice %arg3[%dma_start3A_378, %dma_start3A_379] : memref<10000x64xf32, #tpu.memory_space<hbm>> -> memref<10000x64xf32, #tpu.memory_space<hbm>>
      tpu.enqueue_indirect_dma source(%dma_start3A_380 : memref<10000x64xf32, #tpu.memory_space<hbm>>) target(%dma_start3A_374 : memref<40x64xf32, #tpu.memory_space<vmem>>) offsets(%dma_start3A_377 : memref<40xi32, #tpu.memory_space<vmem>>) semaphore(%arg22 : memref<!tpu.dma_semaphore, #tpu.memory_space<semaphore_mem>>)
    } else {
    }
    %mul3A_31 = arith.constant 170 : i32
    %mul3A_32 = arith.muli %arg1, %mul3A_31 : i32
    %add3A_33 = arith.constant 0 : i32
    %add3A_34 = arith.addi %mul3A_32, %add3A_33 : i32
    %mul3A_35 = arith.constant 80 : i32
    %mul3A_36 = arith.muli %add3A_34, %mul3A_35 : i32
    %eq3A_37 = arith.constant 0 : i32
    %eq3A_38 = arith.cmpi eq, %arg0, %eq3A_37 : i32
    %convert_element_type3A_39 = arith.extui %eq3A_38 : i1 to i32
    %cond3A_40 = arith.constant 0 : i32
    %cond3A_41 = arith.cmpi ne, %convert_element_type3A_39, %cond3A_40 : i32
    scf.if %cond3A_41 {
      %dma_start3A_361 = arith.constant 0 : i32
      %dma_start3A_362 = tpu.memref_slice %arg4[%mul3A_36, %dma_start3A_361] : memref<217600x128xf32, #tpu.memory_space<hbm>> -> memref<80x64xf32, #tpu.memory_space<hbm>>
      %dma_start3A_363 = arith.constant 0 : i32
      %dma_start3A_364 = tpu.memref_slice %arg4[%mul3A_36, %dma_start3A_363] : memref<217600x128xf32, #tpu.memory_space<hbm>> -> memref<80x64xf32, #tpu.memory_space<hbm>>
      tpu.enqueue_dma source(%dma_start3A_364 : memref<80x64xf32, #tpu.memory_space<hbm>>) target(%arg14 : memref<80x64xf32, #tpu.memory_space<vmem>>) target_semaphore(%arg22 : memref<!tpu.dma_semaphore, #tpu.memory_space<semaphore_mem>>)
    } else {
    }
    %eq3A_42 = arith.constant 1 : i32
    %eq3A_43 = arith.cmpi eq, %arg0, %eq3A_42 : i32
    %convert_element_type3A_44 = arith.extui %eq3A_43 : i1 to i32
    %cond3A_45 = arith.constant 0 : i32
    %cond3A_46 = arith.cmpi ne, %convert_element_type3A_44, %cond3A_45 : i32
    scf.if %cond3A_46 {
      %dma_start3A_361 = arith.constant 64 : i32
      %dma_start3A_362 = tpu.memref_slice %arg4[%mul3A_36, %dma_start3A_361] : memref<217600x128xf32, #tpu.memory_space<hbm>> -> memref<80x64xf32, #tpu.memory_space<hbm>>
      %dma_start3A_363 = arith.constant 64 : i32
      %dma_start3A_364 = tpu.memref_slice %arg4[%mul3A_36, %dma_start3A_363] : memref<217600x128xf32, #tpu.memory_space<hbm>> -> memref<80x64xf32, #tpu.memory_space<hbm>>
      tpu.enqueue_dma source(%dma_start3A_364 : memref<80x64xf32, #tpu.memory_space<hbm>>) target(%arg14 : memref<80x64xf32, #tpu.memory_space<vmem>>) target_semaphore(%arg22 : memref<!tpu.dma_semaphore, #tpu.memory_space<semaphore_mem>>)
    } else {
    }
    %eq3A_47 = arith.constant 0 : i32
    %eq3A_48 = arith.cmpi eq, %arg0, %eq3A_47 : i32
    %convert_element_type3A_49 = arith.extui %eq3A_48 : i1 to i32
    %cond3A_50 = arith.constant 0 : i32
    %cond3A_51 = arith.cmpi ne, %convert_element_type3A_49, %cond3A_50 : i32
    scf.if %cond3A_51 {
      %dma_start3A_361 = arith.constant 1 : i32
      %dma_start3A_362 = arith.constant 0 : i32
      %dma_start3A_363 = arith.constant 0 : i32
      %dma_start3A_364 = tpu.memref_slice %arg12[%dma_start3A_362, %dma_start3A_363] : memref<80x64xf32, #tpu.memory_space<vmem>> -> memref<40x64xf32, #tpu.memory_space<vmem>>
      %dma_start3A_365 = arith.constant 0 : i32
      %dma_start3A_366 = tpu.memref_slice %arg9[%dma_start3A_361, %dma_start3A_365] : memref<170x80xi32, #tpu.memory_space<vmem>> -> memref<1x40xi32, #tpu.memory_space<vmem>>
      %dma_start3A_367 = tpu.memref_squeeze %dma_start3A_366 : memref<1x40xi32, #tpu.memory_space<vmem>> -> memref<40xi32, #tpu.memory_space<vmem>>
      %dma_start3A_368 = arith.constant 0 : i32
      %dma_start3A_369 = arith.constant 0 : i32
      %dma_start3A_370 = tpu.memref_slice %arg2[%dma_start3A_368, %dma_start3A_369] : memref<10000x64xf32, #tpu.memory_space<hbm>> -> memref<10000x64xf32, #tpu.memory_space<hbm>>
      tpu.enqueue_indirect_dma source(%dma_start3A_370 : memref<10000x64xf32, #tpu.memory_space<hbm>>) target(%dma_start3A_364 : memref<40x64xf32, #tpu.memory_space<vmem>>) offsets(%dma_start3A_367 : memref<40xi32, #tpu.memory_space<vmem>>) semaphore(%arg23 : memref<!tpu.dma_semaphore, #tpu.memory_space<semaphore_mem>>)
      %dma_start3A_371 = arith.constant 1 : i32
      %dma_start3A_372 = arith.constant 40 : i32
      %dma_start3A_373 = arith.constant 0 : i32
      %dma_start3A_374 = tpu.memref_slice %arg12[%dma_start3A_372, %dma_start3A_373] : memref<80x64xf32, #tpu.memory_space<vmem>> -> memref<40x64xf32, #tpu.memory_space<vmem>>
      %dma_start3A_375 = arith.constant 40 : i32
      %dma_start3A_376 = tpu.memref_slice %arg9[%dma_start3A_371, %dma_start3A_375] : memref<170x80xi32, #tpu.memory_space<vmem>> -> memref<1x40xi32, #tpu.memory_space<vmem>>
      %dma_start3A_377 = tpu.memref_squeeze %dma_start3A_376 : memref<1x40xi32, #tpu.memory_space<vmem>> -> memref<40xi32, #tpu.memory_space<vmem>>
      %dma_start3A_378 = arith.constant 0 : i32
      %dma_start3A_379 = arith.constant 0 : i32
      %dma_start3A_380 = tpu.memref_slice %arg2[%dma_start3A_378, %dma_start3A_379] : memref<10000x64xf32, #tpu.memory_space<hbm>> -> memref<10000x64xf32, #tpu.memory_space<hbm>>
      tpu.enqueue_indirect_dma source(%dma_start3A_380 : memref<10000x64xf32, #tpu.memory_space<hbm>>) target(%dma_start3A_374 : memref<40x64xf32, #tpu.memory_space<vmem>>) offsets(%dma_start3A_377 : memref<40xi32, #tpu.memory_space<vmem>>) semaphore(%arg23 : memref<!tpu.dma_semaphore, #tpu.memory_space<semaphore_mem>>)
    } else {
    }
    %eq3A_52 = arith.constant 1 : i32
    %eq3A_53 = arith.cmpi eq, %arg0, %eq3A_52 : i32
    %convert_element_type3A_54 = arith.extui %eq3A_53 : i1 to i32
    %cond3A_55 = arith.constant 0 : i32
    %cond3A_56 = arith.cmpi ne, %convert_element_type3A_54, %cond3A_55 : i32
    scf.if %cond3A_56 {
      %dma_start3A_361 = arith.constant 1 : i32
      %dma_start3A_362 = arith.constant 0 : i32
      %dma_start3A_363 = arith.constant 0 : i32
      %dma_start3A_364 = tpu.memref_slice %arg12[%dma_start3A_362, %dma_start3A_363] : memref<80x64xf32, #tpu.memory_space<vmem>> -> memref<40x64xf32, #tpu.memory_space<vmem>>
      %dma_start3A_365 = arith.constant 0 : i32
      %dma_start3A_366 = tpu.memref_slice %arg9[%dma_start3A_361, %dma_start3A_365] : memref<170x80xi32, #tpu.memory_space<vmem>> -> memref<1x40xi32, #tpu.memory_space<vmem>>
      %dma_start3A_367 = tpu.memref_squeeze %dma_start3A_366 : memref<1x40xi32, #tpu.memory_space<vmem>> -> memref<40xi32, #tpu.memory_space<vmem>>
      %dma_start3A_368 = arith.constant 0 : i32
      %dma_start3A_369 = arith.constant 0 : i32
      %dma_start3A_370 = tpu.memref_slice %arg3[%dma_start3A_368, %dma_start3A_369] : memref<10000x64xf32, #tpu.memory_space<hbm>> -> memref<10000x64xf32, #tpu.memory_space<hbm>>
      tpu.enqueue_indirect_dma source(%dma_start3A_370 : memref<10000x64xf32, #tpu.memory_space<hbm>>) target(%dma_start3A_364 : memref<40x64xf32, #tpu.memory_space<vmem>>) offsets(%dma_start3A_367 : memref<40xi32, #tpu.memory_space<vmem>>) semaphore(%arg23 : memref<!tpu.dma_semaphore, #tpu.memory_space<semaphore_mem>>)
      %dma_start3A_371 = arith.constant 1 : i32
      %dma_start3A_372 = arith.constant 40 : i32
      %dma_start3A_373 = arith.constant 0 : i32
      %dma_start3A_374 = tpu.memref_slice %arg12[%dma_start3A_372, %dma_start3A_373] : memref<80x64xf32, #tpu.memory_space<vmem>> -> memref<40x64xf32, #tpu.memory_space<vmem>>
      %dma_start3A_375 = arith.constant 40 : i32
      %dma_start3A_376 = tpu.memref_slice %arg9[%dma_start3A_371, %dma_start3A_375] : memref<170x80xi32, #tpu.memory_space<vmem>> -> memref<1x40xi32, #tpu.memory_space<vmem>>
      %dma_start3A_377 = tpu.memref_squeeze %dma_start3A_376 : memref<1x40xi32, #tpu.memory_space<vmem>> -> memref<40xi32, #tpu.memory_space<vmem>>
      %dma_start3A_378 = arith.constant 0 : i32
      %dma_start3A_379 = arith.constant 0 : i32
      %dma_start3A_380 = tpu.memref_slice %arg3[%dma_start3A_378, %dma_start3A_379] : memref<10000x64xf32, #tpu.memory_space<hbm>> -> memref<10000x64xf32, #tpu.memory_space<hbm>>
      tpu.enqueue_indirect_dma source(%dma_start3A_380 : memref<10000x64xf32, #tpu.memory_space<hbm>>) target(%dma_start3A_374 : memref<40x64xf32, #tpu.memory_space<vmem>>) offsets(%dma_start3A_377 : memref<40xi32, #tpu.memory_space<vmem>>) semaphore(%arg23 : memref<!tpu.dma_semaphore, #tpu.memory_space<semaphore_mem>>)
    } else {
    }
    %mul3A_57 = arith.constant 170 : i32
    %mul3A_58 = arith.muli %arg1, %mul3A_57 : i32
    %add3A_59 = arith.constant 1 : i32
    %add3A_60 = arith.addi %mul3A_58, %add3A_59 : i32
    %mul3A_61 = arith.constant 80 : i32
    %mul3A_62 = arith.muli %add3A_60, %mul3A_61 : i32
    %eq3A_63 = arith.constant 0 : i32
    %eq3A_64 = arith.cmpi eq, %arg0, %eq3A_63 : i32
    %convert_element_type3A_65 = arith.extui %eq3A_64 : i1 to i32
    %cond3A_66 = arith.constant 0 : i32
    %cond3A_67 = arith.cmpi ne, %convert_element_type3A_65, %cond3A_66 : i32
    scf.if %cond3A_67 {
      %dma_start3A_361 = arith.constant 0 : i32
      %dma_start3A_362 = tpu.memref_slice %arg4[%mul3A_62, %dma_start3A_361] : memref<217600x128xf32, #tpu.memory_space<hbm>> -> memref<80x64xf32, #tpu.memory_space<hbm>>
      %dma_start3A_363 = arith.constant 0 : i32
      %dma_start3A_364 = tpu.memref_slice %arg4[%mul3A_62, %dma_start3A_363] : memref<217600x128xf32, #tpu.memory_space<hbm>> -> memref<80x64xf32, #tpu.memory_space<hbm>>
      tpu.enqueue_dma source(%dma_start3A_364 : memref<80x64xf32, #tpu.memory_space<hbm>>) target(%arg15 : memref<80x64xf32, #tpu.memory_space<vmem>>) target_semaphore(%arg23 : memref<!tpu.dma_semaphore, #tpu.memory_space<semaphore_mem>>)
    } else {
    }
    %eq3A_68 = arith.constant 1 : i32
    %eq3A_69 = arith.cmpi eq, %arg0, %eq3A_68 : i32
    %convert_element_type3A_70 = arith.extui %eq3A_69 : i1 to i32
    %cond3A_71 = arith.constant 0 : i32
    %cond3A_72 = arith.cmpi ne, %convert_element_type3A_70, %cond3A_71 : i32
    scf.if %cond3A_72 {
      %dma_start3A_361 = arith.constant 64 : i32
      %dma_start3A_362 = tpu.memref_slice %arg4[%mul3A_62, %dma_start3A_361] : memref<217600x128xf32, #tpu.memory_space<hbm>> -> memref<80x64xf32, #tpu.memory_space<hbm>>
      %dma_start3A_363 = arith.constant 64 : i32
      %dma_start3A_364 = tpu.memref_slice %arg4[%mul3A_62, %dma_start3A_363] : memref<217600x128xf32, #tpu.memory_space<hbm>> -> memref<80x64xf32, #tpu.memory_space<hbm>>
      tpu.enqueue_dma source(%dma_start3A_364 : memref<80x64xf32, #tpu.memory_space<hbm>>) target(%arg15 : memref<80x64xf32, #tpu.memory_space<vmem>>) target_semaphore(%arg23 : memref<!tpu.dma_semaphore, #tpu.memory_space<semaphore_mem>>)
    } else {
    }
    %eq3A_73 = arith.constant 0 : i32
    %eq3A_74 = arith.cmpi eq, %arg0, %eq3A_73 : i32
    %convert_element_type3A_75 = arith.extui %eq3A_74 : i1 to i32
    %cond3A_76 = arith.constant 0 : i32
    %cond3A_77 = arith.cmpi ne, %convert_element_type3A_75, %cond3A_76 : i32
    scf.if %cond3A_77 {
      %dma_start3A_361 = arith.constant 2 : i32
      %dma_start3A_362 = arith.constant 0 : i32
      %dma_start3A_363 = arith.constant 0 : i32
      %dma_start3A_364 = tpu.memref_slice %arg13[%dma_start3A_362, %dma_start3A_363] : memref<80x64xf32, #tpu.memory_space<vmem>> -> memref<40x64xf32, #tpu.memory_space<vmem>>
      %dma_start3A_365 = arith.constant 0 : i32
      %dma_start3A_366 = tpu.memref_slice %arg9[%dma_start3A_361, %dma_start3A_365] : memref<170x80xi32, #tpu.memory_space<vmem>> -> memref<1x40xi32, #tpu.memory_space<vmem>>
      %dma_start3A_367 = tpu.memref_squeeze %dma_start3A_366 : memref<1x40xi32, #tpu.memory_space<vmem>> -> memref<40xi32, #tpu.memory_space<vmem>>
      %dma_start3A_368 = arith.constant 0 : i32
      %dma_start3A_369 = arith.constant 0 : i32
      %dma_start3A_370 = tpu.memref_slice %arg2[%dma_start3A_368, %dma_start3A_369] : memref<10000x64xf32, #tpu.memory_space<hbm>> -> memref<10000x64xf32, #tpu.memory_space<hbm>>
      tpu.enqueue_indirect_dma source(%dma_start3A_370 : memref<10000x64xf32, #tpu.memory_space<hbm>>) target(%dma_start3A_364 : memref<40x64xf32, #tpu.memory_space<vmem>>) offsets(%dma_start3A_367 : memref<40xi32, #tpu.memory_space<vmem>>) semaphore(%arg24 : memref<!tpu.dma_semaphore, #tpu.memory_space<semaphore_mem>>)
      %dma_start3A_371 = arith.constant 2 : i32
      %dma_start3A_372 = arith.constant 40 : i32
      %dma_start3A_373 = arith.constant 0 : i32
      %dma_start3A_374 = tpu.memref_slice %arg13[%dma_start3A_372, %dma_start3A_373] : memref<80x64xf32, #tpu.memory_space<vmem>> -> memref<40x64xf32, #tpu.memory_space<vmem>>
      %dma_start3A_375 = arith.constant 40 : i32
      %dma_start3A_376 = tpu.memref_slice %arg9[%dma_start3A_371, %dma_start3A_375] : memref<170x80xi32, #tpu.memory_space<vmem>> -> memref<1x40xi32, #tpu.memory_space<vmem>>
      %dma_start3A_377 = tpu.memref_squeeze %dma_start3A_376 : memref<1x40xi32, #tpu.memory_space<vmem>> -> memref<40xi32, #tpu.memory_space<vmem>>
      %dma_start3A_378 = arith.constant 0 : i32
      %dma_start3A_379 = arith.constant 0 : i32
      %dma_start3A_380 = tpu.memref_slice %arg2[%dma_start3A_378, %dma_start3A_379] : memref<10000x64xf32, #tpu.memory_space<hbm>> -> memref<10000x64xf32, #tpu.memory_space<hbm>>
      tpu.enqueue_indirect_dma source(%dma_start3A_380 : memref<10000x64xf32, #tpu.memory_space<hbm>>) target(%dma_start3A_374 : memref<40x64xf32, #tpu.memory_space<vmem>>) offsets(%dma_start3A_377 : memref<40xi32, #tpu.memory_space<vmem>>) semaphore(%arg24 : memref<!tpu.dma_semaphore, #tpu.memory_space<semaphore_mem>>)
    } else {
    }
    %eq3A_78 = arith.constant 1 : i32
    %eq3A_79 = arith.cmpi eq, %arg0, %eq3A_78 : i32
    %convert_element_type3A_80 = arith.extui %eq3A_79 : i1 to i32
    %cond3A_81 = arith.constant 0 : i32
    %cond3A_82 = arith.cmpi ne, %convert_element_type3A_80, %cond3A_81 : i32
    scf.if %cond3A_82 {
      %dma_start3A_361 = arith.constant 2 : i32
      %dma_start3A_362 = arith.constant 0 : i32
      %dma_start3A_363 = arith.constant 0 : i32
      %dma_start3A_364 = tpu.memref_slice %arg13[%dma_start3A_362, %dma_start3A_363] : memref<80x64xf32, #tpu.memory_space<vmem>> -> memref<40x64xf32, #tpu.memory_space<vmem>>
      %dma_start3A_365 = arith.constant 0 : i32
      %dma_start3A_366 = tpu.memref_slice %arg9[%dma_start3A_361, %dma_start3A_365] : memref<170x80xi32, #tpu.memory_space<vmem>> -> memref<1x40xi32, #tpu.memory_space<vmem>>
      %dma_start3A_367 = tpu.memref_squeeze %dma_start3A_366 : memref<1x40xi32, #tpu.memory_space<vmem>> -> memref<40xi32, #tpu.memory_space<vmem>>
      %dma_start3A_368 = arith.constant 0 : i32
      %dma_start3A_369 = arith.constant 0 : i32
      %dma_start3A_370 = tpu.memref_slice %arg3[%dma_start3A_368, %dma_start3A_369] : memref<10000x64xf32, #tpu.memory_space<hbm>> -> memref<10000x64xf32, #tpu.memory_space<hbm>>
      tpu.enqueue_indirect_dma source(%dma_start3A_370 : memref<10000x64xf32, #tpu.memory_space<hbm>>) target(%dma_start3A_364 : memref<40x64xf32, #tpu.memory_space<vmem>>) offsets(%dma_start3A_367 : memref<40xi32, #tpu.memory_space<vmem>>) semaphore(%arg24 : memref<!tpu.dma_semaphore, #tpu.memory_space<semaphore_mem>>)
      %dma_start3A_371 = arith.constant 2 : i32
      %dma_start3A_372 = arith.constant 40 : i32
      %dma_start3A_373 = arith.constant 0 : i32
      %dma_start3A_374 = tpu.memref_slice %arg13[%dma_start3A_372, %dma_start3A_373] : memref<80x64xf32, #tpu.memory_space<vmem>> -> memref<40x64xf32, #tpu.memory_space<vmem>>
      %dma_start3A_375 = arith.constant 40 : i32
      %dma_start3A_376 = tpu.memref_slice %arg9[%dma_start3A_371, %dma_start3A_375] : memref<170x80xi32, #tpu.memory_space<vmem>> -> memref<1x40xi32, #tpu.memory_space<vmem>>
      %dma_start3A_377 = tpu.memref_squeeze %dma_start3A_376 : memref<1x40xi32, #tpu.memory_space<vmem>> -> memref<40xi32, #tpu.memory_space<vmem>>
      %dma_start3A_378 = arith.constant 0 : i32
      %dma_start3A_379 = arith.constant 0 : i32
      %dma_start3A_380 = tpu.memref_slice %arg3[%dma_start3A_378, %dma_start3A_379] : memref<10000x64xf32, #tpu.memory_space<hbm>> -> memref<10000x64xf32, #tpu.memory_space<hbm>>
      tpu.enqueue_indirect_dma source(%dma_start3A_380 : memref<10000x64xf32, #tpu.memory_space<hbm>>) target(%dma_start3A_374 : memref<40x64xf32, #tpu.memory_space<vmem>>) offsets(%dma_start3A_377 : memref<40xi32, #tpu.memory_space<vmem>>) semaphore(%arg24 : memref<!tpu.dma_semaphore, #tpu.memory_space<semaphore_mem>>)
    } else {
    }
    %mul3A_83 = arith.constant 170 : i32
    %mul3A_84 = arith.muli %arg1, %mul3A_83 : i32
    %add3A_85 = arith.constant 2 : i32
    %add3A_86 = arith.addi %mul3A_84, %add3A_85 : i32
    %mul3A_87 = arith.constant 80 : i32
    %mul3A_88 = arith.muli %add3A_86, %mul3A_87 : i32
    %eq3A_89 = arith.constant 0 : i32
    %eq3A_90 = arith.cmpi eq, %arg0, %eq3A_89 : i32
    %convert_element_type3A_91 = arith.extui %eq3A_90 : i1 to i32
    %cond3A_92 = arith.constant 0 : i32
    %cond3A_93 = arith.cmpi ne, %convert_element_type3A_91, %cond3A_92 : i32
    scf.if %cond3A_93 {
      %dma_start3A_361 = arith.constant 0 : i32
      %dma_start3A_362 = tpu.memref_slice %arg4[%mul3A_88, %dma_start3A_361] : memref<217600x128xf32, #tpu.memory_space<hbm>> -> memref<80x64xf32, #tpu.memory_space<hbm>>
      %dma_start3A_363 = arith.constant 0 : i32
      %dma_start3A_364 = tpu.memref_slice %arg4[%mul3A_88, %dma_start3A_363] : memref<217600x128xf32, #tpu.memory_space<hbm>> -> memref<80x64xf32, #tpu.memory_space<hbm>>
      tpu.enqueue_dma source(%dma_start3A_364 : memref<80x64xf32, #tpu.memory_space<hbm>>) target(%arg16 : memref<80x64xf32, #tpu.memory_space<vmem>>) target_semaphore(%arg24 : memref<!tpu.dma_semaphore, #tpu.memory_space<semaphore_mem>>)
    } else {
    }
    %eq3A_94 = arith.constant 1 : i32
    %eq3A_95 = arith.cmpi eq, %arg0, %eq3A_94 : i32
    %convert_element_type3A_96 = arith.extui %eq3A_95 : i1 to i32
    %cond3A_97 = arith.constant 0 : i32
    %cond3A_98 = arith.cmpi ne, %convert_element_type3A_96, %cond3A_97 : i32
    scf.if %cond3A_98 {
      %dma_start3A_361 = arith.constant 64 : i32
      %dma_start3A_362 = tpu.memref_slice %arg4[%mul3A_88, %dma_start3A_361] : memref<217600x128xf32, #tpu.memory_space<hbm>> -> memref<80x64xf32, #tpu.memory_space<hbm>>
      %dma_start3A_363 = arith.constant 64 : i32
      %dma_start3A_364 = tpu.memref_slice %arg4[%mul3A_88, %dma_start3A_363] : memref<217600x128xf32, #tpu.memory_space<hbm>> -> memref<80x64xf32, #tpu.memory_space<hbm>>
      tpu.enqueue_dma source(%dma_start3A_364 : memref<80x64xf32, #tpu.memory_space<hbm>>) target(%arg16 : memref<80x64xf32, #tpu.memory_space<vmem>>) target_semaphore(%arg24 : memref<!tpu.dma_semaphore, #tpu.memory_space<semaphore_mem>>)
    } else {
    }
    %dma_wait3A = arith.constant 0 : i32
    %dma_wait3A_99 = arith.constant 0 : i32
    %dma_wait3A_100 = tpu.memref_slice %arg9[%dma_wait3A, %dma_wait3A_99] : memref<170x80xi32, #tpu.memory_space<vmem>> -> memref<1x80xi32, #tpu.memory_space<vmem>>
    %dma_wait3A_101 = tpu.memref_squeeze %dma_wait3A_100 : memref<1x80xi32, #tpu.memory_space<vmem>> -> memref<80xi32, #tpu.memory_space<vmem>>
    %dma_wait3A_102 = arith.constant 0 : i32
    %dma_wait3A_103 = arith.constant 0 : i32
    %dma_wait3A_104 = tpu.memref_slice %arg2[%dma_wait3A_102, %dma_wait3A_103] : memref<10000x64xf32, #tpu.memory_space<hbm>> -> memref<10000x64xf32, #tpu.memory_space<hbm>>
    tpu.wait_indirect_dma semaphore(%arg22 : memref<!tpu.dma_semaphore, #tpu.memory_space<semaphore_mem>>) src(%dma_wait3A_104 : memref<10000x64xf32, #tpu.memory_space<hbm>>) dst(%arg11 : memref<80x64xf32, #tpu.memory_space<vmem>>)
    %dma_wait3A_105 = arith.constant 0 : i32
    %dma_wait3A_106 = arith.constant 0 : i32
    %dma_wait3A_107 = tpu.memref_slice %arg4[%dma_wait3A_105, %dma_wait3A_106] : memref<217600x128xf32, #tpu.memory_space<hbm>> -> memref<80x64xf32, #tpu.memory_space<hbm>>
    %dma_wait3A_108 = arith.constant 0 : i32
    %dma_wait3A_109 = arith.constant 0 : i32
    %dma_wait3A_110 = tpu.memref_slice %arg4[%dma_wait3A_108, %dma_wait3A_109] : memref<217600x128xf32, #tpu.memory_space<hbm>> -> memref<80x64xf32, #tpu.memory_space<hbm>>
    tpu.wait_dma2 semaphore(%arg22 : memref<!tpu.dma_semaphore, #tpu.memory_space<semaphore_mem>>) src(%dma_wait3A_110 : memref<80x64xf32, #tpu.memory_space<hbm>>) dst(%arg14 : memref<80x64xf32, #tpu.memory_space<vmem>>)
    %scan3A_111 = arith.constant 0 : i32
    %scan3A_112 = arith.constant 0 : i32
    %scan3A_113 = arith.constant 80 : i32
    %scan3A_114 = arith.addi %scan3A_112, %scan3A_113 : i32
    %scan3A_115 = arith.constant 1 : i32
    scf.for %scan3A_361 = %scan3A_112 to %scan3A_114 step %scan3A_115  : i32 {
      %get3A = arith.index_cast %scan3A_361 : i32 to index
      %get3A_362 = arith.constant 0 : index
      %get3A_363 = tpu.vector_load %arg11[%get3A, %get3A_362] {strides = array<i32>} : memref<80x64xf32, #tpu.memory_space<vmem>>, vector<16xf32>,
      %get3A_364 = arith.index_cast %scan3A_361 : i32 to index
      %get3A_365 = arith.constant 0 : index
      %get3A_366 = tpu.vector_load %arg14[%get3A_364, %get3A_365] {strides = array<i32>} : memref<80x64xf32, #tpu.memory_space<vmem>>, vector<16xf32>,
      %mul3A_367 = arith.mulf %get3A_363, %get3A_366 : vector<16xf32>
      %swap3A = arith.index_cast %scan3A_361 : i32 to index
      %swap3A_368 = arith.constant 0 : index
      %swap3A_369 = tpu.vector_load %arg17[%swap3A, %swap3A_368] {strides = array<i32>} : memref<80x64xf32, #tpu.memory_space<vmem>>, vector<16xf32>,
      tpu.vector_store %arg17[%swap3A, %swap3A_368], %mul3A_367 {strides = array<i32>} : memref<80x64xf32, #tpu.memory_space<vmem>>, vector<16xf32>,
      %get3A_370 = arith.index_cast %scan3A_361 : i32 to index
      %get3A_371 = arith.constant 16 : index
      %get3A_372 = tpu.vector_load %arg11[%get3A_370, %get3A_371] {strides = array<i32>} : memref<80x64xf32, #tpu.memory_space<vmem>>, vector<16xf32>,
      %get3A_373 = arith.index_cast %scan3A_361 : i32 to index
      %get3A_374 = arith.constant 16 : index
      %get3A_375 = tpu.vector_load %arg14[%get3A_373, %get3A_374] {strides = array<i32>} : memref<80x64xf32, #tpu.memory_space<vmem>>, vector<16xf32>,
      %mul3A_376 = arith.mulf %get3A_372, %get3A_375 : vector<16xf32>
      %swap3A_377 = arith.index_cast %scan3A_361 : i32 to index
      %swap3A_378 = arith.constant 16 : index
      %swap3A_379 = tpu.vector_load %arg17[%swap3A_377, %swap3A_378] {strides = array<i32>} : memref<80x64xf32, #tpu.memory_space<vmem>>, vector<16xf32>,
      tpu.vector_store %arg17[%swap3A_377, %swap3A_378], %mul3A_376 {strides = array<i32>} : memref<80x64xf32, #tpu.memory_space<vmem>>, vector<16xf32>,
      %get3A_380 = arith.index_cast %scan3A_361 : i32 to index
      %get3A_381 = arith.constant 32 : index
      %get3A_382 = tpu.vector_load %arg11[%get3A_380, %get3A_381] {strides = array<i32>} : memref<80x64xf32, #tpu.memory_space<vmem>>, vector<16xf32>,
      %get3A_383 = arith.index_cast %scan3A_361 : i32 to index
      %get3A_384 = arith.constant 32 : index
      %get3A_385 = tpu.vector_load %arg14[%get3A_383, %get3A_384] {strides = array<i32>} : memref<80x64xf32, #tpu.memory_space<vmem>>, vector<16xf32>,
      %mul3A_386 = arith.mulf %get3A_382, %get3A_385 : vector<16xf32>
      %swap3A_387 = arith.index_cast %scan3A_361 : i32 to index
      %swap3A_388 = arith.constant 32 : index
      %swap3A_389 = tpu.vector_load %arg17[%swap3A_387, %swap3A_388] {strides = array<i32>} : memref<80x64xf32, #tpu.memory_space<vmem>>, vector<16xf32>,
      tpu.vector_store %arg17[%swap3A_387, %swap3A_388], %mul3A_386 {strides = array<i32>} : memref<80x64xf32, #tpu.memory_space<vmem>>, vector<16xf32>,
      %get3A_390 = arith.index_cast %scan3A_361 : i32 to index
      %get3A_391 = arith.constant 48 : index
      %get3A_392 = tpu.vector_load %arg11[%get3A_390, %get3A_391] {strides = array<i32>} : memref<80x64xf32, #tpu.memory_space<vmem>>, vector<16xf32>,
      %get3A_393 = arith.index_cast %scan3A_361 : i32 to index
      %get3A_394 = arith.constant 48 : index
      %get3A_395 = tpu.vector_load %arg14[%get3A_393, %get3A_394] {strides = array<i32>} : memref<80x64xf32, #tpu.memory_space<vmem>>, vector<16xf32>,
      %mul3A_396 = arith.mulf %get3A_392, %get3A_395 : vector<16xf32>
      %swap3A_397 = arith.index_cast %scan3A_361 : i32 to index
      %swap3A_398 = arith.constant 48 : index
      %swap3A_399 = tpu.vector_load %arg17[%swap3A_397, %swap3A_398] {strides = array<i32>} : memref<80x64xf32, #tpu.memory_space<vmem>>, vector<16xf32>,
      tpu.vector_store %arg17[%swap3A_397, %swap3A_398], %mul3A_396 {strides = array<i32>} : memref<80x64xf32, #tpu.memory_space<vmem>>, vector<16xf32>,
    }
    %scan3A_116 = arith.constant 80 : i32
    %dma_start3A = arith.constant 0 : i32
    %dma_start3A_117 = arith.constant 0 : i32
    %dma_start3A_118 = tpu.memref_slice %arg10[%dma_start3A, %dma_start3A_117] : memref<170x80xi32, #tpu.memory_space<vmem>> -> memref<1x80xi32, #tpu.memory_space<vmem>>
    %dma_start3A_119 = tpu.memref_squeeze %dma_start3A_118 : memref<1x80xi32, #tpu.memory_space<vmem>> -> memref<80xi32, #tpu.memory_space<vmem>>
    %dma_start3A_120 = arith.constant 0 : i32
    %dma_start3A_121 = arith.constant 0 : i32
    %dma_start3A_122 = tpu.memref_slice %arg21[%dma_start3A_120, %dma_start3A_121] : memref<10240x64xf32, #tpu.memory_space<vmem_shared>> -> memref<10240x64xf32, #tpu.memory_space<vmem_shared>>
    tpu.enqueue_indirect_dma source(%arg17 : memref<80x64xf32, #tpu.memory_space<vmem>>) target(%dma_start3A_122 : memref<10240x64xf32, #tpu.memory_space<vmem_shared>>) offsets(%dma_start3A_119 : memref<80xi32, #tpu.memory_space<vmem>>) semaphore(%arg25 : memref<!tpu.dma_semaphore, #tpu.memory_space<semaphore_mem>>) {add = true}
    %eq3A_123 = arith.constant 0 : i32
    %eq3A_124 = arith.cmpi eq, %arg0, %eq3A_123 : i32
    %convert_element_type3A_125 = arith.extui %eq3A_124 : i1 to i32
    %cond3A_126 = arith.constant 0 : i32
    %cond3A_127 = arith.cmpi ne, %convert_element_type3A_125, %cond3A_126 : i32
    scf.if %cond3A_127 {
      %dma_start3A_361 = arith.constant 3 : i32
      %dma_start3A_362 = arith.constant 0 : i32
      %dma_start3A_363 = arith.constant 0 : i32
      %dma_start3A_364 = tpu.memref_slice %arg11[%dma_start3A_362, %dma_start3A_363] : memref<80x64xf32, #tpu.memory_space<vmem>> -> memref<40x64xf32, #tpu.memory_space<vmem>>
      %dma_start3A_365 = arith.constant 0 : i32
      %dma_start3A_366 = tpu.memref_slice %arg9[%dma_start3A_361, %dma_start3A_365] : memref<170x80xi32, #tpu.memory_space<vmem>> -> memref<1x40xi32, #tpu.memory_space<vmem>>
      %dma_start3A_367 = tpu.memref_squeeze %dma_start3A_366 : memref<1x40xi32, #tpu.memory_space<vmem>> -> memref<40xi32, #tpu.memory_space<vmem>>
      %dma_start3A_368 = arith.constant 0 : i32
      %dma_start3A_369 = arith.constant 0 : i32
      %dma_start3A_370 = tpu.memref_slice %arg2[%dma_start3A_368, %dma_start3A_369] : memref<10000x64xf32, #tpu.memory_space<hbm>> -> memref<10000x64xf32, #tpu.memory_space<hbm>>
      tpu.enqueue_indirect_dma source(%dma_start3A_370 : memref<10000x64xf32, #tpu.memory_space<hbm>>) target(%dma_start3A_364 : memref<40x64xf32, #tpu.memory_space<vmem>>) offsets(%dma_start3A_367 : memref<40xi32, #tpu.memory_space<vmem>>) semaphore(%arg22 : memref<!tpu.dma_semaphore, #tpu.memory_space<semaphore_mem>>)
      %dma_start3A_371 = arith.constant 3 : i32
      %dma_start3A_372 = arith.constant 40 : i32
      %dma_start3A_373 = arith.constant 0 : i32
      %dma_start3A_374 = tpu.memref_slice %arg11[%dma_start3A_372, %dma_start3A_373] : memref<80x64xf32, #tpu.memory_space<vmem>> -> memref<40x64xf32, #tpu.memory_space<vmem>>
      %dma_start3A_375 = arith.constant 40 : i32
      %dma_start3A_376 = tpu.memref_slice %arg9[%dma_start3A_371, %dma_start3A_375] : memref<170x80xi32, #tpu.memory_space<vmem>> -> memref<1x40xi32, #tpu.memory_space<vmem>>
      %dma_start3A_377 = tpu.memref_squeeze %dma_start3A_376 : memref<1x40xi32, #tpu.memory_space<vmem>> -> memref<40xi32, #tpu.memory_space<vmem>>
      %dma_start3A_378 = arith.constant 0 : i32
      %dma_start3A_379 = arith.constant 0 : i32
      %dma_start3A_380 = tpu.memref_slice %arg2[%dma_start3A_378, %dma_start3A_379] : memref<10000x64xf32, #tpu.memory_space<hbm>> -> memref<10000x64xf32, #tpu.memory_space<hbm>>
      tpu.enqueue_indirect_dma source(%dma_start3A_380 : memref<10000x64xf32, #tpu.memory_space<hbm>>) target(%dma_start3A_374 : memref<40x64xf32, #tpu.memory_space<vmem>>) offsets(%dma_start3A_377 : memref<40xi32, #tpu.memory_space<vmem>>) semaphore(%arg22 : memref<!tpu.dma_semaphore, #tpu.memory_space<semaphore_mem>>)
    } else {
    }
    %eq3A_128 = arith.constant 1 : i32
    %eq3A_129 = arith.cmpi eq, %arg0, %eq3A_128 : i32
    %convert_element_type3A_130 = arith.extui %eq3A_129 : i1 to i32
    %cond3A_131 = arith.constant 0 : i32
    %cond3A_132 = arith.cmpi ne, %convert_element_type3A_130, %cond3A_131 : i32
    scf.if %cond3A_132 {
      %dma_start3A_361 = arith.constant 3 : i32
      %dma_start3A_362 = arith.constant 0 : i32
      %dma_start3A_363 = arith.constant 0 : i32
      %dma_start3A_364 = tpu.memref_slice %arg11[%dma_start3A_362, %dma_start3A_363] : memref<80x64xf32, #tpu.memory_space<vmem>> -> memref<40x64xf32, #tpu.memory_space<vmem>>
      %dma_start3A_365 = arith.constant 0 : i32
      %dma_start3A_366 = tpu.memref_slice %arg9[%dma_start3A_361, %dma_start3A_365] : memref<170x80xi32, #tpu.memory_space<vmem>> -> memref<1x40xi32, #tpu.memory_space<vmem>>
      %dma_start3A_367 = tpu.memref_squeeze %dma_start3A_366 : memref<1x40xi32, #tpu.memory_space<vmem>> -> memref<40xi32, #tpu.memory_space<vmem>>
      %dma_start3A_368 = arith.constant 0 : i32
      %dma_start3A_369 = arith.constant 0 : i32
      %dma_start3A_370 = tpu.memref_slice %arg3[%dma_start3A_368, %dma_start3A_369] : memref<10000x64xf32, #tpu.memory_space<hbm>> -> memref<10000x64xf32, #tpu.memory_space<hbm>>
      tpu.enqueue_indirect_dma source(%dma_start3A_370 : memref<10000x64xf32, #tpu.memory_space<hbm>>) target(%dma_start3A_364 : memref<40x64xf32, #tpu.memory_space<vmem>>) offsets(%dma_start3A_367 : memref<40xi32, #tpu.memory_space<vmem>>) semaphore(%arg22 : memref<!tpu.dma_semaphore, #tpu.memory_space<semaphore_mem>>)
      %dma_start3A_371 = arith.constant 3 : i32
      %dma_start3A_372 = arith.constant 40 : i32
      %dma_start3A_373 = arith.constant 0 : i32
      %dma_start3A_374 = tpu.memref_slice %arg11[%dma_start3A_372, %dma_start3A_373] : memref<80x64xf32, #tpu.memory_space<vmem>> -> memref<40x64xf32, #tpu.memory_space<vmem>>
      %dma_start3A_375 = arith.constant 40 : i32
      %dma_start3A_376 = tpu.memref_slice %arg9[%dma_start3A_371, %dma_start3A_375] : memref<170x80xi32, #tpu.memory_space<vmem>> -> memref<1x40xi32, #tpu.memory_space<vmem>>
      %dma_start3A_377 = tpu.memref_squeeze %dma_start3A_376 : memref<1x40xi32, #tpu.memory_space<vmem>> -> memref<40xi32, #tpu.memory_space<vmem>>
      %dma_start3A_378 = arith.constant 0 : i32
      %dma_start3A_379 = arith.constant 0 : i32
      %dma_start3A_380 = tpu.memref_slice %arg3[%dma_start3A_378, %dma_start3A_379] : memref<10000x64xf32, #tpu.memory_space<hbm>> -> memref<10000x64xf32, #tpu.memory_space<hbm>>
      tpu.enqueue_indirect_dma source(%dma_start3A_380 : memref<10000x64xf32, #tpu.memory_space<hbm>>) target(%dma_start3A_374 : memref<40x64xf32, #tpu.memory_space<vmem>>) offsets(%dma_start3A_377 : memref<40xi32, #tpu.memory_space<vmem>>) semaphore(%arg22 : memref<!tpu.dma_semaphore, #tpu.memory_space<semaphore_mem>>)
    } else {
    }
    %mul3A_133 = arith.constant 170 : i32
    %mul3A_134 = arith.muli %arg1, %mul3A_133 : i32
    %add3A_135 = arith.constant 3 : i32
    %add3A_136 = arith.addi %mul3A_134, %add3A_135 : i32
    %mul3A_137 = arith.constant 80 : i32
    %mul3A_138 = arith.muli %add3A_136, %mul3A_137 : i32
    %eq3A_139 = arith.constant 0 : i32
    %eq3A_140 = arith.cmpi eq, %arg0, %eq3A_139 : i32
    %convert_element_type3A_141 = arith.extui %eq3A_140 : i1 to i32
    %cond3A_142 = arith.constant 0 : i32
    %cond3A_143 = arith.cmpi ne, %convert_element_type3A_141, %cond3A_142 : i32
    scf.if %cond3A_143 {
      %dma_start3A_361 = arith.constant 0 : i32
      %dma_start3A_362 = tpu.memref_slice %arg4[%mul3A_138, %dma_start3A_361] : memref<217600x128xf32, #tpu.memory_space<hbm>> -> memref<80x64xf32, #tpu.memory_space<hbm>>
      %dma_start3A_363 = arith.constant 0 : i32
      %dma_start3A_364 = tpu.memref_slice %arg4[%mul3A_138, %dma_start3A_363] : memref<217600x128xf32, #tpu.memory_space<hbm>> -> memref<80x64xf32, #tpu.memory_space<hbm>>
      tpu.enqueue_dma source(%dma_start3A_364 : memref<80x64xf32, #tpu.memory_space<hbm>>) target(%arg14 : memref<80x64xf32, #tpu.memory_space<vmem>>) target_semaphore(%arg22 : memref<!tpu.dma_semaphore, #tpu.memory_space<semaphore_mem>>)
    } else {
    }
    %eq3A_144 = arith.constant 1 : i32
    %eq3A_145 = arith.cmpi eq, %arg0, %eq3A_144 : i32
    %convert_element_type3A_146 = arith.extui %eq3A_145 : i1 to i32
    %cond3A_147 = arith.constant 0 : i32
    %cond3A_148 = arith.cmpi ne, %convert_element_type3A_146, %cond3A_147 : i32
    scf.if %cond3A_148 {
      %dma_start3A_361 = arith.constant 64 : i32
      %dma_start3A_362 = tpu.memref_slice %arg4[%mul3A_138, %dma_start3A_361] : memref<217600x128xf32, #tpu.memory_space<hbm>> -> memref<80x64xf32, #tpu.memory_space<hbm>>
      %dma_start3A_363 = arith.constant 64 : i32
      %dma_start3A_364 = tpu.memref_slice %arg4[%mul3A_138, %dma_start3A_363] : memref<217600x128xf32, #tpu.memory_space<hbm>> -> memref<80x64xf32, #tpu.memory_space<hbm>>
      tpu.enqueue_dma source(%dma_start3A_364 : memref<80x64xf32, #tpu.memory_space<hbm>>) target(%arg14 : memref<80x64xf32, #tpu.memory_space<vmem>>) target_semaphore(%arg22 : memref<!tpu.dma_semaphore, #tpu.memory_space<semaphore_mem>>)
    } else {
    }
    %dma_wait3A_149 = arith.constant 1 : i32
    %dma_wait3A_150 = arith.constant 0 : i32
    %dma_wait3A_151 = tpu.memref_slice %arg9[%dma_wait3A_149, %dma_wait3A_150] : memref<170x80xi32, #tpu.memory_space<vmem>> -> memref<1x80xi32, #tpu.memory_space<vmem>>
    %dma_wait3A_152 = tpu.memref_squeeze %dma_wait3A_151 : memref<1x80xi32, #tpu.memory_space<vmem>> -> memref<80xi32, #tpu.memory_space<vmem>>
    %dma_wait3A_153 = arith.constant 0 : i32
    %dma_wait3A_154 = arith.constant 0 : i32
    %dma_wait3A_155 = tpu.memref_slice %arg2[%dma_wait3A_153, %dma_wait3A_154] : memref<10000x64xf32, #tpu.memory_space<hbm>> -> memref<10000x64xf32, #tpu.memory_space<hbm>>
    tpu.wait_indirect_dma semaphore(%arg23 : memref<!tpu.dma_semaphore, #tpu.memory_space<semaphore_mem>>) src(%dma_wait3A_155 : memref<10000x64xf32, #tpu.memory_space<hbm>>) dst(%arg12 : memref<80x64xf32, #tpu.memory_space<vmem>>)
    %dma_wait3A_156 = arith.constant 0 : i32
    %dma_wait3A_157 = arith.constant 0 : i32
    %dma_wait3A_158 = tpu.memref_slice %arg4[%dma_wait3A_156, %dma_wait3A_157] : memref<217600x128xf32, #tpu.memory_space<hbm>> -> memref<80x64xf32, #tpu.memory_space<hbm>>
    %dma_wait3A_159 = arith.constant 0 : i32
    %dma_wait3A_160 = arith.constant 0 : i32
    %dma_wait3A_161 = tpu.memref_slice %arg4[%dma_wait3A_159, %dma_wait3A_160] : memref<217600x128xf32, #tpu.memory_space<hbm>> -> memref<80x64xf32, #tpu.memory_space<hbm>>
    tpu.wait_dma2 semaphore(%arg23 : memref<!tpu.dma_semaphore, #tpu.memory_space<semaphore_mem>>) src(%dma_wait3A_161 : memref<80x64xf32, #tpu.memory_space<hbm>>) dst(%arg15 : memref<80x64xf32, #tpu.memory_space<vmem>>)
    %scan3A_162 = arith.constant 0 : i32
    %scan3A_163 = arith.constant 0 : i32
    %scan3A_164 = arith.constant 80 : i32
    %scan3A_165 = arith.addi %scan3A_163, %scan3A_164 : i32
    %scan3A_166 = arith.constant 1 : i32
    scf.for %scan3A_361 = %scan3A_163 to %scan3A_165 step %scan3A_166  : i32 {
      %get3A = arith.index_cast %scan3A_361 : i32 to index
      %get3A_362 = arith.constant 0 : index
      %get3A_363 = tpu.vector_load %arg12[%get3A, %get3A_362] {strides = array<i32>} : memref<80x64xf32, #tpu.memory_space<vmem>>, vector<16xf32>,
      %get3A_364 = arith.index_cast %scan3A_361 : i32 to index
      %get3A_365 = arith.constant 0 : index
      %get3A_366 = tpu.vector_load %arg15[%get3A_364, %get3A_365] {strides = array<i32>} : memref<80x64xf32, #tpu.memory_space<vmem>>, vector<16xf32>,
      %mul3A_367 = arith.mulf %get3A_363, %get3A_366 : vector<16xf32>
      %swap3A = arith.index_cast %scan3A_361 : i32 to index
      %swap3A_368 = arith.constant 0 : index
      %swap3A_369 = tpu.vector_load %arg18[%swap3A, %swap3A_368] {strides = array<i32>} : memref<80x64xf32, #tpu.memory_space<vmem>>, vector<16xf32>,
      tpu.vector_store %arg18[%swap3A, %swap3A_368], %mul3A_367 {strides = array<i32>} : memref<80x64xf32, #tpu.memory_space<vmem>>, vector<16xf32>,
      %get3A_370 = arith.index_cast %scan3A_361 : i32 to index
      %get3A_371 = arith.constant 16 : index
      %get3A_372 = tpu.vector_load %arg12[%get3A_370, %get3A_371] {strides = array<i32>} : memref<80x64xf32, #tpu.memory_space<vmem>>, vector<16xf32>,
      %get3A_373 = arith.index_cast %scan3A_361 : i32 to index
      %get3A_374 = arith.constant 16 : index
      %get3A_375 = tpu.vector_load %arg15[%get3A_373, %get3A_374] {strides = array<i32>} : memref<80x64xf32, #tpu.memory_space<vmem>>, vector<16xf32>,
      %mul3A_376 = arith.mulf %get3A_372, %get3A_375 : vector<16xf32>
      %swap3A_377 = arith.index_cast %scan3A_361 : i32 to index
      %swap3A_378 = arith.constant 16 : index
      %swap3A_379 = tpu.vector_load %arg18[%swap3A_377, %swap3A_378] {strides = array<i32>} : memref<80x64xf32, #tpu.memory_space<vmem>>, vector<16xf32>,
      tpu.vector_store %arg18[%swap3A_377, %swap3A_378], %mul3A_376 {strides = array<i32>} : memref<80x64xf32, #tpu.memory_space<vmem>>, vector<16xf32>,
      %get3A_380 = arith.index_cast %scan3A_361 : i32 to index
      %get3A_381 = arith.constant 32 : index
      %get3A_382 = tpu.vector_load %arg12[%get3A_380, %get3A_381] {strides = array<i32>} : memref<80x64xf32, #tpu.memory_space<vmem>>, vector<16xf32>,
      %get3A_383 = arith.index_cast %scan3A_361 : i32 to index
      %get3A_384 = arith.constant 32 : index
      %get3A_385 = tpu.vector_load %arg15[%get3A_383, %get3A_384] {strides = array<i32>} : memref<80x64xf32, #tpu.memory_space<vmem>>, vector<16xf32>,
      %mul3A_386 = arith.mulf %get3A_382, %get3A_385 : vector<16xf32>
      %swap3A_387 = arith.index_cast %scan3A_361 : i32 to index
      %swap3A_388 = arith.constant 32 : index
      %swap3A_389 = tpu.vector_load %arg18[%swap3A_387, %swap3A_388] {strides = array<i32>} : memref<80x64xf32, #tpu.memory_space<vmem>>, vector<16xf32>,
      tpu.vector_store %arg18[%swap3A_387, %swap3A_388], %mul3A_386 {strides = array<i32>} : memref<80x64xf32, #tpu.memory_space<vmem>>, vector<16xf32>,
      %get3A_390 = arith.index_cast %scan3A_361 : i32 to index
      %get3A_391 = arith.constant 48 : index
      %get3A_392 = tpu.vector_load %arg12[%get3A_390, %get3A_391] {strides = array<i32>} : memref<80x64xf32, #tpu.memory_space<vmem>>, vector<16xf32>,
      %get3A_393 = arith.index_cast %scan3A_361 : i32 to index
      %get3A_394 = arith.constant 48 : index
      %get3A_395 = tpu.vector_load %arg15[%get3A_393, %get3A_394] {strides = array<i32>} : memref<80x64xf32, #tpu.memory_space<vmem>>, vector<16xf32>,
      %mul3A_396 = arith.mulf %get3A_392, %get3A_395 : vector<16xf32>
      %swap3A_397 = arith.index_cast %scan3A_361 : i32 to index
      %swap3A_398 = arith.constant 48 : index
      %swap3A_399 = tpu.vector_load %arg18[%swap3A_397, %swap3A_398] {strides = array<i32>} : memref<80x64xf32, #tpu.memory_space<vmem>>, vector<16xf32>,
      tpu.vector_store %arg18[%swap3A_397, %swap3A_398], %mul3A_396 {strides = array<i32>} : memref<80x64xf32, #tpu.memory_space<vmem>>, vector<16xf32>,
    }
    %scan3A_167 = arith.constant 80 : i32
    %dma_start3A_168 = arith.constant 1 : i32
    %dma_start3A_169 = arith.constant 0 : i32
    %dma_start3A_170 = tpu.memref_slice %arg10[%dma_start3A_168, %dma_start3A_169] : memref<170x80xi32, #tpu.memory_space<vmem>> -> memref<1x80xi32, #tpu.memory_space<vmem>>
    %dma_start3A_171 = tpu.memref_squeeze %dma_start3A_170 : memref<1x80xi32, #tpu.memory_space<vmem>> -> memref<80xi32, #tpu.memory_space<vmem>>
    %dma_start3A_172 = arith.constant 0 : i32
    %dma_start3A_173 = arith.constant 0 : i32
    %dma_start3A_174 = tpu.memref_slice %arg21[%dma_start3A_172, %dma_start3A_173] : memref<10240x64xf32, #tpu.memory_space<vmem_shared>> -> memref<10240x64xf32, #tpu.memory_space<vmem_shared>>
    tpu.enqueue_indirect_dma source(%arg18 : memref<80x64xf32, #tpu.memory_space<vmem>>) target(%dma_start3A_174 : memref<10240x64xf32, #tpu.memory_space<vmem_shared>>) offsets(%dma_start3A_171 : memref<80xi32, #tpu.memory_space<vmem>>) semaphore(%arg26 : memref<!tpu.dma_semaphore, #tpu.memory_space<semaphore_mem>>) {add = true}
    %eq3A_175 = arith.constant 0 : i32
    %eq3A_176 = arith.cmpi eq, %arg0, %eq3A_175 : i32
    %convert_element_type3A_177 = arith.extui %eq3A_176 : i1 to i32
    %cond3A_178 = arith.constant 0 : i32
    %cond3A_179 = arith.cmpi ne, %convert_element_type3A_177, %cond3A_178 : i32
    scf.if %cond3A_179 {
      %dma_start3A_361 = arith.constant 4 : i32
      %dma_start3A_362 = arith.constant 0 : i32
      %dma_start3A_363 = arith.constant 0 : i32
      %dma_start3A_364 = tpu.memref_slice %arg12[%dma_start3A_362, %dma_start3A_363] : memref<80x64xf32, #tpu.memory_space<vmem>> -> memref<40x64xf32, #tpu.memory_space<vmem>>
      %dma_start3A_365 = arith.constant 0 : i32
      %dma_start3A_366 = tpu.memref_slice %arg9[%dma_start3A_361, %dma_start3A_365] : memref<170x80xi32, #tpu.memory_space<vmem>> -> memref<1x40xi32, #tpu.memory_space<vmem>>
      %dma_start3A_367 = tpu.memref_squeeze %dma_start3A_366 : memref<1x40xi32, #tpu.memory_space<vmem>> -> memref<40xi32, #tpu.memory_space<vmem>>
      %dma_start3A_368 = arith.constant 0 : i32
      %dma_start3A_369 = arith.constant 0 : i32
      %dma_start3A_370 = tpu.memref_slice %arg2[%dma_start3A_368, %dma_start3A_369] : memref<10000x64xf32, #tpu.memory_space<hbm>> -> memref<10000x64xf32, #tpu.memory_space<hbm>>
      tpu.enqueue_indirect_dma source(%dma_start3A_370 : memref<10000x64xf32, #tpu.memory_space<hbm>>) target(%dma_start3A_364 : memref<40x64xf32, #tpu.memory_space<vmem>>) offsets(%dma_start3A_367 : memref<40xi32, #tpu.memory_space<vmem>>) semaphore(%arg23 : memref<!tpu.dma_semaphore, #tpu.memory_space<semaphore_mem>>)
      %dma_start3A_371 = arith.constant 4 : i32
      %dma_start3A_372 = arith.constant 40 : i32
      %dma_start3A_373 = arith.constant 0 : i32
      %dma_start3A_374 = tpu.memref_slice %arg12[%dma_start3A_372, %dma_start3A_373] : memref<80x64xf32, #tpu.memory_space<vmem>> -> memref<40x64xf32, #tpu.memory_space<vmem>>
      %dma_start3A_375 = arith.constant 40 : i32
      %dma_start3A_376 = tpu.memref_slice %arg9[%dma_start3A_371, %dma_start3A_375] : memref<170x80xi32, #tpu.memory_space<vmem>> -> memref<1x40xi32, #tpu.memory_space<vmem>>
      %dma_start3A_377 = tpu.memref_squeeze %dma_start3A_376 : memref<1x40xi32, #tpu.memory_space<vmem>> -> memref<40xi32, #tpu.memory_space<vmem>>
      %dma_start3A_378 = arith.constant 0 : i32
      %dma_start3A_379 = arith.constant 0 : i32
      %dma_start3A_380 = tpu.memref_slice %arg2[%dma_start3A_378, %dma_start3A_379] : memref<10000x64xf32, #tpu.memory_space<hbm>> -> memref<10000x64xf32, #tpu.memory_space<hbm>>
      tpu.enqueue_indirect_dma source(%dma_start3A_380 : memref<10000x64xf32, #tpu.memory_space<hbm>>) target(%dma_start3A_374 : memref<40x64xf32, #tpu.memory_space<vmem>>) offsets(%dma_start3A_377 : memref<40xi32, #tpu.memory_space<vmem>>) semaphore(%arg23 : memref<!tpu.dma_semaphore, #tpu.memory_space<semaphore_mem>>)
    } else {
    }
    %eq3A_180 = arith.constant 1 : i32
    %eq3A_181 = arith.cmpi eq, %arg0, %eq3A_180 : i32
    %convert_element_type3A_182 = arith.extui %eq3A_181 : i1 to i32
    %cond3A_183 = arith.constant 0 : i32
    %cond3A_184 = arith.cmpi ne, %convert_element_type3A_182, %cond3A_183 : i32
    scf.if %cond3A_184 {
      %dma_start3A_361 = arith.constant 4 : i32
      %dma_start3A_362 = arith.constant 0 : i32
      %dma_start3A_363 = arith.constant 0 : i32
      %dma_start3A_364 = tpu.memref_slice %arg12[%dma_start3A_362, %dma_start3A_363] : memref<80x64xf32, #tpu.memory_space<vmem>> -> memref<40x64xf32, #tpu.memory_space<vmem>>
      %dma_start3A_365 = arith.constant 0 : i32
      %dma_start3A_366 = tpu.memref_slice %arg9[%dma_start3A_361, %dma_start3A_365] : memref<170x80xi32, #tpu.memory_space<vmem>> -> memref<1x40xi32, #tpu.memory_space<vmem>>
      %dma_start3A_367 = tpu.memref_squeeze %dma_start3A_366 : memref<1x40xi32, #tpu.memory_space<vmem>> -> memref<40xi32, #tpu.memory_space<vmem>>
      %dma_start3A_368 = arith.constant 0 : i32
      %dma_start3A_369 = arith.constant 0 : i32
      %dma_start3A_370 = tpu.memref_slice %arg3[%dma_start3A_368, %dma_start3A_369] : memref<10000x64xf32, #tpu.memory_space<hbm>> -> memref<10000x64xf32, #tpu.memory_space<hbm>>
      tpu.enqueue_indirect_dma source(%dma_start3A_370 : memref<10000x64xf32, #tpu.memory_space<hbm>>) target(%dma_start3A_364 : memref<40x64xf32, #tpu.memory_space<vmem>>) offsets(%dma_start3A_367 : memref<40xi32, #tpu.memory_space<vmem>>) semaphore(%arg23 : memref<!tpu.dma_semaphore, #tpu.memory_space<semaphore_mem>>)
      %dma_start3A_371 = arith.constant 4 : i32
      %dma_start3A_372 = arith.constant 40 : i32
      %dma_start3A_373 = arith.constant 0 : i32
      %dma_start3A_374 = tpu.memref_slice %arg12[%dma_start3A_372, %dma_start3A_373] : memref<80x64xf32, #tpu.memory_space<vmem>> -> memref<40x64xf32, #tpu.memory_space<vmem>>
      %dma_start3A_375 = arith.constant 40 : i32
      %dma_start3A_376 = tpu.memref_slice %arg9[%dma_start3A_371, %dma_start3A_375] : memref<170x80xi32, #tpu.memory_space<vmem>> -> memref<1x40xi32, #tpu.memory_space<vmem>>
      %dma_start3A_377 = tpu.memref_squeeze %dma_start3A_376 : memref<1x40xi32, #tpu.memory_space<vmem>> -> memref<40xi32, #tpu.memory_space<vmem>>
      %dma_start3A_378 = arith.constant 0 : i32
      %dma_start3A_379 = arith.constant 0 : i32
      %dma_start3A_380 = tpu.memref_slice %arg3[%dma_start3A_378, %dma_start3A_379] : memref<10000x64xf32, #tpu.memory_space<hbm>> -> memref<10000x64xf32, #tpu.memory_space<hbm>>
      tpu.enqueue_indirect_dma source(%dma_start3A_380 : memref<10000x64xf32, #tpu.memory_space<hbm>>) target(%dma_start3A_374 : memref<40x64xf32, #tpu.memory_space<vmem>>) offsets(%dma_start3A_377 : memref<40xi32, #tpu.memory_space<vmem>>) semaphore(%arg23 : memref<!tpu.dma_semaphore, #tpu.memory_space<semaphore_mem>>)
    } else {
    }
    %mul3A_185 = arith.constant 170 : i32
    %mul3A_186 = arith.muli %arg1, %mul3A_185 : i32
    %add3A_187 = arith.constant 4 : i32
    %add3A_188 = arith.addi %mul3A_186, %add3A_187 : i32
    %mul3A_189 = arith.constant 80 : i32
    %mul3A_190 = arith.muli %add3A_188, %mul3A_189 : i32
    %eq3A_191 = arith.constant 0 : i32
    %eq3A_192 = arith.cmpi eq, %arg0, %eq3A_191 : i32
    %convert_element_type3A_193 = arith.extui %eq3A_192 : i1 to i32
    %cond3A_194 = arith.constant 0 : i32
    %cond3A_195 = arith.cmpi ne, %convert_element_type3A_193, %cond3A_194 : i32
    scf.if %cond3A_195 {
      %dma_start3A_361 = arith.constant 0 : i32
      %dma_start3A_362 = tpu.memref_slice %arg4[%mul3A_190, %dma_start3A_361] : memref<217600x128xf32, #tpu.memory_space<hbm>> -> memref<80x64xf32, #tpu.memory_space<hbm>>
      %dma_start3A_363 = arith.constant 0 : i32
      %dma_start3A_364 = tpu.memref_slice %arg4[%mul3A_190, %dma_start3A_363] : memref<217600x128xf32, #tpu.memory_space<hbm>> -> memref<80x64xf32, #tpu.memory_space<hbm>>
      tpu.enqueue_dma source(%dma_start3A_364 : memref<80x64xf32, #tpu.memory_space<hbm>>) target(%arg15 : memref<80x64xf32, #tpu.memory_space<vmem>>) target_semaphore(%arg23 : memref<!tpu.dma_semaphore, #tpu.memory_space<semaphore_mem>>)
    } else {
    }
    %eq3A_196 = arith.constant 1 : i32
    %eq3A_197 = arith.cmpi eq, %arg0, %eq3A_196 : i32
    %convert_element_type3A_198 = arith.extui %eq3A_197 : i1 to i32
    %cond3A_199 = arith.constant 0 : i32
    %cond3A_200 = arith.cmpi ne, %convert_element_type3A_198, %cond3A_199 : i32
    scf.if %cond3A_200 {
      %dma_start3A_361 = arith.constant 64 : i32
      %dma_start3A_362 = tpu.memref_slice %arg4[%mul3A_190, %dma_start3A_361] : memref<217600x128xf32, #tpu.memory_space<hbm>> -> memref<80x64xf32, #tpu.memory_space<hbm>>
      %dma_start3A_363 = arith.constant 64 : i32
      %dma_start3A_364 = tpu.memref_slice %arg4[%mul3A_190, %dma_start3A_363] : memref<217600x128xf32, #tpu.memory_space<hbm>> -> memref<80x64xf32, #tpu.memory_space<hbm>>
      tpu.enqueue_dma source(%dma_start3A_364 : memref<80x64xf32, #tpu.memory_space<hbm>>) target(%arg15 : memref<80x64xf32, #tpu.memory_space<vmem>>) target_semaphore(%arg23 : memref<!tpu.dma_semaphore, #tpu.memory_space<semaphore_mem>>)
    } else {
    }
    %dma_wait3A_201 = arith.constant 2 : i32
    %dma_wait3A_202 = arith.constant 0 : i32
    %dma_wait3A_203 = tpu.memref_slice %arg9[%dma_wait3A_201, %dma_wait3A_202] : memref<170x80xi32, #tpu.memory_space<vmem>> -> memref<1x80xi32, #tpu.memory_space<vmem>>
    %dma_wait3A_204 = tpu.memref_squeeze %dma_wait3A_203 : memref<1x80xi32, #tpu.memory_space<vmem>> -> memref<80xi32, #tpu.memory_space<vmem>>
    %dma_wait3A_205 = arith.constant 0 : i32
    %dma_wait3A_206 = arith.constant 0 : i32
    %dma_wait3A_207 = tpu.memref_slice %arg2[%dma_wait3A_205, %dma_wait3A_206] : memref<10000x64xf32, #tpu.memory_space<hbm>> -> memref<10000x64xf32, #tpu.memory_space<hbm>>
    tpu.wait_indirect_dma semaphore(%arg24 : memref<!tpu.dma_semaphore, #tpu.memory_space<semaphore_mem>>) src(%dma_wait3A_207 : memref<10000x64xf32, #tpu.memory_space<hbm>>) dst(%arg13 : memref<80x64xf32, #tpu.memory_space<vmem>>)
    %dma_wait3A_208 = arith.constant 0 : i32
    %dma_wait3A_209 = arith.constant 0 : i32
    %dma_wait3A_210 = tpu.memref_slice %arg4[%dma_wait3A_208, %dma_wait3A_209] : memref<217600x128xf32, #tpu.memory_space<hbm>> -> memref<80x64xf32, #tpu.memory_space<hbm>>
    %dma_wait3A_211 = arith.constant 0 : i32
    %dma_wait3A_212 = arith.constant 0 : i32
    %dma_wait3A_213 = tpu.memref_slice %arg4[%dma_wait3A_211, %dma_wait3A_212] : memref<217600x128xf32, #tpu.memory_space<hbm>> -> memref<80x64xf32, #tpu.memory_space<hbm>>
    tpu.wait_dma2 semaphore(%arg24 : memref<!tpu.dma_semaphore, #tpu.memory_space<semaphore_mem>>) src(%dma_wait3A_213 : memref<80x64xf32, #tpu.memory_space<hbm>>) dst(%arg16 : memref<80x64xf32, #tpu.memory_space<vmem>>)
    %scan3A_214 = arith.constant 0 : i32
    %scan3A_215 = arith.constant 0 : i32
    %scan3A_216 = arith.constant 80 : i32
    %scan3A_217 = arith.addi %scan3A_215, %scan3A_216 : i32
    %scan3A_218 = arith.constant 1 : i32
    scf.for %scan3A_361 = %scan3A_215 to %scan3A_217 step %scan3A_218  : i32 {
      %get3A = arith.index_cast %scan3A_361 : i32 to index
      %get3A_362 = arith.constant 0 : index
      %get3A_363 = tpu.vector_load %arg13[%get3A, %get3A_362] {strides = array<i32>} : memref<80x64xf32, #tpu.memory_space<vmem>>, vector<16xf32>,
      %get3A_364 = arith.index_cast %scan3A_361 : i32 to index
      %get3A_365 = arith.constant 0 : index
      %get3A_366 = tpu.vector_load %arg16[%get3A_364, %get3A_365] {strides = array<i32>} : memref<80x64xf32, #tpu.memory_space<vmem>>, vector<16xf32>,
      %mul3A_367 = arith.mulf %get3A_363, %get3A_366 : vector<16xf32>
      %swap3A = arith.index_cast %scan3A_361 : i32 to index
      %swap3A_368 = arith.constant 0 : index
      %swap3A_369 = tpu.vector_load %arg19[%swap3A, %swap3A_368] {strides = array<i32>} : memref<80x64xf32, #tpu.memory_space<vmem>>, vector<16xf32>,
      tpu.vector_store %arg19[%swap3A, %swap3A_368], %mul3A_367 {strides = array<i32>} : memref<80x64xf32, #tpu.memory_space<vmem>>, vector<16xf32>,
      %get3A_370 = arith.index_cast %scan3A_361 : i32 to index
      %get3A_371 = arith.constant 16 : index
      %get3A_372 = tpu.vector_load %arg13[%get3A_370, %get3A_371] {strides = array<i32>} : memref<80x64xf32, #tpu.memory_space<vmem>>, vector<16xf32>,
      %get3A_373 = arith.index_cast %scan3A_361 : i32 to index
      %get3A_374 = arith.constant 16 : index
      %get3A_375 = tpu.vector_load %arg16[%get3A_373, %get3A_374] {strides = array<i32>} : memref<80x64xf32, #tpu.memory_space<vmem>>, vector<16xf32>,
      %mul3A_376 = arith.mulf %get3A_372, %get3A_375 : vector<16xf32>
      %swap3A_377 = arith.index_cast %scan3A_361 : i32 to index
      %swap3A_378 = arith.constant 16 : index
      %swap3A_379 = tpu.vector_load %arg19[%swap3A_377, %swap3A_378] {strides = array<i32>} : memref<80x64xf32, #tpu.memory_space<vmem>>, vector<16xf32>,
      tpu.vector_store %arg19[%swap3A_377, %swap3A_378], %mul3A_376 {strides = array<i32>} : memref<80x64xf32, #tpu.memory_space<vmem>>, vector<16xf32>,
      %get3A_380 = arith.index_cast %scan3A_361 : i32 to index
      %get3A_381 = arith.constant 32 : index
      %get3A_382 = tpu.vector_load %arg13[%get3A_380, %get3A_381] {strides = array<i32>} : memref<80x64xf32, #tpu.memory_space<vmem>>, vector<16xf32>,
      %get3A_383 = arith.index_cast %scan3A_361 : i32 to index
      %get3A_384 = arith.constant 32 : index
      %get3A_385 = tpu.vector_load %arg16[%get3A_383, %get3A_384] {strides = array<i32>} : memref<80x64xf32, #tpu.memory_space<vmem>>, vector<16xf32>,
      %mul3A_386 = arith.mulf %get3A_382, %get3A_385 : vector<16xf32>
      %swap3A_387 = arith.index_cast %scan3A_361 : i32 to index
      %swap3A_388 = arith.constant 32 : index
      %swap3A_389 = tpu.vector_load %arg19[%swap3A_387, %swap3A_388] {strides = array<i32>} : memref<80x64xf32, #tpu.memory_space<vmem>>, vector<16xf32>,
      tpu.vector_store %arg19[%swap3A_387, %swap3A_388], %mul3A_386 {strides = array<i32>} : memref<80x64xf32, #tpu.memory_space<vmem>>, vector<16xf32>,
      %get3A_390 = arith.index_cast %scan3A_361 : i32 to index
      %get3A_391 = arith.constant 48 : index
      %get3A_392 = tpu.vector_load %arg13[%get3A_390, %get3A_391] {strides = array<i32>} : memref<80x64xf32, #tpu.memory_space<vmem>>, vector<16xf32>,
      %get3A_393 = arith.index_cast %scan3A_361 : i32 to index
      %get3A_394 = arith.constant 48 : index
      %get3A_395 = tpu.vector_load %arg16[%get3A_393, %get3A_394] {strides = array<i32>} : memref<80x64xf32, #tpu.memory_space<vmem>>, vector<16xf32>,
      %mul3A_396 = arith.mulf %get3A_392, %get3A_395 : vector<16xf32>
      %swap3A_397 = arith.index_cast %scan3A_361 : i32 to index
      %swap3A_398 = arith.constant 48 : index
      %swap3A_399 = tpu.vector_load %arg19[%swap3A_397, %swap3A_398] {strides = array<i32>} : memref<80x64xf32, #tpu.memory_space<vmem>>, vector<16xf32>,
      tpu.vector_store %arg19[%swap3A_397, %swap3A_398], %mul3A_396 {strides = array<i32>} : memref<80x64xf32, #tpu.memory_space<vmem>>, vector<16xf32>,
    }
    %scan3A_219 = arith.constant 80 : i32
    %dma_start3A_220 = arith.constant 2 : i32
    %dma_start3A_221 = arith.constant 0 : i32
    %dma_start3A_222 = tpu.memref_slice %arg10[%dma_start3A_220, %dma_start3A_221] : memref<170x80xi32, #tpu.memory_space<vmem>> -> memref<1x80xi32, #tpu.memory_space<vmem>>
    %dma_start3A_223 = tpu.memref_squeeze %dma_start3A_222 : memref<1x80xi32, #tpu.memory_space<vmem>> -> memref<80xi32, #tpu.memory_space<vmem>>
    %dma_start3A_224 = arith.constant 0 : i32
    %dma_start3A_225 = arith.constant 0 : i32
    %dma_start3A_226 = tpu.memref_slice %arg21[%dma_start3A_224, %dma_start3A_225] : memref<10240x64xf32, #tpu.memory_space<vmem_shared>> -> memref<10240x64xf32, #tpu.memory_space<vmem_shared>>
    tpu.enqueue_indirect_dma source(%arg19 : memref<80x64xf32, #tpu.memory_space<vmem>>) target(%dma_start3A_226 : memref<10240x64xf32, #tpu.memory_space<vmem_shared>>) offsets(%dma_start3A_223 : memref<80xi32, #tpu.memory_space<vmem>>) semaphore(%arg27 : memref<!tpu.dma_semaphore, #tpu.memory_space<semaphore_mem>>) {add = true}
    %eq3A_227 = arith.constant 0 : i32
    %eq3A_228 = arith.cmpi eq, %arg0, %eq3A_227 : i32
    %convert_element_type3A_229 = arith.extui %eq3A_228 : i1 to i32
    %cond3A_230 = arith.constant 0 : i32
    %cond3A_231 = arith.cmpi ne, %convert_element_type3A_229, %cond3A_230 : i32
    scf.if %cond3A_231 {
      %dma_start3A_361 = arith.constant 5 : i32
      %dma_start3A_362 = arith.constant 0 : i32
      %dma_start3A_363 = arith.constant 0 : i32
      %dma_start3A_364 = tpu.memref_slice %arg13[%dma_start3A_362, %dma_start3A_363] : memref<80x64xf32, #tpu.memory_space<vmem>> -> memref<40x64xf32, #tpu.memory_space<vmem>>
      %dma_start3A_365 = arith.constant 0 : i32
      %dma_start3A_366 = tpu.memref_slice %arg9[%dma_start3A_361, %dma_start3A_365] : memref<170x80xi32, #tpu.memory_space<vmem>> -> memref<1x40xi32, #tpu.memory_space<vmem>>
      %dma_start3A_367 = tpu.memref_squeeze %dma_start3A_366 : memref<1x40xi32, #tpu.memory_space<vmem>> -> memref<40xi32, #tpu.memory_space<vmem>>
      %dma_start3A_368 = arith.constant 0 : i32
      %dma_start3A_369 = arith.constant 0 : i32
      %dma_start3A_370 = tpu.memref_slice %arg2[%dma_start3A_368, %dma_start3A_369] : memref<10000x64xf32, #tpu.memory_space<hbm>> -> memref<10000x64xf32, #tpu.memory_space<hbm>>
      tpu.enqueue_indirect_dma source(%dma_start3A_370 : memref<10000x64xf32, #tpu.memory_space<hbm>>) target(%dma_start3A_364 : memref<40x64xf32, #tpu.memory_space<vmem>>) offsets(%dma_start3A_367 : memref<40xi32, #tpu.memory_space<vmem>>) semaphore(%arg24 : memref<!tpu.dma_semaphore, #tpu.memory_space<semaphore_mem>>)
      %dma_start3A_371 = arith.constant 5 : i32
      %dma_start3A_372 = arith.constant 40 : i32
      %dma_start3A_373 = arith.constant 0 : i32
      %dma_start3A_374 = tpu.memref_slice %arg13[%dma_start3A_372, %dma_start3A_373] : memref<80x64xf32, #tpu.memory_space<vmem>> -> memref<40x64xf32, #tpu.memory_space<vmem>>
      %dma_start3A_375 = arith.constant 40 : i32
      %dma_start3A_376 = tpu.memref_slice %arg9[%dma_start3A_371, %dma_start3A_375] : memref<170x80xi32, #tpu.memory_space<vmem>> -> memref<1x40xi32, #tpu.memory_space<vmem>>
      %dma_start3A_377 = tpu.memref_squeeze %dma_start3A_376 : memref<1x40xi32, #tpu.memory_space<vmem>> -> memref<40xi32, #tpu.memory_space<vmem>>
      %dma_start3A_378 = arith.constant 0 : i32
      %dma_start3A_379 = arith.constant 0 : i32
      %dma_start3A_380 = tpu.memref_slice %arg2[%dma_start3A_378, %dma_start3A_379] : memref<10000x64xf32, #tpu.memory_space<hbm>> -> memref<10000x64xf32, #tpu.memory_space<hbm>>
      tpu.enqueue_indirect_dma source(%dma_start3A_380 : memref<10000x64xf32, #tpu.memory_space<hbm>>) target(%dma_start3A_374 : memref<40x64xf32, #tpu.memory_space<vmem>>) offsets(%dma_start3A_377 : memref<40xi32, #tpu.memory_space<vmem>>) semaphore(%arg24 : memref<!tpu.dma_semaphore, #tpu.memory_space<semaphore_mem>>)
    } else {
    }
    %eq3A_232 = arith.constant 1 : i32
    %eq3A_233 = arith.cmpi eq, %arg0, %eq3A_232 : i32
    %convert_element_type3A_234 = arith.extui %eq3A_233 : i1 to i32
    %cond3A_235 = arith.constant 0 : i32
    %cond3A_236 = arith.cmpi ne, %convert_element_type3A_234, %cond3A_235 : i32
    scf.if %cond3A_236 {
      %dma_start3A_361 = arith.constant 5 : i32
      %dma_start3A_362 = arith.constant 0 : i32
      %dma_start3A_363 = arith.constant 0 : i32
      %dma_start3A_364 = tpu.memref_slice %arg13[%dma_start3A_362, %dma_start3A_363] : memref<80x64xf32, #tpu.memory_space<vmem>> -> memref<40x64xf32, #tpu.memory_space<vmem>>
      %dma_start3A_365 = arith.constant 0 : i32
      %dma_start3A_366 = tpu.memref_slice %arg9[%dma_start3A_361, %dma_start3A_365] : memref<170x80xi32, #tpu.memory_space<vmem>> -> memref<1x40xi32, #tpu.memory_space<vmem>>
      %dma_start3A_367 = tpu.memref_squeeze %dma_start3A_366 : memref<1x40xi32, #tpu.memory_space<vmem>> -> memref<40xi32, #tpu.memory_space<vmem>>
      %dma_start3A_368 = arith.constant 0 : i32
      %dma_start3A_369 = arith.constant 0 : i32
      %dma_start3A_370 = tpu.memref_slice %arg3[%dma_start3A_368, %dma_start3A_369] : memref<10000x64xf32, #tpu.memory_space<hbm>> -> memref<10000x64xf32, #tpu.memory_space<hbm>>
      tpu.enqueue_indirect_dma source(%dma_start3A_370 : memref<10000x64xf32, #tpu.memory_space<hbm>>) target(%dma_start3A_364 : memref<40x64xf32, #tpu.memory_space<vmem>>) offsets(%dma_start3A_367 : memref<40xi32, #tpu.memory_space<vmem>>) semaphore(%arg24 : memref<!tpu.dma_semaphore, #tpu.memory_space<semaphore_mem>>)
      %dma_start3A_371 = arith.constant 5 : i32
      %dma_start3A_372 = arith.constant 40 : i32
      %dma_start3A_373 = arith.constant 0 : i32
      %dma_start3A_374 = tpu.memref_slice %arg13[%dma_start3A_372, %dma_start3A_373] : memref<80x64xf32, #tpu.memory_space<vmem>> -> memref<40x64xf32, #tpu.memory_space<vmem>>
      %dma_start3A_375 = arith.constant 40 : i32
      %dma_start3A_376 = tpu.memref_slice %arg9[%dma_start3A_371, %dma_start3A_375] : memref<170x80xi32, #tpu.memory_space<vmem>> -> memref<1x40xi32, #tpu.memory_space<vmem>>
      %dma_start3A_377 = tpu.memref_squeeze %dma_start3A_376 : memref<1x40xi32, #tpu.memory_space<vmem>> -> memref<40xi32, #tpu.memory_space<vmem>>
      %dma_start3A_378 = arith.constant 0 : i32
      %dma_start3A_379 = arith.constant 0 : i32
      %dma_start3A_380 = tpu.memref_slice %arg3[%dma_start3A_378, %dma_start3A_379] : memref<10000x64xf32, #tpu.memory_space<hbm>> -> memref<10000x64xf32, #tpu.memory_space<hbm>>
      tpu.enqueue_indirect_dma source(%dma_start3A_380 : memref<10000x64xf32, #tpu.memory_space<hbm>>) target(%dma_start3A_374 : memref<40x64xf32, #tpu.memory_space<vmem>>) offsets(%dma_start3A_377 : memref<40xi32, #tpu.memory_space<vmem>>) semaphore(%arg24 : memref<!tpu.dma_semaphore, #tpu.memory_space<semaphore_mem>>)
    } else {
    }
    %mul3A_237 = arith.constant 170 : i32
    %mul3A_238 = arith.muli %arg1, %mul3A_237 : i32
    %add3A_239 = arith.constant 5 : i32
    %add3A_240 = arith.addi %mul3A_238, %add3A_239 : i32
    %mul3A_241 = arith.constant 80 : i32
    %mul3A_242 = arith.muli %add3A_240, %mul3A_241 : i32
    %eq3A_243 = arith.constant 0 : i32
    %eq3A_244 = arith.cmpi eq, %arg0, %eq3A_243 : i32
    %convert_element_type3A_245 = arith.extui %eq3A_244 : i1 to i32
    %cond3A_246 = arith.constant 0 : i32
    %cond3A_247 = arith.cmpi ne, %convert_element_type3A_245, %cond3A_246 : i32
    scf.if %cond3A_247 {
      %dma_start3A_361 = arith.constant 0 : i32
      %dma_start3A_362 = tpu.memref_slice %arg4[%mul3A_242, %dma_start3A_361] : memref<217600x128xf32, #tpu.memory_space<hbm>> -> memref<80x64xf32, #tpu.memory_space<hbm>>
      %dma_start3A_363 = arith.constant 0 : i32
      %dma_start3A_364 = tpu.memref_slice %arg4[%mul3A_242, %dma_start3A_363] : memref<217600x128xf32, #tpu.memory_space<hbm>> -> memref<80x64xf32, #tpu.memory_space<hbm>>
      tpu.enqueue_dma source(%dma_start3A_364 : memref<80x64xf32, #tpu.memory_space<hbm>>) target(%arg16 : memref<80x64xf32, #tpu.memory_space<vmem>>) target_semaphore(%arg24 : memref<!tpu.dma_semaphore, #tpu.memory_space<semaphore_mem>>)
    } else {
    }
    %eq3A_248 = arith.constant 1 : i32
    %eq3A_249 = arith.cmpi eq, %arg0, %eq3A_248 : i32
    %convert_element_type3A_250 = arith.extui %eq3A_249 : i1 to i32
    %cond3A_251 = arith.constant 0 : i32
    %cond3A_252 = arith.cmpi ne, %convert_element_type3A_250, %cond3A_251 : i32
    scf.if %cond3A_252 {
      %dma_start3A_361 = arith.constant 64 : i32
      %dma_start3A_362 = tpu.memref_slice %arg4[%mul3A_242, %dma_start3A_361] : memref<217600x128xf32, #tpu.memory_space<hbm>> -> memref<80x64xf32, #tpu.memory_space<hbm>>
      %dma_start3A_363 = arith.constant 64 : i32
      %dma_start3A_364 = tpu.memref_slice %arg4[%mul3A_242, %dma_start3A_363] : memref<217600x128xf32, #tpu.memory_space<hbm>> -> memref<80x64xf32, #tpu.memory_space<hbm>>
      tpu.enqueue_dma source(%dma_start3A_364 : memref<80x64xf32, #tpu.memory_space<hbm>>) target(%arg16 : memref<80x64xf32, #tpu.memory_space<vmem>>) target_semaphore(%arg24 : memref<!tpu.dma_semaphore, #tpu.memory_space<semaphore_mem>>)
    } else {
    }
    %scan3A_253 = arith.constant 0 : i32
    %scan3A_254 = arith.constant 1 : i32
    %scan3A_255 = arith.constant 55 : i32
    %scan3A_256 = arith.addi %scan3A_254, %scan3A_255 : i32
    %scan3A_257 = arith.constant 1 : i32
    scf.for %scan3A_361 = %scan3A_254 to %scan3A_256 step %scan3A_257  : i32 {
      %mul3A_362 = arith.constant 3 : i32
      %mul3A_363 = arith.muli %scan3A_361, %mul3A_362 : i32
      %add3A_364 = arith.constant 0 : i32
      %add3A_365 = arith.addi %mul3A_363, %add3A_364 : i32
      %dma_wait3A_366 = arith.constant 0 : i32
      %dma_wait3A_367 = tpu.memref_slice %arg9[%add3A_365, %dma_wait3A_366] : memref<170x80xi32, #tpu.memory_space<vmem>> -> memref<1x80xi32, #tpu.memory_space<vmem>>
      %dma_wait3A_368 = tpu.memref_squeeze %dma_wait3A_367 : memref<1x80xi32, #tpu.memory_space<vmem>> -> memref<80xi32, #tpu.memory_space<vmem>>
      %dma_wait3A_369 = arith.constant 0 : i32
      %dma_wait3A_370 = arith.constant 0 : i32
      %dma_wait3A_371 = tpu.memref_slice %arg2[%dma_wait3A_369, %dma_wait3A_370] : memref<10000x64xf32, #tpu.memory_space<hbm>> -> memref<10000x64xf32, #tpu.memory_space<hbm>>
      tpu.wait_indirect_dma semaphore(%arg22 : memref<!tpu.dma_semaphore, #tpu.memory_space<semaphore_mem>>) src(%dma_wait3A_371 : memref<10000x64xf32, #tpu.memory_space<hbm>>) dst(%arg11 : memref<80x64xf32, #tpu.memory_space<vmem>>)
      %dma_wait3A_372 = arith.constant 0 : i32
      %dma_wait3A_373 = arith.constant 0 : i32
      %dma_wait3A_374 = tpu.memref_slice %arg4[%dma_wait3A_372, %dma_wait3A_373] : memref<217600x128xf32, #tpu.memory_space<hbm>> -> memref<80x64xf32, #tpu.memory_space<hbm>>
      %dma_wait3A_375 = arith.constant 0 : i32
      %dma_wait3A_376 = arith.constant 0 : i32
      %dma_wait3A_377 = tpu.memref_slice %arg4[%dma_wait3A_375, %dma_wait3A_376] : memref<217600x128xf32, #tpu.memory_space<hbm>> -> memref<80x64xf32, #tpu.memory_space<hbm>>
      tpu.wait_dma2 semaphore(%arg22 : memref<!tpu.dma_semaphore, #tpu.memory_space<semaphore_mem>>) src(%dma_wait3A_377 : memref<80x64xf32, #tpu.memory_space<hbm>>) dst(%arg14 : memref<80x64xf32, #tpu.memory_space<vmem>>)
      %add3A_378 = arith.constant 0 : i32
      %add3A_379 = arith.addi %mul3A_363, %add3A_378 : i32
      %dma_wait3A_380 = arith.constant 0 : i32
      %dma_wait3A_381 = arith.constant 0 : i32
      %dma_wait3A_382 = tpu.memref_slice %arg10[%dma_wait3A_380, %dma_wait3A_381] : memref<170x80xi32, #tpu.memory_space<vmem>> -> memref<1x80xi32, #tpu.memory_space<vmem>>
      %dma_wait3A_383 = tpu.memref_squeeze %dma_wait3A_382 : memref<1x80xi32, #tpu.memory_space<vmem>> -> memref<80xi32, #tpu.memory_space<vmem>>
      %dma_wait3A_384 = arith.constant 0 : i32
      %dma_wait3A_385 = arith.constant 0 : i32
      %dma_wait3A_386 = tpu.memref_slice %arg21[%dma_wait3A_384, %dma_wait3A_385] : memref<10240x64xf32, #tpu.memory_space<vmem_shared>> -> memref<10240x64xf32, #tpu.memory_space<vmem_shared>>
      tpu.wait_indirect_dma semaphore(%arg25 : memref<!tpu.dma_semaphore, #tpu.memory_space<semaphore_mem>>) src(%arg17 : memref<80x64xf32, #tpu.memory_space<vmem>>) dst(%dma_wait3A_386 : memref<10240x64xf32, #tpu.memory_space<vmem_shared>>)
      %scan3A_387 = arith.constant 0 : i32
      %scan3A_388 = arith.constant 0 : i32
      %scan3A_389 = arith.constant 80 : i32
      %scan3A_390 = arith.addi %scan3A_388, %scan3A_389 : i32
      %scan3A_391 = arith.constant 1 : i32
      scf.for %scan3A_495 = %scan3A_388 to %scan3A_390 step %scan3A_391  : i32 {
        %get3A = arith.index_cast %scan3A_495 : i32 to index
        %get3A_496 = arith.constant 0 : index
        %get3A_497 = tpu.vector_load %arg11[%get3A, %get3A_496] {strides = array<i32>} : memref<80x64xf32, #tpu.memory_space<vmem>>, vector<16xf32>,
        %get3A_498 = arith.index_cast %scan3A_495 : i32 to index
        %get3A_499 = arith.constant 0 : index
        %get3A_500 = tpu.vector_load %arg14[%get3A_498, %get3A_499] {strides = array<i32>} : memref<80x64xf32, #tpu.memory_space<vmem>>, vector<16xf32>,
        %mul3A_501 = arith.mulf %get3A_497, %get3A_500 : vector<16xf32>
        %swap3A = arith.index_cast %scan3A_495 : i32 to index
        %swap3A_502 = arith.constant 0 : index
        %swap3A_503 = tpu.vector_load %arg17[%swap3A, %swap3A_502] {strides = array<i32>} : memref<80x64xf32, #tpu.memory_space<vmem>>, vector<16xf32>,
        tpu.vector_store %arg17[%swap3A, %swap3A_502], %mul3A_501 {strides = array<i32>} : memref<80x64xf32, #tpu.memory_space<vmem>>, vector<16xf32>,
        %get3A_504 = arith.index_cast %scan3A_495 : i32 to index
        %get3A_505 = arith.constant 16 : index
        %get3A_506 = tpu.vector_load %arg11[%get3A_504, %get3A_505] {strides = array<i32>} : memref<80x64xf32, #tpu.memory_space<vmem>>, vector<16xf32>,
        %get3A_507 = arith.index_cast %scan3A_495 : i32 to index
        %get3A_508 = arith.constant 16 : index
        %get3A_509 = tpu.vector_load %arg14[%get3A_507, %get3A_508] {strides = array<i32>} : memref<80x64xf32, #tpu.memory_space<vmem>>, vector<16xf32>,
        %mul3A_510 = arith.mulf %get3A_506, %get3A_509 : vector<16xf32>
        %swap3A_511 = arith.index_cast %scan3A_495 : i32 to index
        %swap3A_512 = arith.constant 16 : index
        %swap3A_513 = tpu.vector_load %arg17[%swap3A_511, %swap3A_512] {strides = array<i32>} : memref<80x64xf32, #tpu.memory_space<vmem>>, vector<16xf32>,
        tpu.vector_store %arg17[%swap3A_511, %swap3A_512], %mul3A_510 {strides = array<i32>} : memref<80x64xf32, #tpu.memory_space<vmem>>, vector<16xf32>,
        %get3A_514 = arith.index_cast %scan3A_495 : i32 to index
        %get3A_515 = arith.constant 32 : index
        %get3A_516 = tpu.vector_load %arg11[%get3A_514, %get3A_515] {strides = array<i32>} : memref<80x64xf32, #tpu.memory_space<vmem>>, vector<16xf32>,
        %get3A_517 = arith.index_cast %scan3A_495 : i32 to index
        %get3A_518 = arith.constant 32 : index
        %get3A_519 = tpu.vector_load %arg14[%get3A_517, %get3A_518] {strides = array<i32>} : memref<80x64xf32, #tpu.memory_space<vmem>>, vector<16xf32>,
        %mul3A_520 = arith.mulf %get3A_516, %get3A_519 : vector<16xf32>
        %swap3A_521 = arith.index_cast %scan3A_495 : i32 to index
        %swap3A_522 = arith.constant 32 : index
        %swap3A_523 = tpu.vector_load %arg17[%swap3A_521, %swap3A_522] {strides = array<i32>} : memref<80x64xf32, #tpu.memory_space<vmem>>, vector<16xf32>,
        tpu.vector_store %arg17[%swap3A_521, %swap3A_522], %mul3A_520 {strides = array<i32>} : memref<80x64xf32, #tpu.memory_space<vmem>>, vector<16xf32>,
        %get3A_524 = arith.index_cast %scan3A_495 : i32 to index
        %get3A_525 = arith.constant 48 : index
        %get3A_526 = tpu.vector_load %arg11[%get3A_524, %get3A_525] {strides = array<i32>} : memref<80x64xf32, #tpu.memory_space<vmem>>, vector<16xf32>,
        %get3A_527 = arith.index_cast %scan3A_495 : i32 to index
        %get3A_528 = arith.constant 48 : index
        %get3A_529 = tpu.vector_load %arg14[%get3A_527, %get3A_528] {strides = array<i32>} : memref<80x64xf32, #tpu.memory_space<vmem>>, vector<16xf32>,
        %mul3A_530 = arith.mulf %get3A_526, %get3A_529 : vector<16xf32>
        %swap3A_531 = arith.index_cast %scan3A_495 : i32 to index
        %swap3A_532 = arith.constant 48 : index
        %swap3A_533 = tpu.vector_load %arg17[%swap3A_531, %swap3A_532] {strides = array<i32>} : memref<80x64xf32, #tpu.memory_space<vmem>>, vector<16xf32>,
        tpu.vector_store %arg17[%swap3A_531, %swap3A_532], %mul3A_530 {strides = array<i32>} : memref<80x64xf32, #tpu.memory_space<vmem>>, vector<16xf32>,
      }
      %scan3A_392 = arith.constant 80 : i32
      %dma_start3A_393 = arith.constant 0 : i32
      %dma_start3A_394 = tpu.memref_slice %arg10[%add3A_379, %dma_start3A_393] : memref<170x80xi32, #tpu.memory_space<vmem>> -> memref<1x80xi32, #tpu.memory_space<vmem>>
      %dma_start3A_395 = tpu.memref_squeeze %dma_start3A_394 : memref<1x80xi32, #tpu.memory_space<vmem>> -> memref<80xi32, #tpu.memory_space<vmem>>
      %dma_start3A_396 = arith.constant 0 : i32
      %dma_start3A_397 = arith.constant 0 : i32
      %dma_start3A_398 = tpu.memref_slice %arg21[%dma_start3A_396, %dma_start3A_397] : memref<10240x64xf32, #tpu.memory_space<vmem_shared>> -> memref<10240x64xf32, #tpu.memory_space<vmem_shared>>
      tpu.enqueue_indirect_dma source(%arg17 : memref<80x64xf32, #tpu.memory_space<vmem>>) target(%dma_start3A_398 : memref<10240x64xf32, #tpu.memory_space<vmem_shared>>) offsets(%dma_start3A_395 : memref<80xi32, #tpu.memory_space<vmem>>) semaphore(%arg25 : memref<!tpu.dma_semaphore, #tpu.memory_space<semaphore_mem>>) {add = true}
      %add3A_399 = arith.constant 0 : i32
      %add3A_400 = arith.addi %mul3A_363, %add3A_399 : i32
      %add3A_401 = arith.constant 3 : i32
      %add3A_402 = arith.addi %add3A_400, %add3A_401 : i32
      %lt3A = arith.constant 170 : i32
      %lt3A_403 = arith.cmpi slt, %add3A_402, %lt3A : i32
      %convert_element_type3A_404 = arith.extui %lt3A_403 : i1 to i32
      %cond3A_405 = arith.constant 0 : i32
      %cond3A_406 = arith.cmpi ne, %convert_element_type3A_404, %cond3A_405 : i32
      scf.if %cond3A_406 {
        %add3A_495 = arith.constant 0 : i32
        %add3A_496 = arith.addi %mul3A_363, %add3A_495 : i32
        %add3A_497 = arith.constant 3 : i32
        %add3A_498 = arith.addi %add3A_496, %add3A_497 : i32
        %eq3A_499 = arith.constant 0 : i32
        %eq3A_500 = arith.cmpi eq, %arg0, %eq3A_499 : i32
        %convert_element_type3A_501 = arith.extui %eq3A_500 : i1 to i32
        %cond3A_502 = arith.constant 0 : i32
        %cond3A_503 = arith.cmpi ne, %convert_element_type3A_501, %cond3A_502 : i32
        scf.if %cond3A_503 {
          %dma_start3A_524 = arith.constant 0 : i32
          %dma_start3A_525 = arith.constant 0 : i32
          %dma_start3A_526 = tpu.memref_slice %arg11[%dma_start3A_524, %dma_start3A_525] : memref<80x64xf32, #tpu.memory_space<vmem>> -> memref<40x64xf32, #tpu.memory_space<vmem>>
          %dma_start3A_527 = arith.constant 0 : i32
          %dma_start3A_528 = tpu.memref_slice %arg9[%add3A_498, %dma_start3A_527] : memref<170x80xi32, #tpu.memory_space<vmem>> -> memref<1x40xi32, #tpu.memory_space<vmem>>
          %dma_start3A_529 = tpu.memref_squeeze %dma_start3A_528 : memref<1x40xi32, #tpu.memory_space<vmem>> -> memref<40xi32, #tpu.memory_space<vmem>>
          %dma_start3A_530 = arith.constant 0 : i32
          %dma_start3A_531 = arith.constant 0 : i32
          %dma_start3A_532 = tpu.memref_slice %arg2[%dma_start3A_530, %dma_start3A_531] : memref<10000x64xf32, #tpu.memory_space<hbm>> -> memref<10000x64xf32, #tpu.memory_space<hbm>>
          tpu.enqueue_indirect_dma source(%dma_start3A_532 : memref<10000x64xf32, #tpu.memory_space<hbm>>) target(%dma_start3A_526 : memref<40x64xf32, #tpu.memory_space<vmem>>) offsets(%dma_start3A_529 : memref<40xi32, #tpu.memory_space<vmem>>) semaphore(%arg22 : memref<!tpu.dma_semaphore, #tpu.memory_space<semaphore_mem>>)
          %dma_start3A_533 = arith.constant 40 : i32
          %dma_start3A_534 = arith.constant 0 : i32
          %dma_start3A_535 = tpu.memref_slice %arg11[%dma_start3A_533, %dma_start3A_534] : memref<80x64xf32, #tpu.memory_space<vmem>> -> memref<40x64xf32, #tpu.memory_space<vmem>>
          %dma_start3A_536 = arith.constant 40 : i32
          %dma_start3A_537 = tpu.memref_slice %arg9[%add3A_498, %dma_start3A_536] : memref<170x80xi32, #tpu.memory_space<vmem>> -> memref<1x40xi32, #tpu.memory_space<vmem>>
          %dma_start3A_538 = tpu.memref_squeeze %dma_start3A_537 : memref<1x40xi32, #tpu.memory_space<vmem>> -> memref<40xi32, #tpu.memory_space<vmem>>
          %dma_start3A_539 = arith.constant 0 : i32
          %dma_start3A_540 = arith.constant 0 : i32
          %dma_start3A_541 = tpu.memref_slice %arg2[%dma_start3A_539, %dma_start3A_540] : memref<10000x64xf32, #tpu.memory_space<hbm>> -> memref<10000x64xf32, #tpu.memory_space<hbm>>
          tpu.enqueue_indirect_dma source(%dma_start3A_541 : memref<10000x64xf32, #tpu.memory_space<hbm>>) target(%dma_start3A_535 : memref<40x64xf32, #tpu.memory_space<vmem>>) offsets(%dma_start3A_538 : memref<40xi32, #tpu.memory_space<vmem>>) semaphore(%arg22 : memref<!tpu.dma_semaphore, #tpu.memory_space<semaphore_mem>>)
        } else {
        }
        %eq3A_504 = arith.constant 1 : i32
        %eq3A_505 = arith.cmpi eq, %arg0, %eq3A_504 : i32
        %convert_element_type3A_506 = arith.extui %eq3A_505 : i1 to i32
        %cond3A_507 = arith.constant 0 : i32
        %cond3A_508 = arith.cmpi ne, %convert_element_type3A_506, %cond3A_507 : i32
        scf.if %cond3A_508 {
          %dma_start3A_524 = arith.constant 0 : i32
          %dma_start3A_525 = arith.constant 0 : i32
          %dma_start3A_526 = tpu.memref_slice %arg11[%dma_start3A_524, %dma_start3A_525] : memref<80x64xf32, #tpu.memory_space<vmem>> -> memref<40x64xf32, #tpu.memory_space<vmem>>
          %dma_start3A_527 = arith.constant 0 : i32
          %dma_start3A_528 = tpu.memref_slice %arg9[%add3A_498, %dma_start3A_527] : memref<170x80xi32, #tpu.memory_space<vmem>> -> memref<1x40xi32, #tpu.memory_space<vmem>>
          %dma_start3A_529 = tpu.memref_squeeze %dma_start3A_528 : memref<1x40xi32, #tpu.memory_space<vmem>> -> memref<40xi32, #tpu.memory_space<vmem>>
          %dma_start3A_530 = arith.constant 0 : i32
          %dma_start3A_531 = arith.constant 0 : i32
          %dma_start3A_532 = tpu.memref_slice %arg3[%dma_start3A_530, %dma_start3A_531] : memref<10000x64xf32, #tpu.memory_space<hbm>> -> memref<10000x64xf32, #tpu.memory_space<hbm>>
          tpu.enqueue_indirect_dma source(%dma_start3A_532 : memref<10000x64xf32, #tpu.memory_space<hbm>>) target(%dma_start3A_526 : memref<40x64xf32, #tpu.memory_space<vmem>>) offsets(%dma_start3A_529 : memref<40xi32, #tpu.memory_space<vmem>>) semaphore(%arg22 : memref<!tpu.dma_semaphore, #tpu.memory_space<semaphore_mem>>)
          %dma_start3A_533 = arith.constant 40 : i32
          %dma_start3A_534 = arith.constant 0 : i32
          %dma_start3A_535 = tpu.memref_slice %arg11[%dma_start3A_533, %dma_start3A_534] : memref<80x64xf32, #tpu.memory_space<vmem>> -> memref<40x64xf32, #tpu.memory_space<vmem>>
          %dma_start3A_536 = arith.constant 40 : i32
          %dma_start3A_537 = tpu.memref_slice %arg9[%add3A_498, %dma_start3A_536] : memref<170x80xi32, #tpu.memory_space<vmem>> -> memref<1x40xi32, #tpu.memory_space<vmem>>
          %dma_start3A_538 = tpu.memref_squeeze %dma_start3A_537 : memref<1x40xi32, #tpu.memory_space<vmem>> -> memref<40xi32, #tpu.memory_space<vmem>>
          %dma_start3A_539 = arith.constant 0 : i32
          %dma_start3A_540 = arith.constant 0 : i32
          %dma_start3A_541 = tpu.memref_slice %arg3[%dma_start3A_539, %dma_start3A_540] : memref<10000x64xf32, #tpu.memory_space<hbm>> -> memref<10000x64xf32, #tpu.memory_space<hbm>>
          tpu.enqueue_indirect_dma source(%dma_start3A_541 : memref<10000x64xf32, #tpu.memory_space<hbm>>) target(%dma_start3A_535 : memref<40x64xf32, #tpu.memory_space<vmem>>) offsets(%dma_start3A_538 : memref<40xi32, #tpu.memory_space<vmem>>) semaphore(%arg22 : memref<!tpu.dma_semaphore, #tpu.memory_space<semaphore_mem>>)
        } else {
        }
        %mul3A_509 = arith.constant 170 : i32
        %mul3A_510 = arith.muli %arg1, %mul3A_509 : i32
        %add3A_511 = arith.addi %mul3A_510, %add3A_498 : i32
        %mul3A_512 = arith.constant 80 : i32
        %mul3A_513 = arith.muli %add3A_511, %mul3A_512 : i32
        %eq3A_514 = arith.constant 0 : i32
        %eq3A_515 = arith.cmpi eq, %arg0, %eq3A_514 : i32
        %convert_element_type3A_516 = arith.extui %eq3A_515 : i1 to i32
        %cond3A_517 = arith.constant 0 : i32
        %cond3A_518 = arith.cmpi ne, %convert_element_type3A_516, %cond3A_517 : i32
        scf.if %cond3A_518 {
          %dma_start3A_524 = arith.constant 0 : i32
          %dma_start3A_525 = tpu.memref_slice %arg4[%mul3A_513, %dma_start3A_524] : memref<217600x128xf32, #tpu.memory_space<hbm>> -> memref<80x64xf32, #tpu.memory_space<hbm>>
          %dma_start3A_526 = arith.constant 0 : i32
          %dma_start3A_527 = tpu.memref_slice %arg4[%mul3A_513, %dma_start3A_526] : memref<217600x128xf32, #tpu.memory_space<hbm>> -> memref<80x64xf32, #tpu.memory_space<hbm>>
          tpu.enqueue_dma source(%dma_start3A_527 : memref<80x64xf32, #tpu.memory_space<hbm>>) target(%arg14 : memref<80x64xf32, #tpu.memory_space<vmem>>) target_semaphore(%arg22 : memref<!tpu.dma_semaphore, #tpu.memory_space<semaphore_mem>>)
        } else {
        }
        %eq3A_519 = arith.constant 1 : i32
        %eq3A_520 = arith.cmpi eq, %arg0, %eq3A_519 : i32
        %convert_element_type3A_521 = arith.extui %eq3A_520 : i1 to i32
        %cond3A_522 = arith.constant 0 : i32
        %cond3A_523 = arith.cmpi ne, %convert_element_type3A_521, %cond3A_522 : i32
        scf.if %cond3A_523 {
          %dma_start3A_524 = arith.constant 64 : i32
          %dma_start3A_525 = tpu.memref_slice %arg4[%mul3A_513, %dma_start3A_524] : memref<217600x128xf32, #tpu.memory_space<hbm>> -> memref<80x64xf32, #tpu.memory_space<hbm>>
          %dma_start3A_526 = arith.constant 64 : i32
          %dma_start3A_527 = tpu.memref_slice %arg4[%mul3A_513, %dma_start3A_526] : memref<217600x128xf32, #tpu.memory_space<hbm>> -> memref<80x64xf32, #tpu.memory_space<hbm>>
          tpu.enqueue_dma source(%dma_start3A_527 : memref<80x64xf32, #tpu.memory_space<hbm>>) target(%arg14 : memref<80x64xf32, #tpu.memory_space<vmem>>) target_semaphore(%arg22 : memref<!tpu.dma_semaphore, #tpu.memory_space<semaphore_mem>>)
        } else {
        }
      } else {
      }
      %add3A_407 = arith.constant 1 : i32
      %add3A_408 = arith.addi %mul3A_363, %add3A_407 : i32
      %dma_wait3A_409 = arith.constant 0 : i32
      %dma_wait3A_410 = tpu.memref_slice %arg9[%add3A_408, %dma_wait3A_409] : memref<170x80xi32, #tpu.memory_space<vmem>> -> memref<1x80xi32, #tpu.memory_space<vmem>>
      %dma_wait3A_411 = tpu.memref_squeeze %dma_wait3A_410 : memref<1x80xi32, #tpu.memory_space<vmem>> -> memref<80xi32, #tpu.memory_space<vmem>>
      %dma_wait3A_412 = arith.constant 0 : i32
      %dma_wait3A_413 = arith.constant 0 : i32
      %dma_wait3A_414 = tpu.memref_slice %arg2[%dma_wait3A_412, %dma_wait3A_413] : memref<10000x64xf32, #tpu.memory_space<hbm>> -> memref<10000x64xf32, #tpu.memory_space<hbm>>
      tpu.wait_indirect_dma semaphore(%arg23 : memref<!tpu.dma_semaphore, #tpu.memory_space<semaphore_mem>>) src(%dma_wait3A_414 : memref<10000x64xf32, #tpu.memory_space<hbm>>) dst(%arg12 : memref<80x64xf32, #tpu.memory_space<vmem>>)
      %dma_wait3A_415 = arith.constant 0 : i32
      %dma_wait3A_416 = arith.constant 0 : i32
      %dma_wait3A_417 = tpu.memref_slice %arg4[%dma_wait3A_415, %dma_wait3A_416] : memref<217600x128xf32, #tpu.memory_space<hbm>> -> memref<80x64xf32, #tpu.memory_space<hbm>>
      %dma_wait3A_418 = arith.constant 0 : i32
      %dma_wait3A_419 = arith.constant 0 : i32
      %dma_wait3A_420 = tpu.memref_slice %arg4[%dma_wait3A_418, %dma_wait3A_419] : memref<217600x128xf32, #tpu.memory_space<hbm>> -> memref<80x64xf32, #tpu.memory_space<hbm>>
      tpu.wait_dma2 semaphore(%arg23 : memref<!tpu.dma_semaphore, #tpu.memory_space<semaphore_mem>>) src(%dma_wait3A_420 : memref<80x64xf32, #tpu.memory_space<hbm>>) dst(%arg15 : memref<80x64xf32, #tpu.memory_space<vmem>>)
      %add3A_421 = arith.constant 1 : i32
      %add3A_422 = arith.addi %mul3A_363, %add3A_421 : i32
      %dma_wait3A_423 = arith.constant 0 : i32
      %dma_wait3A_424 = arith.constant 0 : i32
      %dma_wait3A_425 = tpu.memref_slice %arg10[%dma_wait3A_423, %dma_wait3A_424] : memref<170x80xi32, #tpu.memory_space<vmem>> -> memref<1x80xi32, #tpu.memory_space<vmem>>
      %dma_wait3A_426 = tpu.memref_squeeze %dma_wait3A_425 : memref<1x80xi32, #tpu.memory_space<vmem>> -> memref<80xi32, #tpu.memory_space<vmem>>
      %dma_wait3A_427 = arith.constant 0 : i32
      %dma_wait3A_428 = arith.constant 0 : i32
      %dma_wait3A_429 = tpu.memref_slice %arg21[%dma_wait3A_427, %dma_wait3A_428] : memref<10240x64xf32, #tpu.memory_space<vmem_shared>> -> memref<10240x64xf32, #tpu.memory_space<vmem_shared>>
      tpu.wait_indirect_dma semaphore(%arg26 : memref<!tpu.dma_semaphore, #tpu.memory_space<semaphore_mem>>) src(%arg18 : memref<80x64xf32, #tpu.memory_space<vmem>>) dst(%dma_wait3A_429 : memref<10240x64xf32, #tpu.memory_space<vmem_shared>>)
      %scan3A_430 = arith.constant 0 : i32
      %scan3A_431 = arith.constant 0 : i32
      %scan3A_432 = arith.constant 80 : i32
      %scan3A_433 = arith.addi %scan3A_431, %scan3A_432 : i32
      %scan3A_434 = arith.constant 1 : i32
      scf.for %scan3A_495 = %scan3A_431 to %scan3A_433 step %scan3A_434  : i32 {
        %get3A = arith.index_cast %scan3A_495 : i32 to index
        %get3A_496 = arith.constant 0 : index
        %get3A_497 = tpu.vector_load %arg12[%get3A, %get3A_496] {strides = array<i32>} : memref<80x64xf32, #tpu.memory_space<vmem>>, vector<16xf32>,
        %get3A_498 = arith.index_cast %scan3A_495 : i32 to index
        %get3A_499 = arith.constant 0 : index
        %get3A_500 = tpu.vector_load %arg15[%get3A_498, %get3A_499] {strides = array<i32>} : memref<80x64xf32, #tpu.memory_space<vmem>>, vector<16xf32>,
        %mul3A_501 = arith.mulf %get3A_497, %get3A_500 : vector<16xf32>
        %swap3A = arith.index_cast %scan3A_495 : i32 to index
        %swap3A_502 = arith.constant 0 : index
        %swap3A_503 = tpu.vector_load %arg18[%swap3A, %swap3A_502] {strides = array<i32>} : memref<80x64xf32, #tpu.memory_space<vmem>>, vector<16xf32>,
        tpu.vector_store %arg18[%swap3A, %swap3A_502], %mul3A_501 {strides = array<i32>} : memref<80x64xf32, #tpu.memory_space<vmem>>, vector<16xf32>,
        %get3A_504 = arith.index_cast %scan3A_495 : i32 to index
        %get3A_505 = arith.constant 16 : index
        %get3A_506 = tpu.vector_load %arg12[%get3A_504, %get3A_505] {strides = array<i32>} : memref<80x64xf32, #tpu.memory_space<vmem>>, vector<16xf32>,
        %get3A_507 = arith.index_cast %scan3A_495 : i32 to index
        %get3A_508 = arith.constant 16 : index
        %get3A_509 = tpu.vector_load %arg15[%get3A_507, %get3A_508] {strides = array<i32>} : memref<80x64xf32, #tpu.memory_space<vmem>>, vector<16xf32>,
        %mul3A_510 = arith.mulf %get3A_506, %get3A_509 : vector<16xf32>
        %swap3A_511 = arith.index_cast %scan3A_495 : i32 to index
        %swap3A_512 = arith.constant 16 : index
        %swap3A_513 = tpu.vector_load %arg18[%swap3A_511, %swap3A_512] {strides = array<i32>} : memref<80x64xf32, #tpu.memory_space<vmem>>, vector<16xf32>,
        tpu.vector_store %arg18[%swap3A_511, %swap3A_512], %mul3A_510 {strides = array<i32>} : memref<80x64xf32, #tpu.memory_space<vmem>>, vector<16xf32>,
        %get3A_514 = arith.index_cast %scan3A_495 : i32 to index
        %get3A_515 = arith.constant 32 : index
        %get3A_516 = tpu.vector_load %arg12[%get3A_514, %get3A_515] {strides = array<i32>} : memref<80x64xf32, #tpu.memory_space<vmem>>, vector<16xf32>,
        %get3A_517 = arith.index_cast %scan3A_495 : i32 to index
        %get3A_518 = arith.constant 32 : index
        %get3A_519 = tpu.vector_load %arg15[%get3A_517, %get3A_518] {strides = array<i32>} : memref<80x64xf32, #tpu.memory_space<vmem>>, vector<16xf32>,
        %mul3A_520 = arith.mulf %get3A_516, %get3A_519 : vector<16xf32>
        %swap3A_521 = arith.index_cast %scan3A_495 : i32 to index
        %swap3A_522 = arith.constant 32 : index
        %swap3A_523 = tpu.vector_load %arg18[%swap3A_521, %swap3A_522] {strides = array<i32>} : memref<80x64xf32, #tpu.memory_space<vmem>>, vector<16xf32>,
        tpu.vector_store %arg18[%swap3A_521, %swap3A_522], %mul3A_520 {strides = array<i32>} : memref<80x64xf32, #tpu.memory_space<vmem>>, vector<16xf32>,
        %get3A_524 = arith.index_cast %scan3A_495 : i32 to index
        %get3A_525 = arith.constant 48 : index
        %get3A_526 = tpu.vector_load %arg12[%get3A_524, %get3A_525] {strides = array<i32>} : memref<80x64xf32, #tpu.memory_space<vmem>>, vector<16xf32>,
        %get3A_527 = arith.index_cast %scan3A_495 : i32 to index
        %get3A_528 = arith.constant 48 : index
        %get3A_529 = tpu.vector_load %arg15[%get3A_527, %get3A_528] {strides = array<i32>} : memref<80x64xf32, #tpu.memory_space<vmem>>, vector<16xf32>,
        %mul3A_530 = arith.mulf %get3A_526, %get3A_529 : vector<16xf32>
        %swap3A_531 = arith.index_cast %scan3A_495 : i32 to index
        %swap3A_532 = arith.constant 48 : index
        %swap3A_533 = tpu.vector_load %arg18[%swap3A_531, %swap3A_532] {strides = array<i32>} : memref<80x64xf32, #tpu.memory_space<vmem>>, vector<16xf32>,
        tpu.vector_store %arg18[%swap3A_531, %swap3A_532], %mul3A_530 {strides = array<i32>} : memref<80x64xf32, #tpu.memory_space<vmem>>, vector<16xf32>,
      }
      %scan3A_435 = arith.constant 80 : i32
      %dma_start3A_436 = arith.constant 0 : i32
      %dma_start3A_437 = tpu.memref_slice %arg10[%add3A_422, %dma_start3A_436] : memref<170x80xi32, #tpu.memory_space<vmem>> -> memref<1x80xi32, #tpu.memory_space<vmem>>
      %dma_start3A_438 = tpu.memref_squeeze %dma_start3A_437 : memref<1x80xi32, #tpu.memory_space<vmem>> -> memref<80xi32, #tpu.memory_space<vmem>>
      %dma_start3A_439 = arith.constant 0 : i32
      %dma_start3A_440 = arith.constant 0 : i32
      %dma_start3A_441 = tpu.memref_slice %arg21[%dma_start3A_439, %dma_start3A_440] : memref<10240x64xf32, #tpu.memory_space<vmem_shared>> -> memref<10240x64xf32, #tpu.memory_space<vmem_shared>>
      tpu.enqueue_indirect_dma source(%arg18 : memref<80x64xf32, #tpu.memory_space<vmem>>) target(%dma_start3A_441 : memref<10240x64xf32, #tpu.memory_space<vmem_shared>>) offsets(%dma_start3A_438 : memref<80xi32, #tpu.memory_space<vmem>>) semaphore(%arg26 : memref<!tpu.dma_semaphore, #tpu.memory_space<semaphore_mem>>) {add = true}
      %add3A_442 = arith.constant 1 : i32
      %add3A_443 = arith.addi %mul3A_363, %add3A_442 : i32
      %add3A_444 = arith.constant 3 : i32
      %add3A_445 = arith.addi %add3A_443, %add3A_444 : i32
      %lt3A_446 = arith.constant 170 : i32
      %lt3A_447 = arith.cmpi slt, %add3A_445, %lt3A_446 : i32
      %convert_element_type3A_448 = arith.extui %lt3A_447 : i1 to i32
      %cond3A_449 = arith.constant 0 : i32
      %cond3A_450 = arith.cmpi ne, %convert_element_type3A_448, %cond3A_449 : i32
      scf.if %cond3A_450 {
        %add3A_495 = arith.constant 1 : i32
        %add3A_496 = arith.addi %mul3A_363, %add3A_495 : i32
        %add3A_497 = arith.constant 3 : i32
        %add3A_498 = arith.addi %add3A_496, %add3A_497 : i32
        %eq3A_499 = arith.constant 0 : i32
        %eq3A_500 = arith.cmpi eq, %arg0, %eq3A_499 : i32
        %convert_element_type3A_501 = arith.extui %eq3A_500 : i1 to i32
        %cond3A_502 = arith.constant 0 : i32
        %cond3A_503 = arith.cmpi ne, %convert_element_type3A_501, %cond3A_502 : i32
        scf.if %cond3A_503 {
          %dma_start3A_524 = arith.constant 0 : i32
          %dma_start3A_525 = arith.constant 0 : i32
          %dma_start3A_526 = tpu.memref_slice %arg12[%dma_start3A_524, %dma_start3A_525] : memref<80x64xf32, #tpu.memory_space<vmem>> -> memref<40x64xf32, #tpu.memory_space<vmem>>
          %dma_start3A_527 = arith.constant 0 : i32
          %dma_start3A_528 = tpu.memref_slice %arg9[%add3A_498, %dma_start3A_527] : memref<170x80xi32, #tpu.memory_space<vmem>> -> memref<1x40xi32, #tpu.memory_space<vmem>>
          %dma_start3A_529 = tpu.memref_squeeze %dma_start3A_528 : memref<1x40xi32, #tpu.memory_space<vmem>> -> memref<40xi32, #tpu.memory_space<vmem>>
          %dma_start3A_530 = arith.constant 0 : i32
          %dma_start3A_531 = arith.constant 0 : i32
          %dma_start3A_532 = tpu.memref_slice %arg2[%dma_start3A_530, %dma_start3A_531] : memref<10000x64xf32, #tpu.memory_space<hbm>> -> memref<10000x64xf32, #tpu.memory_space<hbm>>
          tpu.enqueue_indirect_dma source(%dma_start3A_532 : memref<10000x64xf32, #tpu.memory_space<hbm>>) target(%dma_start3A_526 : memref<40x64xf32, #tpu.memory_space<vmem>>) offsets(%dma_start3A_529 : memref<40xi32, #tpu.memory_space<vmem>>) semaphore(%arg23 : memref<!tpu.dma_semaphore, #tpu.memory_space<semaphore_mem>>)
          %dma_start3A_533 = arith.constant 40 : i32
          %dma_start3A_534 = arith.constant 0 : i32
          %dma_start3A_535 = tpu.memref_slice %arg12[%dma_start3A_533, %dma_start3A_534] : memref<80x64xf32, #tpu.memory_space<vmem>> -> memref<40x64xf32, #tpu.memory_space<vmem>>
          %dma_start3A_536 = arith.constant 40 : i32
          %dma_start3A_537 = tpu.memref_slice %arg9[%add3A_498, %dma_start3A_536] : memref<170x80xi32, #tpu.memory_space<vmem>> -> memref<1x40xi32, #tpu.memory_space<vmem>>
          %dma_start3A_538 = tpu.memref_squeeze %dma_start3A_537 : memref<1x40xi32, #tpu.memory_space<vmem>> -> memref<40xi32, #tpu.memory_space<vmem>>
          %dma_start3A_539 = arith.constant 0 : i32
          %dma_start3A_540 = arith.constant 0 : i32
          %dma_start3A_541 = tpu.memref_slice %arg2[%dma_start3A_539, %dma_start3A_540] : memref<10000x64xf32, #tpu.memory_space<hbm>> -> memref<10000x64xf32, #tpu.memory_space<hbm>>
          tpu.enqueue_indirect_dma source(%dma_start3A_541 : memref<10000x64xf32, #tpu.memory_space<hbm>>) target(%dma_start3A_535 : memref<40x64xf32, #tpu.memory_space<vmem>>) offsets(%dma_start3A_538 : memref<40xi32, #tpu.memory_space<vmem>>) semaphore(%arg23 : memref<!tpu.dma_semaphore, #tpu.memory_space<semaphore_mem>>)
        } else {
        }
        %eq3A_504 = arith.constant 1 : i32
        %eq3A_505 = arith.cmpi eq, %arg0, %eq3A_504 : i32
        %convert_element_type3A_506 = arith.extui %eq3A_505 : i1 to i32
        %cond3A_507 = arith.constant 0 : i32
        %cond3A_508 = arith.cmpi ne, %convert_element_type3A_506, %cond3A_507 : i32
        scf.if %cond3A_508 {
          %dma_start3A_524 = arith.constant 0 : i32
          %dma_start3A_525 = arith.constant 0 : i32
          %dma_start3A_526 = tpu.memref_slice %arg12[%dma_start3A_524, %dma_start3A_525] : memref<80x64xf32, #tpu.memory_space<vmem>> -> memref<40x64xf32, #tpu.memory_space<vmem>>
          %dma_start3A_527 = arith.constant 0 : i32
          %dma_start3A_528 = tpu.memref_slice %arg9[%add3A_498, %dma_start3A_527] : memref<170x80xi32, #tpu.memory_space<vmem>> -> memref<1x40xi32, #tpu.memory_space<vmem>>
          %dma_start3A_529 = tpu.memref_squeeze %dma_start3A_528 : memref<1x40xi32, #tpu.memory_space<vmem>> -> memref<40xi32, #tpu.memory_space<vmem>>
          %dma_start3A_530 = arith.constant 0 : i32
          %dma_start3A_531 = arith.constant 0 : i32
          %dma_start3A_532 = tpu.memref_slice %arg3[%dma_start3A_530, %dma_start3A_531] : memref<10000x64xf32, #tpu.memory_space<hbm>> -> memref<10000x64xf32, #tpu.memory_space<hbm>>
          tpu.enqueue_indirect_dma source(%dma_start3A_532 : memref<10000x64xf32, #tpu.memory_space<hbm>>) target(%dma_start3A_526 : memref<40x64xf32, #tpu.memory_space<vmem>>) offsets(%dma_start3A_529 : memref<40xi32, #tpu.memory_space<vmem>>) semaphore(%arg23 : memref<!tpu.dma_semaphore, #tpu.memory_space<semaphore_mem>>)
          %dma_start3A_533 = arith.constant 40 : i32
          %dma_start3A_534 = arith.constant 0 : i32
          %dma_start3A_535 = tpu.memref_slice %arg12[%dma_start3A_533, %dma_start3A_534] : memref<80x64xf32, #tpu.memory_space<vmem>> -> memref<40x64xf32, #tpu.memory_space<vmem>>
          %dma_start3A_536 = arith.constant 40 : i32
          %dma_start3A_537 = tpu.memref_slice %arg9[%add3A_498, %dma_start3A_536] : memref<170x80xi32, #tpu.memory_space<vmem>> -> memref<1x40xi32, #tpu.memory_space<vmem>>
          %dma_start3A_538 = tpu.memref_squeeze %dma_start3A_537 : memref<1x40xi32, #tpu.memory_space<vmem>> -> memref<40xi32, #tpu.memory_space<vmem>>
          %dma_start3A_539 = arith.constant 0 : i32
          %dma_start3A_540 = arith.constant 0 : i32
          %dma_start3A_541 = tpu.memref_slice %arg3[%dma_start3A_539, %dma_start3A_540] : memref<10000x64xf32, #tpu.memory_space<hbm>> -> memref<10000x64xf32, #tpu.memory_space<hbm>>
          tpu.enqueue_indirect_dma source(%dma_start3A_541 : memref<10000x64xf32, #tpu.memory_space<hbm>>) target(%dma_start3A_535 : memref<40x64xf32, #tpu.memory_space<vmem>>) offsets(%dma_start3A_538 : memref<40xi32, #tpu.memory_space<vmem>>) semaphore(%arg23 : memref<!tpu.dma_semaphore, #tpu.memory_space<semaphore_mem>>)
        } else {
        }
        %mul3A_509 = arith.constant 170 : i32
        %mul3A_510 = arith.muli %arg1, %mul3A_509 : i32
        %add3A_511 = arith.addi %mul3A_510, %add3A_498 : i32
        %mul3A_512 = arith.constant 80 : i32
        %mul3A_513 = arith.muli %add3A_511, %mul3A_512 : i32
        %eq3A_514 = arith.constant 0 : i32
        %eq3A_515 = arith.cmpi eq, %arg0, %eq3A_514 : i32
        %convert_element_type3A_516 = arith.extui %eq3A_515 : i1 to i32
        %cond3A_517 = arith.constant 0 : i32
        %cond3A_518 = arith.cmpi ne, %convert_element_type3A_516, %cond3A_517 : i32
        scf.if %cond3A_518 {
          %dma_start3A_524 = arith.constant 0 : i32
          %dma_start3A_525 = tpu.memref_slice %arg4[%mul3A_513, %dma_start3A_524] : memref<217600x128xf32, #tpu.memory_space<hbm>> -> memref<80x64xf32, #tpu.memory_space<hbm>>
          %dma_start3A_526 = arith.constant 0 : i32
          %dma_start3A_527 = tpu.memref_slice %arg4[%mul3A_513, %dma_start3A_526] : memref<217600x128xf32, #tpu.memory_space<hbm>> -> memref<80x64xf32, #tpu.memory_space<hbm>>
          tpu.enqueue_dma source(%dma_start3A_527 : memref<80x64xf32, #tpu.memory_space<hbm>>) target(%arg15 : memref<80x64xf32, #tpu.memory_space<vmem>>) target_semaphore(%arg23 : memref<!tpu.dma_semaphore, #tpu.memory_space<semaphore_mem>>)
        } else {
        }
        %eq3A_519 = arith.constant 1 : i32
        %eq3A_520 = arith.cmpi eq, %arg0, %eq3A_519 : i32
        %convert_element_type3A_521 = arith.extui %eq3A_520 : i1 to i32
        %cond3A_522 = arith.constant 0 : i32
        %cond3A_523 = arith.cmpi ne, %convert_element_type3A_521, %cond3A_522 : i32
        scf.if %cond3A_523 {
          %dma_start3A_524 = arith.constant 64 : i32
          %dma_start3A_525 = tpu.memref_slice %arg4[%mul3A_513, %dma_start3A_524] : memref<217600x128xf32, #tpu.memory_space<hbm>> -> memref<80x64xf32, #tpu.memory_space<hbm>>
          %dma_start3A_526 = arith.constant 64 : i32
          %dma_start3A_527 = tpu.memref_slice %arg4[%mul3A_513, %dma_start3A_526] : memref<217600x128xf32, #tpu.memory_space<hbm>> -> memref<80x64xf32, #tpu.memory_space<hbm>>
          tpu.enqueue_dma source(%dma_start3A_527 : memref<80x64xf32, #tpu.memory_space<hbm>>) target(%arg15 : memref<80x64xf32, #tpu.memory_space<vmem>>) target_semaphore(%arg23 : memref<!tpu.dma_semaphore, #tpu.memory_space<semaphore_mem>>)
        } else {
        }
      } else {
      }
      %add3A_451 = arith.constant 2 : i32
      %add3A_452 = arith.addi %mul3A_363, %add3A_451 : i32
      %dma_wait3A_453 = arith.constant 0 : i32
      %dma_wait3A_454 = tpu.memref_slice %arg9[%add3A_452, %dma_wait3A_453] : memref<170x80xi32, #tpu.memory_space<vmem>> -> memref<1x80xi32, #tpu.memory_space<vmem>>
      %dma_wait3A_455 = tpu.memref_squeeze %dma_wait3A_454 : memref<1x80xi32, #tpu.memory_space<vmem>> -> memref<80xi32, #tpu.memory_space<vmem>>
      %dma_wait3A_456 = arith.constant 0 : i32
      %dma_wait3A_457 = arith.constant 0 : i32
      %dma_wait3A_458 = tpu.memref_slice %arg2[%dma_wait3A_456, %dma_wait3A_457] : memref<10000x64xf32, #tpu.memory_space<hbm>> -> memref<10000x64xf32, #tpu.memory_space<hbm>>
      tpu.wait_indirect_dma semaphore(%arg24 : memref<!tpu.dma_semaphore, #tpu.memory_space<semaphore_mem>>) src(%dma_wait3A_458 : memref<10000x64xf32, #tpu.memory_space<hbm>>) dst(%arg13 : memref<80x64xf32, #tpu.memory_space<vmem>>)
      %dma_wait3A_459 = arith.constant 0 : i32
      %dma_wait3A_460 = arith.constant 0 : i32
      %dma_wait3A_461 = tpu.memref_slice %arg4[%dma_wait3A_459, %dma_wait3A_460] : memref<217600x128xf32, #tpu.memory_space<hbm>> -> memref<80x64xf32, #tpu.memory_space<hbm>>
      %dma_wait3A_462 = arith.constant 0 : i32
      %dma_wait3A_463 = arith.constant 0 : i32
      %dma_wait3A_464 = tpu.memref_slice %arg4[%dma_wait3A_462, %dma_wait3A_463] : memref<217600x128xf32, #tpu.memory_space<hbm>> -> memref<80x64xf32, #tpu.memory_space<hbm>>
      tpu.wait_dma2 semaphore(%arg24 : memref<!tpu.dma_semaphore, #tpu.memory_space<semaphore_mem>>) src(%dma_wait3A_464 : memref<80x64xf32, #tpu.memory_space<hbm>>) dst(%arg16 : memref<80x64xf32, #tpu.memory_space<vmem>>)
      %add3A_465 = arith.constant 2 : i32
      %add3A_466 = arith.addi %mul3A_363, %add3A_465 : i32
      %dma_wait3A_467 = arith.constant 0 : i32
      %dma_wait3A_468 = arith.constant 0 : i32
      %dma_wait3A_469 = tpu.memref_slice %arg10[%dma_wait3A_467, %dma_wait3A_468] : memref<170x80xi32, #tpu.memory_space<vmem>> -> memref<1x80xi32, #tpu.memory_space<vmem>>
      %dma_wait3A_470 = tpu.memref_squeeze %dma_wait3A_469 : memref<1x80xi32, #tpu.memory_space<vmem>> -> memref<80xi32, #tpu.memory_space<vmem>>
      %dma_wait3A_471 = arith.constant 0 : i32
      %dma_wait3A_472 = arith.constant 0 : i32
      %dma_wait3A_473 = tpu.memref_slice %arg21[%dma_wait3A_471, %dma_wait3A_472] : memref<10240x64xf32, #tpu.memory_space<vmem_shared>> -> memref<10240x64xf32, #tpu.memory_space<vmem_shared>>
      tpu.wait_indirect_dma semaphore(%arg27 : memref<!tpu.dma_semaphore, #tpu.memory_space<semaphore_mem>>) src(%arg19 : memref<80x64xf32, #tpu.memory_space<vmem>>) dst(%dma_wait3A_473 : memref<10240x64xf32, #tpu.memory_space<vmem_shared>>)
      %scan3A_474 = arith.constant 0 : i32
      %scan3A_475 = arith.constant 0 : i32
      %scan3A_476 = arith.constant 80 : i32
      %scan3A_477 = arith.addi %scan3A_475, %scan3A_476 : i32
      %scan3A_478 = arith.constant 1 : i32
      scf.for %scan3A_495 = %scan3A_475 to %scan3A_477 step %scan3A_478  : i32 {
        %get3A = arith.index_cast %scan3A_495 : i32 to index
        %get3A_496 = arith.constant 0 : index
        %get3A_497 = tpu.vector_load %arg13[%get3A, %get3A_496] {strides = array<i32>} : memref<80x64xf32, #tpu.memory_space<vmem>>, vector<16xf32>,
        %get3A_498 = arith.index_cast %scan3A_495 : i32 to index
        %get3A_499 = arith.constant 0 : index
        %get3A_500 = tpu.vector_load %arg16[%get3A_498, %get3A_499] {strides = array<i32>} : memref<80x64xf32, #tpu.memory_space<vmem>>, vector<16xf32>,
        %mul3A_501 = arith.mulf %get3A_497, %get3A_500 : vector<16xf32>
        %swap3A = arith.index_cast %scan3A_495 : i32 to index
        %swap3A_502 = arith.constant 0 : index
        %swap3A_503 = tpu.vector_load %arg19[%swap3A, %swap3A_502] {strides = array<i32>} : memref<80x64xf32, #tpu.memory_space<vmem>>, vector<16xf32>,
        tpu.vector_store %arg19[%swap3A, %swap3A_502], %mul3A_501 {strides = array<i32>} : memref<80x64xf32, #tpu.memory_space<vmem>>, vector<16xf32>,
        %get3A_504 = arith.index_cast %scan3A_495 : i32 to index
        %get3A_505 = arith.constant 16 : index
        %get3A_506 = tpu.vector_load %arg13[%get3A_504, %get3A_505] {strides = array<i32>} : memref<80x64xf32, #tpu.memory_space<vmem>>, vector<16xf32>,
        %get3A_507 = arith.index_cast %scan3A_495 : i32 to index
        %get3A_508 = arith.constant 16 : index
        %get3A_509 = tpu.vector_load %arg16[%get3A_507, %get3A_508] {strides = array<i32>} : memref<80x64xf32, #tpu.memory_space<vmem>>, vector<16xf32>,
        %mul3A_510 = arith.mulf %get3A_506, %get3A_509 : vector<16xf32>
        %swap3A_511 = arith.index_cast %scan3A_495 : i32 to index
        %swap3A_512 = arith.constant 16 : index
        %swap3A_513 = tpu.vector_load %arg19[%swap3A_511, %swap3A_512] {strides = array<i32>} : memref<80x64xf32, #tpu.memory_space<vmem>>, vector<16xf32>,
        tpu.vector_store %arg19[%swap3A_511, %swap3A_512], %mul3A_510 {strides = array<i32>} : memref<80x64xf32, #tpu.memory_space<vmem>>, vector<16xf32>,
        %get3A_514 = arith.index_cast %scan3A_495 : i32 to index
        %get3A_515 = arith.constant 32 : index
        %get3A_516 = tpu.vector_load %arg13[%get3A_514, %get3A_515] {strides = array<i32>} : memref<80x64xf32, #tpu.memory_space<vmem>>, vector<16xf32>,
        %get3A_517 = arith.index_cast %scan3A_495 : i32 to index
        %get3A_518 = arith.constant 32 : index
        %get3A_519 = tpu.vector_load %arg16[%get3A_517, %get3A_518] {strides = array<i32>} : memref<80x64xf32, #tpu.memory_space<vmem>>, vector<16xf32>,
        %mul3A_520 = arith.mulf %get3A_516, %get3A_519 : vector<16xf32>
        %swap3A_521 = arith.index_cast %scan3A_495 : i32 to index
        %swap3A_522 = arith.constant 32 : index
        %swap3A_523 = tpu.vector_load %arg19[%swap3A_521, %swap3A_522] {strides = array<i32>} : memref<80x64xf32, #tpu.memory_space<vmem>>, vector<16xf32>,
        tpu.vector_store %arg19[%swap3A_521, %swap3A_522], %mul3A_520 {strides = array<i32>} : memref<80x64xf32, #tpu.memory_space<vmem>>, vector<16xf32>,
        %get3A_524 = arith.index_cast %scan3A_495 : i32 to index
        %get3A_525 = arith.constant 48 : index
        %get3A_526 = tpu.vector_load %arg13[%get3A_524, %get3A_525] {strides = array<i32>} : memref<80x64xf32, #tpu.memory_space<vmem>>, vector<16xf32>,
        %get3A_527 = arith.index_cast %scan3A_495 : i32 to index
        %get3A_528 = arith.constant 48 : index
        %get3A_529 = tpu.vector_load %arg16[%get3A_527, %get3A_528] {strides = array<i32>} : memref<80x64xf32, #tpu.memory_space<vmem>>, vector<16xf32>,
        %mul3A_530 = arith.mulf %get3A_526, %get3A_529 : vector<16xf32>
        %swap3A_531 = arith.index_cast %scan3A_495 : i32 to index
        %swap3A_532 = arith.constant 48 : index
        %swap3A_533 = tpu.vector_load %arg19[%swap3A_531, %swap3A_532] {strides = array<i32>} : memref<80x64xf32, #tpu.memory_space<vmem>>, vector<16xf32>,
        tpu.vector_store %arg19[%swap3A_531, %swap3A_532], %mul3A_530 {strides = array<i32>} : memref<80x64xf32, #tpu.memory_space<vmem>>, vector<16xf32>,
      }
      %scan3A_479 = arith.constant 80 : i32
      %dma_start3A_480 = arith.constant 0 : i32
      %dma_start3A_481 = tpu.memref_slice %arg10[%add3A_466, %dma_start3A_480] : memref<170x80xi32, #tpu.memory_space<vmem>> -> memref<1x80xi32, #tpu.memory_space<vmem>>
      %dma_start3A_482 = tpu.memref_squeeze %dma_start3A_481 : memref<1x80xi32, #tpu.memory_space<vmem>> -> memref<80xi32, #tpu.memory_space<vmem>>
      %dma_start3A_483 = arith.constant 0 : i32
      %dma_start3A_484 = arith.constant 0 : i32
      %dma_start3A_485 = tpu.memref_slice %arg21[%dma_start3A_483, %dma_start3A_484] : memref<10240x64xf32, #tpu.memory_space<vmem_shared>> -> memref<10240x64xf32, #tpu.memory_space<vmem_shared>>
      tpu.enqueue_indirect_dma source(%arg19 : memref<80x64xf32, #tpu.memory_space<vmem>>) target(%dma_start3A_485 : memref<10240x64xf32, #tpu.memory_space<vmem_shared>>) offsets(%dma_start3A_482 : memref<80xi32, #tpu.memory_space<vmem>>) semaphore(%arg27 : memref<!tpu.dma_semaphore, #tpu.memory_space<semaphore_mem>>) {add = true}
      %add3A_486 = arith.constant 2 : i32
      %add3A_487 = arith.addi %mul3A_363, %add3A_486 : i32
      %add3A_488 = arith.constant 3 : i32
      %add3A_489 = arith.addi %add3A_487, %add3A_488 : i32
      %lt3A_490 = arith.constant 170 : i32
      %lt3A_491 = arith.cmpi slt, %add3A_489, %lt3A_490 : i32
      %convert_element_type3A_492 = arith.extui %lt3A_491 : i1 to i32
      %cond3A_493 = arith.constant 0 : i32
      %cond3A_494 = arith.cmpi ne, %convert_element_type3A_492, %cond3A_493 : i32
      scf.if %cond3A_494 {
        %add3A_495 = arith.constant 2 : i32
        %add3A_496 = arith.addi %mul3A_363, %add3A_495 : i32
        %add3A_497 = arith.constant 3 : i32
        %add3A_498 = arith.addi %add3A_496, %add3A_497 : i32
        %eq3A_499 = arith.constant 0 : i32
        %eq3A_500 = arith.cmpi eq, %arg0, %eq3A_499 : i32
        %convert_element_type3A_501 = arith.extui %eq3A_500 : i1 to i32
        %cond3A_502 = arith.constant 0 : i32
        %cond3A_503 = arith.cmpi ne, %convert_element_type3A_501, %cond3A_502 : i32
        scf.if %cond3A_503 {
          %dma_start3A_524 = arith.constant 0 : i32
          %dma_start3A_525 = arith.constant 0 : i32
          %dma_start3A_526 = tpu.memref_slice %arg13[%dma_start3A_524, %dma_start3A_525] : memref<80x64xf32, #tpu.memory_space<vmem>> -> memref<40x64xf32, #tpu.memory_space<vmem>>
          %dma_start3A_527 = arith.constant 0 : i32
          %dma_start3A_528 = tpu.memref_slice %arg9[%add3A_498, %dma_start3A_527] : memref<170x80xi32, #tpu.memory_space<vmem>> -> memref<1x40xi32, #tpu.memory_space<vmem>>
          %dma_start3A_529 = tpu.memref_squeeze %dma_start3A_528 : memref<1x40xi32, #tpu.memory_space<vmem>> -> memref<40xi32, #tpu.memory_space<vmem>>
          %dma_start3A_530 = arith.constant 0 : i32
          %dma_start3A_531 = arith.constant 0 : i32
          %dma_start3A_532 = tpu.memref_slice %arg2[%dma_start3A_530, %dma_start3A_531] : memref<10000x64xf32, #tpu.memory_space<hbm>> -> memref<10000x64xf32, #tpu.memory_space<hbm>>
          tpu.enqueue_indirect_dma source(%dma_start3A_532 : memref<10000x64xf32, #tpu.memory_space<hbm>>) target(%dma_start3A_526 : memref<40x64xf32, #tpu.memory_space<vmem>>) offsets(%dma_start3A_529 : memref<40xi32, #tpu.memory_space<vmem>>) semaphore(%arg24 : memref<!tpu.dma_semaphore, #tpu.memory_space<semaphore_mem>>)
          %dma_start3A_533 = arith.constant 40 : i32
          %dma_start3A_534 = arith.constant 0 : i32
          %dma_start3A_535 = tpu.memref_slice %arg13[%dma_start3A_533, %dma_start3A_534] : memref<80x64xf32, #tpu.memory_space<vmem>> -> memref<40x64xf32, #tpu.memory_space<vmem>>
          %dma_start3A_536 = arith.constant 40 : i32
          %dma_start3A_537 = tpu.memref_slice %arg9[%add3A_498, %dma_start3A_536] : memref<170x80xi32, #tpu.memory_space<vmem>> -> memref<1x40xi32, #tpu.memory_space<vmem>>
          %dma_start3A_538 = tpu.memref_squeeze %dma_start3A_537 : memref<1x40xi32, #tpu.memory_space<vmem>> -> memref<40xi32, #tpu.memory_space<vmem>>
          %dma_start3A_539 = arith.constant 0 : i32
          %dma_start3A_540 = arith.constant 0 : i32
          %dma_start3A_541 = tpu.memref_slice %arg2[%dma_start3A_539, %dma_start3A_540] : memref<10000x64xf32, #tpu.memory_space<hbm>> -> memref<10000x64xf32, #tpu.memory_space<hbm>>
          tpu.enqueue_indirect_dma source(%dma_start3A_541 : memref<10000x64xf32, #tpu.memory_space<hbm>>) target(%dma_start3A_535 : memref<40x64xf32, #tpu.memory_space<vmem>>) offsets(%dma_start3A_538 : memref<40xi32, #tpu.memory_space<vmem>>) semaphore(%arg24 : memref<!tpu.dma_semaphore, #tpu.memory_space<semaphore_mem>>)
        } else {
        }
        %eq3A_504 = arith.constant 1 : i32
        %eq3A_505 = arith.cmpi eq, %arg0, %eq3A_504 : i32
        %convert_element_type3A_506 = arith.extui %eq3A_505 : i1 to i32
        %cond3A_507 = arith.constant 0 : i32
        %cond3A_508 = arith.cmpi ne, %convert_element_type3A_506, %cond3A_507 : i32
        scf.if %cond3A_508 {
          %dma_start3A_524 = arith.constant 0 : i32
          %dma_start3A_525 = arith.constant 0 : i32
          %dma_start3A_526 = tpu.memref_slice %arg13[%dma_start3A_524, %dma_start3A_525] : memref<80x64xf32, #tpu.memory_space<vmem>> -> memref<40x64xf32, #tpu.memory_space<vmem>>
          %dma_start3A_527 = arith.constant 0 : i32
          %dma_start3A_528 = tpu.memref_slice %arg9[%add3A_498, %dma_start3A_527] : memref<170x80xi32, #tpu.memory_space<vmem>> -> memref<1x40xi32, #tpu.memory_space<vmem>>
          %dma_start3A_529 = tpu.memref_squeeze %dma_start3A_528 : memref<1x40xi32, #tpu.memory_space<vmem>> -> memref<40xi32, #tpu.memory_space<vmem>>
          %dma_start3A_530 = arith.constant 0 : i32
          %dma_start3A_531 = arith.constant 0 : i32
          %dma_start3A_532 = tpu.memref_slice %arg3[%dma_start3A_530, %dma_start3A_531] : memref<10000x64xf32, #tpu.memory_space<hbm>> -> memref<10000x64xf32, #tpu.memory_space<hbm>>
          tpu.enqueue_indirect_dma source(%dma_start3A_532 : memref<10000x64xf32, #tpu.memory_space<hbm>>) target(%dma_start3A_526 : memref<40x64xf32, #tpu.memory_space<vmem>>) offsets(%dma_start3A_529 : memref<40xi32, #tpu.memory_space<vmem>>) semaphore(%arg24 : memref<!tpu.dma_semaphore, #tpu.memory_space<semaphore_mem>>)
          %dma_start3A_533 = arith.constant 40 : i32
          %dma_start3A_534 = arith.constant 0 : i32
          %dma_start3A_535 = tpu.memref_slice %arg13[%dma_start3A_533, %dma_start3A_534] : memref<80x64xf32, #tpu.memory_space<vmem>> -> memref<40x64xf32, #tpu.memory_space<vmem>>
          %dma_start3A_536 = arith.constant 40 : i32
          %dma_start3A_537 = tpu.memref_slice %arg9[%add3A_498, %dma_start3A_536] : memref<170x80xi32, #tpu.memory_space<vmem>> -> memref<1x40xi32, #tpu.memory_space<vmem>>
          %dma_start3A_538 = tpu.memref_squeeze %dma_start3A_537 : memref<1x40xi32, #tpu.memory_space<vmem>> -> memref<40xi32, #tpu.memory_space<vmem>>
          %dma_start3A_539 = arith.constant 0 : i32
          %dma_start3A_540 = arith.constant 0 : i32
          %dma_start3A_541 = tpu.memref_slice %arg3[%dma_start3A_539, %dma_start3A_540] : memref<10000x64xf32, #tpu.memory_space<hbm>> -> memref<10000x64xf32, #tpu.memory_space<hbm>>
          tpu.enqueue_indirect_dma source(%dma_start3A_541 : memref<10000x64xf32, #tpu.memory_space<hbm>>) target(%dma_start3A_535 : memref<40x64xf32, #tpu.memory_space<vmem>>) offsets(%dma_start3A_538 : memref<40xi32, #tpu.memory_space<vmem>>) semaphore(%arg24 : memref<!tpu.dma_semaphore, #tpu.memory_space<semaphore_mem>>)
        } else {
        }
        %mul3A_509 = arith.constant 170 : i32
        %mul3A_510 = arith.muli %arg1, %mul3A_509 : i32
        %add3A_511 = arith.addi %mul3A_510, %add3A_498 : i32
        %mul3A_512 = arith.constant 80 : i32
        %mul3A_513 = arith.muli %add3A_511, %mul3A_512 : i32
        %eq3A_514 = arith.constant 0 : i32
        %eq3A_515 = arith.cmpi eq, %arg0, %eq3A_514 : i32
        %convert_element_type3A_516 = arith.extui %eq3A_515 : i1 to i32
        %cond3A_517 = arith.constant 0 : i32
        %cond3A_518 = arith.cmpi ne, %convert_element_type3A_516, %cond3A_517 : i32
        scf.if %cond3A_518 {
          %dma_start3A_524 = arith.constant 0 : i32
          %dma_start3A_525 = tpu.memref_slice %arg4[%mul3A_513, %dma_start3A_524] : memref<217600x128xf32, #tpu.memory_space<hbm>> -> memref<80x64xf32, #tpu.memory_space<hbm>>
          %dma_start3A_526 = arith.constant 0 : i32
          %dma_start3A_527 = tpu.memref_slice %arg4[%mul3A_513, %dma_start3A_526] : memref<217600x128xf32, #tpu.memory_space<hbm>> -> memref<80x64xf32, #tpu.memory_space<hbm>>
          tpu.enqueue_dma source(%dma_start3A_527 : memref<80x64xf32, #tpu.memory_space<hbm>>) target(%arg16 : memref<80x64xf32, #tpu.memory_space<vmem>>) target_semaphore(%arg24 : memref<!tpu.dma_semaphore, #tpu.memory_space<semaphore_mem>>)
        } else {
        }
        %eq3A_519 = arith.constant 1 : i32
        %eq3A_520 = arith.cmpi eq, %arg0, %eq3A_519 : i32
        %convert_element_type3A_521 = arith.extui %eq3A_520 : i1 to i32
        %cond3A_522 = arith.constant 0 : i32
        %cond3A_523 = arith.cmpi ne, %convert_element_type3A_521, %cond3A_522 : i32
        scf.if %cond3A_523 {
          %dma_start3A_524 = arith.constant 64 : i32
          %dma_start3A_525 = tpu.memref_slice %arg4[%mul3A_513, %dma_start3A_524] : memref<217600x128xf32, #tpu.memory_space<hbm>> -> memref<80x64xf32, #tpu.memory_space<hbm>>
          %dma_start3A_526 = arith.constant 64 : i32
          %dma_start3A_527 = tpu.memref_slice %arg4[%mul3A_513, %dma_start3A_526] : memref<217600x128xf32, #tpu.memory_space<hbm>> -> memref<80x64xf32, #tpu.memory_space<hbm>>
          tpu.enqueue_dma source(%dma_start3A_527 : memref<80x64xf32, #tpu.memory_space<hbm>>) target(%arg16 : memref<80x64xf32, #tpu.memory_space<vmem>>) target_semaphore(%arg24 : memref<!tpu.dma_semaphore, #tpu.memory_space<semaphore_mem>>)
        } else {
        }
      } else {
      }
    }
    %scan3A_258 = arith.constant 55 : i32
    %dma_wait3A_259 = arith.constant 168 : i32
    %dma_wait3A_260 = arith.constant 0 : i32
    %dma_wait3A_261 = tpu.memref_slice %arg9[%dma_wait3A_259, %dma_wait3A_260] : memref<170x80xi32, #tpu.memory_space<vmem>> -> memref<1x80xi32, #tpu.memory_space<vmem>>
    %dma_wait3A_262 = tpu.memref_squeeze %dma_wait3A_261 : memref<1x80xi32, #tpu.memory_space<vmem>> -> memref<80xi32, #tpu.memory_space<vmem>>
    %dma_wait3A_263 = arith.constant 0 : i32
    %dma_wait3A_264 = arith.constant 0 : i32
    %dma_wait3A_265 = tpu.memref_slice %arg2[%dma_wait3A_263, %dma_wait3A_264] : memref<10000x64xf32, #tpu.memory_space<hbm>> -> memref<10000x64xf32, #tpu.memory_space<hbm>>
    tpu.wait_indirect_dma semaphore(%arg22 : memref<!tpu.dma_semaphore, #tpu.memory_space<semaphore_mem>>) src(%dma_wait3A_265 : memref<10000x64xf32, #tpu.memory_space<hbm>>) dst(%arg11 : memref<80x64xf32, #tpu.memory_space<vmem>>)
    %dma_wait3A_266 = arith.constant 0 : i32
    %dma_wait3A_267 = arith.constant 0 : i32
    %dma_wait3A_268 = tpu.memref_slice %arg4[%dma_wait3A_266, %dma_wait3A_267] : memref<217600x128xf32, #tpu.memory_space<hbm>> -> memref<80x64xf32, #tpu.memory_space<hbm>>
    %dma_wait3A_269 = arith.constant 0 : i32
    %dma_wait3A_270 = arith.constant 0 : i32
    %dma_wait3A_271 = tpu.memref_slice %arg4[%dma_wait3A_269, %dma_wait3A_270] : memref<217600x128xf32, #tpu.memory_space<hbm>> -> memref<80x64xf32, #tpu.memory_space<hbm>>
    tpu.wait_dma2 semaphore(%arg22 : memref<!tpu.dma_semaphore, #tpu.memory_space<semaphore_mem>>) src(%dma_wait3A_271 : memref<80x64xf32, #tpu.memory_space<hbm>>) dst(%arg14 : memref<80x64xf32, #tpu.memory_space<vmem>>)
    %dma_wait3A_272 = arith.constant 0 : i32
    %dma_wait3A_273 = arith.constant 0 : i32
    %dma_wait3A_274 = tpu.memref_slice %arg10[%dma_wait3A_272, %dma_wait3A_273] : memref<170x80xi32, #tpu.memory_space<vmem>> -> memref<1x80xi32, #tpu.memory_space<vmem>>
    %dma_wait3A_275 = tpu.memref_squeeze %dma_wait3A_274 : memref<1x80xi32, #tpu.memory_space<vmem>> -> memref<80xi32, #tpu.memory_space<vmem>>
    %dma_wait3A_276 = arith.constant 0 : i32
    %dma_wait3A_277 = arith.constant 0 : i32
    %dma_wait3A_278 = tpu.memref_slice %arg21[%dma_wait3A_276, %dma_wait3A_277] : memref<10240x64xf32, #tpu.memory_space<vmem_shared>> -> memref<10240x64xf32, #tpu.memory_space<vmem_shared>>
    tpu.wait_indirect_dma semaphore(%arg25 : memref<!tpu.dma_semaphore, #tpu.memory_space<semaphore_mem>>) src(%arg17 : memref<80x64xf32, #tpu.memory_space<vmem>>) dst(%dma_wait3A_278 : memref<10240x64xf32, #tpu.memory_space<vmem_shared>>)
    %scan3A_279 = arith.constant 0 : i32
    %scan3A_280 = arith.constant 0 : i32
    %scan3A_281 = arith.constant 80 : i32
    %scan3A_282 = arith.addi %scan3A_280, %scan3A_281 : i32
    %scan3A_283 = arith.constant 1 : i32
    scf.for %scan3A_361 = %scan3A_280 to %scan3A_282 step %scan3A_283  : i32 {
      %get3A = arith.index_cast %scan3A_361 : i32 to index
      %get3A_362 = arith.constant 0 : index
      %get3A_363 = tpu.vector_load %arg11[%get3A, %get3A_362] {strides = array<i32>} : memref<80x64xf32, #tpu.memory_space<vmem>>, vector<16xf32>,
      %get3A_364 = arith.index_cast %scan3A_361 : i32 to index
      %get3A_365 = arith.constant 0 : index
      %get3A_366 = tpu.vector_load %arg14[%get3A_364, %get3A_365] {strides = array<i32>} : memref<80x64xf32, #tpu.memory_space<vmem>>, vector<16xf32>,
      %mul3A_367 = arith.mulf %get3A_363, %get3A_366 : vector<16xf32>
      %swap3A = arith.index_cast %scan3A_361 : i32 to index
      %swap3A_368 = arith.constant 0 : index
      %swap3A_369 = tpu.vector_load %arg17[%swap3A, %swap3A_368] {strides = array<i32>} : memref<80x64xf32, #tpu.memory_space<vmem>>, vector<16xf32>,
      tpu.vector_store %arg17[%swap3A, %swap3A_368], %mul3A_367 {strides = array<i32>} : memref<80x64xf32, #tpu.memory_space<vmem>>, vector<16xf32>,
      %get3A_370 = arith.index_cast %scan3A_361 : i32 to index
      %get3A_371 = arith.constant 16 : index
      %get3A_372 = tpu.vector_load %arg11[%get3A_370, %get3A_371] {strides = array<i32>} : memref<80x64xf32, #tpu.memory_space<vmem>>, vector<16xf32>,
      %get3A_373 = arith.index_cast %scan3A_361 : i32 to index
      %get3A_374 = arith.constant 16 : index
      %get3A_375 = tpu.vector_load %arg14[%get3A_373, %get3A_374] {strides = array<i32>} : memref<80x64xf32, #tpu.memory_space<vmem>>, vector<16xf32>,
      %mul3A_376 = arith.mulf %get3A_372, %get3A_375 : vector<16xf32>
      %swap3A_377 = arith.index_cast %scan3A_361 : i32 to index
      %swap3A_378 = arith.constant 16 : index
      %swap3A_379 = tpu.vector_load %arg17[%swap3A_377, %swap3A_378] {strides = array<i32>} : memref<80x64xf32, #tpu.memory_space<vmem>>, vector<16xf32>,
      tpu.vector_store %arg17[%swap3A_377, %swap3A_378], %mul3A_376 {strides = array<i32>} : memref<80x64xf32, #tpu.memory_space<vmem>>, vector<16xf32>,
      %get3A_380 = arith.index_cast %scan3A_361 : i32 to index
      %get3A_381 = arith.constant 32 : index
      %get3A_382 = tpu.vector_load %arg11[%get3A_380, %get3A_381] {strides = array<i32>} : memref<80x64xf32, #tpu.memory_space<vmem>>, vector<16xf32>,
      %get3A_383 = arith.index_cast %scan3A_361 : i32 to index
      %get3A_384 = arith.constant 32 : index
      %get3A_385 = tpu.vector_load %arg14[%get3A_383, %get3A_384] {strides = array<i32>} : memref<80x64xf32, #tpu.memory_space<vmem>>, vector<16xf32>,
      %mul3A_386 = arith.mulf %get3A_382, %get3A_385 : vector<16xf32>
      %swap3A_387 = arith.index_cast %scan3A_361 : i32 to index
      %swap3A_388 = arith.constant 32 : index
      %swap3A_389 = tpu.vector_load %arg17[%swap3A_387, %swap3A_388] {strides = array<i32>} : memref<80x64xf32, #tpu.memory_space<vmem>>, vector<16xf32>,
      tpu.vector_store %arg17[%swap3A_387, %swap3A_388], %mul3A_386 {strides = array<i32>} : memref<80x64xf32, #tpu.memory_space<vmem>>, vector<16xf32>,
      %get3A_390 = arith.index_cast %scan3A_361 : i32 to index
      %get3A_391 = arith.constant 48 : index
      %get3A_392 = tpu.vector_load %arg11[%get3A_390, %get3A_391] {strides = array<i32>} : memref<80x64xf32, #tpu.memory_space<vmem>>, vector<16xf32>,
      %get3A_393 = arith.index_cast %scan3A_361 : i32 to index
      %get3A_394 = arith.constant 48 : index
      %get3A_395 = tpu.vector_load %arg14[%get3A_393, %get3A_394] {strides = array<i32>} : memref<80x64xf32, #tpu.memory_space<vmem>>, vector<16xf32>,
      %mul3A_396 = arith.mulf %get3A_392, %get3A_395 : vector<16xf32>
      %swap3A_397 = arith.index_cast %scan3A_361 : i32 to index
      %swap3A_398 = arith.constant 48 : index
      %swap3A_399 = tpu.vector_load %arg17[%swap3A_397, %swap3A_398] {strides = array<i32>} : memref<80x64xf32, #tpu.memory_space<vmem>>, vector<16xf32>,
      tpu.vector_store %arg17[%swap3A_397, %swap3A_398], %mul3A_396 {strides = array<i32>} : memref<80x64xf32, #tpu.memory_space<vmem>>, vector<16xf32>,
    }
    %scan3A_284 = arith.constant 80 : i32
    %dma_start3A_285 = arith.constant 168 : i32
    %dma_start3A_286 = arith.constant 0 : i32
    %dma_start3A_287 = tpu.memref_slice %arg10[%dma_start3A_285, %dma_start3A_286] : memref<170x80xi32, #tpu.memory_space<vmem>> -> memref<1x80xi32, #tpu.memory_space<vmem>>
    %dma_start3A_288 = tpu.memref_squeeze %dma_start3A_287 : memref<1x80xi32, #tpu.memory_space<vmem>> -> memref<80xi32, #tpu.memory_space<vmem>>
    %dma_start3A_289 = arith.constant 0 : i32
    %dma_start3A_290 = arith.constant 0 : i32
    %dma_start3A_291 = tpu.memref_slice %arg21[%dma_start3A_289, %dma_start3A_290] : memref<10240x64xf32, #tpu.memory_space<vmem_shared>> -> memref<10240x64xf32, #tpu.memory_space<vmem_shared>>
    tpu.enqueue_indirect_dma source(%arg17 : memref<80x64xf32, #tpu.memory_space<vmem>>) target(%dma_start3A_291 : memref<10240x64xf32, #tpu.memory_space<vmem_shared>>) offsets(%dma_start3A_288 : memref<80xi32, #tpu.memory_space<vmem>>) semaphore(%arg25 : memref<!tpu.dma_semaphore, #tpu.memory_space<semaphore_mem>>) {add = true}
    %dma_wait3A_292 = arith.constant 169 : i32
    %dma_wait3A_293 = arith.constant 0 : i32
    %dma_wait3A_294 = tpu.memref_slice %arg9[%dma_wait3A_292, %dma_wait3A_293] : memref<170x80xi32, #tpu.memory_space<vmem>> -> memref<1x80xi32, #tpu.memory_space<vmem>>
    %dma_wait3A_295 = tpu.memref_squeeze %dma_wait3A_294 : memref<1x80xi32, #tpu.memory_space<vmem>> -> memref<80xi32, #tpu.memory_space<vmem>>
    %dma_wait3A_296 = arith.constant 0 : i32
    %dma_wait3A_297 = arith.constant 0 : i32
    %dma_wait3A_298 = tpu.memref_slice %arg2[%dma_wait3A_296, %dma_wait3A_297] : memref<10000x64xf32, #tpu.memory_space<hbm>> -> memref<10000x64xf32, #tpu.memory_space<hbm>>
    tpu.wait_indirect_dma semaphore(%arg23 : memref<!tpu.dma_semaphore, #tpu.memory_space<semaphore_mem>>) src(%dma_wait3A_298 : memref<10000x64xf32, #tpu.memory_space<hbm>>) dst(%arg12 : memref<80x64xf32, #tpu.memory_space<vmem>>)
    %dma_wait3A_299 = arith.constant 0 : i32
    %dma_wait3A_300 = arith.constant 0 : i32
    %dma_wait3A_301 = tpu.memref_slice %arg4[%dma_wait3A_299, %dma_wait3A_300] : memref<217600x128xf32, #tpu.memory_space<hbm>> -> memref<80x64xf32, #tpu.memory_space<hbm>>
    %dma_wait3A_302 = arith.constant 0 : i32
    %dma_wait3A_303 = arith.constant 0 : i32
    %dma_wait3A_304 = tpu.memref_slice %arg4[%dma_wait3A_302, %dma_wait3A_303] : memref<217600x128xf32, #tpu.memory_space<hbm>> -> memref<80x64xf32, #tpu.memory_space<hbm>>
    tpu.wait_dma2 semaphore(%arg23 : memref<!tpu.dma_semaphore, #tpu.memory_space<semaphore_mem>>) src(%dma_wait3A_304 : memref<80x64xf32, #tpu.memory_space<hbm>>) dst(%arg15 : memref<80x64xf32, #tpu.memory_space<vmem>>)
    %dma_wait3A_305 = arith.constant 0 : i32
    %dma_wait3A_306 = arith.constant 0 : i32
    %dma_wait3A_307 = tpu.memref_slice %arg10[%dma_wait3A_305, %dma_wait3A_306] : memref<170x80xi32, #tpu.memory_space<vmem>> -> memref<1x80xi32, #tpu.memory_space<vmem>>
    %dma_wait3A_308 = tpu.memref_squeeze %dma_wait3A_307 : memref<1x80xi32, #tpu.memory_space<vmem>> -> memref<80xi32, #tpu.memory_space<vmem>>
    %dma_wait3A_309 = arith.constant 0 : i32
    %dma_wait3A_310 = arith.constant 0 : i32
    %dma_wait3A_311 = tpu.memref_slice %arg21[%dma_wait3A_309, %dma_wait3A_310] : memref<10240x64xf32, #tpu.memory_space<vmem_shared>> -> memref<10240x64xf32, #tpu.memory_space<vmem_shared>>
    tpu.wait_indirect_dma semaphore(%arg26 : memref<!tpu.dma_semaphore, #tpu.memory_space<semaphore_mem>>) src(%arg18 : memref<80x64xf32, #tpu.memory_space<vmem>>) dst(%dma_wait3A_311 : memref<10240x64xf32, #tpu.memory_space<vmem_shared>>)
    %scan3A_312 = arith.constant 0 : i32
    %scan3A_313 = arith.constant 0 : i32
    %scan3A_314 = arith.constant 80 : i32
    %scan3A_315 = arith.addi %scan3A_313, %scan3A_314 : i32
    %scan3A_316 = arith.constant 1 : i32
    scf.for %scan3A_361 = %scan3A_313 to %scan3A_315 step %scan3A_316  : i32 {
      %get3A = arith.index_cast %scan3A_361 : i32 to index
      %get3A_362 = arith.constant 0 : index
      %get3A_363 = tpu.vector_load %arg12[%get3A, %get3A_362] {strides = array<i32>} : memref<80x64xf32, #tpu.memory_space<vmem>>, vector<16xf32>,
      %get3A_364 = arith.index_cast %scan3A_361 : i32 to index
      %get3A_365 = arith.constant 0 : index
      %get3A_366 = tpu.vector_load %arg15[%get3A_364, %get3A_365] {strides = array<i32>} : memref<80x64xf32, #tpu.memory_space<vmem>>, vector<16xf32>,
      %mul3A_367 = arith.mulf %get3A_363, %get3A_366 : vector<16xf32>
      %swap3A = arith.index_cast %scan3A_361 : i32 to index
      %swap3A_368 = arith.constant 0 : index
      %swap3A_369 = tpu.vector_load %arg18[%swap3A, %swap3A_368] {strides = array<i32>} : memref<80x64xf32, #tpu.memory_space<vmem>>, vector<16xf32>,
      tpu.vector_store %arg18[%swap3A, %swap3A_368], %mul3A_367 {strides = array<i32>} : memref<80x64xf32, #tpu.memory_space<vmem>>, vector<16xf32>,
      %get3A_370 = arith.index_cast %scan3A_361 : i32 to index
      %get3A_371 = arith.constant 16 : index
      %get3A_372 = tpu.vector_load %arg12[%get3A_370, %get3A_371] {strides = array<i32>} : memref<80x64xf32, #tpu.memory_space<vmem>>, vector<16xf32>,
      %get3A_373 = arith.index_cast %scan3A_361 : i32 to index
      %get3A_374 = arith.constant 16 : index
      %get3A_375 = tpu.vector_load %arg15[%get3A_373, %get3A_374] {strides = array<i32>} : memref<80x64xf32, #tpu.memory_space<vmem>>, vector<16xf32>,
      %mul3A_376 = arith.mulf %get3A_372, %get3A_375 : vector<16xf32>
      %swap3A_377 = arith.index_cast %scan3A_361 : i32 to index
      %swap3A_378 = arith.constant 16 : index
      %swap3A_379 = tpu.vector_load %arg18[%swap3A_377, %swap3A_378] {strides = array<i32>} : memref<80x64xf32, #tpu.memory_space<vmem>>, vector<16xf32>,
      tpu.vector_store %arg18[%swap3A_377, %swap3A_378], %mul3A_376 {strides = array<i32>} : memref<80x64xf32, #tpu.memory_space<vmem>>, vector<16xf32>,
      %get3A_380 = arith.index_cast %scan3A_361 : i32 to index
      %get3A_381 = arith.constant 32 : index
      %get3A_382 = tpu.vector_load %arg12[%get3A_380, %get3A_381] {strides = array<i32>} : memref<80x64xf32, #tpu.memory_space<vmem>>, vector<16xf32>,
      %get3A_383 = arith.index_cast %scan3A_361 : i32 to index
      %get3A_384 = arith.constant 32 : index
      %get3A_385 = tpu.vector_load %arg15[%get3A_383, %get3A_384] {strides = array<i32>} : memref<80x64xf32, #tpu.memory_space<vmem>>, vector<16xf32>,
      %mul3A_386 = arith.mulf %get3A_382, %get3A_385 : vector<16xf32>
      %swap3A_387 = arith.index_cast %scan3A_361 : i32 to index
      %swap3A_388 = arith.constant 32 : index
      %swap3A_389 = tpu.vector_load %arg18[%swap3A_387, %swap3A_388] {strides = array<i32>} : memref<80x64xf32, #tpu.memory_space<vmem>>, vector<16xf32>,
      tpu.vector_store %arg18[%swap3A_387, %swap3A_388], %mul3A_386 {strides = array<i32>} : memref<80x64xf32, #tpu.memory_space<vmem>>, vector<16xf32>,
      %get3A_390 = arith.index_cast %scan3A_361 : i32 to index
      %get3A_391 = arith.constant 48 : index
      %get3A_392 = tpu.vector_load %arg12[%get3A_390, %get3A_391] {strides = array<i32>} : memref<80x64xf32, #tpu.memory_space<vmem>>, vector<16xf32>,
      %get3A_393 = arith.index_cast %scan3A_361 : i32 to index
      %get3A_394 = arith.constant 48 : index
      %get3A_395 = tpu.vector_load %arg15[%get3A_393, %get3A_394] {strides = array<i32>} : memref<80x64xf32, #tpu.memory_space<vmem>>, vector<16xf32>,
      %mul3A_396 = arith.mulf %get3A_392, %get3A_395 : vector<16xf32>
      %swap3A_397 = arith.index_cast %scan3A_361 : i32 to index
      %swap3A_398 = arith.constant 48 : index
      %swap3A_399 = tpu.vector_load %arg18[%swap3A_397, %swap3A_398] {strides = array<i32>} : memref<80x64xf32, #tpu.memory_space<vmem>>, vector<16xf32>,
      tpu.vector_store %arg18[%swap3A_397, %swap3A_398], %mul3A_396 {strides = array<i32>} : memref<80x64xf32, #tpu.memory_space<vmem>>, vector<16xf32>,
    }
    %scan3A_317 = arith.constant 80 : i32
    %dma_start3A_318 = arith.constant 169 : i32
    %dma_start3A_319 = arith.constant 0 : i32
    %dma_start3A_320 = tpu.memref_slice %arg10[%dma_start3A_318, %dma_start3A_319] : memref<170x80xi32, #tpu.memory_space<vmem>> -> memref<1x80xi32, #tpu.memory_space<vmem>>
    %dma_start3A_321 = tpu.memref_squeeze %dma_start3A_320 : memref<1x80xi32, #tpu.memory_space<vmem>> -> memref<80xi32, #tpu.memory_space<vmem>>
    %dma_start3A_322 = arith.constant 0 : i32
    %dma_start3A_323 = arith.constant 0 : i32
    %dma_start3A_324 = tpu.memref_slice %arg21[%dma_start3A_322, %dma_start3A_323] : memref<10240x64xf32, #tpu.memory_space<vmem_shared>> -> memref<10240x64xf32, #tpu.memory_space<vmem_shared>>
    tpu.enqueue_indirect_dma source(%arg18 : memref<80x64xf32, #tpu.memory_space<vmem>>) target(%dma_start3A_324 : memref<10240x64xf32, #tpu.memory_space<vmem_shared>>) offsets(%dma_start3A_321 : memref<80xi32, #tpu.memory_space<vmem>>) semaphore(%arg26 : memref<!tpu.dma_semaphore, #tpu.memory_space<semaphore_mem>>) {add = true}
    %dma_wait3A_325 = arith.constant 0 : i32
    %dma_wait3A_326 = arith.constant 0 : i32
    %dma_wait3A_327 = tpu.memref_slice %arg10[%dma_wait3A_325, %dma_wait3A_326] : memref<170x80xi32, #tpu.memory_space<vmem>> -> memref<1x80xi32, #tpu.memory_space<vmem>>
    %dma_wait3A_328 = tpu.memref_squeeze %dma_wait3A_327 : memref<1x80xi32, #tpu.memory_space<vmem>> -> memref<80xi32, #tpu.memory_space<vmem>>
    %dma_wait3A_329 = arith.constant 0 : i32
    %dma_wait3A_330 = arith.constant 0 : i32
    %dma_wait3A_331 = tpu.memref_slice %arg21[%dma_wait3A_329, %dma_wait3A_330] : memref<10240x64xf32, #tpu.memory_space<vmem_shared>> -> memref<10240x64xf32, #tpu.memory_space<vmem_shared>>
    tpu.wait_indirect_dma semaphore(%arg25 : memref<!tpu.dma_semaphore, #tpu.memory_space<semaphore_mem>>) src(%arg17 : memref<80x64xf32, #tpu.memory_space<vmem>>) dst(%dma_wait3A_331 : memref<10240x64xf32, #tpu.memory_space<vmem_shared>>)
    %dma_wait3A_332 = arith.constant 0 : i32
    %dma_wait3A_333 = arith.constant 0 : i32
    %dma_wait3A_334 = tpu.memref_slice %arg10[%dma_wait3A_332, %dma_wait3A_333] : memref<170x80xi32, #tpu.memory_space<vmem>> -> memref<1x80xi32, #tpu.memory_space<vmem>>
    %dma_wait3A_335 = tpu.memref_squeeze %dma_wait3A_334 : memref<1x80xi32, #tpu.memory_space<vmem>> -> memref<80xi32, #tpu.memory_space<vmem>>
    %dma_wait3A_336 = arith.constant 0 : i32
    %dma_wait3A_337 = arith.constant 0 : i32
    %dma_wait3A_338 = tpu.memref_slice %arg21[%dma_wait3A_336, %dma_wait3A_337] : memref<10240x64xf32, #tpu.memory_space<vmem_shared>> -> memref<10240x64xf32, #tpu.memory_space<vmem_shared>>
    tpu.wait_indirect_dma semaphore(%arg26 : memref<!tpu.dma_semaphore, #tpu.memory_space<semaphore_mem>>) src(%arg18 : memref<80x64xf32, #tpu.memory_space<vmem>>) dst(%dma_wait3A_338 : memref<10240x64xf32, #tpu.memory_space<vmem_shared>>)
    %dma_wait3A_339 = arith.constant 0 : i32
    %dma_wait3A_340 = arith.constant 0 : i32
    %dma_wait3A_341 = tpu.memref_slice %arg10[%dma_wait3A_339, %dma_wait3A_340] : memref<170x80xi32, #tpu.memory_space<vmem>> -> memref<1x80xi32, #tpu.memory_space<vmem>>
    %dma_wait3A_342 = tpu.memref_squeeze %dma_wait3A_341 : memref<1x80xi32, #tpu.memory_space<vmem>> -> memref<80xi32, #tpu.memory_space<vmem>>
    %dma_wait3A_343 = arith.constant 0 : i32
    %dma_wait3A_344 = arith.constant 0 : i32
    %dma_wait3A_345 = tpu.memref_slice %arg21[%dma_wait3A_343, %dma_wait3A_344] : memref<10240x64xf32, #tpu.memory_space<vmem_shared>> -> memref<10240x64xf32, #tpu.memory_space<vmem_shared>>
    tpu.wait_indirect_dma semaphore(%arg27 : memref<!tpu.dma_semaphore, #tpu.memory_space<semaphore_mem>>) src(%arg19 : memref<80x64xf32, #tpu.memory_space<vmem>>) dst(%dma_wait3A_345 : memref<10240x64xf32, #tpu.memory_space<vmem_shared>>)
    %barrier3A_346 = arith.constant 0 : index
    tpu.barrier barrier_id(%barrier3A_346)
    %mul3A_347 = arith.constant 640 : i32
    %mul3A_348 = arith.muli %arg1, %mul3A_347 : i32
    %mul3A_349 = arith.constant 640 : i32
    %mul3A_350 = arith.muli %arg1, %mul3A_349 : i32
    %eq3A_351 = arith.constant 0 : i32
    %eq3A_352 = arith.cmpi eq, %arg0, %eq3A_351 : i32
    %convert_element_type3A_353 = arith.extui %eq3A_352 : i1 to i32
    %cond3A_354 = arith.constant 0 : i32
    %cond3A_355 = arith.cmpi ne, %convert_element_type3A_353, %cond3A_354 : i32
    scf.if %cond3A_355 {
      "tpu.region"() ({
        %run_scoped3A = tpu.sem_alloc : memref<!tpu.dma_semaphore, #tpu.memory_space<semaphore_mem>>
        %dma_start3A_361 = arith.constant 0 : i32
        %dma_start3A_362 = tpu.memref_slice %arg7[%mul3A_350, %dma_start3A_361] : memref<10240x64xf32, #tpu.memory_space<hbm>> -> memref<640x64xf32, #tpu.memory_space<hbm>>
        %dma_start3A_363 = arith.constant 0 : i32
        %dma_start3A_364 = tpu.memref_slice %arg21[%mul3A_348, %dma_start3A_363] : memref<10240x64xf32, #tpu.memory_space<vmem_shared>> -> memref<640x64xf32, #tpu.memory_space<vmem_shared>>
        tpu.enqueue_dma source(%dma_start3A_364 : memref<640x64xf32, #tpu.memory_space<vmem_shared>>) target(%dma_start3A_362 : memref<640x64xf32, #tpu.memory_space<hbm>>) target_semaphore(%run_scoped3A : memref<!tpu.dma_semaphore, #tpu.memory_space<semaphore_mem>>)
        %dma_wait3A_365 = arith.constant 0 : i32
        %dma_wait3A_366 = tpu.memref_slice %arg7[%mul3A_350, %dma_wait3A_365] : memref<10240x64xf32, #tpu.memory_space<hbm>> -> memref<640x64xf32, #tpu.memory_space<hbm>>
        %dma_wait3A_367 = arith.constant 0 : i32
        %dma_wait3A_368 = tpu.memref_slice %arg21[%mul3A_348, %dma_wait3A_367] : memref<10240x64xf32, #tpu.memory_space<vmem_shared>> -> memref<640x64xf32, #tpu.memory_space<vmem_shared>>
        tpu.wait_dma2 semaphore(%run_scoped3A : memref<!tpu.dma_semaphore, #tpu.memory_space<semaphore_mem>>) src(%dma_wait3A_368 : memref<640x64xf32, #tpu.memory_space<vmem_shared>>) dst(%dma_wait3A_366 : memref<640x64xf32, #tpu.memory_space<hbm>>)
        tpu.yield
      }) : () -> ()
    } else {
    }
    %eq3A_356 = arith.constant 1 : i32
    %eq3A_357 = arith.cmpi eq, %arg0, %eq3A_356 : i32
    %convert_element_type3A_358 = arith.extui %eq3A_357 : i1 to i32
    %cond3A_359 = arith.constant 0 : i32
    %cond3A_360 = arith.cmpi ne, %convert_element_type3A_358, %cond3A_359 : i32
    scf.if %cond3A_360 {
      "tpu.region"() ({
        %run_scoped3A = tpu.sem_alloc : memref<!tpu.dma_semaphore, #tpu.memory_space<semaphore_mem>>
        %dma_start3A_361 = arith.constant 0 : i32
        %dma_start3A_362 = tpu.memref_slice %arg8[%mul3A_350, %dma_start3A_361] : memref<10240x64xf32, #tpu.memory_space<hbm>> -> memref<640x64xf32, #tpu.memory_space<hbm>>
        %dma_start3A_363 = arith.constant 0 : i32
        %dma_start3A_364 = tpu.memref_slice %arg21[%mul3A_348, %dma_start3A_363] : memref<10240x64xf32, #tpu.memory_space<vmem_shared>> -> memref<640x64xf32, #tpu.memory_space<vmem_shared>>
        tpu.enqueue_dma source(%dma_start3A_364 : memref<640x64xf32, #tpu.memory_space<vmem_shared>>) target(%dma_start3A_362 : memref<640x64xf32, #tpu.memory_space<hbm>>) target_semaphore(%run_scoped3A : memref<!tpu.dma_semaphore, #tpu.memory_space<semaphore_mem>>)
        %dma_wait3A_365 = arith.constant 0 : i32
        %dma_wait3A_366 = tpu.memref_slice %arg8[%mul3A_350, %dma_wait3A_365] : memref<10240x64xf32, #tpu.memory_space<hbm>> -> memref<640x64xf32, #tpu.memory_space<hbm>>
        %dma_wait3A_367 = arith.constant 0 : i32
        %dma_wait3A_368 = tpu.memref_slice %arg21[%mul3A_348, %dma_wait3A_367] : memref<10240x64xf32, #tpu.memory_space<vmem_shared>> -> memref<640x64xf32, #tpu.memory_space<vmem_shared>>
        tpu.wait_dma2 semaphore(%run_scoped3A : memref<!tpu.dma_semaphore, #tpu.memory_space<semaphore_mem>>) src(%dma_wait3A_368 : memref<640x64xf32, #tpu.memory_space<vmem_shared>>) dst(%dma_wait3A_366 : memref<640x64xf32, #tpu.memory_space<hbm>>)
        tpu.yield
      }) : () -> ()
    } else {
    }
    return
  }
}

module attributes {stable_mosaic.version = 14 : i64} {
  func.func @body(%arg0: i32, %arg1: memref<2000x128xf32, #tpu.memory_space<vmem>>, %arg2: memref<128x128xf32, #tpu.memory_space<vmem>>, %arg3: memref<2000x64xf32, #tpu.memory_space<vmem>>, %arg4: memref<2000x64xf32, #tpu.memory_space<vmem>>) attributes {dimension_semantics = [#tpu.dimension_semantics<arbitrary>], iteration_bounds = array<i64: 5>, scalar_prefetch = 0 : i64, scratch_operands = 0 : i64, tpu.core_type = #tpu.core_type<tc>, window_params = [{transform_indices = @transform_0, window_bounds = array<i64: 2000, 128>}, {pipeline_mode = #tpu.pipeline_mode<synchronous>, transform_indices = @transform_1, window_bounds = array<i64: 128, 128>}, {transform_indices = @transform_2, window_bounds = array<i64: 2000, 64>}, {transform_indices = @transform_3, window_bounds = array<i64: 2000, 64>}]} {
    %get3A = arith.constant 0 : index
    %get3A_0 = arith.constant 0 : index
    %get3A_1 = vector.load %arg1[%get3A, %get3A_0] : memref<2000x128xf32, #tpu.memory_space<vmem>>, vector<2000x128xf32>
    %get3A_2 = arith.constant 0 : index
    %get3A_3 = arith.constant 0 : index
    %get3A_4 = vector.load %arg2[%get3A_2, %get3A_3] : memref<128x128xf32, #tpu.memory_space<vmem>>, vector<128x128xf32>
    %dot_general3A = arith.constant dense<0.000000e+00> : vector<2000x128xf32>
    %dot_general3A_5 = tpu.matmul %get3A_1, %get3A_4, %dot_general3A {dimension_numbers = #tpu.dot_dimension_numbers<[1], [0], [0], [1], [0, 0, 1, 1], [], []>, transpose_lhs_hint = false} : vector<2000x128xf32>, vector<128x128xf32>, vector<2000x128xf32> -> vector<2000x128xf32>
    %slice3A = vector.extract_strided_slice %dot_general3A_5 {offsets = [0, 0], sizes = [2000, 64], strides = [1, 1]} : vector<2000x128xf32> to vector<2000x64xf32>
    %swap3A = arith.constant 0 : index
    %swap3A_6 = arith.constant 0 : index
    %swap3A_7 = vector.load %arg3[%swap3A, %swap3A_6] : memref<2000x64xf32, #tpu.memory_space<vmem>>, vector<2000x64xf32>
    tpu.vector_store %arg3[%swap3A, %swap3A_6], %slice3A {strides = array<i32>} : memref<2000x64xf32, #tpu.memory_space<vmem>>, vector<2000x64xf32>,
    %slice3A_8 = vector.extract_strided_slice %dot_general3A_5 {offsets = [0, 64], sizes = [2000, 64], strides = [1, 1]} : vector<2000x128xf32> to vector<2000x64xf32>
    %swap3A_9 = arith.constant 0 : index
    %swap3A_10 = arith.constant 0 : index
    %swap3A_11 = vector.load %arg4[%swap3A_9, %swap3A_10] : memref<2000x64xf32, #tpu.memory_space<vmem>>, vector<2000x64xf32>
    tpu.vector_store %arg4[%swap3A_9, %swap3A_10], %slice3A_8 {strides = array<i32>} : memref<2000x64xf32, #tpu.memory_space<vmem>>, vector<2000x64xf32>,
    return
  }
  func.func @transform_0(%arg0: i32) -> (i32, i32) {
    %c0_i32 = arith.constant 0 : i32
    %c0_i32_0 = arith.constant 0 : i32
    return %arg0, %c0_i32 : i32, i32
  }
  func.func @transform_1(%arg0: i32) -> (i32, i32) {
    %c0_i32 = arith.constant 0 : i32
    %c0_i32_0 = arith.constant 0 : i32
    %c0_i32_1 = arith.constant 0 : i32
    return %c0_i32, %c0_i32_0 : i32, i32
  }
  func.func @transform_2(%arg0: i32) -> (i32, i32) {
    %c0_i32 = arith.constant 0 : i32
    %c0_i32_0 = arith.constant 0 : i32
    return %arg0, %c0_i32 : i32, i32
  }
  func.func @transform_3(%arg0: i32) -> (i32, i32) {
    %c0_i32 = arith.constant 0 : i32
    %c0_i32_0 = arith.constant 0 : i32
    return %arg0, %c0_i32 : i32, i32
  }
}

module attributes {stable_mosaic.version = 14 : i64} {
  func.func @body(%arg0: i32, %arg1: memref<16x6400xf32, #tpu.memory_space<vmem>>, %arg2: memref<16x128xf32, #tpu.memory_space<vmem>>, %arg3: memref<1x128xf32, #tpu.memory_space<vmem>>, %arg4: memref<128x128xf32, #tpu.memory_space<vmem>>, %arg5: memref<1x128xf32, #tpu.memory_space<vmem>>, %arg6: memref<6400x128xf32, #tpu.memory_space<vmem>>) attributes {dimension_semantics = [#tpu.dimension_semantics<arbitrary>], iteration_bounds = array<i64: 16>, scalar_prefetch = 0 : i64, scratch_operands = 0 : i64, tpu.core_type = #tpu.core_type<tc>, window_params = [{transform_indices = @transform_0, window_bounds = array<i64: 16, 6400>}, {pipeline_mode = #tpu.pipeline_mode<synchronous>, transform_indices = @transform_1, window_bounds = array<i64: 16, 128>}, {pipeline_mode = #tpu.pipeline_mode<synchronous>, transform_indices = @transform_2, window_bounds = array<i64: 1, 128>}, {pipeline_mode = #tpu.pipeline_mode<synchronous>, transform_indices = @transform_3, window_bounds = array<i64: 128, 128>}, {pipeline_mode = #tpu.pipeline_mode<synchronous>, transform_indices = @transform_4, window_bounds = array<i64: 1, 128>}, {transform_indices = @transform_5, window_bounds = array<i64: 6400, 128>}]} {
    %get3A = arith.constant 0 : index
    %get3A_0 = arith.constant 0 : index
    %get3A_1 = vector.load %arg1[%get3A, %get3A_0] : memref<16x6400xf32, #tpu.memory_space<vmem>>, vector<16x6400xf32>
    %get3A_2 = arith.constant 0 : index
    %get3A_3 = arith.constant 0 : index
    %get3A_4 = vector.load %arg2[%get3A_2, %get3A_3] : memref<16x128xf32, #tpu.memory_space<vmem>>, vector<16x128xf32>
    %dot_general3A = arith.constant dense<0.000000e+00> : vector<6400x128xf32>
    %dot_general3A_5 = tpu.matmul %get3A_1, %get3A_4, %dot_general3A {dimension_numbers = #tpu.dot_dimension_numbers<[0], [0], [1], [1], [0, 1, 1, 1], [], []>, transpose_lhs_hint = false} : vector<16x6400xf32>, vector<16x128xf32>, vector<6400x128xf32> -> vector<6400x128xf32>
    %get3A_6 = arith.constant 0 : index
    %get3A_7 = arith.constant 0 : index
    %get3A_8 = vector.load %arg3[%get3A_6, %get3A_7] : memref<1x128xf32, #tpu.memory_space<vmem>>, vector<1x128xf32>
    %add3A = vector.broadcast %get3A_8 : vector<1x128xf32> to vector<6400x128xf32>
    %add3A_9 = arith.addf %dot_general3A_5, %add3A : vector<6400x128xf32>
    %ge3A = arith.constant 0.000000e+00 : f32
    %ge3A_10 = vector.broadcast %ge3A : f32 to vector<6400x128xf32>
    %ge3A_11 = arith.cmpf oge, %add3A_9, %ge3A_10 : vector<6400x128xf32>
    %mul3A = arith.constant 0.00999999977 : f32
    %mul3A_12 = vector.broadcast %mul3A : f32 to vector<6400x128xf32>
    %mul3A_13 = arith.mulf %mul3A_12, %add3A_9 : vector<6400x128xf32>
    %select_n3A = arith.select %ge3A_11, %add3A_9, %mul3A_13 : vector<6400x128xi1>, vector<6400x128xf32>
    %get3A_14 = arith.constant 0 : index
    %get3A_15 = arith.constant 0 : index
    %get3A_16 = vector.load %arg4[%get3A_14, %get3A_15] : memref<128x128xf32, #tpu.memory_space<vmem>>, vector<128x128xf32>
    %dot_general3A_17 = arith.constant dense<0.000000e+00> : vector<6400x128xf32>
    %dot_general3A_18 = tpu.matmul %select_n3A, %get3A_16, %dot_general3A_17 {dimension_numbers = #tpu.dot_dimension_numbers<[1], [0], [0], [1], [0, 0, 1, 1], [], []>, transpose_lhs_hint = false} : vector<6400x128xf32>, vector<128x128xf32>, vector<6400x128xf32> -> vector<6400x128xf32>
    %get3A_19 = arith.constant 0 : index
    %get3A_20 = arith.constant 0 : index
    %get3A_21 = vector.load %arg5[%get3A_19, %get3A_20] : memref<1x128xf32, #tpu.memory_space<vmem>>, vector<1x128xf32>
    %add3A_22 = vector.broadcast %get3A_21 : vector<1x128xf32> to vector<6400x128xf32>
    %add3A_23 = arith.addf %dot_general3A_18, %add3A_22 : vector<6400x128xf32>
    %ge3A_24 = arith.constant 0.000000e+00 : f32
    %ge3A_25 = vector.broadcast %ge3A_24 : f32 to vector<6400x128xf32>
    %ge3A_26 = arith.cmpf oge, %add3A_23, %ge3A_25 : vector<6400x128xf32>
    %mul3A_27 = arith.constant 0.00999999977 : f32
    %mul3A_28 = vector.broadcast %mul3A_27 : f32 to vector<6400x128xf32>
    %mul3A_29 = arith.mulf %mul3A_28, %add3A_23 : vector<6400x128xf32>
    %select_n3A_30 = arith.select %ge3A_26, %add3A_23, %mul3A_29 : vector<6400x128xi1>, vector<6400x128xf32>
    %swap3A = arith.constant 0 : index
    %swap3A_31 = arith.constant 0 : index
    %swap3A_32 = vector.load %arg6[%swap3A, %swap3A_31] : memref<6400x128xf32, #tpu.memory_space<vmem>>, vector<6400x128xf32>
    tpu.vector_store %arg6[%swap3A, %swap3A_31], %select_n3A_30 {strides = array<i32>} : memref<6400x128xf32, #tpu.memory_space<vmem>>, vector<6400x128xf32>,
    return
  }
  func.func @transform_0(%arg0: i32) -> (i32, i32) {
    %add3A = arith.constant 34 : i32
    %add3A_0 = arith.addi %arg0, %add3A : i32
    %c0_i32 = arith.constant 0 : i32
    %c0_i32_1 = arith.constant 0 : i32
    return %c0_i32, %add3A_0 : i32, i32
  }
  func.func @transform_1(%arg0: i32) -> (i32, i32) {
    %c0_i32 = arith.constant 0 : i32
    %c0_i32_0 = arith.constant 0 : i32
    %c0_i32_1 = arith.constant 0 : i32
    return %c0_i32, %c0_i32_0 : i32, i32
  }
  func.func @transform_2(%arg0: i32) -> (i32, i32) {
    %c0_i32 = arith.constant 0 : i32
    %c0_i32_0 = arith.constant 0 : i32
    %c0_i32_1 = arith.constant 0 : i32
    return %c0_i32, %c0_i32_0 : i32, i32
  }
  func.func @transform_3(%arg0: i32) -> (i32, i32) {
    %c0_i32 = arith.constant 0 : i32
    %c0_i32_0 = arith.constant 0 : i32
    %c0_i32_1 = arith.constant 0 : i32
    return %c0_i32, %c0_i32_0 : i32, i32
  }
  func.func @transform_4(%arg0: i32) -> (i32, i32) {
    %c0_i32 = arith.constant 0 : i32
    %c0_i32_0 = arith.constant 0 : i32
    %c0_i32_1 = arith.constant 0 : i32
    return %c0_i32, %c0_i32_0 : i32, i32
  }
  func.func @transform_5(%arg0: i32) -> (i32, i32) {
    %c0_i32 = arith.constant 0 : i32
    %c0_i32_0 = arith.constant 0 : i32
    return %arg0, %c0_i32 : i32, i32
  }
}

module attributes {stable_mosaic.version = 14 : i64} {
  func.func @body(%arg0: i32, %arg1: memref<16x6400xf32, #tpu.memory_space<vmem>>, %arg2: memref<16x128xf32, #tpu.memory_space<vmem>>, %arg3: memref<1x128xf32, #tpu.memory_space<vmem>>, %arg4: memref<128x128xf32, #tpu.memory_space<vmem>>, %arg5: memref<1x128xf32, #tpu.memory_space<vmem>>, %arg6: memref<6400x128xf32, #tpu.memory_space<vmem>>) attributes {dimension_semantics = [#tpu.dimension_semantics<arbitrary>], iteration_bounds = array<i64: 34>, scalar_prefetch = 0 : i64, scratch_operands = 0 : i64, tpu.core_type = #tpu.core_type<tc>, window_params = [{transform_indices = @transform_0, window_bounds = array<i64: 16, 6400>}, {pipeline_mode = #tpu.pipeline_mode<synchronous>, transform_indices = @transform_1, window_bounds = array<i64: 16, 128>}, {pipeline_mode = #tpu.pipeline_mode<synchronous>, transform_indices = @transform_2, window_bounds = array<i64: 1, 128>}, {pipeline_mode = #tpu.pipeline_mode<synchronous>, transform_indices = @transform_3, window_bounds = array<i64: 128, 128>}, {pipeline_mode = #tpu.pipeline_mode<synchronous>, transform_indices = @transform_4, window_bounds = array<i64: 1, 128>}, {transform_indices = @transform_5, window_bounds = array<i64: 6400, 128>}]} {
    %get3A = arith.constant 0 : index
    %get3A_0 = arith.constant 0 : index
    %get3A_1 = vector.load %arg1[%get3A, %get3A_0] : memref<16x6400xf32, #tpu.memory_space<vmem>>, vector<16x6400xf32>
    %get3A_2 = arith.constant 0 : index
    %get3A_3 = arith.constant 0 : index
    %get3A_4 = vector.load %arg2[%get3A_2, %get3A_3] : memref<16x128xf32, #tpu.memory_space<vmem>>, vector<16x128xf32>
    %dot_general3A = arith.constant dense<0.000000e+00> : vector<6400x128xf32>
    %dot_general3A_5 = tpu.matmul %get3A_1, %get3A_4, %dot_general3A {dimension_numbers = #tpu.dot_dimension_numbers<[0], [0], [1], [1], [0, 1, 1, 1], [], []>, transpose_lhs_hint = false} : vector<16x6400xf32>, vector<16x128xf32>, vector<6400x128xf32> -> vector<6400x128xf32>
    %get3A_6 = arith.constant 0 : index
    %get3A_7 = arith.constant 0 : index
    %get3A_8 = vector.load %arg3[%get3A_6, %get3A_7] : memref<1x128xf32, #tpu.memory_space<vmem>>, vector<1x128xf32>
    %add3A = vector.broadcast %get3A_8 : vector<1x128xf32> to vector<6400x128xf32>
    %add3A_9 = arith.addf %dot_general3A_5, %add3A : vector<6400x128xf32>
    %ge3A = arith.constant 0.000000e+00 : f32
    %ge3A_10 = vector.broadcast %ge3A : f32 to vector<6400x128xf32>
    %ge3A_11 = arith.cmpf oge, %add3A_9, %ge3A_10 : vector<6400x128xf32>
    %mul3A = arith.constant 0.00999999977 : f32
    %mul3A_12 = vector.broadcast %mul3A : f32 to vector<6400x128xf32>
    %mul3A_13 = arith.mulf %mul3A_12, %add3A_9 : vector<6400x128xf32>
    %select_n3A = arith.select %ge3A_11, %add3A_9, %mul3A_13 : vector<6400x128xi1>, vector<6400x128xf32>
    %get3A_14 = arith.constant 0 : index
    %get3A_15 = arith.constant 0 : index
    %get3A_16 = vector.load %arg4[%get3A_14, %get3A_15] : memref<128x128xf32, #tpu.memory_space<vmem>>, vector<128x128xf32>
    %dot_general3A_17 = arith.constant dense<0.000000e+00> : vector<6400x128xf32>
    %dot_general3A_18 = tpu.matmul %select_n3A, %get3A_16, %dot_general3A_17 {dimension_numbers = #tpu.dot_dimension_numbers<[1], [0], [0], [1], [0, 0, 1, 1], [], []>, transpose_lhs_hint = false} : vector<6400x128xf32>, vector<128x128xf32>, vector<6400x128xf32> -> vector<6400x128xf32>
    %get3A_19 = arith.constant 0 : index
    %get3A_20 = arith.constant 0 : index
    %get3A_21 = vector.load %arg5[%get3A_19, %get3A_20] : memref<1x128xf32, #tpu.memory_space<vmem>>, vector<1x128xf32>
    %add3A_22 = vector.broadcast %get3A_21 : vector<1x128xf32> to vector<6400x128xf32>
    %add3A_23 = arith.addf %dot_general3A_18, %add3A_22 : vector<6400x128xf32>
    %ge3A_24 = arith.constant 0.000000e+00 : f32
    %ge3A_25 = vector.broadcast %ge3A_24 : f32 to vector<6400x128xf32>
    %ge3A_26 = arith.cmpf oge, %add3A_23, %ge3A_25 : vector<6400x128xf32>
    %mul3A_27 = arith.constant 0.00999999977 : f32
    %mul3A_28 = vector.broadcast %mul3A_27 : f32 to vector<6400x128xf32>
    %mul3A_29 = arith.mulf %mul3A_28, %add3A_23 : vector<6400x128xf32>
    %select_n3A_30 = arith.select %ge3A_26, %add3A_23, %mul3A_29 : vector<6400x128xi1>, vector<6400x128xf32>
    %swap3A = arith.constant 0 : index
    %swap3A_31 = arith.constant 0 : index
    %swap3A_32 = vector.load %arg6[%swap3A, %swap3A_31] : memref<6400x128xf32, #tpu.memory_space<vmem>>, vector<6400x128xf32>
    tpu.vector_store %arg6[%swap3A, %swap3A_31], %select_n3A_30 {strides = array<i32>} : memref<6400x128xf32, #tpu.memory_space<vmem>>, vector<6400x128xf32>,
    return
  }
  func.func @transform_0(%arg0: i32) -> (i32, i32) {
    %add3A = arith.constant 0 : i32
    %add3A_0 = arith.addi %arg0, %add3A : i32
    %c0_i32 = arith.constant 0 : i32
    %c0_i32_1 = arith.constant 0 : i32
    return %c0_i32, %add3A_0 : i32, i32
  }
  func.func @transform_1(%arg0: i32) -> (i32, i32) {
    %c0_i32 = arith.constant 0 : i32
    %c0_i32_0 = arith.constant 0 : i32
    %c0_i32_1 = arith.constant 0 : i32
    return %c0_i32, %c0_i32_0 : i32, i32
  }
  func.func @transform_2(%arg0: i32) -> (i32, i32) {
    %c0_i32 = arith.constant 0 : i32
    %c0_i32_0 = arith.constant 0 : i32
    %c0_i32_1 = arith.constant 0 : i32
    return %c0_i32, %c0_i32_0 : i32, i32
  }
  func.func @transform_3(%arg0: i32) -> (i32, i32) {
    %c0_i32 = arith.constant 0 : i32
    %c0_i32_0 = arith.constant 0 : i32
    %c0_i32_1 = arith.constant 0 : i32
    return %c0_i32, %c0_i32_0 : i32, i32
  }
  func.func @transform_4(%arg0: i32) -> (i32, i32) {
    %c0_i32 = arith.constant 0 : i32
    %c0_i32_0 = arith.constant 0 : i32
    %c0_i32_1 = arith.constant 0 : i32
    return %c0_i32, %c0_i32_0 : i32, i32
  }
  func.func @transform_5(%arg0: i32) -> (i32, i32) {
    %c0_i32 = arith.constant 0 : i32
    %c0_i32_0 = arith.constant 0 : i32
    return %arg0, %c0_i32 : i32, i32
  }
}

module attributes {stable_mosaic.version = 14 : i64} {
  func.func @body(%arg0: i32, %arg1: memref<2000x64xf32, #tpu.memory_space<vmem>>, %arg2: memref<2000x64xf32, #tpu.memory_space<vmem>>, %arg3: memref<2000x64xf32, #tpu.memory_space<vmem>>, %arg4: memref<2000x64xf32, #tpu.memory_space<vmem>>, %arg5: memref<2000x128xf32, #tpu.memory_space<vmem>>) attributes {dimension_semantics = [#tpu.dimension_semantics<arbitrary>], iteration_bounds = array<i64: 5>, scalar_prefetch = 0 : i64, scratch_operands = 0 : i64, tpu.core_type = #tpu.core_type<tc>, window_params = [{transform_indices = @transform_0, window_bounds = array<i64: 2000, 64>}, {transform_indices = @transform_1, window_bounds = array<i64: 2000, 64>}, {transform_indices = @transform_2, window_bounds = array<i64: 2000, 64>}, {transform_indices = @transform_3, window_bounds = array<i64: 2000, 64>}, {transform_indices = @transform_4, window_bounds = array<i64: 2000, 128>}]} {
    %get3A = arith.constant 0 : index
    %get3A_0 = arith.constant 0 : index
    %get3A_1 = vector.load %arg1[%get3A, %get3A_0] : memref<2000x64xf32, #tpu.memory_space<vmem>>, vector<2000x64xf32>
    %get3A_2 = arith.constant 0 : index
    %get3A_3 = arith.constant 0 : index
    %get3A_4 = vector.load %arg2[%get3A_2, %get3A_3] : memref<2000x64xf32, #tpu.memory_space<vmem>>, vector<2000x64xf32>
    %add3A = arith.addf %get3A_1, %get3A_4 : vector<2000x64xf32>
    %get3A_5 = arith.constant 0 : index
    %get3A_6 = arith.constant 0 : index
    %get3A_7 = vector.load %arg3[%get3A_5, %get3A_6] : memref<2000x64xf32, #tpu.memory_space<vmem>>, vector<2000x64xf32>
    %get3A_8 = arith.constant 0 : index
    %get3A_9 = arith.constant 0 : index
    %get3A_10 = vector.load %arg4[%get3A_8, %get3A_9] : memref<2000x64xf32, #tpu.memory_space<vmem>>, vector<2000x64xf32>
    %add3A_11 = arith.addf %get3A_7, %get3A_10 : vector<2000x64xf32>
    %concatenate3A = tpu.concatenate %add3A, %add3A_11 in 1 : vector<2000x64xf32>, vector<2000x64xf32> -> vector<2000x128xf32>
    %swap3A = arith.constant 0 : index
    %swap3A_12 = arith.constant 0 : index
    %swap3A_13 = vector.load %arg5[%swap3A, %swap3A_12] : memref<2000x128xf32, #tpu.memory_space<vmem>>, vector<2000x128xf32>
    tpu.vector_store %arg5[%swap3A, %swap3A_12], %concatenate3A {strides = array<i32>} : memref<2000x128xf32, #tpu.memory_space<vmem>>, vector<2000x128xf32>,
    return
  }
  func.func @transform_0(%arg0: i32) -> (i32, i32) {
    %c0_i32 = arith.constant 0 : i32
    %c0_i32_0 = arith.constant 0 : i32
    return %arg0, %c0_i32 : i32, i32
  }
  func.func @transform_1(%arg0: i32) -> (i32, i32) {
    %c0_i32 = arith.constant 0 : i32
    %c0_i32_0 = arith.constant 0 : i32
    return %arg0, %c0_i32 : i32, i32
  }
  func.func @transform_2(%arg0: i32) -> (i32, i32) {
    %c0_i32 = arith.constant 0 : i32
    %c0_i32_0 = arith.constant 0 : i32
    return %arg0, %c0_i32 : i32, i32
  }
  func.func @transform_3(%arg0: i32) -> (i32, i32) {
    %c0_i32 = arith.constant 0 : i32
    %c0_i32_0 = arith.constant 0 : i32
    return %arg0, %c0_i32 : i32, i32
  }
  func.func @transform_4(%arg0: i32) -> (i32, i32) {
    %c0_i32 = arith.constant 0 : i32
    %c0_i32_0 = arith.constant 0 : i32
    return %arg0, %c0_i32 : i32, i32
  }
}

</mosaic_0001>

<sc_bundles>
// kernel: _run.11.cloned.1.call-start
scs
__scs_entry_jumppad:
0x0: {  	(pc) =	sbr.rel $0x88, $3  }
0x1: {  	(tag) =	ssettag $0x0;
	lr =	simm.s32 $0x1  }
0x2: {  	[smem:$0x3F98] =	sst lr;
	_ =	strace $0xD0000000  }
0x3: {  	_ = 	snop  }
0x4: {  	_ = 	snop  }
0x5: {  	_ = 	snop  }
0x6: {  	_ = 	snop  }
0x7: {  	_ = 	snop  }
__scs_overlays_trampoline_lowered:
0x8: {  	[smem:$0x3FA7] =	sst s0  }
0x9: {  	[smem:$0x3FA8] =	sst s1  }
0xa: {  	[smem:$0x3FA9] =	sst s2  }
0xb: {  	[smem:$0x3FAA] =	sst s3  }
0xc: {  	[smem:$0x3FAB] =	sst s4  }
0xd: {  	[smem:$0x3FAC] =	sst s5  }
0xe: {  	[smem:$0x3FAD] =	sst s6  }
0xf: {  	[smem:$0x3FAE] =	sst s7  }
0x10: {  	[smem:$0x3FAF] =	sst s8  }
0x11: {  	[smem:$0x3FB0] =	sst s9;
	s0 =	simm.s32 @!p0 $0x0  }
0x12: {  	s1 =	sld [smem:$0x3F96];
	s0 =	simm.s32 @p0 $0x1  }
0x13: {  	[smem:$0x3FB1] =	sst s0;
	s0 =	simm.s32 @!p1 $0x0  }
0x14: {  	s2 =	sld [smem:$0x3F95];
	s0 =	simm.s32 @p1 $0x1  }
0x15: {  	[smem:$0x3FB2] =	sst s0;
	s0 =	simm.s32 @!p2 $0x0  }
0x16: {  	s3 =	sld [smem:$0x3FDB];
	s0 =	simm.s32 @p2 $0x1  }
0x17: {  	s4 =	simm.s32 $0x1BF5;
	[smem:$0x3FB4] =	sst s0  }
0x18: {  	s0 =	sld [smem:$0x3F97];
	_ =	swait.ge [sflag:s4], $0x0  }
0x19: {  	s7 =	sld [smem:$0x3F98]  }
0x1a: {  	s8 =	sadd.s32 $0xFFFFE003, lr  }
0x1b: {  	s9 =	sadd.s32 $0xFFFFFEF7, lr;
	s5 =	simm.s32 $0xFFFFFFFF;
	p2 =	slt.u32 s8, $0xFFFFF086  }
0x1c: {  	p1 =	slt.u32 s9, $0xF7A;
	s5 =	simm.s32 @!p2 $0x0  }
0x1d: {  	s5 =	simm.s32 @p1 $0x1;
	p0 =	seq.s32 s7, s2  }
0x1e: {  	s7 =	smul.u32 @!p0 $0xF7A, s2;
	p2 =	seq.s32 @!p0 s5, $0x0  }
0x1f: {  	s9 =	smul.u32 $0xF7A, s1;
	s8 =	simm.s32 @!p0 $0x1BF5;
	p2 =	por !p2, p0  }
0x20: {  	[sflag:s8] =	ssyncset.s32 @!p0 $0xFFFFF086;
	s6 =	sadd.s32 @!p0 s3, s7;
	s7 =	simm.s32 @!p0 $0x108  }
0x21: {  	s3 =	sadd.s32 s3, s9;
	s6 =	sadd.s32 @!p0 $0x88, s6;
	s7 =	simm.s32 @p2 $0x1082  }
0x22: {  	[simem:s7], [sflag:s8] =	dma.local @!p0 [hbm:s6], $0xF7A  }
0x23: {  	s9 =	sor.u32 $0xD0000000, s2;
	s6 =	simm.s32 $0x108;
	_ =	swait.ge @!p0 [sflag:s8], $0x0  }
0x24: {  	s3 =	sadd.s32 $0x88, s3;
	s6 =	simm.s32 @!p1 $0x1082;
	[sflag:s4] =	ssyncset.s32 $0xFFFFF086  }
0x25: {  	[simem:s6], [sflag:s4] =	dma.local [hbm:s3], $0xF7A  }
0x26: {  	[smem:$0x3F98] =	sst s1;
	(tag) =	ssettag s2;
	_ =	strace s9  }
0x27: {  	s1 =	sld [smem:$0x3FA8]  }
0x28: {  	s2 =	sld [smem:$0x3FA9]  }
0x29: {  	s4 =	sld [smem:$0x3FAB]  }
0x2a: {  	p0 =	seq.s32 s5, $0x0;
	s5 =	sld [smem:$0x3FAC]  }
0x2b: {  	s6 =	sld [smem:$0x3FAD]  }
0x2c: {  	s7 =	sld [smem:$0x3FAE]  }
0x2d: {  	s3 =	simm.s32 $0x108;
	s8 =	sld [smem:$0x3FAF]  }
0x2e: {  	s3 =	simm.s32 @!p0 $0x1082;
	s9 =	sld [smem:$0x3FB0]  }
0x2f: {  	lr =	sadd.s32 s0, s3;
	s0 =	sld [smem:$0x3FA7]  }
0x30: {  	s3 =	sld [smem:$0x3FAA]  }
0x31: {  	[smem:$0x3FB3] =	sst s10  }
0x32: {  	s10 =	sld [smem:$0x3FB1];
	_ =	sdelay $0x3  }
0x33: {  	p0 =	seq.s32 s10, $0x1;
	s10 =	sld [smem:$0x3FB3];
	_ =	sdelay $0x3  }
0x34: {  	[smem:$0x3FB3] =	sst s10  }
0x35: {  	s10 =	sld [smem:$0x3FB2];
	_ =	sdelay $0x3  }
0x36: {  	p1 =	seq.s32 s10, $0x1;
	s10 =	sld [smem:$0x3FB3];
	_ =	sdelay $0x3  }
0x37: {  	[smem:$0x3FB3] =	sst s10  }
0x38: {  	s10 =	sld [smem:$0x3FB4]  }
0x39: {  	_ = 	snop;
	(pc) =	sbr.ind lr, $3  }
0x3a: {  	_ = 	snop  }
0x3b: {  	_ = 	snop  }
0x3c: {  	p2 =	seq.s32 s10, $0x1;
	s10 =	sld [smem:$0x3FB3]  }
0x3d: {  	_ =	shalt  }
0x3e: {  	_ =	shalt  }
0x3f: {  	_ =	shalt  }
0x40: {  	_ =	shalt  }
0x41: {  	_ =	shalt  }
0x42: {  	_ =	shalt  }
0x43: {  	_ =	shalt  }
0x44: {  	_ =	shalt  }
0x45: {  	_ =	shalt  }
0x46: {  	_ =	shalt  }
0x47: {  	_ =	shalt  }
0x48: {  	_ =	shalt  }
0x49: {  	_ =	shalt  }
0x4a: {  	_ =	shalt  }
0x4b: {  	_ =	shalt  }
0x4c: {  	_ =	shalt  }
0x4d: {  	_ =	shalt  }
0x4e: {  	_ =	shalt  }
0x4f: {  	_ =	shalt  }
0x50: {  	_ =	shalt  }
0x51: {  	_ =	shalt  }
0x52: {  	_ =	shalt  }
0x53: {  	_ =	shalt  }
0x54: {  	_ =	shalt  }
0x55: {  	_ =	shalt  }
0x56: {  	_ =	shalt  }
0x57: {  	_ =	shalt  }
0x58: {  	_ =	shalt  }
0x59: {  	_ =	shalt  }
0x5a: {  	_ =	shalt  }
0x5b: {  	_ =	shalt  }
0x5c: {  	_ =	shalt  }
0x5d: {  	_ =	shalt  }
0x5e: {  	_ =	shalt  }
0x5f: {  	_ =	shalt  }
0x60: {  	_ =	shalt  }
0x61: {  	_ =	shalt  }
0x62: {  	_ =	shalt  }
0x63: {  	_ =	shalt  }
0x64: {  	_ =	shalt  }
0x65: {  	_ =	shalt  }
0x66: {  	_ =	shalt  }
0x67: {  	_ =	shalt  }
0x68: {  	_ =	shalt  }
0x69: {  	_ =	shalt  }
0x6a: {  	_ =	shalt  }
0x6b: {  	_ =	shalt  }
0x6c: {  	_ =	shalt  }
0x6d: {  	_ =	shalt  }
0x6e: {  	_ =	shalt  }
0x6f: {  	_ =	shalt  }
0x70: {  	_ =	shalt  }
0x71: {  	_ =	shalt  }
0x72: {  	_ =	shalt  }
0x73: {  	_ =	shalt  }
0x74: {  	_ =	shalt  }
0x75: {  	_ =	shalt  }
0x76: {  	_ =	shalt  }
0x77: {  	_ =	shalt  }
0x78: {  	_ =	shalt  }
0x79: {  	_ =	shalt  }
0x7a: {  	_ =	shalt  }
0x7b: {  	_ =	shalt  }
0x7c: {  	_ =	shalt  }
0x7d: {  	_ =	shalt  }
0x7e: {  	_ =	shalt  }
0x7f: {  	_ =	shalt  }
0x80: {  	_ =	shalt  }
0x81: {  	_ =	shalt  }
0x82: {  	_ =	shalt  }
0x83: {  	_ =	shalt  }
0x84: {  	_ =	shalt  }
0x85: {  	_ =	shalt  }
0x86: {  	_ =	shalt  }
0x87: {  	_ =	shalt  }
.Lfunc_end0:
.L_simem_size_0:
called_computation.1_lowered:
.L_overlay_start_0:
0x88: {  	s2 =	sld [smem:$0x3FD9]  }
0x89: {  	s3 =	sld [smem:$0x3FFE];
	_ =	sdelay $0x1  }
0x8a: {  	s1 =	srdreg.scid  }
0x8b: {  	s0 =	sand.u32 $0x1, s1  }
0x8c: {  	s17 =	sshll.u32 s0, $0xA;
	s2 =	sadd.s32 s3, s2  }
0x8d: {  	s2 =	sadd.s32 s2, s17  }
0x8e: {  	[smem:$0x3FBF] =	sst s2  }
0x8f: {  	_ = 	snop  }
0x90: {  	s18 =	sld [smem:$0x3FD0];
	(tm) =	ssettm $0x1  }
0x91: {  	s19 =	sld [smem:$0x3FFB];
	_ =	sdelay $0x3  }
0x92: {  	_ =	strace s19  }
0x93: {  	s2 =	sld [smem:$0x3FFC];
	_ =	sdelay $0x3  }
0x94: {  	_ =	strace s2  }
0x95: {  	s2 =	sld [smem:$0x3FFD];
	_ =	sdelay $0x3  }
0x96: {  	_ =	strace s2  }
0x97: {  	_ =	strace $0x8FFFFFFF  }
0x98: {  	s20 =	sld [smem:$0x3FDB];
	_ =	sdelay $0x1  }
0x99: {  	s4 =	simm.s32 $_scs_section_size  }
0x9a: {  	s5 =	simm.s32 $_size__tile_overlayer_lowered;
	s6 =	simm.s32 $_tile_overlayer_lowered  }
0x9b: {  	s7 =	simm.s32 $0x1BFF;
	s21 =	sshll.u32 s6, $0x1;
	s4 =	sadd.s32 s4, s20  }
0x9c: {  	s22 =	simm.s32 $0x0;
	s5 =	sshll.u32 s5, $0x1;
	s6 =	sadd.s32 s21, s4  }
0x9d: {  	[timem:s22], [sflag:s7] =	dma.local [hbm:s6], s5  }
0x9e: {  	_ =	swait.ge [sflag:s7], s5  }
0x9f: {  	s5 =	ssub.s32 $0x0, s5;
	[sflag:s7] =	ssyncset.done $0x0  }
0xa0: {  	[sflag:s7] =	ssyncadd.s32 s5;
	_ =	sdelay $0x1  }
0xa1: {  	s23 =	simm.s32 $0x1B8B  }
0xa2: {  	_ =	swait.ge [sflag:s23], $0x1  }
0xa3: {  	[sflag:s23] =	ssyncset.done $0x0  }
0xa4: {  	[sflag:s23] =	ssyncadd.s32 $0xFFFFFFFF  }
0xa5: {  	s5 =	sld [smem:$0x0]  }
0xa6: {  	s6 =	sand.u32 $0xFFFFFFFE, s1  }
0xa7: {  	p0 =	sne.s32 s1, s6  }
0xa8: {  	s6 =	sshll.u32 @p0 s6, $0xE  }
0xa9: {  	s6 =	sadd.s32 @p0 $0x11B8D, s6;
	s7 =	sshll.u32 @p0 s5, $0x11  }
0xaa: {  	s6 =	sor.u32 @p0 s7, s6  }
0xab: {  	[sflag:s6] =	ssyncadd.remote.s32 @p0 $0x1;
	_ =	sdelay $0x1  }
0xac: {  	s6 =	simm.s32 @p0 $0x1B8D  }
0xad: {  	_ =	swait.eq @p0 [sflag:s6], $0x1  }
0xae: {  	[sflag:s6] =	ssyncadd.s32 @p0 $0xFFFFFFFF  }
0xaf: {  	s7 =	sshll.u32 @!p0 s1, $0xE  }
0xb0: {  	s7 =	sor.u32 @!p0 $0x4000, s7;
	s6 =	simm.s32 @!p0 $0x1B8D  }
0xb1: {  	s5 =	sshll.u32 @!p0 s5, $0x11;
	s7 =	sadd.s32 @!p0 $0x11B8D, s7;
	_ =	swait.eq @!p0 [sflag:s6], $0x1  }
0xb2: {  	s5 =	sor.u32 @!p0 s5, s7;
	[sflag:s6] =	ssyncadd.s32 @!p0 $0xFFFFFFFF  }
0xb3: {  	s25 =	simm.s32 $0x1B8E;
	s24 =	sld [smem:$0x3FFE];
	[sflag:s5] =	ssyncadd.remote.s32 @!p0 $0x1  }
0xb4: {  	s26 =	simm.s32 $execute0_lowered;
	[smem:$0x3FD2] =	sst s25  }
0xb5: {  	s6 =	sshll.u32 s26, $0x1;
	_ =	strace $0x80000049;
	[dreg:$0x1] =	wrdreg $0xFFFFFFFF  }
0xb6: {  	s28 =	simm.s32 $_size_execute0_lowered;
	s4 =	sadd.s32 s4, s6;
	[dreg:$0x0] =	wrdreg $0x0  }
0xb7: {  	s6 =	sshll.u32 s28, $0x1;
	[dreg:$0x2] =	wrdreg s4  }
0xb8: {  	[dreg:$0x3] =	wrdreg s6  }
0xb9: {  	[dreg:$0x4] =	wrdreg $0xC0  }
0xba: {  	_ =	task [dreg:s22], $0x5FFFF  }
0xbb: {  	[dreg:$0x1] =	wrdreg $0xFFFFFFFF  }
0xbc: {  	[dreg:$0x0] =	wrdreg $0x60  }
0xbd: {  	[dreg:$0x2] =	wrdreg s24  }
0xbe: {  	[dreg:$0x3] =	wrdreg s18  }
0xbf: {  	[dreg:$0x4] =	wrdreg $0x106000  }
0xc0: {  	[dreg:$0x5] =	wrdreg $0xA  }
0xc1: {  	_ =	task.clear_ibuf [dreg:s22], $0x6FFFF;
	_ =	strace $0x90000049  }
0xc2: {  	s29 =	simm.s32 $0xA;
	_ =	strace $0x8000004B  }
0xc3: {  	_ =	swait.ge [sflag:s29], $0x1  }
0xc4: {  	[sflag:s29] =	ssyncadd.s32 $0xFFFFFFFF  }
0xc5: {  	_ =	strace $0x9000004B  }
0xc6: {  	_ =	sfence  }
0xc7: {  	s30 =	sld [smem:$0x0];
	_ =	sdelay $0x2  }
0xc8: {  	s31 =	sshll.u32 s1, $0xD;
	s1 =	sshrl.u32 s1, $0x2  }
0xc9: {  	s4 =	sand.u32 $0x4000, s31;
	s1 =	sadd.s32 s1, s30  }
0xca: {  	s0 =	sor.u32 s4, s0;
	s1 =	sshll.u32 s1, $0x11  }
0xcb: {  	s0 =	sor.u32 s1, s0  }
0xcc: {  	s0 =	sadd.s32 $0x8F2B, s0  }
0xcd: {  	[sflag:s0] =	ssyncadd.remote.s32 $0x1  }
0xce: {  	_ =	sfence.sel $0xFFFF  }
0xcf: {  	[dreg:$0x0] =	wrdreg $0xFFFFFFFF;
	(pc) =	sbr.abs _section_cstart, $3  }
0xd0: {  	[dreg:$0x1] =	wrdreg $0xFFFFFFFF  }
0xd1: {  	_ =	task.clear_ibuf [dreg:s22], $0x2FFFF;
	_ =	strace $0x9FFFFFFF  }
0xd2: {  	(tm) =	ssettm $0x7FFFFFFF  }
0xd3: {  	_ =	shalt  }
tec
execute0_lowered:
.L_overlay_start_1:
0x0: {  	(tag) =	ssettag $0x1  }
0x1: {  	s0 =	rddreg [dreg:$0x0]  }
0x2: {  	s1 =	rddreg [dreg:$0x1]  }
0x3: {  	s2 =	rddreg [dreg:$0x2];
	s15 =	simm.s32 $0x0;
	s3 =	stileid.u32  }
0x4: {  	s5 =	srdreg.scid;
	s28 =	simm.s32 $0x7;
	s30 =	simm.s32 $0xBE00  }
0x5: {  	s31 =	simm.s32 $0xD200;
	[smem:$0x7FF] =	sst s15;
	s7 =	smul.u32 $0x320, s3  }
0x6: {  	s4 =	sadd.s32 $0x2600, s0;
	s9 =	smul.u32 $0x28000, s3;
	s6 =	sadd.s32 $0x3B1200, s0  }
0x7: {  	s8 =	sand.u32 $0x1, s5;
	s12 =	sadd.s32 $0x547600, s0;
	s29 =	smul.u32 $0xA000, s3  }
0x8: {  	s5 =	sadd.s32 $0x16000, s0;
	s19 =	smul.u32 $0x19000, s3;
	_ =	strace $0x8000004A  }
0x9: {  	s10 =	ssub.s32 $0x2, s8;
	p0 =	seq.s32 s8, $0x0;
	s21 =	smov.u32 s5  }
0xa: {  	s7 =	sadd.s32 s7, s0;
	s11 =	sshrl.u32 s10, $0x1;
	s9 =	sshrl.u32 s9, $0x2  }
0xb: {  	s18 =	sadd.s32 s29, s2;
	s20 =	sshrl.u32 s29, $0x3;
	s12 =	smov.u32 @p0 s1  }
0xc: {  	s1 =	simm.s32 $0x1900;
	s21 =	smov.u32 @p0 s4;
	s10 =	ssub.s32 s10, s11  }
0xd: {  	s9 =	sadd.s32 s9, s2;
	s17 =	sadd.s32 $0x541200, s7;
	[dreg:$0xa] =	wrdreg s18  }
0xe: {  	s7 =	sadd.s32 $0x544400, s7;
	s11 =	simm.s32 $0x500;
	s1 =	simm.s32 @!p0 $0x1908  }
0xf: {  	s26 =	sadd.s32 s12, s20;
	s18 =	simm.s32 $0x2;
	[dreg:$0x9] =	wrdreg s17  }
0x10: {  	s20 =	simm.s32 $0x4;
	s13 =	sadd.s32 $0x2000, s9;
	[dreg:$0xb] =	wrdreg s7  }
0x11: {  	s14 =	sadd.s32 $0x4000, s9;
	s16 =	sadd.s32 $0x6000, s9;
	[dreg:$0x12] =	wrdreg s26  }
0x12: {  	s9 =	sadd.s32 $0x8000, s9;
	s11 =	simm.s32 @!p0 $0x508;
	[dreg:$0x5] =	wrdreg s13  }
0x13: {  	s1 =	sadd.s32 s1, s6;
	s29 =	smax.u32 s10, $0x1;
	[dreg:$0x6] =	wrdreg s14  }
0x14: {  	s7 =	simm.s32 $0x6E00;
	s17 =	simm.s32 $0x1;
	[dreg:$0x7] =	wrdreg s16  }
0x15: {  	[dreg:$0x8] =	wrdreg s9;
	s14 =	sadd.s32 $0x3B1208, s0;
	s13 =	simm.s32 $0xA00  }
0x16: {  	s22 =	sadd.s32 s11, s6;
	s0 =	sadd.s32 s19, s1;
	[dreg:$0x13] =	wrdreg s29  }
0x17: {  	s1 =	simm.s32 $0x80;
	s16 =	simm.s32 $0x9600;
	s9 =	smov.u32 s14  }
0x18: {  	s13 =	simm.s32 @!p0 $0xA08;
	[dreg:$0x11] =	wrdreg s0;
	s0 =	simm.s32 $0x40  }
0x19: {  	s9 =	smov.u32 @p0 s6;
	s23 =	sadd.s32 s13, s6;
	s13 =	simm.s32 $0xF00  }
0x1a: {  	s9 =	sadd.s32 s9, s19;
	s24 =	sadd.s32 s19, s23;
	s13 =	simm.s32 @!p0 $0xF08  }
0x1b: {  	s23 =	smul.u32 $0x50, s3;
	[dreg:$0xc] =	wrdreg s9;
	s9 =	sadd.s32 s19, s22  }
0x1c: {  	[dreg:$0xe] =	wrdreg s24;
	s25 =	sadd.s32 s13, s6;
	s13 =	simm.s32 $0x1900  }
0x1d: {  	s22 =	simm.s32 $0x5;
	[dreg:$0xd] =	wrdreg s9;
	s9 =	simm.s32 $0x1400  }
0x1e: {  	s24 =	simm.s32 $0x6;
	s11 =	sadd.s32 s19, s25;
	s9 =	simm.s32 @!p0 $0x1408  }
0x1f: {  	s25 =	simm.s32 $0xAA00;
	[dreg:$0xf] =	wrdreg s11;
	s9 =	sadd.s32 s9, s6  }
0x20: {  	p0 =	sne.s32 s8, $0x0;
	s8 =	simm.s32 $0x50;
	s9 =	sadd.s32 s19, s9  }
0x21: {  	v0 =	vimm.f32 $0.0e+00;
	s11 =	simm.s32 $0x8200;
	s19 =	simm.s32 $0x3;
	[dreg:$0x10] =	wrdreg s9  }
.LBB2_1:
0x22: {  	s10 =	simm.s32 $0x100;
	s9 =	simm.s32 $0x0  }
.LBB2_2:
0x23: {  	p1 =	sne.s32 s10, $0x7F00;
	[tilespmem:s9+$0xE630] =	vst v0;
	s12 =	smov.u32 s10;
	s10 =	sadd.s32 $0x100, s10  }
.Ltmp0:
0x24: {  	[tilespmem:s9+$0xE620] =	vst v0;
	(pc) =	sbr.rel @p1 .LBB2_2-.Ltmp0, $3  }
0x25: {  	[tilespmem:s9+$0xE600] =	vst v0  }
0x26: {  	[tilespmem:s9+$0xE610] =	vst v0;
	_ =	sdelay $0x1  }
0x27: {  	s9 =	sshra.s32 s12, $0x2  }
0x28: {  	[tilespmem:s9+$0xE630] =	vst v0  }
0x29: {  	[tilespmem:s9+$0xE620] =	vst v0  }
0x2a: {  	[tilespmem:s9+$0xE600] =	vst v0  }
0x2b: {  	[tilespmem:s9+$0xE610] =	vst v0;
	s3 =	rddreg [dreg:$0xa];
	s9 =	simm.s32 $0xE600  }
0x2c: {  	[spmem:s3] =	stream.linear.scatter [tilespmem:s9], [sflag:$0x7], $0x2000, $0x38;
	[tilespmem:$0x1A600] =	vst v63  }
0x2d: {  	_ =	swait.ge [sflag:s28], $0x2000  }
0x2e: {  	[sflag:s28] =	ssyncset.done $0x0  }
0x2f: {  	s29 =	rddreg [dreg:$0x5];
	[sflag:s28] =	ssyncadd.s32 $0xFFFFE000  }
0x30: {  	[spmem:s29] =	stream.linear.scatter [tilespmem:s9], [sflag:$0x7], $0x2000, $0x38;
	[tilespmem:$0x1A600] =	vst v63  }
0x31: {  	_ =	swait.ge [sflag:s28], $0x2000  }
0x32: {  	[sflag:s28] =	ssyncset.done $0x0  }
0x33: {  	s10 =	rddreg [dreg:$0x6];
	[sflag:s28] =	ssyncadd.s32 $0xFFFFE000  }
0x34: {  	[spmem:s10] =	stream.linear.scatter [tilespmem:s9], [sflag:$0x7], $0x2000, $0x38;
	[tilespmem:$0x1A600] =	vst v63  }
0x35: {  	_ =	swait.ge [sflag:s28], $0x2000  }
0x36: {  	[sflag:s28] =	ssyncset.done $0x0  }
0x37: {  	s12 =	rddreg [dreg:$0x7];
	[sflag:s28] =	ssyncadd.s32 $0xFFFFE000  }
0x38: {  	[spmem:s12] =	stream.linear.scatter [tilespmem:s9], [sflag:$0x7], $0x2000, $0x38;
	[tilespmem:$0x1A600] =	vst v63  }
0x39: {  	_ =	swait.ge [sflag:s28], $0x2000  }
0x3a: {  	[sflag:s28] =	ssyncset.done $0x0  }
0x3b: {  	s26 =	rddreg [dreg:$0x8];
	[sflag:s28] =	ssyncadd.s32 $0xFFFFE000  }
0x3c: {  	[spmem:s26] =	stream.linear.scatter [tilespmem:s9], [sflag:$0x7], $0x2000, $0x38;
	[tilespmem:$0x1A600] =	vst v63  }
0x3d: {  	_ =	swait.ge [sflag:s28], $0x2000  }
0x3e: {  	[sflag:s28] =	ssyncset.done $0x0  }
0x3f: {  	s29 =	simm.s32 $0x0;
	s10 =	rddreg [dreg:$0x9];
	[sflag:s28] =	ssyncadd.s32 $0xFFFFE000  }
0x40: {  	[tilespmem:s29], [sflag:$0x7] =	stream.linear.gather [hbm4b:s10+s29], $0x1900, $0x38;
	[tilespmem:$0x1A600] =	vst v63  }
0x41: {  	_ =	swait.ge [sflag:s28], $0x1900  }
0x42: {  	[sflag:s28] =	ssyncset.done $0x0  }
0x43: {  	s12 =	rddreg [dreg:$0xb];
	[sflag:s28] =	ssyncadd.s32 $0xFFFFE700  }
0x44: {  	[tilespmem:s13], [sflag:$0x7] =	stream.linear.gather [hbm4b:s12+s29], $0x1900, $0x38;
	[tilespmem:$0x1A600] =	vst v63  }
0x45: {  	_ =	swait.ge [sflag:s28], $0x1900  }
0x46: {  	[sflag:s28] =	ssyncset.done $0x0  }
0x47: {  	[sflag:s28] =	ssyncadd.s32 $0xFFFFE700  }
0x48: {  	s26 =	simm.s32 $0x3200;
	s10 =	simm.s32 $0x28;
	[bflag:$0x0] =	sbarrier.arrive $0xFFFF  }
0x49: {  	[tilespmem:s26], [sflag:$0x1] =	stream.indirect.gather [hbm4b:s21+s10], $0x40, s29, s10, $0xb8;
	[tilespmem:$0x1A600] =	vst v63  }
0x4a: {  	s29 =	simm.s32 $0x3C00  }
0x4b: {  	[tilespmem:s29], [sflag:$0x1] =	stream.indirect.gather [hbm4b:s21+s10], $0x40, s10, s10, $0xb8;
	[tilespmem:$0x1A600] =	vst v63  }
0x4c: {  	s9 =	rddreg [dreg:$0xc]  }
0x4d: {  	[tilespmem:s7], [sflag:$0x1] =	stream.strided.gather [hbm4b:s9+s0], $0x1400, s1, s0, $0x38;
	[tilespmem:$0x1A600] =	vst v63  }
0x4e: {  	s12 =	simm.s32 $0x4600  }
0x4f: {  	[tilespmem:s12], [sflag:$0x2] =	stream.indirect.gather [hbm4b:s21+s10], $0x40, s8, s10, $0xb8;
	[tilespmem:$0x1A600] =	vst v63  }
0x50: {  	s26 =	simm.s32 $0x78;
	s29 =	simm.s32 $0x5000  }
0x51: {  	[tilespmem:s29], [sflag:$0x2] =	stream.indirect.gather [hbm4b:s21+s10], $0x40, s26, s10, $0xb8;
	[tilespmem:$0x1A600] =	vst v63  }
0x52: {  	s12 =	rddreg [dreg:$0xd]  }
0x53: {  	[tilespmem:s11], [sflag:$0x2] =	stream.strided.gather [hbm4b:s12+s0], $0x1400, s1, s0, $0x38;
	[tilespmem:$0x1A600] =	vst v63  }
0x54: {  	s26 =	simm.s32 $0xA0;
	s29 =	simm.s32 $0x5A00  }
0x55: {  	[tilespmem:s29], [sflag:$0x3] =	stream.indirect.gather [hbm4b:s21+s10], $0x40, s26, s10, $0xb8;
	[tilespmem:$0x1A600] =	vst v63  }
0x56: {  	s12 =	simm.s32 $0xC8;
	s26 =	simm.s32 $0x6400  }
0x57: {  	[tilespmem:s26], [sflag:$0x3] =	stream.indirect.gather [hbm4b:s21+s10], $0x40, s12, s10, $0xb8;
	[tilespmem:$0x1A600] =	vst v63  }
0x58: {  	s29 =	rddreg [dreg:$0xe]  }
0x59: {  	[tilespmem:s16], [sflag:$0x3] =	stream.strided.gather [hbm4b:s29+s0], $0x1400, s1, s0, $0x38;
	[tilespmem:$0x1A600] =	vst v63  }
0x5a: {  	_ =	swait.ge [sflag:s17], $0x1400  }
0x5b: {  	[sflag:s17] =	ssyncset.done $0x0  }
0x5c: {  	[sflag:s17] =	ssyncadd.s32 $0xFFFFEC00  }
0x5d: {  	_ =	swait.ge [sflag:s17], $0x1400  }
0x5e: {  	[sflag:s17] =	ssyncset.done $0x0  }
0x5f: {  	s9 =	simm.s32 $0x0;
	[sflag:s17] =	ssyncadd.s32 $0xFFFFEC00  }
0x60: {  	v3 =	vld [tilespmem:s9+$0x3230]  }
0x61: {  	v5 =	vld [tilespmem:s9+$0x6E30]  }
0x62: {  	v6 =	vld [tilespmem:s9+$0x3200]  }
0x63: {  	v7 =	vld [tilespmem:s9+$0x6E00]  }
0x64: {  	v2 =	vld [tilespmem:s9+$0x3210]  }
0x65: {  	v4 =	vld [tilespmem:s9+$0x6E10]  }
0x66: {  	v1 =	vld [tilespmem:s9+$0x3220];
	v8 =	vmul.f32 v5, v3  }
0x67: {  	s10 =	simm.s32 $0x40;
	v5 =	vld [tilespmem:s9+$0x6E20]  }
0x68: {  	s12 =	simm.s32 $0x200;
	v3 =	vld [tilespmem:s10+$0x3230];
	v6 =	vmul.f32 v7, v6;
	[tilespmem:s9+$0xAA30] =	vst v8  }
.LBB2_4:
0x69: {  	p1 =	sne.s32 s12, $0x4F00;
	v7 =	vld [tilespmem:s10+$0x6E30]  }
0x6a: {  	v8 =	vld [tilespmem:s10+$0x3200];
	[tilespmem:s9+$0xAA00] =	vst v6;
	v4 =	vmul.f32 v4, v2  }
0x6b: {  	v6 =	vld [tilespmem:s10+$0x6E00]  }
.Ltmp1:
0x6c: {  	v2 =	vld [tilespmem:s10+$0x3210];
	[tilespmem:s9+$0xAA10] =	vst v4;
	v5 =	vmul.f32 v5, v1;
	(pc) =	sbr.rel @p1 .LBB2_4-.Ltmp1, $4  }
0x6d: {  	v4 =	vld [tilespmem:s10+$0x6E10]  }
0x6e: {  	v1 =	vld [tilespmem:s10+$0x3220];
	v7 =	vmul.f32 v7, v3;
	[tilespmem:s9+$0xAA20] =	vst v5;
	s9 =	smov.u32 s10  }
0x6f: {  	s10 =	sshra.s32 s12, $0x2;
	v5 =	vld [tilespmem:s9+$0x6E20]  }
0x70: {  	s12 =	sadd.s32 $0x100, s12;
	v3 =	vld [tilespmem:s10+$0x3230];
	v6 =	vmul.f32 v6, v8;
	[tilespmem:s9+$0xAA30] =	vst v7  }
0x71: {  	v7 =	vld [tilespmem:s10+$0x6E30]  }
0x72: {  	v8 =	vld [tilespmem:s10+$0x3200];
	[tilespmem:s9+$0xAA00] =	vst v6;
	v2 =	vmul.f32 v4, v2  }
0x73: {  	v4 =	vld [tilespmem:s10+$0x6E00]  }
0x74: {  	v6 =	vld [tilespmem:s10+$0x3210];
	[tilespmem:s9+$0xAA10] =	vst v2;
	v1 =	vmul.f32 v5, v1  }
0x75: {  	v2 =	vld [tilespmem:s10+$0x6E10]  }
0x76: {  	v5 =	vld [tilespmem:s10+$0x3220];
	[tilespmem:s9+$0xAA20] =	vst v1  }
0x77: {  	v1 =	vld [tilespmem:s10+$0x6E20];
	_ =	sdelay $0x1  }
0x78: {  	v3 =	vmul.f32 v7, v3  }
0x79: {  	v4 =	vmul.f32 v4, v8  }
0x7a: {  	[tilespmem:s10+$0xAA30] =	vst v3;
	v2 =	vmul.f32 v2, v6  }
0x7b: {  	[tilespmem:s10+$0xAA00] =	vst v4;
	v1 =	vmul.f32 v1, v5  }
0x7c: {  	[tilespmem:s10+$0xAA10] =	vst v2  }
0x7d: {  	[tilespmem:s10+$0xAA20] =	vst v1  }
0x7e: {  	[spmem:s2] =	stream.indirect.scatter.add.f32 [tilespmem:s25], [sflag:$0x4], $0x40, s13, s8, $0xb8;
	[tilespmem:$0x1A600] =	vst v63  }
0x7f: {  	s3 =	simm.s32 $0x28;
	s12 =	simm.s32 $0xF0;
	s10 =	simm.s32 $0x3200  }
0x80: {  	[tilespmem:s10], [sflag:$0x1] =	stream.indirect.gather [hbm4b:s21+s3], $0x40, s12, s3, $0xb8;
	[tilespmem:$0x1A600] =	vst v63  }
0x81: {  	s26 =	simm.s32 $0x118;
	s13 =	simm.s32 $0x3C00  }
0x82: {  	[tilespmem:s13], [sflag:$0x1] =	stream.indirect.gather [hbm4b:s21+s3], $0x40, s26, s3, $0xb8;
	[tilespmem:$0x1A600] =	vst v63  }
0x83: {  	s29 =	rddreg [dreg:$0xf]  }
0x84: {  	[tilespmem:s7], [sflag:$0x1] =	stream.strided.gather [hbm4b:s29+s0], $0x1400, s1, s0, $0x38;
	[tilespmem:$0x1A600] =	vst v63  }
0x85: {  	_ =	swait.ge [sflag:s18], $0x1400  }
0x86: {  	[sflag:s18] =	ssyncset.done $0x0  }
0x87: {  	[sflag:s18] =	ssyncadd.s32 $0xFFFFEC00  }
0x88: {  	_ =	swait.ge [sflag:s18], $0x1400  }
0x89: {  	[sflag:s18] =	ssyncset.done $0x0  }
0x8a: {  	s9 =	simm.s32 $0x0;
	[sflag:s18] =	ssyncadd.s32 $0xFFFFEC00  }
0x8b: {  	v3 =	vld [tilespmem:s9+$0x4630]  }
0x8c: {  	v5 =	vld [tilespmem:s9+$0x8230]  }
0x8d: {  	v6 =	vld [tilespmem:s9+$0x4600]  }
0x8e: {  	v7 =	vld [tilespmem:s9+$0x8200]  }
0x8f: {  	v2 =	vld [tilespmem:s9+$0x4610]  }
0x90: {  	v4 =	vld [tilespmem:s9+$0x8210]  }
0x91: {  	v1 =	vld [tilespmem:s9+$0x4620];
	v8 =	vmul.f32 v5, v3  }
0x92: {  	s10 =	simm.s32 $0x40;
	v5 =	vld [tilespmem:s9+$0x8220]  }
0x93: {  	s12 =	simm.s32 $0x200;
	v3 =	vld [tilespmem:s10+$0x4630];
	v6 =	vmul.f32 v7, v6;
	[tilespmem:s9+$0xBE30] =	vst v8  }
.LBB2_6:
0x94: {  	p1 =	sne.s32 s12, $0x4F00;
	v7 =	vld [tilespmem:s10+$0x8230]  }
0x95: {  	v8 =	vld [tilespmem:s10+$0x4600];
	[tilespmem:s9+$0xBE00] =	vst v6;
	v4 =	vmul.f32 v4, v2  }
0x96: {  	v6 =	vld [tilespmem:s10+$0x8200]  }
.Ltmp2:
0x97: {  	v2 =	vld [tilespmem:s10+$0x4610];
	[tilespmem:s9+$0xBE10] =	vst v4;
	v5 =	vmul.f32 v5, v1;
	(pc) =	sbr.rel @p1 .LBB2_6-.Ltmp2, $4  }
0x98: {  	v4 =	vld [tilespmem:s10+$0x8210]  }
0x99: {  	v1 =	vld [tilespmem:s10+$0x4620];
	v7 =	vmul.f32 v7, v3;
	[tilespmem:s9+$0xBE20] =	vst v5;
	s9 =	smov.u32 s10  }
0x9a: {  	s10 =	sshra.s32 s12, $0x2;
	v5 =	vld [tilespmem:s9+$0x8220]  }
0x9b: {  	s12 =	sadd.s32 $0x100, s12;
	v3 =	vld [tilespmem:s10+$0x4630];
	v6 =	vmul.f32 v6, v8;
	[tilespmem:s9+$0xBE30] =	vst v7  }
0x9c: {  	v7 =	vld [tilespmem:s10+$0x8230]  }
0x9d: {  	v8 =	vld [tilespmem:s10+$0x4600];
	[tilespmem:s9+$0xBE00] =	vst v6;
	v2 =	vmul.f32 v4, v2  }
0x9e: {  	v4 =	vld [tilespmem:s10+$0x8200]  }
0x9f: {  	v6 =	vld [tilespmem:s10+$0x4610];
	[tilespmem:s9+$0xBE10] =	vst v2;
	v1 =	vmul.f32 v5, v1  }
0xa0: {  	v2 =	vld [tilespmem:s10+$0x8210]  }
0xa1: {  	v5 =	vld [tilespmem:s10+$0x4620];
	[tilespmem:s9+$0xBE20] =	vst v1  }
0xa2: {  	v1 =	vld [tilespmem:s10+$0x8220];
	_ =	sdelay $0x1  }
0xa3: {  	v3 =	vmul.f32 v7, v3  }
0xa4: {  	v4 =	vmul.f32 v4, v8  }
0xa5: {  	[tilespmem:s10+$0xBE30] =	vst v3;
	v2 =	vmul.f32 v2, v6  }
0xa6: {  	[tilespmem:s10+$0xBE00] =	vst v4;
	v1 =	vmul.f32 v1, v5  }
0xa7: {  	[tilespmem:s10+$0xBE10] =	vst v2  }
0xa8: {  	s3 =	simm.s32 $0x1950;
	[tilespmem:s10+$0xBE20] =	vst v1  }
0xa9: {  	[spmem:s2] =	stream.indirect.scatter.add.f32 [tilespmem:s30], [sflag:$0x5], $0x40, s3, s8, $0xb8;
	[tilespmem:$0x1A600] =	vst v63  }
0xaa: {  	s29 =	simm.s32 $0x28;
	s12 =	simm.s32 $0x4600;
	s13 =	simm.s32 $0x140  }
0xab: {  	[tilespmem:s12], [sflag:$0x2] =	stream.indirect.gather [hbm4b:s21+s29], $0x40, s13, s29, $0xb8;
	[tilespmem:$0x1A600] =	vst v63  }
0xac: {  	[dreg:$0x4] =	wrdreg s15;
	s15 =	simm.s32 $0x5000;
	s26 =	simm.s32 $0x168  }
0xad: {  	[tilespmem:s15], [sflag:$0x2] =	stream.indirect.gather [hbm4b:s21+s29], $0x40, s26, s29, $0xb8;
	[tilespmem:$0x1A600] =	vst v63  }
0xae: {  	s29 =	rddreg [dreg:$0x10]  }
0xaf: {  	[tilespmem:s11], [sflag:$0x2] =	stream.strided.gather [hbm4b:s29+s0], $0x1400, s1, s0, $0x38;
	[tilespmem:$0x1A600] =	vst v63  }
0xb0: {  	_ =	swait.ge [sflag:s19], $0x1400  }
0xb1: {  	[sflag:s19] =	ssyncset.done $0x0  }
0xb2: {  	[sflag:s19] =	ssyncadd.s32 $0xFFFFEC00  }
0xb3: {  	_ =	swait.ge [sflag:s19], $0x1400  }
0xb4: {  	[sflag:s19] =	ssyncset.done $0x0  }
0xb5: {  	s9 =	simm.s32 $0x0;
	[sflag:s19] =	ssyncadd.s32 $0xFFFFEC00  }
0xb6: {  	v3 =	vld [tilespmem:s9+$0x5A30]  }
0xb7: {  	v5 =	vld [tilespmem:s9+$0x9630]  }
0xb8: {  	v6 =	vld [tilespmem:s9+$0x5A00]  }
0xb9: {  	v7 =	vld [tilespmem:s9+$0x9600]  }
0xba: {  	v2 =	vld [tilespmem:s9+$0x5A10]  }
0xbb: {  	v4 =	vld [tilespmem:s9+$0x9610]  }
0xbc: {  	v1 =	vld [tilespmem:s9+$0x5A20];
	v8 =	vmul.f32 v5, v3  }
0xbd: {  	s10 =	simm.s32 $0x40;
	v5 =	vld [tilespmem:s9+$0x9620]  }
0xbe: {  	s12 =	simm.s32 $0x200;
	v3 =	vld [tilespmem:s10+$0x5A30];
	v6 =	vmul.f32 v7, v6;
	[tilespmem:s9+$0xD230] =	vst v8  }
.LBB2_8:
0xbf: {  	p1 =	sne.s32 s12, $0x4F00;
	v7 =	vld [tilespmem:s10+$0x9630]  }
0xc0: {  	v8 =	vld [tilespmem:s10+$0x5A00];
	[tilespmem:s9+$0xD200] =	vst v6;
	v4 =	vmul.f32 v4, v2  }
0xc1: {  	v6 =	vld [tilespmem:s10+$0x9600]  }
.Ltmp3:
0xc2: {  	v2 =	vld [tilespmem:s10+$0x5A10];
	[tilespmem:s9+$0xD210] =	vst v4;
	v5 =	vmul.f32 v5, v1;
	(pc) =	sbr.rel @p1 .LBB2_8-.Ltmp3, $4  }
0xc3: {  	v4 =	vld [tilespmem:s10+$0x9610]  }
0xc4: {  	v1 =	vld [tilespmem:s10+$0x5A20];
	v7 =	vmul.f32 v7, v3;
	[tilespmem:s9+$0xD220] =	vst v5;
	s9 =	smov.u32 s10  }
0xc5: {  	s10 =	sshra.s32 s12, $0x2;
	v5 =	vld [tilespmem:s9+$0x9620]  }
0xc6: {  	s12 =	sadd.s32 $0x100, s12;
	v3 =	vld [tilespmem:s10+$0x5A30];
	v6 =	vmul.f32 v6, v8;
	[tilespmem:s9+$0xD230] =	vst v7  }
0xc7: {  	v7 =	vld [tilespmem:s10+$0x9630]  }
0xc8: {  	v8 =	vld [tilespmem:s10+$0x5A00];
	[tilespmem:s9+$0xD200] =	vst v6;
	v2 =	vmul.f32 v4, v2  }
0xc9: {  	v62 =	vld [tilespmem:s10+$0x9600]  }
0xca: {  	v6 =	vld [tilespmem:s10+$0x5A10];
	[tilespmem:s9+$0xD210] =	vst v2;
	v1 =	vmul.f32 v5, v1  }
0xcb: {  	v2 =	vld [tilespmem:s10+$0x9610]  }
0xcc: {  	v63 =	vld [tilespmem:s10+$0x5A20];
	[tilespmem:s9+$0xD220] =	vst v1  }
0xcd: {  	v1 =	vld [tilespmem:s10+$0x9620];
	_ =	sdelay $0x1  }
0xce: {  	v3 =	vmul.f32 v7, v3  }
0xcf: {  	v4 =	vmul.f32 v62, v8  }
0xd0: {  	[tilespmem:s10+$0xD230] =	vst v3;
	v2 =	vmul.f32 v2, v6  }
0xd1: {  	[tilespmem:s10+$0xD200] =	vst v4;
	v1 =	vmul.f32 v1, v63  }
0xd2: {  	[tilespmem:s10+$0xD210] =	vst v2  }
0xd3: {  	s3 =	simm.s32 $0x19A0;
	[tilespmem:s10+$0xD220] =	vst v1  }
0xd4: {  	[spmem:s2] =	stream.indirect.scatter.add.f32 [tilespmem:s31], [sflag:$0x6], $0x40, s3, s8, $0xb8;
	[tilespmem:$0x1A600] =	vst v63  }
0xd5: {  	s29 =	simm.s32 $0x28;
	s12 =	simm.s32 $0x5A00;
	s13 =	simm.s32 $0x190  }
0xd6: {  	[tilespmem:s12], [sflag:$0x3] =	stream.indirect.gather [hbm4b:s21+s29], $0x40, s13, s29, $0xb8;
	[tilespmem:$0x1A600] =	vst v63  }
0xd7: {  	s15 =	simm.s32 $0x6400;
	s26 =	simm.s32 $0x1B8  }
0xd8: {  	[tilespmem:s15], [sflag:$0x3] =	stream.indirect.gather [hbm4b:s21+s29], $0x40, s26, s29, $0xb8;
	[tilespmem:$0x1A600] =	vst v63  }
0xd9: {  	s9 =	simm.s32 $0x1;
	s29 =	rddreg [dreg:$0x11]  }
0xda: {  	[tilespmem:s16], [sflag:$0x3] =	stream.strided.gather [hbm4b:s29+s0], $0x1400, s1, s0, $0x38;
	[tilespmem:$0x1A600] =	vst v63  }
.LBB2_10:
0xdb: {  	_ =	swait.ge [sflag:s17], $0x1400  }
0xdc: {  	[sflag:s17] =	ssyncset.done $0x0  }
0xdd: {  	[sflag:s17] =	ssyncadd.s32 $0xFFFFEC00  }
0xde: {  	_ =	swait.ge [sflag:s17], $0x1400  }
0xdf: {  	[sflag:s17] =	ssyncset.done $0x0  }
0xe0: {  	[sflag:s17] =	ssyncadd.s32 $0xFFFFEC00  }
0xe1: {  	_ =	swait.ge [sflag:s20], $0x1400  }
0xe2: {  	[sflag:s20] =	ssyncset.done $0x0  }
0xe3: {  	s10 =	simm.s32 $0x0;
	[sflag:s20] =	ssyncadd.s32 $0xFFFFEC00  }
0xe4: {  	v3 =	vld [tilespmem:s10+$0x3230]  }
0xe5: {  	v5 =	vld [tilespmem:s10+$0x6E30]  }
0xe6: {  	v6 =	vld [tilespmem:s10+$0x3200]  }
0xe7: {  	v7 =	vld [tilespmem:s10+$0x6E00]  }
0xe8: {  	v2 =	vld [tilespmem:s10+$0x3210]  }
0xe9: {  	v4 =	vld [tilespmem:s10+$0x6E10]  }
0xea: {  	v1 =	vld [tilespmem:s10+$0x3220];
	v8 =	vmul.f32 v5, v3  }
0xeb: {  	s15 =	simm.s32 $0x40;
	v5 =	vld [tilespmem:s10+$0x6E20]  }
0xec: {  	s12 =	simm.s32 $0x200;
	v3 =	vld [tilespmem:s15+$0x3230];
	v6 =	vmul.f32 v7, v6;
	[tilespmem:s10+$0xAA30] =	vst v8  }
.LBB2_11:
0xed: {  	p1 =	sne.s32 s12, $0x4F00;
	v7 =	vld [tilespmem:s15+$0x6E30]  }
0xee: {  	v8 =	vld [tilespmem:s15+$0x3200];
	[tilespmem:s10+$0xAA00] =	vst v6;
	v4 =	vmul.f32 v4, v2  }
0xef: {  	v6 =	vld [tilespmem:s15+$0x6E00]  }
.Ltmp4:
0xf0: {  	v2 =	vld [tilespmem:s15+$0x3210];
	[tilespmem:s10+$0xAA10] =	vst v4;
	v5 =	vmul.f32 v5, v1;
	(pc) =	sbr.rel @p1 .LBB2_11-.Ltmp4, $4  }
0xf1: {  	v4 =	vld [tilespmem:s15+$0x6E10]  }
0xf2: {  	v1 =	vld [tilespmem:s15+$0x3220];
	v7 =	vmul.f32 v7, v3;
	[tilespmem:s10+$0xAA20] =	vst v5;
	s10 =	smov.u32 s15  }
0xf3: {  	s15 =	sshra.s32 s12, $0x2;
	v5 =	vld [tilespmem:s10+$0x6E20]  }
0xf4: {  	s12 =	sadd.s32 $0x100, s12;
	v3 =	vld [tilespmem:s15+$0x3230];
	v6 =	vmul.f32 v6, v8;
	[tilespmem:s10+$0xAA30] =	vst v7  }
0xf5: {  	v7 =	vld [tilespmem:s15+$0x6E30]  }
0xf6: {  	v8 =	vld [tilespmem:s15+$0x3200];
	[tilespmem:s10+$0xAA00] =	vst v6;
	v2 =	vmul.f32 v4, v2  }
0xf7: {  	v4 =	vld [tilespmem:s15+$0x6E00]  }
0xf8: {  	v6 =	vld [tilespmem:s15+$0x3210];
	[tilespmem:s10+$0xAA10] =	vst v2;
	v1 =	vmul.f32 v5, v1  }
0xf9: {  	v2 =	vld [tilespmem:s15+$0x6E10]  }
0xfa: {  	v5 =	vld [tilespmem:s15+$0x3220];
	[tilespmem:s10+$0xAA20] =	vst v1  }
0xfb: {  	v1 =	vld [tilespmem:s15+$0x6E20];
	_ =	sdelay $0x1  }
0xfc: {  	v3 =	vmul.f32 v7, v3  }
0xfd: {  	s12 =	smul.u32 $0x3C0, s9;
	v4 =	vmul.f32 v4, v8  }
0xfe: {  	s10 =	smul.u32 $0x3, s9;
	[tilespmem:s15+$0xAA30] =	vst v3;
	v2 =	vmul.f32 v2, v6  }
0xff: {  	[tilespmem:s15+$0xAA00] =	vst v4;
	v1 =	vmul.f32 v1, v5  }
0x100: {  	s13 =	sshra.s32 s12, $0x2;
	s12 =	sadd.s32 $0x3, s10;
	[tilespmem:s15+$0xAA10] =	vst v2  }
0x101: {  	s29 =	sadd.s32 $0x1900, s13;
	s26 =	smul.u32 $0x140, s12;
	[tilespmem:s15+$0xAA20] =	vst v1  }
0x102: {  	[spmem:s2] =	stream.indirect.scatter.add.f32 [tilespmem:s25], [sflag:$0x4], $0x40, s29, s8, $0xb8;
	[tilespmem:$0x1A600] =	vst v63  }
0x103: {  	s15 =	sshra.s32 s26, $0x2;
	s26 =	simm.s32 @p0 $0x28;
	s29 =	simm.s32 @p0 $0x3200  }
0x104: {  	[tilespmem:s29], [sflag:$0x1] =	stream.indirect.gather @p0 [hbm4b:s5+s26], $0x40, s15, s26, $0xb8;
	[tilespmem:$0x1A600] =	vst v63  }
0x105: {  	s3 =	simm.s32 @p0 $0x3C00;
	s29 =	sadd.s32 $0x28, s15  }
0x106: {  	[tilespmem:s3], [sflag:$0x1] =	stream.indirect.gather @p0 [hbm4b:s5+s26], $0x40, s29, s26, $0xb8;
	[tilespmem:$0x1A600] =	vst v63  }
0x107: {  	s3 =	sadd.s32 s23, s12;
	s12 =	simm.s32 @!p0 $0x28;
	s26 =	simm.s32 @!p0 $0x3200  }
0x108: {  	[tilespmem:s26], [sflag:$0x1] =	stream.indirect.gather @!p0 [hbm4b:s4+s12], $0x40, s15, s12, $0xb8;
	[tilespmem:$0x1A600] =	vst v63  }
0x109: {  	s3 =	smul.u32 $0x500, s3;
	s15 =	simm.s32 @!p0 $0x3C00  }
0x10a: {  	[tilespmem:s15], [sflag:$0x1] =	stream.indirect.gather @!p0 [hbm4b:s4+s12], $0x40, s29, s12, $0xb8;
	[tilespmem:$0x1A600] =	vst v63  }
0x10b: {  	s12 =	sadd.s32 @p0 s3, s14;
	s3 =	sadd.s32 @!p0 s6, s3  }
0x10c: {  	s3 =	smov.u32 @p0 s12  }
0x10d: {  	[tilespmem:s7], [sflag:$0x1] =	stream.strided.gather [hbm4b:s3+s0], $0x1400, s1, s0, $0x38;
	[tilespmem:$0x1A600] =	vst v63  }
0x10e: {  	_ =	swait.ge [sflag:s18], $0x1400  }
0x10f: {  	[sflag:s18] =	ssyncset.done $0x0  }
0x110: {  	[sflag:s18] =	ssyncadd.s32 $0xFFFFEC00  }
0x111: {  	_ =	swait.ge [sflag:s18], $0x1400  }
0x112: {  	[sflag:s18] =	ssyncset.done $0x0  }
0x113: {  	[sflag:s18] =	ssyncadd.s32 $0xFFFFEC00  }
0x114: {  	_ =	swait.ge [sflag:s22], $0x1400  }
0x115: {  	[sflag:s22] =	ssyncset.done $0x0  }
0x116: {  	s15 =	simm.s32 $0x0;
	[sflag:s22] =	ssyncadd.s32 $0xFFFFEC00  }
0x117: {  	v3 =	vld [tilespmem:s15+$0x4630]  }
0x118: {  	v5 =	vld [tilespmem:s15+$0x8230]  }
0x119: {  	v6 =	vld [tilespmem:s15+$0x4600]  }
0x11a: {  	v7 =	vld [tilespmem:s15+$0x8200]  }
0x11b: {  	v2 =	vld [tilespmem:s15+$0x4610]  }
0x11c: {  	v4 =	vld [tilespmem:s15+$0x8210]  }
0x11d: {  	v1 =	vld [tilespmem:s15+$0x4620];
	v8 =	vmul.f32 v5, v3  }
0x11e: {  	s12 =	simm.s32 $0x40;
	v5 =	vld [tilespmem:s15+$0x8220]  }
0x11f: {  	s26 =	simm.s32 $0x200;
	v3 =	vld [tilespmem:s12+$0x4630];
	v6 =	vmul.f32 v7, v6;
	[tilespmem:s15+$0xBE30] =	vst v8  }
.LBB2_13:
0x120: {  	p1 =	sne.s32 s26, $0x4F00;
	v7 =	vld [tilespmem:s12+$0x8230]  }
0x121: {  	v8 =	vld [tilespmem:s12+$0x4600];
	[tilespmem:s15+$0xBE00] =	vst v6;
	v4 =	vmul.f32 v4, v2  }
0x122: {  	v6 =	vld [tilespmem:s12+$0x8200]  }
.Ltmp5:
0x123: {  	v2 =	vld [tilespmem:s12+$0x4610];
	[tilespmem:s15+$0xBE10] =	vst v4;
	v5 =	vmul.f32 v5, v1;
	(pc) =	sbr.rel @p1 .LBB2_13-.Ltmp5, $4  }
0x124: {  	v4 =	vld [tilespmem:s12+$0x8210]  }
0x125: {  	v1 =	vld [tilespmem:s12+$0x4620];
	v7 =	vmul.f32 v7, v3;
	[tilespmem:s15+$0xBE20] =	vst v5;
	s15 =	smov.u32 s12  }
0x126: {  	s12 =	sshra.s32 s26, $0x2;
	v5 =	vld [tilespmem:s15+$0x8220]  }
0x127: {  	s26 =	sadd.s32 $0x100, s26;
	v3 =	vld [tilespmem:s12+$0x4630];
	v6 =	vmul.f32 v6, v8;
	[tilespmem:s15+$0xBE30] =	vst v7  }
0x128: {  	v7 =	vld [tilespmem:s12+$0x8230]  }
0x129: {  	v8 =	vld [tilespmem:s12+$0x4600];
	[tilespmem:s15+$0xBE00] =	vst v6;
	v2 =	vmul.f32 v4, v2  }
0x12a: {  	v4 =	vld [tilespmem:s12+$0x8200]  }
0x12b: {  	v6 =	vld [tilespmem:s12+$0x4610];
	[tilespmem:s15+$0xBE10] =	vst v2;
	v1 =	vmul.f32 v5, v1  }
0x12c: {  	v2 =	vld [tilespmem:s12+$0x8210]  }
0x12d: {  	v5 =	vld [tilespmem:s12+$0x4620];
	[tilespmem:s15+$0xBE20] =	vst v1  }
0x12e: {  	v1 =	vld [tilespmem:s12+$0x8220];
	_ =	sdelay $0x1  }
0x12f: {  	v3 =	vmul.f32 v7, v3  }
0x130: {  	v4 =	vmul.f32 v4, v8  }
0x131: {  	[tilespmem:s12+$0xBE30] =	vst v3;
	v2 =	vmul.f32 v2, v6  }
0x132: {  	[tilespmem:s12+$0xBE00] =	vst v4;
	v1 =	vmul.f32 v1, v5  }
0x133: {  	s3 =	sadd.s32 $0x4, s10;
	[tilespmem:s12+$0xBE10] =	vst v2  }
0x134: {  	s26 =	sadd.s32 $0x1950, s13;
	s29 =	smul.u32 $0x140, s3;
	[tilespmem:s12+$0xBE20] =	vst v1  }
0x135: {  	[spmem:s2] =	stream.indirect.scatter.add.f32 [tilespmem:s30], [sflag:$0x5], $0x40, s26, s8, $0xb8;
	[tilespmem:$0x1A600] =	vst v63  }
0x136: {  	s15 =	simm.s32 @p0 $0x28;
	s12 =	sshra.s32 s29, $0x2;
	s26 =	simm.s32 @p0 $0x4600  }
0x137: {  	[tilespmem:s26], [sflag:$0x2] =	stream.indirect.gather @p0 [hbm4b:s5+s15], $0x40, s12, s15, $0xb8;
	[tilespmem:$0x1A600] =	vst v63  }
0x138: {  	s29 =	simm.s32 @p0 $0x5000;
	s26 =	sadd.s32 $0x28, s12  }
0x139: {  	[tilespmem:s29], [sflag:$0x2] =	stream.indirect.gather @p0 [hbm4b:s5+s15], $0x40, s26, s15, $0xb8;
	[tilespmem:$0x1A600] =	vst v63  }
0x13a: {  	s3 =	sadd.s32 s23, s3;
	s15 =	simm.s32 @!p0 $0x28;
	s29 =	simm.s32 @!p0 $0x4600  }
0x13b: {  	[tilespmem:s29], [sflag:$0x2] =	stream.indirect.gather @!p0 [hbm4b:s4+s15], $0x40, s12, s15, $0xb8;
	[tilespmem:$0x1A600] =	vst v63  }
0x13c: {  	s3 =	smul.u32 $0x500, s3;
	s12 =	simm.s32 @!p0 $0x5000  }
0x13d: {  	[tilespmem:s12], [sflag:$0x2] =	stream.indirect.gather @!p0 [hbm4b:s4+s15], $0x40, s26, s15, $0xb8;
	[tilespmem:$0x1A600] =	vst v63  }
0x13e: {  	s12 =	sadd.s32 @p0 s3, s14;
	s3 =	sadd.s32 @!p0 s6, s3  }
0x13f: {  	s3 =	smov.u32 @p0 s12  }
0x140: {  	[tilespmem:s11], [sflag:$0x2] =	stream.strided.gather [hbm4b:s3+s0], $0x1400, s1, s0, $0x38;
	[tilespmem:$0x1A600] =	vst v63  }
0x141: {  	_ =	swait.ge [sflag:s19], $0x1400  }
0x142: {  	[sflag:s19] =	ssyncset.done $0x0  }
0x143: {  	[sflag:s19] =	ssyncadd.s32 $0xFFFFEC00  }
0x144: {  	_ =	swait.ge [sflag:s19], $0x1400  }
0x145: {  	[sflag:s19] =	ssyncset.done $0x0  }
0x146: {  	[sflag:s19] =	ssyncadd.s32 $0xFFFFEC00  }
0x147: {  	_ =	swait.ge [sflag:s24], $0x1400  }
0x148: {  	[sflag:s24] =	ssyncset.done $0x0  }
0x149: {  	s15 =	simm.s32 $0x0;
	[sflag:s24] =	ssyncadd.s32 $0xFFFFEC00  }
0x14a: {  	v3 =	vld [tilespmem:s15+$0x5A30]  }
0x14b: {  	v5 =	vld [tilespmem:s15+$0x9630]  }
0x14c: {  	v6 =	vld [tilespmem:s15+$0x5A00]  }
0x14d: {  	v7 =	vld [tilespmem:s15+$0x9600]  }
0x14e: {  	v2 =	vld [tilespmem:s15+$0x5A10]  }
0x14f: {  	v4 =	vld [tilespmem:s15+$0x9610]  }
0x150: {  	v1 =	vld [tilespmem:s15+$0x5A20];
	v8 =	vmul.f32 v5, v3  }
0x151: {  	s12 =	simm.s32 $0x40;
	v5 =	vld [tilespmem:s15+$0x9620]  }
0x152: {  	s26 =	simm.s32 $0x200;
	v3 =	vld [tilespmem:s12+$0x5A30];
	v6 =	vmul.f32 v7, v6;
	[tilespmem:s15+$0xD230] =	vst v8  }
.LBB2_15:
0x153: {  	p1 =	sne.s32 s26, $0x4F00;
	v7 =	vld [tilespmem:s12+$0x9630]  }
0x154: {  	v8 =	vld [tilespmem:s12+$0x5A00];
	[tilespmem:s15+$0xD200] =	vst v6;
	v4 =	vmul.f32 v4, v2  }
0x155: {  	v6 =	vld [tilespmem:s12+$0x9600]  }
.Ltmp6:
0x156: {  	v2 =	vld [tilespmem:s12+$0x5A10];
	[tilespmem:s15+$0xD210] =	vst v4;
	v5 =	vmul.f32 v5, v1;
	(pc) =	sbr.rel @p1 .LBB2_15-.Ltmp6, $4  }
0x157: {  	v4 =	vld [tilespmem:s12+$0x9610]  }
0x158: {  	v1 =	vld [tilespmem:s12+$0x5A20];
	v7 =	vmul.f32 v7, v3;
	[tilespmem:s15+$0xD220] =	vst v5;
	s15 =	smov.u32 s12  }
0x159: {  	s12 =	sshra.s32 s26, $0x2;
	v5 =	vld [tilespmem:s15+$0x9620]  }
0x15a: {  	s26 =	sadd.s32 $0x100, s26;
	v3 =	vld [tilespmem:s12+$0x5A30];
	v6 =	vmul.f32 v6, v8;
	[tilespmem:s15+$0xD230] =	vst v7  }
0x15b: {  	v7 =	vld [tilespmem:s12+$0x9630]  }
0x15c: {  	v8 =	vld [tilespmem:s12+$0x5A00];
	[tilespmem:s15+$0xD200] =	vst v6;
	v2 =	vmul.f32 v4, v2  }
0x15d: {  	v62 =	vld [tilespmem:s12+$0x9600]  }
0x15e: {  	v6 =	vld [tilespmem:s12+$0x5A10];
	[tilespmem:s15+$0xD210] =	vst v2;
	v1 =	vmul.f32 v5, v1  }
0x15f: {  	v2 =	vld [tilespmem:s12+$0x9610]  }
0x160: {  	v63 =	vld [tilespmem:s12+$0x5A20];
	[tilespmem:s15+$0xD220] =	vst v1  }
0x161: {  	v1 =	vld [tilespmem:s12+$0x9620];
	_ =	sdelay $0x1  }
0x162: {  	v3 =	vmul.f32 v7, v3  }
0x163: {  	p1 =	seq.s32 s9, $0x19;
	v4 =	vmul.f32 v62, v8  }
.Ltmp7:
0x164: {  	[tilespmem:s12+$0xD230] =	vst v3;
	v2 =	vmul.f32 v2, v6;
	(pc) =	sbr.rel @p1 .LBB2_18-.Ltmp7, $4  }
0x165: {  	[tilespmem:s12+$0xD200] =	vst v4;
	v1 =	vmul.f32 v1, v63  }
0x166: {  	[tilespmem:s12+$0xD210] =	vst v2  }
0x167: {  	s3 =	sadd.s32 $0x19A0, s13;
	[tilespmem:s12+$0xD220] =	vst v1  }
0x168: {  	[spmem:s2] =	stream.indirect.scatter.add.f32 [tilespmem:s31], [sflag:$0x6], $0x40, s3, s8, $0xb8;
	[tilespmem:$0x1A600] =	vst v63  }
0x169: {  	s3 =	sadd.s32 $0x5, s10  }
0x16a: {  	s10 =	smul.u32 $0x140, s3;
	_ =	sdelay $0x1  }
0x16b: {  	s12 =	simm.s32 @p0 $0x28;
	s13 =	simm.s32 @p0 $0x5A00;
	s10 =	sshra.s32 s10, $0x2  }
0x16c: {  	[tilespmem:s13], [sflag:$0x3] =	stream.indirect.gather @p0 [hbm4b:s5+s12], $0x40, s10, s12, $0xb8;
	[tilespmem:$0x1A600] =	vst v63  }
0x16d: {  	s15 =	simm.s32 @p0 $0x6400;
	s3 =	sadd.s32 s23, s3;
	s13 =	sadd.s32 $0x28, s10  }
0x16e: {  	[tilespmem:s15], [sflag:$0x3] =	stream.indirect.gather @p0 [hbm4b:s5+s12], $0x40, s13, s12, $0xb8;
	[tilespmem:$0x1A600] =	vst v63  }
0x16f: {  	s3 =	smul.u32 $0x500, s3;
	s12 =	simm.s32 @!p0 $0x28;
	s15 =	simm.s32 @!p0 $0x5A00  }
0x170: {  	[tilespmem:s15], [sflag:$0x3] =	stream.indirect.gather @!p0 [hbm4b:s4+s12], $0x40, s10, s12, $0xb8;
	[tilespmem:$0x1A600] =	vst v63  }
.Ltmp8:
0x171: {  	s10 =	simm.s32 @!p0 $0x6400;
	(pc) =	sbr.rel .LBB2_10-.Ltmp8, $4  }
0x172: {  	[tilespmem:s10], [sflag:$0x3] =	stream.indirect.gather @!p0 [hbm4b:s4+s12], $0x40, s13, s12, $0xb8;
	[tilespmem:$0x1A600] =	vst v63  }
0x173: {  	s10 =	sadd.s32 @p0 s3, s14;
	s3 =	sadd.s32 @!p0 s6, s3  }
0x174: {  	s9 =	sadd.s32 $0x1, s9;
	s3 =	smov.u32 @p0 s10  }
0x175: {  	[tilespmem:s16], [sflag:$0x3] =	stream.strided.gather [hbm4b:s3+s0], $0x1400, s1, s0, $0x38;
	[tilespmem:$0x1A600] =	vst v63  }
.LBB2_18:
0x176: {  	_ =	swait.ge [sflag:s17], $0x1400  }
0x177: {  	[sflag:s17] =	ssyncset.done $0x0  }
0x178: {  	[sflag:s17] =	ssyncadd.s32 $0xFFFFEC00  }
0x179: {  	_ =	swait.ge [sflag:s17], $0x1400  }
0x17a: {  	[sflag:s17] =	ssyncset.done $0x0  }
0x17b: {  	[sflag:s17] =	ssyncadd.s32 $0xFFFFEC00  }
0x17c: {  	_ =	swait.ge [sflag:s20], $0x1400  }
0x17d: {  	[sflag:s20] =	ssyncset.done $0x0  }
0x17e: {  	s9 =	simm.s32 $0x0;
	[sflag:s20] =	ssyncadd.s32 $0xFFFFEC00  }
0x17f: {  	v3 =	vld [tilespmem:s9+$0x3230]  }
0x180: {  	v5 =	vld [tilespmem:s9+$0x6E30]  }
0x181: {  	v6 =	vld [tilespmem:s9+$0x3200]  }
0x182: {  	v7 =	vld [tilespmem:s9+$0x6E00]  }
0x183: {  	v2 =	vld [tilespmem:s9+$0x3210]  }
0x184: {  	v4 =	vld [tilespmem:s9+$0x6E10]  }
0x185: {  	v1 =	vld [tilespmem:s9+$0x3220];
	v8 =	vmul.f32 v5, v3  }
0x186: {  	s10 =	simm.s32 $0x40;
	v5 =	vld [tilespmem:s9+$0x6E20]  }
0x187: {  	s12 =	simm.s32 $0x200;
	s13 =	simm.s32 $0x1900;
	v3 =	vld [tilespmem:s10+$0x3230];
	v6 =	vmul.f32 v7, v6;
	[tilespmem:s9+$0xAA30] =	vst v8  }
.LBB2_19:
0x188: {  	p1 =	sne.s32 s12, $0x4F00;
	v7 =	vld [tilespmem:s10+$0x6E30]  }
0x189: {  	v8 =	vld [tilespmem:s10+$0x3200];
	[tilespmem:s9+$0xAA00] =	vst v6;
	v4 =	vmul.f32 v4, v2  }
0x18a: {  	v6 =	vld [tilespmem:s10+$0x6E00]  }
.Ltmp9:
0x18b: {  	v2 =	vld [tilespmem:s10+$0x3210];
	[tilespmem:s9+$0xAA10] =	vst v4;
	v5 =	vmul.f32 v5, v1;
	(pc) =	sbr.rel @p1 .LBB2_19-.Ltmp9, $4  }
0x18c: {  	v4 =	vld [tilespmem:s10+$0x6E10]  }
0x18d: {  	v1 =	vld [tilespmem:s10+$0x3220];
	v7 =	vmul.f32 v7, v3;
	[tilespmem:s9+$0xAA20] =	vst v5;
	s9 =	smov.u32 s10  }
0x18e: {  	s10 =	sshra.s32 s12, $0x2;
	v5 =	vld [tilespmem:s9+$0x6E20]  }
0x18f: {  	s12 =	sadd.s32 $0x100, s12;
	v3 =	vld [tilespmem:s10+$0x3230];
	v6 =	vmul.f32 v6, v8;
	[tilespmem:s9+$0xAA30] =	vst v7  }
0x190: {  	v7 =	vld [tilespmem:s10+$0x6E30]  }
0x191: {  	v8 =	vld [tilespmem:s10+$0x3200];
	[tilespmem:s9+$0xAA00] =	vst v6;
	v2 =	vmul.f32 v4, v2  }
0x192: {  	v4 =	vld [tilespmem:s10+$0x6E00]  }
0x193: {  	v6 =	vld [tilespmem:s10+$0x3210];
	[tilespmem:s9+$0xAA10] =	vst v2;
	v1 =	vmul.f32 v5, v1  }
0x194: {  	v2 =	vld [tilespmem:s10+$0x6E10]  }
0x195: {  	v5 =	vld [tilespmem:s10+$0x3220];
	[tilespmem:s9+$0xAA20] =	vst v1  }
0x196: {  	v1 =	vld [tilespmem:s10+$0x6E20];
	_ =	sdelay $0x1  }
0x197: {  	v3 =	vmul.f32 v7, v3  }
0x198: {  	v4 =	vmul.f32 v4, v8  }
0x199: {  	[tilespmem:s10+$0xAA30] =	vst v3;
	v2 =	vmul.f32 v2, v6  }
0x19a: {  	[tilespmem:s10+$0xAA00] =	vst v4;
	v1 =	vmul.f32 v1, v5  }
0x19b: {  	[tilespmem:s10+$0xAA10] =	vst v2  }
0x19c: {  	s3 =	simm.s32 $0x3160;
	[tilespmem:s10+$0xAA20] =	vst v1  }
0x19d: {  	[spmem:s2] =	stream.indirect.scatter.add.f32 [tilespmem:s25], [sflag:$0x4], $0x40, s3, s8, $0xb8;
	[tilespmem:$0x1A600] =	vst v63  }
0x19e: {  	_ =	swait.ge [sflag:s18], $0x1400  }
0x19f: {  	[sflag:s18] =	ssyncset.done $0x0  }
0x1a0: {  	[sflag:s18] =	ssyncadd.s32 $0xFFFFEC00  }
0x1a1: {  	_ =	swait.ge [sflag:s18], $0x1400  }
0x1a2: {  	[sflag:s18] =	ssyncset.done $0x0  }
0x1a3: {  	[sflag:s18] =	ssyncadd.s32 $0xFFFFEC00  }
0x1a4: {  	_ =	swait.ge [sflag:s22], $0x1400  }
0x1a5: {  	[sflag:s22] =	ssyncset.done $0x0  }
0x1a6: {  	s9 =	simm.s32 $0x0;
	[sflag:s22] =	ssyncadd.s32 $0xFFFFEC00  }
0x1a7: {  	v3 =	vld [tilespmem:s9+$0x4630]  }
0x1a8: {  	v5 =	vld [tilespmem:s9+$0x8230]  }
0x1a9: {  	v6 =	vld [tilespmem:s9+$0x4600]  }
0x1aa: {  	v7 =	vld [tilespmem:s9+$0x8200]  }
0x1ab: {  	v2 =	vld [tilespmem:s9+$0x4610]  }
0x1ac: {  	v4 =	vld [tilespmem:s9+$0x8210]  }
0x1ad: {  	v1 =	vld [tilespmem:s9+$0x4620];
	v8 =	vmul.f32 v5, v3  }
0x1ae: {  	s10 =	simm.s32 $0x40;
	v5 =	vld [tilespmem:s9+$0x8220]  }
0x1af: {  	s12 =	simm.s32 $0x200;
	s15 =	rddreg [dreg:$0x4];
	v3 =	vld [tilespmem:s10+$0x4630];
	v6 =	vmul.f32 v7, v6;
	[tilespmem:s9+$0xBE30] =	vst v8  }
.LBB2_21:
0x1b0: {  	p1 =	sne.s32 s12, $0x4F00;
	v7 =	vld [tilespmem:s10+$0x8230]  }
0x1b1: {  	v8 =	vld [tilespmem:s10+$0x4600];
	[tilespmem:s9+$0xBE00] =	vst v6;
	v4 =	vmul.f32 v4, v2  }
0x1b2: {  	v6 =	vld [tilespmem:s10+$0x8200]  }
.Ltmp10:
0x1b3: {  	v2 =	vld [tilespmem:s10+$0x4610];
	[tilespmem:s9+$0xBE10] =	vst v4;
	v5 =	vmul.f32 v5, v1;
	(pc) =	sbr.rel @p1 .LBB2_21-.Ltmp10, $4  }
0x1b4: {  	v4 =	vld [tilespmem:s10+$0x8210]  }
0x1b5: {  	v1 =	vld [tilespmem:s10+$0x4620];
	v7 =	vmul.f32 v7, v3;
	[tilespmem:s9+$0xBE20] =	vst v5;
	s9 =	smov.u32 s10  }
0x1b6: {  	s10 =	sshra.s32 s12, $0x2;
	v5 =	vld [tilespmem:s9+$0x8220]  }
0x1b7: {  	s12 =	sadd.s32 $0x100, s12;
	v3 =	vld [tilespmem:s10+$0x4630];
	v6 =	vmul.f32 v6, v8;
	[tilespmem:s9+$0xBE30] =	vst v7  }
0x1b8: {  	v7 =	vld [tilespmem:s10+$0x8230]  }
0x1b9: {  	v8 =	vld [tilespmem:s10+$0x4600];
	[tilespmem:s9+$0xBE00] =	vst v6;
	v2 =	vmul.f32 v4, v2  }
0x1ba: {  	v62 =	vld [tilespmem:s10+$0x8200]  }
0x1bb: {  	v6 =	vld [tilespmem:s10+$0x4610];
	[tilespmem:s9+$0xBE10] =	vst v2;
	v1 =	vmul.f32 v5, v1  }
0x1bc: {  	v2 =	vld [tilespmem:s10+$0x8210]  }
0x1bd: {  	v63 =	vld [tilespmem:s10+$0x4620];
	[tilespmem:s9+$0xBE20] =	vst v1  }
0x1be: {  	v1 =	vld [tilespmem:s10+$0x8220];
	_ =	sdelay $0x1  }
0x1bf: {  	v3 =	vmul.f32 v7, v3  }
0x1c0: {  	v4 =	vmul.f32 v62, v8  }
0x1c1: {  	[tilespmem:s10+$0xBE30] =	vst v3;
	v2 =	vmul.f32 v2, v6  }
0x1c2: {  	[tilespmem:s10+$0xBE00] =	vst v4;
	v1 =	vmul.f32 v1, v63  }
0x1c3: {  	[tilespmem:s10+$0xBE10] =	vst v2  }
0x1c4: {  	s3 =	simm.s32 $0x31B0;
	[tilespmem:s10+$0xBE20] =	vst v1  }
0x1c5: {  	[spmem:s2] =	stream.indirect.scatter.add.f32 [tilespmem:s30], [sflag:$0x5], $0x40, s3, s8, $0xb8;
	[tilespmem:$0x1A600] =	vst v63  }
0x1c6: {  	_ =	swait.ge [sflag:s20], $0x1400  }
0x1c7: {  	[sflag:s20] =	ssyncset.done $0x0  }
0x1c8: {  	[sflag:s20] =	ssyncadd.s32 $0xFFFFEC00  }
0x1c9: {  	_ =	swait.ge [sflag:s22], $0x1400  }
0x1ca: {  	[sflag:s22] =	ssyncset.done $0x0  }
0x1cb: {  	[sflag:s22] =	ssyncadd.s32 $0xFFFFEC00  }
0x1cc: {  	_ =	swait.ge [sflag:s24], $0x1400  }
0x1cd: {  	[sflag:s24] =	ssyncset.done $0x0  }
0x1ce: {  	[sflag:s24] =	ssyncadd.s32 $0xFFFFEC00  }
0x1cf: {  	s10 =	stileid.u32;
	[bflag:$0x0] =	sbarrier.arrive $0xFFFF  }
0x1d0: {  	s3 =	sshll.u32 s10, $0x6;
	s12 =	rddreg [dreg:$0xa]  }
0x1d1: {  	s3 =	sor.u32 $0x1C07, s3;
	s26 =	rddreg [dreg:$0x12];
	s9 =	sshrl.u32 s12, $0x3  }
0x1d2: {  	[hbm:s26], [sflag:s3] =	dma.local [spmem:s9], $0x1400  }
0x1d3: {  	_ =	swait.ge [sflag:s28], $0x1400  }
0x1d4: {  	s15 =	sadd.s32 $0x1, s15;
	s29 =	rddreg [dreg:$0x13]  }
0x1d5: {  	p1 =	sne.s32 s15, s29  }
.Ltmp11:
0x1d6: {  	_ = 	snop;
	(pc) =	sbr.rel @p1 .LBB2_1-.Ltmp11, $3  }
0x1d7: {  	_ =	sdelay $0x1  }
0x1d8: {  	[sflag:s28] =	ssyncset.done $0x0  }
0x1d9: {  	[sflag:s28] =	ssyncadd.s32 $0xFFFFEC00  }
0x1da: {  	_ =	sfence.sel $0x180000  }
0x1db: {  	[bflag:$0x0] =	sbarrier.arrive $0xFFFF  }
0x1dc: {  	_ =	strace $0x9000004A  }
0x1dd: {  	s0 =	stileid.u32;
	[bflag:$0x2] =	sbarrier.arrive $0xFFFF  }
0x1de: {  	p0 =	sne.s32 s0, $0x0;
	s0 =	rddreg [dreg:$0x3]  }
0x1df: {  	s0 =	sadd.s32 @!p0 $0x100000, s0  }
0x1e0: {  	[sflag:s0] =	ssyncadd.tile.s32 @!p0 $0x1;
	_ =	shalt  }
.Lfunc_end2:
_tile_overlayer_lowered:
.L_overlay_start_2:
0x1e1: {  	(tag) =	ssettag $0x2  }
0x1e2: {  	s0 =	rddreg [dreg:$0x0];
	s2 =	stileid.u32  }
0x1e3: {  	s1 =	rddreg [dreg:$0x1];
	p0 =	sne.s32 s2, $0x0  }
0x1e4: {  	s3 =	rddreg [dreg:$0x2];
	[bflag:$0x3] =	sbarrier.arrive $0xFFFF;
	s2 =	simm.s32 @!p0 $0x1C07  }
0x1e5: {  	[timem:s3], [sflag:s2] =	dma.local @!p0 [hbm:s0], s1  }
0x1e6: {  	s0 =	simm.s32 @!p0 $0x7  }
0x1e7: {  	_ =	swait.ge @!p0 [sflag:s0], s1  }
0x1e8: {  	s1 =	ssub.s32 @!p0 $0x0, s1;
	[sflag:s0] =	ssyncset.done @!p0 $0x0  }
0x1e9: {  	[sflag:s0] =	ssyncadd.s32 @!p0 s1  }
0x1ea: {  	[bflag:$0x3] =	sbarrier.arrive $0xFFFF  }
0x1eb: {  	_ =	shalt  }

// kernel: _run.8.cloned.1.call-start
scs
__scs_entry_jumppad:
0x0: {  	(pc) =	sbr.rel $0x88, $3  }
0x1: {  	(tag) =	ssettag $0x0;
	lr =	simm.s32 $0x1  }
0x2: {  	[smem:$0x3F98] =	sst lr;
	_ =	strace $0xD0000000  }
0x3: {  	_ = 	snop  }
0x4: {  	_ = 	snop  }
0x5: {  	_ = 	snop  }
0x6: {  	_ = 	snop  }
0x7: {  	_ = 	snop  }
__scs_overlays_trampoline_lowered:
0x8: {  	[smem:$0x3FA7] =	sst s0  }
0x9: {  	[smem:$0x3FA8] =	sst s1  }
0xa: {  	[smem:$0x3FA9] =	sst s2  }
0xb: {  	[smem:$0x3FAA] =	sst s3  }
0xc: {  	[smem:$0x3FAB] =	sst s4  }
0xd: {  	[smem:$0x3FAC] =	sst s5  }
0xe: {  	[smem:$0x3FAD] =	sst s6  }
0xf: {  	[smem:$0x3FAE] =	sst s7  }
0x10: {  	[smem:$0x3FAF] =	sst s8  }
0x11: {  	[smem:$0x3FB0] =	sst s9;
	s0 =	simm.s32 @!p0 $0x0  }
0x12: {  	s1 =	sld [smem:$0x3F96];
	s0 =	simm.s32 @p0 $0x1  }
0x13: {  	[smem:$0x3FB1] =	sst s0;
	s0 =	simm.s32 @!p1 $0x0  }
0x14: {  	s2 =	sld [smem:$0x3F95];
	s0 =	simm.s32 @p1 $0x1  }
0x15: {  	[smem:$0x3FB2] =	sst s0;
	s0 =	simm.s32 @!p2 $0x0  }
0x16: {  	s3 =	sld [smem:$0x3FDB];
	s0 =	simm.s32 @p2 $0x1  }
0x17: {  	s4 =	simm.s32 $0x1BF5;
	[smem:$0x3FB4] =	sst s0  }
0x18: {  	s0 =	sld [smem:$0x3F97];
	_ =	swait.ge [sflag:s4], $0x0  }
0x19: {  	s7 =	sld [smem:$0x3F98]  }
0x1a: {  	s8 =	sadd.s32 $0xFFFFE003, lr  }
0x1b: {  	s9 =	sadd.s32 $0xFFFFFEF7, lr;
	s5 =	simm.s32 $0xFFFFFFFF;
	p2 =	slt.u32 s8, $0xFFFFF086  }
0x1c: {  	p1 =	slt.u32 s9, $0xF7A;
	s5 =	simm.s32 @!p2 $0x0  }
0x1d: {  	s5 =	simm.s32 @p1 $0x1;
	p0 =	seq.s32 s7, s2  }
0x1e: {  	s7 =	smul.u32 @!p0 $0xF7A, s2;
	p2 =	seq.s32 @!p0 s5, $0x0  }
0x1f: {  	s9 =	smul.u32 $0xF7A, s1;
	s8 =	simm.s32 @!p0 $0x1BF5;
	p2 =	por !p2, p0  }
0x20: {  	[sflag:s8] =	ssyncset.s32 @!p0 $0xFFFFF086;
	s6 =	sadd.s32 @!p0 s3, s7;
	s7 =	simm.s32 @!p0 $0x108  }
0x21: {  	s3 =	sadd.s32 s3, s9;
	s6 =	sadd.s32 @!p0 $0x88, s6;
	s7 =	simm.s32 @p2 $0x1082  }
0x22: {  	[simem:s7], [sflag:s8] =	dma.local @!p0 [hbm:s6], $0xF7A  }
0x23: {  	s9 =	sor.u32 $0xD0000000, s2;
	s6 =	simm.s32 $0x108;
	_ =	swait.ge @!p0 [sflag:s8], $0x0  }
0x24: {  	s3 =	sadd.s32 $0x88, s3;
	s6 =	simm.s32 @!p1 $0x1082;
	[sflag:s4] =	ssyncset.s32 $0xFFFFF086  }
0x25: {  	[simem:s6], [sflag:s4] =	dma.local [hbm:s3], $0xF7A  }
0x26: {  	[smem:$0x3F98] =	sst s1;
	(tag) =	ssettag s2;
	_ =	strace s9  }
0x27: {  	s1 =	sld [smem:$0x3FA8]  }
0x28: {  	s2 =	sld [smem:$0x3FA9]  }
0x29: {  	s4 =	sld [smem:$0x3FAB]  }
0x2a: {  	p0 =	seq.s32 s5, $0x0;
	s5 =	sld [smem:$0x3FAC]  }
0x2b: {  	s6 =	sld [smem:$0x3FAD]  }
0x2c: {  	s7 =	sld [smem:$0x3FAE]  }
0x2d: {  	s3 =	simm.s32 $0x108;
	s8 =	sld [smem:$0x3FAF]  }
0x2e: {  	s3 =	simm.s32 @!p0 $0x1082;
	s9 =	sld [smem:$0x3FB0]  }
0x2f: {  	lr =	sadd.s32 s0, s3;
	s0 =	sld [smem:$0x3FA7]  }
0x30: {  	s3 =	sld [smem:$0x3FAA]  }
0x31: {  	[smem:$0x3FB3] =	sst s10  }
0x32: {  	s10 =	sld [smem:$0x3FB1];
	_ =	sdelay $0x3  }
0x33: {  	p0 =	seq.s32 s10, $0x1;
	s10 =	sld [smem:$0x3FB3];
	_ =	sdelay $0x3  }
0x34: {  	[smem:$0x3FB3] =	sst s10  }
0x35: {  	s10 =	sld [smem:$0x3FB2];
	_ =	sdelay $0x3  }
0x36: {  	p1 =	seq.s32 s10, $0x1;
	s10 =	sld [smem:$0x3FB3];
	_ =	sdelay $0x3  }
0x37: {  	[smem:$0x3FB3] =	sst s10  }
0x38: {  	s10 =	sld [smem:$0x3FB4]  }
0x39: {  	_ = 	snop;
	(pc) =	sbr.ind lr, $3  }
0x3a: {  	_ = 	snop  }
0x3b: {  	_ = 	snop  }
0x3c: {  	p2 =	seq.s32 s10, $0x1;
	s10 =	sld [smem:$0x3FB3]  }
0x3d: {  	_ =	shalt  }
0x3e: {  	_ =	shalt  }
0x3f: {  	_ =	shalt  }
0x40: {  	_ =	shalt  }
0x41: {  	_ =	shalt  }
0x42: {  	_ =	shalt  }
0x43: {  	_ =	shalt  }
0x44: {  	_ =	shalt  }
0x45: {  	_ =	shalt  }
0x46: {  	_ =	shalt  }
0x47: {  	_ =	shalt  }
0x48: {  	_ =	shalt  }
0x49: {  	_ =	shalt  }
0x4a: {  	_ =	shalt  }
0x4b: {  	_ =	shalt  }
0x4c: {  	_ =	shalt  }
0x4d: {  	_ =	shalt  }
0x4e: {  	_ =	shalt  }
0x4f: {  	_ =	shalt  }
0x50: {  	_ =	shalt  }
0x51: {  	_ =	shalt  }
0x52: {  	_ =	shalt  }
0x53: {  	_ =	shalt  }
0x54: {  	_ =	shalt  }
0x55: {  	_ =	shalt  }
0x56: {  	_ =	shalt  }
0x57: {  	_ =	shalt  }
0x58: {  	_ =	shalt  }
0x59: {  	_ =	shalt  }
0x5a: {  	_ =	shalt  }
0x5b: {  	_ =	shalt  }
0x5c: {  	_ =	shalt  }
0x5d: {  	_ =	shalt  }
0x5e: {  	_ =	shalt  }
0x5f: {  	_ =	shalt  }
0x60: {  	_ =	shalt  }
0x61: {  	_ =	shalt  }
0x62: {  	_ =	shalt  }
0x63: {  	_ =	shalt  }
0x64: {  	_ =	shalt  }
0x65: {  	_ =	shalt  }
0x66: {  	_ =	shalt  }
0x67: {  	_ =	shalt  }
0x68: {  	_ =	shalt  }
0x69: {  	_ =	shalt  }
0x6a: {  	_ =	shalt  }
0x6b: {  	_ =	shalt  }
0x6c: {  	_ =	shalt  }
0x6d: {  	_ =	shalt  }
0x6e: {  	_ =	shalt  }
0x6f: {  	_ =	shalt  }
0x70: {  	_ =	shalt  }
0x71: {  	_ =	shalt  }
0x72: {  	_ =	shalt  }
0x73: {  	_ =	shalt  }
0x74: {  	_ =	shalt  }
0x75: {  	_ =	shalt  }
0x76: {  	_ =	shalt  }
0x77: {  	_ =	shalt  }
0x78: {  	_ =	shalt  }
0x79: {  	_ =	shalt  }
0x7a: {  	_ =	shalt  }
0x7b: {  	_ =	shalt  }
0x7c: {  	_ =	shalt  }
0x7d: {  	_ =	shalt  }
0x7e: {  	_ =	shalt  }
0x7f: {  	_ =	shalt  }
0x80: {  	_ =	shalt  }
0x81: {  	_ =	shalt  }
0x82: {  	_ =	shalt  }
0x83: {  	_ =	shalt  }
0x84: {  	_ =	shalt  }
0x85: {  	_ =	shalt  }
0x86: {  	_ =	shalt  }
0x87: {  	_ =	shalt  }
.Lfunc_end0:
.L_simem_size_0:
called_computation_lowered:
.L_overlay_start_0:
0x88: {  	s2 =	sld [smem:$0x3FD9]  }
0x89: {  	s3 =	sld [smem:$0x3FFE];
	_ =	sdelay $0x1  }
0x8a: {  	s1 =	srdreg.scid  }
0x8b: {  	s0 =	sand.u32 $0x1, s1  }
0x8c: {  	s16 =	sshll.u32 s0, $0xA;
	s2 =	sadd.s32 s3, s2  }
0x8d: {  	s2 =	sadd.s32 s2, s16  }
0x8e: {  	[smem:$0x3FBF] =	sst s2  }
0x8f: {  	_ = 	snop  }
0x90: {  	(tm) =	ssettm $0x1  }
0x91: {  	s17 =	sld [smem:$0x3FFB];
	_ =	sdelay $0x3  }
0x92: {  	_ =	strace s17  }
0x93: {  	s2 =	sld [smem:$0x3FFC];
	_ =	sdelay $0x3  }
0x94: {  	_ =	strace s2  }
0x95: {  	s2 =	sld [smem:$0x3FFD];
	_ =	sdelay $0x3  }
0x96: {  	_ =	strace s2  }
0x97: {  	_ =	strace $0x8FFFFFFF  }
0x98: {  	s18 =	sld [smem:$0x3FDB];
	_ =	sdelay $0x1  }
0x99: {  	s19 =	simm.s32 $_scs_section_size  }
0x9a: {  	s4 =	simm.s32 $_size__tile_overlayer_lowered;
	s5 =	simm.s32 $_tile_overlayer_lowered  }
0x9b: {  	s22 =	simm.s32 $0x1BFF;
	s21 =	sshll.u32 s5, $0x1;
	s2 =	sadd.s32 s19, s18  }
0x9c: {  	s6 =	simm.s32 $0x0;
	s20 =	sshll.u32 s4, $0x1;
	s4 =	sadd.s32 s21, s2  }
0x9d: {  	[timem:s6], [sflag:s22] =	dma.local [hbm:s4], s20  }
0x9e: {  	_ =	swait.ge [sflag:s22], s20  }
0x9f: {  	s3 =	ssub.s32 $0x0, s20;
	[sflag:s22] =	ssyncset.done $0x0  }
0xa0: {  	[sflag:s22] =	ssyncadd.s32 s3;
	_ =	sdelay $0x1  }
0xa1: {  	s23 =	simm.s32 $0x1B8B  }
0xa2: {  	_ =	swait.ge [sflag:s23], $0x1  }
0xa3: {  	[sflag:s23] =	ssyncset.done $0x0  }
0xa4: {  	s25 =	simm.s32 $0x1B8E;
	s24 =	sld [smem:$0x3FFE];
	[sflag:s23] =	ssyncadd.s32 $0xFFFFFFFF  }
0xa5: {  	s26 =	simm.s32 $execute0_lowered;
	[smem:$0x3FD2] =	sst s25  }
0xa6: {  	s4 =	sshll.u32 s26, $0x1;
	_ =	strace $0x80000046;
	[dreg:$0x1] =	wrdreg $0xFFFFFFFF  }
0xa7: {  	s28 =	simm.s32 $_size_execute0_lowered;
	s2 =	sadd.s32 s2, s4;
	[dreg:$0x0] =	wrdreg $0x0  }
0xa8: {  	s4 =	sshll.u32 s28, $0x1;
	[dreg:$0x2] =	wrdreg s2  }
0xa9: {  	[dreg:$0x3] =	wrdreg s4  }
0xaa: {  	[dreg:$0x4] =	wrdreg $0xC0  }
0xab: {  	_ =	task [dreg:s6], $0x5FFFF  }
0xac: {  	[dreg:$0x1] =	wrdreg $0xFFFFFFFF  }
0xad: {  	[dreg:$0x0] =	wrdreg $0x60  }
0xae: {  	[dreg:$0x2] =	wrdreg s24  }
0xaf: {  	[dreg:$0x3] =	wrdreg $0x13E400  }
0xb0: {  	[dreg:$0x4] =	wrdreg $0x9  }
0xb1: {  	_ =	task.clear_ibuf [dreg:s6], $0x5FFFF;
	_ =	strace $0x90000046  }
0xb2: {  	s29 =	simm.s32 $0x9;
	_ =	strace $0x80000048  }
0xb3: {  	_ =	swait.ge [sflag:s29], $0x1  }
0xb4: {  	[sflag:s29] =	ssyncadd.s32 $0xFFFFFFFF  }
0xb5: {  	_ =	strace $0x90000048  }
0xb6: {  	_ =	sfence  }
0xb7: {  	s30 =	sld [smem:$0x0];
	_ =	sdelay $0x2  }
0xb8: {  	s31 =	sshll.u32 s1, $0xD;
	s1 =	sshrl.u32 s1, $0x2  }
0xb9: {  	s3 =	sand.u32 $0x4000, s31;
	s1 =	sadd.s32 s1, s30  }
0xba: {  	s0 =	sor.u32 s3, s0;
	s1 =	sshll.u32 s1, $0x11  }
0xbb: {  	s0 =	sor.u32 s1, s0  }
0xbc: {  	s0 =	sadd.s32 $0x8F2B, s0  }
0xbd: {  	[sflag:s0] =	ssyncadd.remote.s32 $0x1  }
0xbe: {  	_ =	sfence.sel $0xFFFF  }
0xbf: {  	[dreg:$0x0] =	wrdreg $0xFFFFFFFF;
	(pc) =	sbr.abs _section_cstart, $3  }
0xc0: {  	[dreg:$0x1] =	wrdreg $0xFFFFFFFF  }
0xc1: {  	_ =	task.clear_ibuf [dreg:s6], $0x2FFFF;
	_ =	strace $0x9FFFFFFF  }
0xc2: {  	(tm) =	ssettm $0x7FFFFFFF  }
0xc3: {  	_ =	shalt  }
tec
execute0_lowered:
.L_overlay_start_1:
0x0: {  	(tag) =	ssettag $0x1  }
0x1: {  	s0 =	rddreg [dreg:$0x0]  }
0x2: {  	s1 =	rddreg [dreg:$0x1]  }
0x3: {  	s15 =	simm.s32 $0x0;
	s3 =	stileid.u32;
	s7 =	srdreg.scid  }
0x4: {  	s28 =	simm.s32 $0x2;
	s30 =	simm.s32 $0xF640;
	s31 =	simm.s32 $0x10A40  }
0x5: {  	[smem:$0x7FF] =	sst s15;
	s4 =	sadd.s32 $0x2600, s0;
	s2 =	smul.u32 $0x6A4, s3  }
0x6: {  	s5 =	sadd.s32 $0x16000, s0;
	s8 =	smul.u32 $0x28000, s3;
	s9 =	sadd.s32 $0x389200, s0  }
0x7: {  	s6 =	sadd.s32 $0x37200, s0;
	s11 =	smul.u32 $0xA000, s3;
	s12 =	sadd.s32 $0x39D200, s0  }
0x8: {  	s7 =	sand.u32 $0x1, s7;
	s19 =	smul.u32 $0x35200, s3;
	_ =	strace $0x80000047  }
0x9: {  	s10 =	ssub.s32 $0x2, s7;
	p0 =	seq.s32 s7, $0x0;
	s21 =	smov.u32 s5  }
0xa: {  	s2 =	sadd.s32 s2, s0;
	s8 =	sshrl.u32 s8, $0x2;
	s13 =	sshrl.u32 s10, $0x1  }
0xb: {  	s29 =	sadd.s32 s11, s1;
	s20 =	sshrl.u32 s11, $0x3;
	s11 =	simm.s32 $0x500  }
0xc: {  	s12 =	smov.u32 @p0 s9;
	s9 =	simm.s32 $0x1900;
	s21 =	smov.u32 @p0 s4  }
0xd: {  	s8 =	sadd.s32 s8, s1;
	s10 =	ssub.s32 s10, s13;
	[dreg:$0x4] =	wrdreg s29  }
0xe: {  	s18 =	sadd.s32 $0x29A00, s2;
	s2 =	sadd.s32 $0x30600, s2;
	s13 =	simm.s32 $0xA00  }
0xf: {  	s11 =	simm.s32 @!p0 $0x508;
	s9 =	simm.s32 @!p0 $0x1908;
	s26 =	sadd.s32 s12, s20  }
0x10: {  	s12 =	simm.s32 $0xBA40;
	s20 =	simm.s32 $0x4;
	[dreg:$0x9] =	wrdreg s18  }
0x11: {  	s14 =	sadd.s32 $0x2000, s8;
	s16 =	sadd.s32 $0x4000, s8;
	[dreg:$0xa] =	wrdreg s2  }
0x12: {  	s17 =	sadd.s32 $0x6000, s8;
	s8 =	sadd.s32 $0x8000, s8;
	[dreg:$0x11] =	wrdreg s26  }
0x13: {  	s13 =	simm.s32 @!p0 $0xA08;
	s22 =	sadd.s32 s11, s6;
	[dreg:$0x5] =	wrdreg s14  }
0x14: {  	s9 =	sadd.s32 s9, s6;
	s29 =	smax.u32 s10, $0x1;
	[dreg:$0x6] =	wrdreg s16  }
0x15: {  	s26 =	simm.s32 $0x7;
	s2 =	simm.s32 $0x80;
	[dreg:$0x7] =	wrdreg s17  }
0x16: {  	s18 =	simm.s32 $0xE240;
	[dreg:$0x8] =	wrdreg s8;
	s14 =	sadd.s32 $0x37208, s0  }
0x17: {  	s23 =	sadd.s32 s13, s6;
	s13 =	simm.s32 $0xF00;
	s0 =	sadd.s32 s19, s9  }
0x18: {  	[dreg:$0x12] =	wrdreg s29;
	s9 =	simm.s32 $0x50;
	s16 =	simm.s32 $0xCE40  }
0x19: {  	s17 =	simm.s32 $0x1;
	s8 =	smov.u32 s14;
	s24 =	sadd.s32 s19, s23  }
0x1a: {  	s13 =	simm.s32 @!p0 $0xF08;
	[dreg:$0x10] =	wrdreg s0;
	s8 =	smov.u32 @p0 s6  }
0x1b: {  	s23 =	smul.u32 $0xAA, s3;
	[dreg:$0xd] =	wrdreg s24;
	s8 =	sadd.s32 s8, s19  }
0x1c: {  	s0 =	simm.s32 $0x40;
	[dreg:$0xb] =	wrdreg s8;
	s8 =	sadd.s32 s19, s22  }
0x1d: {  	s25 =	sadd.s32 s13, s6;
	[dreg:$0xc] =	wrdreg s8;
	s8 =	simm.s32 $0x1400  }
0x1e: {  	s13 =	simm.s32 $0x3520;
	s11 =	sadd.s32 s19, s25;
	s8 =	simm.s32 @!p0 $0x1408  }
0x1f: {  	s24 =	simm.s32 $0x6;
	[dreg:$0xe] =	wrdreg s11;
	s8 =	sadd.s32 s8, s6  }
0x20: {  	s22 =	simm.s32 $0x5;
	p0 =	sne.s32 s7, $0x0;
	s8 =	sadd.s32 s19, s8  }
0x21: {  	v0 =	vimm.f32 $0.0e+00;
	s19 =	simm.s32 $0x3;
	[dreg:$0xf] =	wrdreg s8;
	s8 =	simm.s32 $0xA640  }
.LBB2_1:
0x22: {  	s10 =	simm.s32 $0x100;
	s7 =	simm.s32 $0x0  }
.LBB2_2:
0x23: {  	p1 =	sne.s32 s10, $0x7F00;
	[tilespmem:s7+$0x11E70] =	vst v0;
	s11 =	smov.u32 s10;
	s10 =	sadd.s32 $0x100, s10  }
.Ltmp0:
0x24: {  	[tilespmem:s7+$0x11E60] =	vst v0;
	(pc) =	sbr.rel @p1 .LBB2_2-.Ltmp0, $3  }
0x25: {  	[tilespmem:s7+$0x11E40] =	vst v0  }
0x26: {  	[tilespmem:s7+$0x11E50] =	vst v0;
	_ =	sdelay $0x1  }
0x27: {  	s7 =	sshra.s32 s11, $0x2  }
0x28: {  	[tilespmem:s7+$0x11E70] =	vst v0  }
0x29: {  	[tilespmem:s7+$0x11E60] =	vst v0  }
0x2a: {  	[tilespmem:s7+$0x11E40] =	vst v0  }
0x2b: {  	[tilespmem:s7+$0x11E50] =	vst v0;
	s3 =	rddreg [dreg:$0x4];
	s7 =	simm.s32 $0x11E40  }
0x2c: {  	[spmem:s3] =	stream.linear.scatter [tilespmem:s7], [sflag:$0x7], $0x2000, $0x38;
	[tilespmem:$0x1DE40] =	vst v63  }
0x2d: {  	_ =	swait.ge [sflag:s26], $0x2000  }
0x2e: {  	[sflag:s26] =	ssyncset.done $0x0  }
0x2f: {  	s29 =	rddreg [dreg:$0x5];
	[sflag:s26] =	ssyncadd.s32 $0xFFFFE000  }
0x30: {  	[spmem:s29] =	stream.linear.scatter [tilespmem:s7], [sflag:$0x7], $0x2000, $0x38;
	[tilespmem:$0x1DE40] =	vst v63  }
0x31: {  	_ =	swait.ge [sflag:s26], $0x2000  }
0x32: {  	[sflag:s26] =	ssyncset.done $0x0  }
0x33: {  	s10 =	rddreg [dreg:$0x6];
	[sflag:s26] =	ssyncadd.s32 $0xFFFFE000  }
0x34: {  	[spmem:s10] =	stream.linear.scatter [tilespmem:s7], [sflag:$0x7], $0x2000, $0x38;
	[tilespmem:$0x1DE40] =	vst v63  }
0x35: {  	_ =	swait.ge [sflag:s26], $0x2000  }
0x36: {  	[sflag:s26] =	ssyncset.done $0x0  }
0x37: {  	s11 =	rddreg [dreg:$0x7];
	[sflag:s26] =	ssyncadd.s32 $0xFFFFE000  }
0x38: {  	[spmem:s11] =	stream.linear.scatter [tilespmem:s7], [sflag:$0x7], $0x2000, $0x38;
	[tilespmem:$0x1DE40] =	vst v63  }
0x39: {  	_ =	swait.ge [sflag:s26], $0x2000  }
0x3a: {  	[sflag:s26] =	ssyncset.done $0x0  }
0x3b: {  	s25 =	rddreg [dreg:$0x8];
	[sflag:s26] =	ssyncadd.s32 $0xFFFFE000  }
0x3c: {  	[spmem:s25] =	stream.linear.scatter [tilespmem:s7], [sflag:$0x7], $0x2000, $0x38;
	[tilespmem:$0x1DE40] =	vst v63  }
0x3d: {  	_ =	swait.ge [sflag:s26], $0x2000  }
0x3e: {  	[sflag:s26] =	ssyncset.done $0x0  }
0x3f: {  	s29 =	simm.s32 $0x0;
	s10 =	rddreg [dreg:$0x9];
	[sflag:s26] =	ssyncadd.s32 $0xFFFFE000  }
0x40: {  	[tilespmem:s29], [sflag:$0x7] =	stream.linear.gather [hbm4b:s10+s29], $0x3520, $0x38;
	[tilespmem:$0x1DE40] =	vst v63  }
0x41: {  	_ =	swait.ge [sflag:s26], $0x3520  }
0x42: {  	[sflag:s26] =	ssyncset.done $0x0  }
0x43: {  	s11 =	rddreg [dreg:$0xa];
	[sflag:s26] =	ssyncadd.s32 $0xFFFFCAE0  }
0x44: {  	[tilespmem:s13], [sflag:$0x7] =	stream.linear.gather [hbm4b:s11+s29], $0x3520, $0x38;
	[tilespmem:$0x1DE40] =	vst v63  }
0x45: {  	_ =	swait.ge [sflag:s26], $0x3520  }
0x46: {  	[sflag:s26] =	ssyncset.done $0x0  }
0x47: {  	[sflag:s26] =	ssyncadd.s32 $0xFFFFCAE0  }
0x48: {  	s25 =	simm.s32 $0x6A40;
	s10 =	simm.s32 $0x28;
	[bflag:$0x0] =	sbarrier.arrive $0xFFFF  }
0x49: {  	[tilespmem:s25], [sflag:$0x1] =	stream.indirect.gather [hbm4b:s21+s10], $0x40, s29, s10, $0xb8;
	[tilespmem:$0x1DE40] =	vst v63  }
0x4a: {  	s29 =	simm.s32 $0x7440  }
0x4b: {  	[tilespmem:s29], [sflag:$0x1] =	stream.indirect.gather [hbm4b:s21+s10], $0x40, s10, s10, $0xb8;
	[tilespmem:$0x1DE40] =	vst v63  }
0x4c: {  	s7 =	rddreg [dreg:$0xb]  }
0x4d: {  	[tilespmem:s8], [sflag:$0x1] =	stream.strided.gather [hbm4b:s7+s0], $0x1400, s2, s0, $0x38;
	[tilespmem:$0x1DE40] =	vst v63  }
0x4e: {  	s11 =	simm.s32 $0x7E40  }
0x4f: {  	[tilespmem:s11], [sflag:$0x2] =	stream.indirect.gather [hbm4b:s21+s10], $0x40, s9, s10, $0xb8;
	[tilespmem:$0x1DE40] =	vst v63  }
0x50: {  	s25 =	simm.s32 $0x78;
	s29 =	simm.s32 $0x8840  }
0x51: {  	[tilespmem:s29], [sflag:$0x2] =	stream.indirect.gather [hbm4b:s21+s10], $0x40, s25, s10, $0xb8;
	[tilespmem:$0x1DE40] =	vst v63  }
0x52: {  	s11 =	rddreg [dreg:$0xc]  }
0x53: {  	[tilespmem:s12], [sflag:$0x2] =	stream.strided.gather [hbm4b:s11+s0], $0x1400, s2, s0, $0x38;
	[tilespmem:$0x1DE40] =	vst v63  }
0x54: {  	s25 =	simm.s32 $0xA0;
	s29 =	simm.s32 $0x9240  }
0x55: {  	[tilespmem:s29], [sflag:$0x3] =	stream.indirect.gather [hbm4b:s21+s10], $0x40, s25, s10, $0xb8;
	[tilespmem:$0x1DE40] =	vst v63  }
0x56: {  	s11 =	simm.s32 $0xC8;
	s25 =	simm.s32 $0x9C40  }
0x57: {  	[tilespmem:s25], [sflag:$0x3] =	stream.indirect.gather [hbm4b:s21+s10], $0x40, s11, s10, $0xb8;
	[tilespmem:$0x1DE40] =	vst v63  }
0x58: {  	s29 =	rddreg [dreg:$0xd]  }
0x59: {  	[tilespmem:s16], [sflag:$0x3] =	stream.strided.gather [hbm4b:s29+s0], $0x1400, s2, s0, $0x38;
	[tilespmem:$0x1DE40] =	vst v63  }
0x5a: {  	_ =	swait.ge [sflag:s17], $0x1400  }
0x5b: {  	[sflag:s17] =	ssyncset.done $0x0  }
0x5c: {  	[sflag:s17] =	ssyncadd.s32 $0xFFFFEC00  }
0x5d: {  	_ =	swait.ge [sflag:s17], $0x1400  }
0x5e: {  	[sflag:s17] =	ssyncset.done $0x0  }
0x5f: {  	s10 =	simm.s32 $0x0;
	[sflag:s17] =	ssyncadd.s32 $0xFFFFEC00  }
0x60: {  	v3 =	vld [tilespmem:s10+$0x6A70]  }
0x61: {  	v5 =	vld [tilespmem:s10+$0xA670]  }
0x62: {  	v6 =	vld [tilespmem:s10+$0x6A40]  }
0x63: {  	v7 =	vld [tilespmem:s10+$0xA640]  }
0x64: {  	v2 =	vld [tilespmem:s10+$0x6A50]  }
0x65: {  	v4 =	vld [tilespmem:s10+$0xA650]  }
0x66: {  	v1 =	vld [tilespmem:s10+$0x6A60];
	v8 =	vmul.f32 v5, v3  }
0x67: {  	s7 =	simm.s32 $0x40;
	v5 =	vld [tilespmem:s10+$0xA660]  }
0x68: {  	s11 =	simm.s32 $0x200;
	v3 =	vld [tilespmem:s7+$0x6A70];
	v6 =	vmul.f32 v7, v6;
	[tilespmem:s10+$0xE270] =	vst v8  }
.LBB2_4:
0x69: {  	p1 =	sne.s32 s11, $0x4F00;
	v7 =	vld [tilespmem:s7+$0xA670]  }
0x6a: {  	v8 =	vld [tilespmem:s7+$0x6A40];
	[tilespmem:s10+$0xE240] =	vst v6;
	v4 =	vmul.f32 v4, v2  }
0x6b: {  	v6 =	vld [tilespmem:s7+$0xA640]  }
.Ltmp1:
0x6c: {  	v2 =	vld [tilespmem:s7+$0x6A50];
	[tilespmem:s10+$0xE250] =	vst v4;
	v5 =	vmul.f32 v5, v1;
	(pc) =	sbr.rel @p1 .LBB2_4-.Ltmp1, $4  }
0x6d: {  	v4 =	vld [tilespmem:s7+$0xA650]  }
0x6e: {  	v1 =	vld [tilespmem:s7+$0x6A60];
	v7 =	vmul.f32 v7, v3;
	[tilespmem:s10+$0xE260] =	vst v5;
	s10 =	smov.u32 s7  }
0x6f: {  	s7 =	sshra.s32 s11, $0x2;
	v5 =	vld [tilespmem:s10+$0xA660]  }
0x70: {  	s11 =	sadd.s32 $0x100, s11;
	v3 =	vld [tilespmem:s7+$0x6A70];
	v6 =	vmul.f32 v6, v8;
	[tilespmem:s10+$0xE270] =	vst v7  }
0x71: {  	v7 =	vld [tilespmem:s7+$0xA670]  }
0x72: {  	v8 =	vld [tilespmem:s7+$0x6A40];
	[tilespmem:s10+$0xE240] =	vst v6;
	v2 =	vmul.f32 v4, v2  }
0x73: {  	v4 =	vld [tilespmem:s7+$0xA640]  }
0x74: {  	v6 =	vld [tilespmem:s7+$0x6A50];
	[tilespmem:s10+$0xE250] =	vst v2;
	v1 =	vmul.f32 v5, v1  }
0x75: {  	v2 =	vld [tilespmem:s7+$0xA650]  }
0x76: {  	v5 =	vld [tilespmem:s7+$0x6A60];
	[tilespmem:s10+$0xE260] =	vst v1  }
0x77: {  	v1 =	vld [tilespmem:s7+$0xA660];
	_ =	sdelay $0x1  }
0x78: {  	v3 =	vmul.f32 v7, v3  }
0x79: {  	v4 =	vmul.f32 v4, v8  }
0x7a: {  	[tilespmem:s7+$0xE270] =	vst v3;
	v2 =	vmul.f32 v2, v6  }
0x7b: {  	[tilespmem:s7+$0xE240] =	vst v4;
	v1 =	vmul.f32 v1, v5  }
0x7c: {  	[tilespmem:s7+$0xE250] =	vst v2  }
0x7d: {  	[tilespmem:s7+$0xE260] =	vst v1  }
0x7e: {  	[spmem:s1] =	stream.indirect.scatter.add.f32 [tilespmem:s18], [sflag:$0x4], $0x40, s13, s9, $0xb8;
	[tilespmem:$0x1DE40] =	vst v63  }
0x7f: {  	s3 =	simm.s32 $0x28;
	s11 =	simm.s32 $0xF0;
	s10 =	simm.s32 $0x6A40  }
0x80: {  	[tilespmem:s10], [sflag:$0x1] =	stream.indirect.gather [hbm4b:s21+s3], $0x40, s11, s3, $0xb8;
	[tilespmem:$0x1DE40] =	vst v63  }
0x81: {  	s25 =	simm.s32 $0x118;
	s13 =	simm.s32 $0x7440  }
0x82: {  	[tilespmem:s13], [sflag:$0x1] =	stream.indirect.gather [hbm4b:s21+s3], $0x40, s25, s3, $0xb8;
	[tilespmem:$0x1DE40] =	vst v63  }
0x83: {  	s29 =	rddreg [dreg:$0xe]  }
0x84: {  	[tilespmem:s8], [sflag:$0x1] =	stream.strided.gather [hbm4b:s29+s0], $0x1400, s2, s0, $0x38;
	[tilespmem:$0x1DE40] =	vst v63  }
0x85: {  	_ =	swait.ge [sflag:s28], $0x1400  }
0x86: {  	[sflag:s28] =	ssyncset.done $0x0  }
0x87: {  	[sflag:s28] =	ssyncadd.s32 $0xFFFFEC00  }
0x88: {  	_ =	swait.ge [sflag:s28], $0x1400  }
0x89: {  	[sflag:s28] =	ssyncset.done $0x0  }
0x8a: {  	s10 =	simm.s32 $0x0;
	[sflag:s28] =	ssyncadd.s32 $0xFFFFEC00  }
0x8b: {  	v3 =	vld [tilespmem:s10+$0x7E70]  }
0x8c: {  	v5 =	vld [tilespmem:s10+$0xBA70]  }
0x8d: {  	v6 =	vld [tilespmem:s10+$0x7E40]  }
0x8e: {  	v7 =	vld [tilespmem:s10+$0xBA40]  }
0x8f: {  	v2 =	vld [tilespmem:s10+$0x7E50]  }
0x90: {  	v4 =	vld [tilespmem:s10+$0xBA50]  }
0x91: {  	v1 =	vld [tilespmem:s10+$0x7E60];
	v8 =	vmul.f32 v5, v3  }
0x92: {  	s7 =	simm.s32 $0x40;
	v5 =	vld [tilespmem:s10+$0xBA60]  }
0x93: {  	s11 =	simm.s32 $0x200;
	v3 =	vld [tilespmem:s7+$0x7E70];
	v6 =	vmul.f32 v7, v6;
	[tilespmem:s10+$0xF670] =	vst v8  }
.LBB2_6:
0x94: {  	p1 =	sne.s32 s11, $0x4F00;
	v7 =	vld [tilespmem:s7+$0xBA70]  }
0x95: {  	v8 =	vld [tilespmem:s7+$0x7E40];
	[tilespmem:s10+$0xF640] =	vst v6;
	v4 =	vmul.f32 v4, v2  }
0x96: {  	v6 =	vld [tilespmem:s7+$0xBA40]  }
.Ltmp2:
0x97: {  	v2 =	vld [tilespmem:s7+$0x7E50];
	[tilespmem:s10+$0xF650] =	vst v4;
	v5 =	vmul.f32 v5, v1;
	(pc) =	sbr.rel @p1 .LBB2_6-.Ltmp2, $4  }
0x98: {  	v4 =	vld [tilespmem:s7+$0xBA50]  }
0x99: {  	v1 =	vld [tilespmem:s7+$0x7E60];
	v7 =	vmul.f32 v7, v3;
	[tilespmem:s10+$0xF660] =	vst v5;
	s10 =	smov.u32 s7  }
0x9a: {  	s7 =	sshra.s32 s11, $0x2;
	v5 =	vld [tilespmem:s10+$0xBA60]  }
0x9b: {  	s11 =	sadd.s32 $0x100, s11;
	v3 =	vld [tilespmem:s7+$0x7E70];
	v6 =	vmul.f32 v6, v8;
	[tilespmem:s10+$0xF670] =	vst v7  }
0x9c: {  	v7 =	vld [tilespmem:s7+$0xBA70]  }
0x9d: {  	v8 =	vld [tilespmem:s7+$0x7E40];
	[tilespmem:s10+$0xF640] =	vst v6;
	v2 =	vmul.f32 v4, v2  }
0x9e: {  	v4 =	vld [tilespmem:s7+$0xBA40]  }
0x9f: {  	v6 =	vld [tilespmem:s7+$0x7E50];
	[tilespmem:s10+$0xF650] =	vst v2;
	v1 =	vmul.f32 v5, v1  }
0xa0: {  	v2 =	vld [tilespmem:s7+$0xBA50]  }
0xa1: {  	v5 =	vld [tilespmem:s7+$0x7E60];
	[tilespmem:s10+$0xF660] =	vst v1  }
0xa2: {  	v1 =	vld [tilespmem:s7+$0xBA60];
	_ =	sdelay $0x1  }
0xa3: {  	v3 =	vmul.f32 v7, v3  }
0xa4: {  	v4 =	vmul.f32 v4, v8  }
0xa5: {  	[tilespmem:s7+$0xF670] =	vst v3;
	v2 =	vmul.f32 v2, v6  }
0xa6: {  	[tilespmem:s7+$0xF640] =	vst v4;
	v1 =	vmul.f32 v1, v5  }
0xa7: {  	[tilespmem:s7+$0xF650] =	vst v2  }
0xa8: {  	s3 =	simm.s32 $0x3570;
	[tilespmem:s7+$0xF660] =	vst v1  }
0xa9: {  	[spmem:s1] =	stream.indirect.scatter.add.f32 [tilespmem:s30], [sflag:$0x5], $0x40, s3, s9, $0xb8;
	[tilespmem:$0x1DE40] =	vst v63  }
0xaa: {  	s29 =	simm.s32 $0x28;
	s11 =	simm.s32 $0x7E40;
	s13 =	simm.s32 $0x140  }
0xab: {  	[tilespmem:s11], [sflag:$0x2] =	stream.indirect.gather [hbm4b:s21+s29], $0x40, s13, s29, $0xb8;
	[tilespmem:$0x1DE40] =	vst v63  }
0xac: {  	[dreg:$0x3] =	wrdreg s15;
	s15 =	simm.s32 $0x8840;
	s25 =	simm.s32 $0x168  }
0xad: {  	[tilespmem:s15], [sflag:$0x2] =	stream.indirect.gather [hbm4b:s21+s29], $0x40, s25, s29, $0xb8;
	[tilespmem:$0x1DE40] =	vst v63  }
0xae: {  	s29 =	rddreg [dreg:$0xf]  }
0xaf: {  	[tilespmem:s12], [sflag:$0x2] =	stream.strided.gather [hbm4b:s29+s0], $0x1400, s2, s0, $0x38;
	[tilespmem:$0x1DE40] =	vst v63  }
0xb0: {  	_ =	swait.ge [sflag:s19], $0x1400  }
0xb1: {  	[sflag:s19] =	ssyncset.done $0x0  }
0xb2: {  	[sflag:s19] =	ssyncadd.s32 $0xFFFFEC00  }
0xb3: {  	_ =	swait.ge [sflag:s19], $0x1400  }
0xb4: {  	[sflag:s19] =	ssyncset.done $0x0  }
0xb5: {  	s10 =	simm.s32 $0x0;
	[sflag:s19] =	ssyncadd.s32 $0xFFFFEC00  }
0xb6: {  	v3 =	vld [tilespmem:s10+$0x9270]  }
0xb7: {  	v5 =	vld [tilespmem:s10+$0xCE70]  }
0xb8: {  	v6 =	vld [tilespmem:s10+$0x9240]  }
0xb9: {  	v7 =	vld [tilespmem:s10+$0xCE40]  }
0xba: {  	v2 =	vld [tilespmem:s10+$0x9250]  }
0xbb: {  	v4 =	vld [tilespmem:s10+$0xCE50]  }
0xbc: {  	v1 =	vld [tilespmem:s10+$0x9260];
	v8 =	vmul.f32 v5, v3  }
0xbd: {  	s7 =	simm.s32 $0x40;
	v5 =	vld [tilespmem:s10+$0xCE60]  }
0xbe: {  	s11 =	simm.s32 $0x200;
	v3 =	vld [tilespmem:s7+$0x9270];
	v6 =	vmul.f32 v7, v6;
	[tilespmem:s10+$0x10A70] =	vst v8  }
.LBB2_8:
0xbf: {  	p1 =	sne.s32 s11, $0x4F00;
	v7 =	vld [tilespmem:s7+$0xCE70]  }
0xc0: {  	v8 =	vld [tilespmem:s7+$0x9240];
	[tilespmem:s10+$0x10A40] =	vst v6;
	v4 =	vmul.f32 v4, v2  }
0xc1: {  	v6 =	vld [tilespmem:s7+$0xCE40]  }
.Ltmp3:
0xc2: {  	v2 =	vld [tilespmem:s7+$0x9250];
	[tilespmem:s10+$0x10A50] =	vst v4;
	v5 =	vmul.f32 v5, v1;
	(pc) =	sbr.rel @p1 .LBB2_8-.Ltmp3, $4  }
0xc3: {  	v4 =	vld [tilespmem:s7+$0xCE50]  }
0xc4: {  	v1 =	vld [tilespmem:s7+$0x9260];
	v7 =	vmul.f32 v7, v3;
	[tilespmem:s10+$0x10A60] =	vst v5;
	s10 =	smov.u32 s7  }
0xc5: {  	s7 =	sshra.s32 s11, $0x2;
	v5 =	vld [tilespmem:s10+$0xCE60]  }
0xc6: {  	s11 =	sadd.s32 $0x100, s11;
	v3 =	vld [tilespmem:s7+$0x9270];
	v6 =	vmul.f32 v6, v8;
	[tilespmem:s10+$0x10A70] =	vst v7  }
0xc7: {  	v7 =	vld [tilespmem:s7+$0xCE70]  }
0xc8: {  	v8 =	vld [tilespmem:s7+$0x9240];
	[tilespmem:s10+$0x10A40] =	vst v6;
	v2 =	vmul.f32 v4, v2  }
0xc9: {  	v62 =	vld [tilespmem:s7+$0xCE40]  }
0xca: {  	v6 =	vld [tilespmem:s7+$0x9250];
	[tilespmem:s10+$0x10A50] =	vst v2;
	v1 =	vmul.f32 v5, v1  }
0xcb: {  	v2 =	vld [tilespmem:s7+$0xCE50]  }
0xcc: {  	v63 =	vld [tilespmem:s7+$0x9260];
	[tilespmem:s10+$0x10A60] =	vst v1  }
0xcd: {  	v1 =	vld [tilespmem:s7+$0xCE60];
	_ =	sdelay $0x1  }
0xce: {  	v3 =	vmul.f32 v7, v3  }
0xcf: {  	v4 =	vmul.f32 v62, v8  }
0xd0: {  	[tilespmem:s7+$0x10A70] =	vst v3;
	v2 =	vmul.f32 v2, v6  }
0xd1: {  	[tilespmem:s7+$0x10A40] =	vst v4;
	v1 =	vmul.f32 v1, v63  }
0xd2: {  	[tilespmem:s7+$0x10A50] =	vst v2  }
0xd3: {  	s3 =	simm.s32 $0x35C0;
	[tilespmem:s7+$0x10A60] =	vst v1  }
0xd4: {  	[spmem:s1] =	stream.indirect.scatter.add.f32 [tilespmem:s31], [sflag:$0x6], $0x40, s3, s9, $0xb8;
	[tilespmem:$0x1DE40] =	vst v63  }
0xd5: {  	s29 =	simm.s32 $0x28;
	s11 =	simm.s32 $0x9240;
	s13 =	simm.s32 $0x190  }
0xd6: {  	[tilespmem:s11], [sflag:$0x3] =	stream.indirect.gather [hbm4b:s21+s29], $0x40, s13, s29, $0xb8;
	[tilespmem:$0x1DE40] =	vst v63  }
0xd7: {  	s15 =	simm.s32 $0x9C40;
	s25 =	simm.s32 $0x1B8  }
0xd8: {  	[tilespmem:s15], [sflag:$0x3] =	stream.indirect.gather [hbm4b:s21+s29], $0x40, s25, s29, $0xb8;
	[tilespmem:$0x1DE40] =	vst v63  }
0xd9: {  	s10 =	simm.s32 $0x1;
	s29 =	rddreg [dreg:$0x10]  }
0xda: {  	[tilespmem:s16], [sflag:$0x3] =	stream.strided.gather [hbm4b:s29+s0], $0x1400, s2, s0, $0x38;
	[tilespmem:$0x1DE40] =	vst v63  }
.LBB2_10:
0xdb: {  	_ =	swait.ge [sflag:s17], $0x1400  }
0xdc: {  	[sflag:s17] =	ssyncset.done $0x0  }
0xdd: {  	[sflag:s17] =	ssyncadd.s32 $0xFFFFEC00  }
0xde: {  	_ =	swait.ge [sflag:s17], $0x1400  }
0xdf: {  	[sflag:s17] =	ssyncset.done $0x0  }
0xe0: {  	[sflag:s17] =	ssyncadd.s32 $0xFFFFEC00  }
0xe1: {  	_ =	swait.ge [sflag:s20], $0x1400  }
0xe2: {  	[sflag:s20] =	ssyncset.done $0x0  }
0xe3: {  	s11 =	simm.s32 $0x0;
	[sflag:s20] =	ssyncadd.s32 $0xFFFFEC00  }
0xe4: {  	v3 =	vld [tilespmem:s11+$0x6A70]  }
0xe5: {  	v5 =	vld [tilespmem:s11+$0xA670]  }
0xe6: {  	v6 =	vld [tilespmem:s11+$0x6A40]  }
0xe7: {  	v7 =	vld [tilespmem:s11+$0xA640]  }
0xe8: {  	v2 =	vld [tilespmem:s11+$0x6A50]  }
0xe9: {  	v4 =	vld [tilespmem:s11+$0xA650]  }
0xea: {  	v1 =	vld [tilespmem:s11+$0x6A60];
	v8 =	vmul.f32 v5, v3  }
0xeb: {  	s15 =	simm.s32 $0x40;
	v5 =	vld [tilespmem:s11+$0xA660]  }
0xec: {  	s7 =	simm.s32 $0x200;
	v3 =	vld [tilespmem:s15+$0x6A70];
	v6 =	vmul.f32 v7, v6;
	[tilespmem:s11+$0xE270] =	vst v8  }
.LBB2_11:
0xed: {  	p1 =	sne.s32 s7, $0x4F00;
	v7 =	vld [tilespmem:s15+$0xA670]  }
0xee: {  	v8 =	vld [tilespmem:s15+$0x6A40];
	[tilespmem:s11+$0xE240] =	vst v6;
	v4 =	vmul.f32 v4, v2  }
0xef: {  	v6 =	vld [tilespmem:s15+$0xA640]  }
.Ltmp4:
0xf0: {  	v2 =	vld [tilespmem:s15+$0x6A50];
	[tilespmem:s11+$0xE250] =	vst v4;
	v5 =	vmul.f32 v5, v1;
	(pc) =	sbr.rel @p1 .LBB2_11-.Ltmp4, $4  }
0xf1: {  	v4 =	vld [tilespmem:s15+$0xA650]  }
0xf2: {  	v1 =	vld [tilespmem:s15+$0x6A60];
	v7 =	vmul.f32 v7, v3;
	[tilespmem:s11+$0xE260] =	vst v5;
	s11 =	smov.u32 s15  }
0xf3: {  	s15 =	sshra.s32 s7, $0x2;
	v5 =	vld [tilespmem:s11+$0xA660]  }
0xf4: {  	s7 =	sadd.s32 $0x100, s7;
	v3 =	vld [tilespmem:s15+$0x6A70];
	v6 =	vmul.f32 v6, v8;
	[tilespmem:s11+$0xE270] =	vst v7  }
0xf5: {  	v7 =	vld [tilespmem:s15+$0xA670]  }
0xf6: {  	v8 =	vld [tilespmem:s15+$0x6A40];
	[tilespmem:s11+$0xE240] =	vst v6;
	v2 =	vmul.f32 v4, v2  }
0xf7: {  	v4 =	vld [tilespmem:s15+$0xA640]  }
0xf8: {  	v6 =	vld [tilespmem:s15+$0x6A50];
	[tilespmem:s11+$0xE250] =	vst v2;
	v1 =	vmul.f32 v5, v1  }
0xf9: {  	v2 =	vld [tilespmem:s15+$0xA650]  }
0xfa: {  	v5 =	vld [tilespmem:s15+$0x6A60];
	[tilespmem:s11+$0xE260] =	vst v1  }
0xfb: {  	v1 =	vld [tilespmem:s15+$0xA660];
	_ =	sdelay $0x1  }
0xfc: {  	v3 =	vmul.f32 v7, v3  }
0xfd: {  	s7 =	smul.u32 $0x3C0, s10;
	v4 =	vmul.f32 v4, v8  }
0xfe: {  	s11 =	smul.u32 $0x3, s10;
	[tilespmem:s15+$0xE270] =	vst v3;
	v2 =	vmul.f32 v2, v6  }
0xff: {  	[tilespmem:s15+$0xE240] =	vst v4;
	v1 =	vmul.f32 v1, v5  }
0x100: {  	s13 =	sshra.s32 s7, $0x2;
	s7 =	sadd.s32 $0x3, s11;
	[tilespmem:s15+$0xE250] =	vst v2  }
0x101: {  	s29 =	sadd.s32 $0x3520, s13;
	s25 =	smul.u32 $0x140, s7;
	[tilespmem:s15+$0xE260] =	vst v1  }
0x102: {  	[spmem:s1] =	stream.indirect.scatter.add.f32 [tilespmem:s18], [sflag:$0x4], $0x40, s29, s9, $0xb8;
	[tilespmem:$0x1DE40] =	vst v63  }
0x103: {  	s15 =	sshra.s32 s25, $0x2;
	s25 =	simm.s32 @p0 $0x28;
	s29 =	simm.s32 @p0 $0x6A40  }
0x104: {  	[tilespmem:s29], [sflag:$0x1] =	stream.indirect.gather @p0 [hbm4b:s5+s25], $0x40, s15, s25, $0xb8;
	[tilespmem:$0x1DE40] =	vst v63  }
0x105: {  	s3 =	simm.s32 @p0 $0x7440;
	s29 =	sadd.s32 $0x28, s15  }
0x106: {  	[tilespmem:s3], [sflag:$0x1] =	stream.indirect.gather @p0 [hbm4b:s5+s25], $0x40, s29, s25, $0xb8;
	[tilespmem:$0x1DE40] =	vst v63  }
0x107: {  	s3 =	sadd.s32 s23, s7;
	s7 =	simm.s32 @!p0 $0x28;
	s25 =	simm.s32 @!p0 $0x6A40  }
0x108: {  	[tilespmem:s25], [sflag:$0x1] =	stream.indirect.gather @!p0 [hbm4b:s4+s7], $0x40, s15, s7, $0xb8;
	[tilespmem:$0x1DE40] =	vst v63  }
0x109: {  	s3 =	smul.u32 $0x500, s3;
	s15 =	simm.s32 @!p0 $0x7440  }
0x10a: {  	[tilespmem:s15], [sflag:$0x1] =	stream.indirect.gather @!p0 [hbm4b:s4+s7], $0x40, s29, s7, $0xb8;
	[tilespmem:$0x1DE40] =	vst v63  }
0x10b: {  	s7 =	sadd.s32 @p0 s3, s14;
	s3 =	sadd.s32 @!p0 s6, s3  }
0x10c: {  	s3 =	smov.u32 @p0 s7  }
0x10d: {  	[tilespmem:s8], [sflag:$0x1] =	stream.strided.gather [hbm4b:s3+s0], $0x1400, s2, s0, $0x38;
	[tilespmem:$0x1DE40] =	vst v63  }
0x10e: {  	_ =	swait.ge [sflag:s28], $0x1400  }
0x10f: {  	[sflag:s28] =	ssyncset.done $0x0  }
0x110: {  	[sflag:s28] =	ssyncadd.s32 $0xFFFFEC00  }
0x111: {  	_ =	swait.ge [sflag:s28], $0x1400  }
0x112: {  	[sflag:s28] =	ssyncset.done $0x0  }
0x113: {  	[sflag:s28] =	ssyncadd.s32 $0xFFFFEC00  }
0x114: {  	_ =	swait.ge [sflag:s22], $0x1400  }
0x115: {  	[sflag:s22] =	ssyncset.done $0x0  }
0x116: {  	s15 =	simm.s32 $0x0;
	[sflag:s22] =	ssyncadd.s32 $0xFFFFEC00  }
0x117: {  	v3 =	vld [tilespmem:s15+$0x7E70]  }
0x118: {  	v5 =	vld [tilespmem:s15+$0xBA70]  }
0x119: {  	v6 =	vld [tilespmem:s15+$0x7E40]  }
0x11a: {  	v7 =	vld [tilespmem:s15+$0xBA40]  }
0x11b: {  	v2 =	vld [tilespmem:s15+$0x7E50]  }
0x11c: {  	v4 =	vld [tilespmem:s15+$0xBA50]  }
0x11d: {  	v1 =	vld [tilespmem:s15+$0x7E60];
	v8 =	vmul.f32 v5, v3  }
0x11e: {  	s7 =	simm.s32 $0x40;
	v5 =	vld [tilespmem:s15+$0xBA60]  }
0x11f: {  	s25 =	simm.s32 $0x200;
	v3 =	vld [tilespmem:s7+$0x7E70];
	v6 =	vmul.f32 v7, v6;
	[tilespmem:s15+$0xF670] =	vst v8  }
.LBB2_13:
0x120: {  	p1 =	sne.s32 s25, $0x4F00;
	v7 =	vld [tilespmem:s7+$0xBA70]  }
0x121: {  	v8 =	vld [tilespmem:s7+$0x7E40];
	[tilespmem:s15+$0xF640] =	vst v6;
	v4 =	vmul.f32 v4, v2  }
0x122: {  	v6 =	vld [tilespmem:s7+$0xBA40]  }
.Ltmp5:
0x123: {  	v2 =	vld [tilespmem:s7+$0x7E50];
	[tilespmem:s15+$0xF650] =	vst v4;
	v5 =	vmul.f32 v5, v1;
	(pc) =	sbr.rel @p1 .LBB2_13-.Ltmp5, $4  }
0x124: {  	v4 =	vld [tilespmem:s7+$0xBA50]  }
0x125: {  	v1 =	vld [tilespmem:s7+$0x7E60];
	v7 =	vmul.f32 v7, v3;
	[tilespmem:s15+$0xF660] =	vst v5;
	s15 =	smov.u32 s7  }
0x126: {  	s7 =	sshra.s32 s25, $0x2;
	v5 =	vld [tilespmem:s15+$0xBA60]  }
0x127: {  	s25 =	sadd.s32 $0x100, s25;
	v3 =	vld [tilespmem:s7+$0x7E70];
	v6 =	vmul.f32 v6, v8;
	[tilespmem:s15+$0xF670] =	vst v7  }
0x128: {  	v7 =	vld [tilespmem:s7+$0xBA70]  }
0x129: {  	v8 =	vld [tilespmem:s7+$0x7E40];
	[tilespmem:s15+$0xF640] =	vst v6;
	v2 =	vmul.f32 v4, v2  }
0x12a: {  	v4 =	vld [tilespmem:s7+$0xBA40]  }
0x12b: {  	v6 =	vld [tilespmem:s7+$0x7E50];
	[tilespmem:s15+$0xF650] =	vst v2;
	v1 =	vmul.f32 v5, v1  }
0x12c: {  	v2 =	vld [tilespmem:s7+$0xBA50]  }
0x12d: {  	v5 =	vld [tilespmem:s7+$0x7E60];
	[tilespmem:s15+$0xF660] =	vst v1  }
0x12e: {  	v1 =	vld [tilespmem:s7+$0xBA60];
	_ =	sdelay $0x1  }
0x12f: {  	v3 =	vmul.f32 v7, v3  }
0x130: {  	v4 =	vmul.f32 v4, v8  }
0x131: {  	[tilespmem:s7+$0xF670] =	vst v3;
	v2 =	vmul.f32 v2, v6  }
0x132: {  	[tilespmem:s7+$0xF640] =	vst v4;
	v1 =	vmul.f32 v1, v5  }
0x133: {  	s3 =	sadd.s32 $0x4, s11;
	[tilespmem:s7+$0xF650] =	vst v2  }
0x134: {  	s25 =	sadd.s32 $0x3570, s13;
	s29 =	smul.u32 $0x140, s3;
	[tilespmem:s7+$0xF660] =	vst v1  }
0x135: {  	[spmem:s1] =	stream.indirect.scatter.add.f32 [tilespmem:s30], [sflag:$0x5], $0x40, s25, s9, $0xb8;
	[tilespmem:$0x1DE40] =	vst v63  }
0x136: {  	s15 =	simm.s32 @p0 $0x28;
	s7 =	sshra.s32 s29, $0x2;
	s25 =	simm.s32 @p0 $0x7E40  }
0x137: {  	[tilespmem:s25], [sflag:$0x2] =	stream.indirect.gather @p0 [hbm4b:s5+s15], $0x40, s7, s15, $0xb8;
	[tilespmem:$0x1DE40] =	vst v63  }
0x138: {  	s29 =	simm.s32 @p0 $0x8840;
	s25 =	sadd.s32 $0x28, s7  }
0x139: {  	[tilespmem:s29], [sflag:$0x2] =	stream.indirect.gather @p0 [hbm4b:s5+s15], $0x40, s25, s15, $0xb8;
	[tilespmem:$0x1DE40] =	vst v63  }
0x13a: {  	s3 =	sadd.s32 s23, s3;
	s15 =	simm.s32 @!p0 $0x28;
	s29 =	simm.s32 @!p0 $0x7E40  }
0x13b: {  	[tilespmem:s29], [sflag:$0x2] =	stream.indirect.gather @!p0 [hbm4b:s4+s15], $0x40, s7, s15, $0xb8;
	[tilespmem:$0x1DE40] =	vst v63  }
0x13c: {  	s3 =	smul.u32 $0x500, s3;
	s7 =	simm.s32 @!p0 $0x8840  }
0x13d: {  	[tilespmem:s7], [sflag:$0x2] =	stream.indirect.gather @!p0 [hbm4b:s4+s15], $0x40, s25, s15, $0xb8;
	[tilespmem:$0x1DE40] =	vst v63  }
0x13e: {  	s7 =	sadd.s32 @p0 s3, s14;
	s3 =	sadd.s32 @!p0 s6, s3  }
0x13f: {  	s3 =	smov.u32 @p0 s7  }
0x140: {  	[tilespmem:s12], [sflag:$0x2] =	stream.strided.gather [hbm4b:s3+s0], $0x1400, s2, s0, $0x38;
	[tilespmem:$0x1DE40] =	vst v63  }
0x141: {  	_ =	swait.ge [sflag:s19], $0x1400  }
0x142: {  	[sflag:s19] =	ssyncset.done $0x0  }
0x143: {  	[sflag:s19] =	ssyncadd.s32 $0xFFFFEC00  }
0x144: {  	_ =	swait.ge [sflag:s19], $0x1400  }
0x145: {  	[sflag:s19] =	ssyncset.done $0x0  }
0x146: {  	[sflag:s19] =	ssyncadd.s32 $0xFFFFEC00  }
0x147: {  	_ =	swait.ge [sflag:s24], $0x1400  }
0x148: {  	[sflag:s24] =	ssyncset.done $0x0  }
0x149: {  	s15 =	simm.s32 $0x0;
	[sflag:s24] =	ssyncadd.s32 $0xFFFFEC00  }
0x14a: {  	v3 =	vld [tilespmem:s15+$0x9270]  }
0x14b: {  	v5 =	vld [tilespmem:s15+$0xCE70]  }
0x14c: {  	v6 =	vld [tilespmem:s15+$0x9240]  }
0x14d: {  	v7 =	vld [tilespmem:s15+$0xCE40]  }
0x14e: {  	v2 =	vld [tilespmem:s15+$0x9250]  }
0x14f: {  	v4 =	vld [tilespmem:s15+$0xCE50]  }
0x150: {  	v1 =	vld [tilespmem:s15+$0x9260];
	v8 =	vmul.f32 v5, v3  }
0x151: {  	s7 =	simm.s32 $0x40;
	v5 =	vld [tilespmem:s15+$0xCE60]  }
0x152: {  	s25 =	simm.s32 $0x200;
	v3 =	vld [tilespmem:s7+$0x9270];
	v6 =	vmul.f32 v7, v6;
	[tilespmem:s15+$0x10A70] =	vst v8  }
.LBB2_15:
0x153: {  	p1 =	sne.s32 s25, $0x4F00;
	v7 =	vld [tilespmem:s7+$0xCE70]  }
0x154: {  	v8 =	vld [tilespmem:s7+$0x9240];
	[tilespmem:s15+$0x10A40] =	vst v6;
	v4 =	vmul.f32 v4, v2  }
0x155: {  	v6 =	vld [tilespmem:s7+$0xCE40]  }
.Ltmp6:
0x156: {  	v2 =	vld [tilespmem:s7+$0x9250];
	[tilespmem:s15+$0x10A50] =	vst v4;
	v5 =	vmul.f32 v5, v1;
	(pc) =	sbr.rel @p1 .LBB2_15-.Ltmp6, $4  }
0x157: {  	v4 =	vld [tilespmem:s7+$0xCE50]  }
0x158: {  	v1 =	vld [tilespmem:s7+$0x9260];
	v7 =	vmul.f32 v7, v3;
	[tilespmem:s15+$0x10A60] =	vst v5;
	s15 =	smov.u32 s7  }
0x159: {  	s7 =	sshra.s32 s25, $0x2;
	v5 =	vld [tilespmem:s15+$0xCE60]  }
0x15a: {  	s25 =	sadd.s32 $0x100, s25;
	v3 =	vld [tilespmem:s7+$0x9270];
	v6 =	vmul.f32 v6, v8;
	[tilespmem:s15+$0x10A70] =	vst v7  }
0x15b: {  	v7 =	vld [tilespmem:s7+$0xCE70]  }
0x15c: {  	v8 =	vld [tilespmem:s7+$0x9240];
	[tilespmem:s15+$0x10A40] =	vst v6;
	v2 =	vmul.f32 v4, v2  }
0x15d: {  	v62 =	vld [tilespmem:s7+$0xCE40]  }
0x15e: {  	v6 =	vld [tilespmem:s7+$0x9250];
	[tilespmem:s15+$0x10A50] =	vst v2;
	v1 =	vmul.f32 v5, v1  }
0x15f: {  	v2 =	vld [tilespmem:s7+$0xCE50]  }
0x160: {  	v63 =	vld [tilespmem:s7+$0x9260];
	[tilespmem:s15+$0x10A60] =	vst v1  }
0x161: {  	v1 =	vld [tilespmem:s7+$0xCE60];
	_ =	sdelay $0x1  }
0x162: {  	v3 =	vmul.f32 v7, v3  }
0x163: {  	p1 =	seq.s32 s10, $0x37;
	v4 =	vmul.f32 v62, v8  }
.Ltmp7:
0x164: {  	[tilespmem:s7+$0x10A70] =	vst v3;
	v2 =	vmul.f32 v2, v6;
	(pc) =	sbr.rel @p1 .LBB2_18-.Ltmp7, $4  }
0x165: {  	[tilespmem:s7+$0x10A40] =	vst v4;
	v1 =	vmul.f32 v1, v63  }
0x166: {  	[tilespmem:s7+$0x10A50] =	vst v2  }
0x167: {  	s3 =	sadd.s32 $0x35C0, s13;
	[tilespmem:s7+$0x10A60] =	vst v1  }
0x168: {  	[spmem:s1] =	stream.indirect.scatter.add.f32 [tilespmem:s31], [sflag:$0x6], $0x40, s3, s9, $0xb8;
	[tilespmem:$0x1DE40] =	vst v63  }
0x169: {  	s3 =	sadd.s32 $0x5, s11  }
0x16a: {  	s7 =	smul.u32 $0x140, s3;
	_ =	sdelay $0x1  }
0x16b: {  	s11 =	simm.s32 @p0 $0x28;
	s13 =	simm.s32 @p0 $0x9240;
	s7 =	sshra.s32 s7, $0x2  }
0x16c: {  	[tilespmem:s13], [sflag:$0x3] =	stream.indirect.gather @p0 [hbm4b:s5+s11], $0x40, s7, s11, $0xb8;
	[tilespmem:$0x1DE40] =	vst v63  }
0x16d: {  	s15 =	simm.s32 @p0 $0x9C40;
	s3 =	sadd.s32 s23, s3;
	s13 =	sadd.s32 $0x28, s7  }
0x16e: {  	[tilespmem:s15], [sflag:$0x3] =	stream.indirect.gather @p0 [hbm4b:s5+s11], $0x40, s13, s11, $0xb8;
	[tilespmem:$0x1DE40] =	vst v63  }
0x16f: {  	s3 =	smul.u32 $0x500, s3;
	s11 =	simm.s32 @!p0 $0x28;
	s15 =	simm.s32 @!p0 $0x9240  }
0x170: {  	[tilespmem:s15], [sflag:$0x3] =	stream.indirect.gather @!p0 [hbm4b:s4+s11], $0x40, s7, s11, $0xb8;
	[tilespmem:$0x1DE40] =	vst v63  }
.Ltmp8:
0x171: {  	s7 =	simm.s32 @!p0 $0x9C40;
	(pc) =	sbr.rel .LBB2_10-.Ltmp8, $4  }
0x172: {  	[tilespmem:s7], [sflag:$0x3] =	stream.indirect.gather @!p0 [hbm4b:s4+s11], $0x40, s13, s11, $0xb8;
	[tilespmem:$0x1DE40] =	vst v63  }
0x173: {  	s7 =	sadd.s32 @p0 s3, s14;
	s3 =	sadd.s32 @!p0 s6, s3  }
0x174: {  	s10 =	sadd.s32 $0x1, s10;
	s3 =	smov.u32 @p0 s7  }
0x175: {  	[tilespmem:s16], [sflag:$0x3] =	stream.strided.gather [hbm4b:s3+s0], $0x1400, s2, s0, $0x38;
	[tilespmem:$0x1DE40] =	vst v63  }
.LBB2_18:
0x176: {  	_ =	swait.ge [sflag:s17], $0x1400  }
0x177: {  	[sflag:s17] =	ssyncset.done $0x0  }
0x178: {  	[sflag:s17] =	ssyncadd.s32 $0xFFFFEC00  }
0x179: {  	_ =	swait.ge [sflag:s17], $0x1400  }
0x17a: {  	[sflag:s17] =	ssyncset.done $0x0  }
0x17b: {  	[sflag:s17] =	ssyncadd.s32 $0xFFFFEC00  }
0x17c: {  	_ =	swait.ge [sflag:s20], $0x1400  }
0x17d: {  	[sflag:s20] =	ssyncset.done $0x0  }
0x17e: {  	s10 =	simm.s32 $0x0;
	[sflag:s20] =	ssyncadd.s32 $0xFFFFEC00  }
0x17f: {  	v3 =	vld [tilespmem:s10+$0x6A70]  }
0x180: {  	v5 =	vld [tilespmem:s10+$0xA670]  }
0x181: {  	v6 =	vld [tilespmem:s10+$0x6A40]  }
0x182: {  	v7 =	vld [tilespmem:s10+$0xA640]  }
0x183: {  	v2 =	vld [tilespmem:s10+$0x6A50]  }
0x184: {  	v4 =	vld [tilespmem:s10+$0xA650]  }
0x185: {  	v1 =	vld [tilespmem:s10+$0x6A60];
	v8 =	vmul.f32 v5, v3  }
0x186: {  	s7 =	simm.s32 $0x40;
	v5 =	vld [tilespmem:s10+$0xA660]  }
0x187: {  	s11 =	simm.s32 $0x200;
	s13 =	simm.s32 $0x3520;
	v3 =	vld [tilespmem:s7+$0x6A70];
	v6 =	vmul.f32 v7, v6;
	[tilespmem:s10+$0xE270] =	vst v8  }
.LBB2_19:
0x188: {  	p1 =	sne.s32 s11, $0x4F00;
	v7 =	vld [tilespmem:s7+$0xA670]  }
0x189: {  	v8 =	vld [tilespmem:s7+$0x6A40];
	[tilespmem:s10+$0xE240] =	vst v6;
	v4 =	vmul.f32 v4, v2  }
0x18a: {  	v6 =	vld [tilespmem:s7+$0xA640]  }
.Ltmp9:
0x18b: {  	v2 =	vld [tilespmem:s7+$0x6A50];
	[tilespmem:s10+$0xE250] =	vst v4;
	v5 =	vmul.f32 v5, v1;
	(pc) =	sbr.rel @p1 .LBB2_19-.Ltmp9, $4  }
0x18c: {  	v4 =	vld [tilespmem:s7+$0xA650]  }
0x18d: {  	v1 =	vld [tilespmem:s7+$0x6A60];
	v7 =	vmul.f32 v7, v3;
	[tilespmem:s10+$0xE260] =	vst v5;
	s10 =	smov.u32 s7  }
0x18e: {  	s7 =	sshra.s32 s11, $0x2;
	v5 =	vld [tilespmem:s10+$0xA660]  }
0x18f: {  	s11 =	sadd.s32 $0x100, s11;
	v3 =	vld [tilespmem:s7+$0x6A70];
	v6 =	vmul.f32 v6, v8;
	[tilespmem:s10+$0xE270] =	vst v7  }
0x190: {  	v7 =	vld [tilespmem:s7+$0xA670]  }
0x191: {  	v8 =	vld [tilespmem:s7+$0x6A40];
	[tilespmem:s10+$0xE240] =	vst v6;
	v2 =	vmul.f32 v4, v2  }
0x192: {  	v4 =	vld [tilespmem:s7+$0xA640]  }
0x193: {  	v6 =	vld [tilespmem:s7+$0x6A50];
	[tilespmem:s10+$0xE250] =	vst v2;
	v1 =	vmul.f32 v5, v1  }
0x194: {  	v2 =	vld [tilespmem:s7+$0xA650]  }
0x195: {  	v5 =	vld [tilespmem:s7+$0x6A60];
	[tilespmem:s10+$0xE260] =	vst v1  }
0x196: {  	v1 =	vld [tilespmem:s7+$0xA660];
	_ =	sdelay $0x1  }
0x197: {  	v3 =	vmul.f32 v7, v3  }
0x198: {  	v4 =	vmul.f32 v4, v8  }
0x199: {  	[tilespmem:s7+$0xE270] =	vst v3;
	v2 =	vmul.f32 v2, v6  }
0x19a: {  	[tilespmem:s7+$0xE240] =	vst v4;
	v1 =	vmul.f32 v1, v5  }
0x19b: {  	[tilespmem:s7+$0xE250] =	vst v2  }
0x19c: {  	s3 =	simm.s32 $0x69A0;
	[tilespmem:s7+$0xE260] =	vst v1  }
0x19d: {  	[spmem:s1] =	stream.indirect.scatter.add.f32 [tilespmem:s18], [sflag:$0x4], $0x40, s3, s9, $0xb8;
	[tilespmem:$0x1DE40] =	vst v63  }
0x19e: {  	_ =	swait.ge [sflag:s28], $0x1400  }
0x19f: {  	[sflag:s28] =	ssyncset.done $0x0  }
0x1a0: {  	[sflag:s28] =	ssyncadd.s32 $0xFFFFEC00  }
0x1a1: {  	_ =	swait.ge [sflag:s28], $0x1400  }
0x1a2: {  	[sflag:s28] =	ssyncset.done $0x0  }
0x1a3: {  	[sflag:s28] =	ssyncadd.s32 $0xFFFFEC00  }
0x1a4: {  	_ =	swait.ge [sflag:s22], $0x1400  }
0x1a5: {  	[sflag:s22] =	ssyncset.done $0x0  }
0x1a6: {  	s10 =	simm.s32 $0x0;
	[sflag:s22] =	ssyncadd.s32 $0xFFFFEC00  }
0x1a7: {  	v3 =	vld [tilespmem:s10+$0x7E70]  }
0x1a8: {  	v5 =	vld [tilespmem:s10+$0xBA70]  }
0x1a9: {  	v6 =	vld [tilespmem:s10+$0x7E40]  }
0x1aa: {  	v7 =	vld [tilespmem:s10+$0xBA40]  }
0x1ab: {  	v2 =	vld [tilespmem:s10+$0x7E50]  }
0x1ac: {  	v4 =	vld [tilespmem:s10+$0xBA50]  }
0x1ad: {  	v1 =	vld [tilespmem:s10+$0x7E60];
	v8 =	vmul.f32 v5, v3  }
0x1ae: {  	s7 =	simm.s32 $0x40;
	v5 =	vld [tilespmem:s10+$0xBA60]  }
0x1af: {  	s11 =	simm.s32 $0x200;
	s15 =	rddreg [dreg:$0x3];
	v3 =	vld [tilespmem:s7+$0x7E70];
	v6 =	vmul.f32 v7, v6;
	[tilespmem:s10+$0xF670] =	vst v8  }
.LBB2_21:
0x1b0: {  	p1 =	sne.s32 s11, $0x4F00;
	v7 =	vld [tilespmem:s7+$0xBA70]  }
0x1b1: {  	v8 =	vld [tilespmem:s7+$0x7E40];
	[tilespmem:s10+$0xF640] =	vst v6;
	v4 =	vmul.f32 v4, v2  }
0x1b2: {  	v6 =	vld [tilespmem:s7+$0xBA40]  }
.Ltmp10:
0x1b3: {  	v2 =	vld [tilespmem:s7+$0x7E50];
	[tilespmem:s10+$0xF650] =	vst v4;
	v5 =	vmul.f32 v5, v1;
	(pc) =	sbr.rel @p1 .LBB2_21-.Ltmp10, $4  }
0x1b4: {  	v4 =	vld [tilespmem:s7+$0xBA50]  }
0x1b5: {  	v1 =	vld [tilespmem:s7+$0x7E60];
	v7 =	vmul.f32 v7, v3;
	[tilespmem:s10+$0xF660] =	vst v5;
	s10 =	smov.u32 s7  }
0x1b6: {  	s7 =	sshra.s32 s11, $0x2;
	v5 =	vld [tilespmem:s10+$0xBA60]  }
0x1b7: {  	s11 =	sadd.s32 $0x100, s11;
	v3 =	vld [tilespmem:s7+$0x7E70];
	v6 =	vmul.f32 v6, v8;
	[tilespmem:s10+$0xF670] =	vst v7  }
0x1b8: {  	v7 =	vld [tilespmem:s7+$0xBA70]  }
0x1b9: {  	v8 =	vld [tilespmem:s7+$0x7E40];
	[tilespmem:s10+$0xF640] =	vst v6;
	v2 =	vmul.f32 v4, v2  }
0x1ba: {  	v62 =	vld [tilespmem:s7+$0xBA40]  }
0x1bb: {  	v6 =	vld [tilespmem:s7+$0x7E50];
	[tilespmem:s10+$0xF650] =	vst v2;
	v1 =	vmul.f32 v5, v1  }
0x1bc: {  	v2 =	vld [tilespmem:s7+$0xBA50]  }
0x1bd: {  	v63 =	vld [tilespmem:s7+$0x7E60];
	[tilespmem:s10+$0xF660] =	vst v1  }
0x1be: {  	v1 =	vld [tilespmem:s7+$0xBA60];
	_ =	sdelay $0x1  }
0x1bf: {  	v3 =	vmul.f32 v7, v3  }
0x1c0: {  	v4 =	vmul.f32 v62, v8  }
0x1c1: {  	[tilespmem:s7+$0xF670] =	vst v3;
	v2 =	vmul.f32 v2, v6  }
0x1c2: {  	[tilespmem:s7+$0xF640] =	vst v4;
	v1 =	vmul.f32 v1, v63  }
0x1c3: {  	[tilespmem:s7+$0xF650] =	vst v2  }
0x1c4: {  	s3 =	simm.s32 $0x69F0;
	[tilespmem:s7+$0xF660] =	vst v1  }
0x1c5: {  	[spmem:s1] =	stream.indirect.scatter.add.f32 [tilespmem:s30], [sflag:$0x5], $0x40, s3, s9, $0xb8;
	[tilespmem:$0x1DE40] =	vst v63  }
0x1c6: {  	_ =	swait.ge [sflag:s20], $0x1400  }
0x1c7: {  	[sflag:s20] =	ssyncset.done $0x0  }
0x1c8: {  	[sflag:s20] =	ssyncadd.s32 $0xFFFFEC00  }
0x1c9: {  	_ =	swait.ge [sflag:s22], $0x1400  }
0x1ca: {  	[sflag:s22] =	ssyncset.done $0x0  }
0x1cb: {  	[sflag:s22] =	ssyncadd.s32 $0xFFFFEC00  }
0x1cc: {  	_ =	swait.ge [sflag:s24], $0x1400  }
0x1cd: {  	[sflag:s24] =	ssyncset.done $0x0  }
0x1ce: {  	[sflag:s24] =	ssyncadd.s32 $0xFFFFEC00  }
0x1cf: {  	s10 =	stileid.u32;
	[bflag:$0x0] =	sbarrier.arrive $0xFFFF  }
0x1d0: {  	s3 =	sshll.u32 s10, $0x6;
	s11 =	rddreg [dreg:$0x4]  }
0x1d1: {  	s3 =	sor.u32 $0x1C07, s3;
	s25 =	rddreg [dreg:$0x11];
	s7 =	sshrl.u32 s11, $0x3  }
0x1d2: {  	[hbm:s25], [sflag:s3] =	dma.local [spmem:s7], $0x1400  }
0x1d3: {  	_ =	swait.ge [sflag:s26], $0x1400  }
0x1d4: {  	s15 =	sadd.s32 $0x1, s15;
	s29 =	rddreg [dreg:$0x12]  }
0x1d5: {  	p1 =	sne.s32 s15, s29  }
.Ltmp11:
0x1d6: {  	_ = 	snop;
	(pc) =	sbr.rel @p1 .LBB2_1-.Ltmp11, $3  }
0x1d7: {  	_ =	sdelay $0x1  }
0x1d8: {  	[sflag:s26] =	ssyncset.done $0x0  }
0x1d9: {  	[sflag:s26] =	ssyncadd.s32 $0xFFFFEC00  }
0x1da: {  	_ =	sfence.sel $0x180000  }
0x1db: {  	[bflag:$0x0] =	sbarrier.arrive $0xFFFF  }
0x1dc: {  	_ =	strace $0x90000047  }
0x1dd: {  	s0 =	stileid.u32;
	[bflag:$0x2] =	sbarrier.arrive $0xFFFF  }
0x1de: {  	p0 =	sne.s32 s0, $0x0;
	s0 =	rddreg [dreg:$0x2]  }
0x1df: {  	s0 =	sadd.s32 @!p0 $0x100000, s0  }
0x1e0: {  	[sflag:s0] =	ssyncadd.tile.s32 @!p0 $0x1;
	_ =	shalt  }
.Lfunc_end2:
_tile_overlayer_lowered:
.L_overlay_start_2:
0x1e1: {  	(tag) =	ssettag $0x2  }
0x1e2: {  	s0 =	rddreg [dreg:$0x0];
	s2 =	stileid.u32  }
0x1e3: {  	s1 =	rddreg [dreg:$0x1];
	p0 =	sne.s32 s2, $0x0  }
0x1e4: {  	s3 =	rddreg [dreg:$0x2];
	[bflag:$0x3] =	sbarrier.arrive $0xFFFF;
	s2 =	simm.s32 @!p0 $0x1C07  }
0x1e5: {  	[timem:s3], [sflag:s2] =	dma.local @!p0 [hbm:s0], s1  }
0x1e6: {  	s0 =	simm.s32 @!p0 $0x7  }
0x1e7: {  	_ =	swait.ge @!p0 [sflag:s0], s1  }
0x1e8: {  	s1 =	ssub.s32 @!p0 $0x0, s1;
	[sflag:s0] =	ssyncset.done @!p0 $0x0  }
0x1e9: {  	[sflag:s0] =	ssyncadd.s32 @!p0 s1  }
0x1ea: {  	[bflag:$0x3] =	sbarrier.arrive $0xFFFF  }
0x1eb: {  	_ =	shalt  }

</sc_bundles>
